<compile_context>
chip_gen: v7x
topology: tpu7x:2x2x1
jax: 0.10.2.dev20260603
libtpu: 0.0.44.dev20260713+nightly
codegen_flags: <defaults>
</compile_context>

<pallas_src>
import functools

import jax
import jax.numpy as jnp
from jax import lax
from jax.experimental import pallas as pl
from jax.experimental.pallas import tpu as pltpu
from jax.experimental.pallas import tpu_sc as plsc

NDIM = 128
N = 10000
NROWS = 10240
PAD_IDX = 10000
NC = 2
NS = 16
NTILES = NC * NS
E = 320000
EPAD = 327680
CH = 128
CHUNKS = EPAD // CH
IBUF = 8
NCH0 = 120
NCH1 = 40
NSC0 = NCH0 // IBUF
NSC1 = NCH1 // IBUF
STRIPE = NROWS // NS


def _sc_scatter(x, src3, dst3, zrows, orows, with_deg):
    mesh = plsc.VectorSubcoreMesh(core_axis_name="c", subcore_axis_name="s")
    out_type = jax.ShapeDtypeStruct((NC, NROWS, NDIM), jnp.float32)
    if with_deg:
        out_type = (out_type, jax.ShapeDtypeStruct((NC, NROWS, NDIM),
                                                   jnp.float32))

    @functools.partial(
        pl.kernel,
        out_type=out_type,
        mesh=mesh,
        scratch_types=[
            pltpu.VMEM((IBUF, CH), jnp.int32),
            pltpu.VMEM((IBUF, CH), jnp.int32),
            pltpu.VMEM((CH, NDIM), jnp.float32),
            pltpu.VMEM((CH, NDIM), jnp.float32),
            pltpu.VMEM((64, NDIM), jnp.float32),
            pltpu.VMEM_SHARED((NROWS, NDIM), jnp.float32),
            pltpu.SemaphoreType.DMA,
            pltpu.SemaphoreType.DMA,
            pltpu.SemaphoreType.DMA,
            pltpu.SemaphoreType.DMA,
        ],
    )
    def k(x_hbm, src_hbm, dst_hbm, zrows_hbm, orows_hbm, *refs):
        if with_deg:
            acc_out, deg_out = refs[0], refs[1]
            rest = refs[2:]
        else:
            acc_out = refs[0]
            rest = refs[1:]
        (src_v, dst_v, rows_a, rows_b, zbuf, acc_sh,
         sem_a, sem_b, sem_c, sem_d) = rest
        cid = lax.axis_index("c")
        sid = lax.axis_index("s")
        cbase = jnp.where(cid == 0, sid * NCH0, NS * NCH0 + sid * NCH1)
        nsc = jnp.where(cid == 0, NSC0, NSC1)

        def _zero_stripe():
            for kk in range(STRIPE // 64):
                pltpu.sync_copy(
                    zbuf, acc_sh.at[pl.ds(sid * STRIPE + kk * 64, 64)])

        pltpu.sync_copy(zrows_hbm, zbuf)
        _zero_stripe()

        plsc.subcore_barrier()

        bufs = (rows_a, rows_b)
        gsems = (sem_a, sem_b)
        ssems = (sem_c, sem_d)
        NT = 2 * IBUF

        def gather_ref(t):
            return (src_v if t % 2 == 0 else dst_v).at[t // 2]

        def scatter_ref(t):
            return (dst_v if t % 2 == 0 else src_v).at[t // 2]

        def outer(sc, carry):
            base = cbase + sc * IBUF
            pltpu.sync_copy(src_hbm.at[pl.ds(base, IBUF)], src_v)
            pltpu.sync_copy(dst_hbm.at[pl.ds(base, IBUF)], dst_v)
            cps = {0: pltpu.async_copy(x_hbm.at[gather_ref(0)], bufs[0],
                                       gsems[0])}
            scs = {}
            for t in range(NT):
                if t + 1 < NT:
                    if t - 1 >= 0:
                        scs[t - 1].wait()
                    cps[t + 1] = pltpu.async_copy(
                        x_hbm.at[gather_ref(t + 1)], bufs[(t + 1) % 2],
                        gsems[(t + 1) % 2])
                cps[t].wait()
                scs[t] = pltpu.async_copy(
                    bufs[t % 2], acc_sh.at[scatter_ref(t)], ssems[t % 2],
                    add=True)
            scs[NT - 2].wait()
            scs[NT - 1].wait()
            return carry

        lax.fori_loop(0, nsc, outer, 0)

        plsc.subcore_barrier()

        pltpu.sync_copy(acc_sh.at[pl.ds(sid * STRIPE, STRIPE)],
                        acc_out.at[cid, pl.ds(sid * STRIPE, STRIPE)])

        if with_deg:
            _zero_stripe()
            pltpu.sync_copy(orows_hbm, rows_a)
            plsc.subcore_barrier()

            def outer_deg(sc, carry):
                base = cbase + sc * IBUF
                pltpu.sync_copy(src_hbm.at[pl.ds(base, IBUF)], src_v)
                pltpu.sync_copy(dst_hbm.at[pl.ds(base, IBUF)], dst_v)
                ds = [pltpu.async_copy(rows_a, acc_sh.at[scatter_ref(t)],
                                       sem_c, add=True)
                      for t in range(NT)]
                for d in ds:
                    d.wait()
                return carry

            lax.fori_loop(0, nsc, outer_deg, 0)

            plsc.subcore_barrier()
            pltpu.sync_copy(acc_sh.at[pl.ds(sid * STRIPE, STRIPE)],
                            deg_out.at[cid, pl.ds(sid * STRIPE, STRIPE)])

    return k(x, src3, dst3, zrows, orows)


def _tc_mm2(hp, Wn, bn, Ws, bs):
    BM = 1024

    def body(h_ref, wn_ref, bn_ref, ws_ref, bs_ref, x_ref, s_ref):
        hb = h_ref[...]
        x_ref[...] = jnp.dot(hb, wn_ref[...],
                             preferred_element_type=jnp.float32) + bn_ref[...]
        s_ref[...] = jnp.dot(hb, ws_ref[...],
                             preferred_element_type=jnp.float32) + bs_ref[...]

    return pl.pallas_call(
        body,
        grid=(NROWS // BM,),
        in_specs=[
            pl.BlockSpec((BM, NDIM), lambda i: (i, 0)),
            pl.BlockSpec((NDIM, NDIM), lambda i: (0, 0)),
            pl.BlockSpec((1, NDIM), lambda i: (0, 0)),
            pl.BlockSpec((NDIM, NDIM), lambda i: (0, 0)),
            pl.BlockSpec((1, NDIM), lambda i: (0, 0)),
        ],
        out_specs=[
            pl.BlockSpec((BM, NDIM), lambda i: (i, 0)),
            pl.BlockSpec((BM, NDIM), lambda i: (i, 0)),
        ],
        out_shape=[jax.ShapeDtypeStruct((NROWS, NDIM), jnp.float32)] * 2,
    )(hp, Wn, bn.reshape(1, NDIM), Ws, bs.reshape(1, NDIM))


def _tc_update_mm2(s1, a0, a1, dg0, dg1, Wn, bn, Ws, bs):
    BM = 1024

    def body(s_ref, a0_ref, a1_ref, d0_ref, d1_ref, wn_ref, bn_ref,
             ws_ref, bs_ref, x_ref, s2_ref):
        d = d0_ref[:, :1] + d1_ref[:, :1]
        rdeg = 1.0 / jnp.maximum(d, 1.0)
        h1 = jnp.maximum(
            s_ref[...] + (a0_ref[...] + a1_ref[...]) * rdeg, 0.0)
        x_ref[...] = jnp.dot(h1, wn_ref[...],
                             preferred_element_type=jnp.float32) + bn_ref[...]
        s2_ref[...] = jnp.dot(h1, ws_ref[...],
                              preferred_element_type=jnp.float32) + bs_ref[...]

    mspec = pl.BlockSpec((BM, NDIM), lambda i: (i, 0))
    return pl.pallas_call(
        body,
        grid=(NROWS // BM,),
        in_specs=[
            mspec, mspec, mspec, mspec, mspec,
            pl.BlockSpec((NDIM, NDIM), lambda i: (0, 0)),
            pl.BlockSpec((1, NDIM), lambda i: (0, 0)),
            pl.BlockSpec((NDIM, NDIM), lambda i: (0, 0)),
            pl.BlockSpec((1, NDIM), lambda i: (0, 0)),
        ],
        out_specs=[mspec, mspec],
        out_shape=[jax.ShapeDtypeStruct((NROWS, NDIM), jnp.float32)] * 2,
    )(s1, a0, a1, dg0, dg1, Wn, bn.reshape(1, NDIM), Ws, bs.reshape(1, NDIM))


def _tc_finish(s2, a0, a1, dg0, dg1, Wf, bf, Wgt, bgt, Wf_i, bf_i,
               Wgt_i, bgt_i, seg, nseg):

    def body(s_ref, a0_ref, a1_ref, d0_ref, d1_ref, wf_ref, bf_ref,
             wg_ref, bg_ref, wfi_ref, bfi_ref, wgi_ref, bgi_ref,
             hh_ref, hg_ref, hgi_ref):
        d = d0_ref[:, :1] + d1_ref[:, :1]
        rdeg = 1.0 / jnp.maximum(d, 1.0)
        h2 = jnp.maximum(
            s_ref[...] + (a0_ref[...] + a1_ref[...]) * rdeg, 0.0)
        hh_ref[...] = h2[None]
        f = jnp.dot(h2, wf_ref[...],
                    preferred_element_type=jnp.float32) + bf_ref[...]
        g = jax.nn.sigmoid(jnp.dot(h2, wg_ref[...],
                                   preferred_element_type=jnp.float32)
                           + bg_ref[...])
        hg_ref[...] = jnp.sum(f * g, axis=0, keepdims=True)[None]
        fi = jnp.dot(h2, wfi_ref[...],
                     preferred_element_type=jnp.float32) + bfi_ref[...]
        gi = jax.nn.sigmoid(jnp.dot(h2, wgi_ref[...],
                                    preferred_element_type=jnp.float32)
                            + bgi_ref[...])
        hgi_ref[...] = jnp.sum(fi * gi, axis=0, keepdims=True)[None]

    mspec = pl.BlockSpec((seg, NDIM), lambda i: (i, 0))
    wspec = pl.BlockSpec((NDIM, NDIM), lambda i: (0, 0))
    bspec = pl.BlockSpec((1, NDIM), lambda i: (0, 0))
    return pl.pallas_call(
        body,
        grid=(nseg,),
        in_specs=[
            mspec, mspec, mspec, mspec, mspec,
            wspec, bspec, wspec, bspec, wspec, bspec, wspec, bspec,
        ],
        out_specs=[
            pl.BlockSpec((1, seg, NDIM), lambda i: (i, 0, 0)),
            pl.BlockSpec((1, 1, NDIM), lambda i: (i, 0, 0)),
            pl.BlockSpec((1, 1, NDIM), lambda i: (i, 0, 0)),
        ],
        out_shape=[
            jax.ShapeDtypeStruct((nseg, seg, NDIM), jnp.float32),
            jax.ShapeDtypeStruct((nseg, 1, NDIM), jnp.float32),
            jax.ShapeDtypeStruct((nseg, 1, NDIM), jnp.float32),
        ],
    )(s2, a0, a1, dg0, dg1, Wf, bf.reshape(1, NDIM), Wgt, bgt, Wf_i,
      bf_i.reshape(1, NDIM), Wgt_i, bgt_i)


def kernel(h, edge_index, W_self1, b_self1, W_nbr1, b_nbr1,
           W_self2, b_self2, W_nbr2, b_nbr2,
           Wf, bf, Wg, bg, Wf_i, bf_i, Wg_i, bg_i):
    nseg, seg, ndim = h.shape
    hf = h.reshape(-1, ndim)
    hp = jnp.concatenate(
        [hf, jnp.zeros((NROWS - N, ndim), jnp.float32)], axis=0)

    pad_col = jnp.full((EPAD - E,), PAD_IDX, jnp.int32)
    src3 = jnp.concatenate([edge_index[0], pad_col]).reshape(CHUNKS, CH)
    dst3 = jnp.concatenate([edge_index[1], pad_col]).reshape(CHUNKS, CH)

    zrows = jnp.zeros((64, NDIM), jnp.float32)
    orows = jnp.ones((CH, NDIM), jnp.float32)

    x1, s1 = _tc_mm2(hp, W_nbr1, b_nbr1, W_self1, b_self1)
    acc1, deg = _sc_scatter(x1, src3, dst3, zrows, orows, with_deg=True)

    x2, s2 = _tc_update_mm2(s1, acc1[0], acc1[1], deg[0], deg[1],
                            W_nbr2, b_nbr2, W_self2, b_self2)
    acc2 = _sc_scatter(x2, src3, dst3, zrows, orows, with_deg=False)

    Wgt = jnp.tile(Wg, (1, NDIM))
    bgt = jnp.broadcast_to(bg, (1, NDIM))
    Wgt_i = jnp.tile(Wg_i, (1, NDIM))
    bgt_i = jnp.broadcast_to(bg_i, (1, NDIM))

    hh, h_G, h_G_init = _tc_finish(
        s2[:N], acc2[0, :N], acc2[1, :N], deg[0, :N], deg[1, :N],
        Wf, bf, Wgt, bgt, Wf_i, bf_i, Wgt_i, bgt_i, seg, nseg)
    return hh, h_G[:, 0, :], h_G_init[:, 0, :]

# --- scband reference (transcript-rebuilt; emitter-appended) ---
"""Pipeline reference for scband-graph-embed-67748814127344 (READ-ONLY COPY).

The authoritative reference and input builder live on the scoring server;
editing this copy changes nothing except your own understanding.
"""

import jax, jax.numpy as jnp
import numpy as np

NDIM = 128
SDIM = 128
B = 10
IDX = 1000
NNODES = B * IDX
NEDGES = 320000


def setup_inputs(seed: int = 0) -> dict:
    key = jax.random.key(seed)
    ks = jax.random.split(key, 24)
    s = 1.0 / np.sqrt(NDIM)
    inp = {}
    inp['h'] = jax.random.normal(ks[0], (B, IDX, NDIM), dtype=jnp.float32)
    inp['edge_index'] = jax.random.randint(ks[1], (2, NEDGES), 0, NNODES, dtype=jnp.int32)
    # GNN layer 1 params (assumed GraphConv-style layer: self linear + mean-aggregated neighbor linear + ReLU)
    inp['W_self1'] = jax.random.normal(ks[2], (NDIM, NDIM), dtype=jnp.float32) * s
    inp['b_self1'] = jnp.zeros((NDIM,), dtype=jnp.float32)
    inp['W_nbr1'] = jax.random.normal(ks[3], (NDIM, NDIM), dtype=jnp.float32) * s
    inp['b_nbr1'] = jnp.zeros((NDIM,), dtype=jnp.float32)
    # GNN layer 2 params
    inp['W_self2'] = jax.random.normal(ks[4], (NDIM, NDIM), dtype=jnp.float32) * s
    inp['b_self2'] = jnp.zeros((NDIM,), dtype=jnp.float32)
    inp['W_nbr2'] = jax.random.normal(ks[5], (NDIM, NDIM), dtype=jnp.float32) * s
    inp['b_nbr2'] = jnp.zeros((NDIM,), dtype=jnp.float32)
    # GraphEmb (gsum aggr): f_m and g_m
    inp['Wf'] = jax.random.normal(ks[6], (NDIM, SDIM), dtype=jnp.float32) * s
    inp['bf'] = jnp.zeros((SDIM,), dtype=jnp.float32)
    inp['Wg'] = jax.random.normal(ks[7], (NDIM, 1), dtype=jnp.float32) * s
    inp['bg'] = jnp.zeros((1,), dtype=jnp.float32)
    # GraphEmb_init (gsum aggr)
    inp['Wf_i'] = jax.random.normal(ks[8], (NDIM, SDIM), dtype=jnp.float32) * s
    inp['bf_i'] = jnp.zeros((SDIM,), dtype=jnp.float32)
    inp['Wg_i'] = jax.random.normal(ks[9], (NDIM, 1), dtype=jnp.float32) * s
    inp['bg_i'] = jnp.zeros((1,), dtype=jnp.float32)
    return inp


def _gnn_layer(h, src, dst, W_self, b_self, W_nbr, b_nbr):
    n = h.shape[0]
    msg = h[src] @ W_nbr + b_nbr
    agg = jnp.zeros_like(h).at[dst].add(msg)
    deg = jnp.zeros((n,), dtype=h.dtype).at[dst].add(1.0)
    agg = agg / jnp.clip(deg, 1.0, None)[:, None]
    return jax.nn.relu(h @ W_self + b_self + agg)


def _graph_aggr_gsum(h, idx, Wf, bf, Wg, bg):
    h_vG = h @ Wf + bf
    g_vG = jax.nn.sigmoid(h @ Wg + bg)
    out = (h_vG * g_vG).reshape(-1, idx, h_vG.shape[-1])
    return jnp.sum(out, axis=1)


def reference(h, edge_index, W_self1, b_self1, W_nbr1, b_nbr1,
              W_self2, b_self2, W_nbr2, b_nbr2,
              Wf, bf, Wg, bg, Wf_i, bf_i, Wg_i, bg_i):
    idx = h.shape[1]
    ndim = h.shape[2]
    hf = h.reshape(-1, ndim)
    if idx == 1:
        return (hf[:, None, :], hf @ Wf + bf, hf @ Wf_i + bf_i)
    # NodeEmbUpd: symmetrize edges, then 2 GNN layers (dropout p=0.0 -> identity)
    ei = jnp.concatenate([edge_index, edge_index[::-1, :]], axis=1)
    src, dst = ei[0], ei[1]
    hh = _gnn_layer(hf, src, dst, W_self1, b_self1, W_nbr1, b_nbr1)
    hh = _gnn_layer(hh, src, dst, W_self2, b_self2, W_nbr2, b_nbr2)
    h_G = _graph_aggr_gsum(hh, idx, Wf, bf, Wg, bg)
    h_G_init = _graph_aggr_gsum(hh, idx, Wf_i, bf_i, Wg_i, bg_i)
    return (hh.reshape(-1, idx, ndim), h_G, h_G_init)

if __name__ == "__main__":
    import jax
    _d = setup_inputs()
    print(jax.jit(kernel)(*tuple(_d.values())))

</pallas_src>

<mosaic_0001>
#map = affine_map<(d0, d1) -> (0, 0)>
#map1 = affine_map<(d0, d1) -> (0, 0, 0)>
module attributes {stable_mosaic.version = 14 : i64} {
  func.func @k(%arg0: i32, %arg1: i32, %arg2: memref<10240x128xf32, #tpu.memory_space<hbm>>, %arg3: memref<2560x128xi32, #tpu.memory_space<hbm>>, %arg4: memref<2560x128xi32, #tpu.memory_space<hbm>>, %arg5: memref<64x128xf32, #tpu.memory_space<hbm>>, %arg6: memref<128x128xf32, #tpu.memory_space<hbm>>, %arg7: memref<2x10240x128xf32, #tpu.memory_space<hbm>>, %arg8: memref<2x10240x128xf32, #tpu.memory_space<hbm>>, %arg9: memref<8x128xi32, #tpu.memory_space<vmem>>, %arg10: memref<8x128xi32, #tpu.memory_space<vmem>>, %arg11: memref<128x128xf32, #tpu.memory_space<vmem>>, %arg12: memref<128x128xf32, #tpu.memory_space<vmem>>, %arg13: memref<64x128xf32, #tpu.memory_space<vmem>>, %arg14: memref<10240x128xf32, #tpu.memory_space<vmem_shared>>, %arg15: memref<!tpu.dma_semaphore, #tpu.memory_space<semaphore_mem>>, %arg16: memref<!tpu.dma_semaphore, #tpu.memory_space<semaphore_mem>>, %arg17: memref<!tpu.dma_semaphore, #tpu.memory_space<semaphore_mem>>, %arg18: memref<!tpu.dma_semaphore, #tpu.memory_space<semaphore_mem>>) attributes {dimension_semantics = [#tpu.dimension_semantics<core_parallel>, #tpu.dimension_semantics<subcore_parallel>], iteration_bounds = array<i64: 2, 16>, scalar_prefetch = 0 : i64, scratch_operands = 10 : i64, tpu.core_type = #tpu.core_type<sc_vector_subcore>, window_params = [{transform_indices = #map}, {transform_indices = #map}, {transform_indices = #map}, {transform_indices = #map}, {transform_indices = #map}, {transform_indices = #map1}, {transform_indices = #map1}]} {
    %eq3A = arith.constant 0 : i32
    %eq3A_0 = arith.cmpi eq, %arg0, %eq3A : i32
    %mul3A = arith.constant 120 : i32
    %mul3A_1 = arith.muli %arg1, %mul3A : i32
    %mul3A_2 = arith.constant 40 : i32
    %mul3A_3 = arith.muli %arg1, %mul3A_2 : i32
    %add3A = arith.constant 1920 : i32
    %add3A_4 = arith.addi %add3A, %mul3A_3 : i32
    %select_n3A = arith.select %eq3A_0, %mul3A_1, %add3A_4 : i32
    %eq3A_5 = arith.constant 0 : i32
    %eq3A_6 = arith.cmpi eq, %arg0, %eq3A_5 : i32
    %jit3A = arith.constant 15 : i32
    %jit3A_7 = arith.constant 5 : i32
    %select_n3A_8 = arith.select %eq3A_6, %jit3A, %jit3A_7 : i32
    "tpu.region"() ({
      %run_scoped3A = tpu.sem_alloc : memref<!tpu.dma_semaphore, #tpu.memory_space<semaphore_mem>>
      tpu.enqueue_dma source(%arg5 : memref<64x128xf32, #tpu.memory_space<hbm>>) target(%arg13 : memref<64x128xf32, #tpu.memory_space<vmem>>) target_semaphore(%run_scoped3A : memref<!tpu.dma_semaphore, #tpu.memory_space<semaphore_mem>>)
      tpu.wait_dma2 semaphore(%run_scoped3A : memref<!tpu.dma_semaphore, #tpu.memory_space<semaphore_mem>>) src(%arg5 : memref<64x128xf32, #tpu.memory_space<hbm>>) dst(%arg13 : memref<64x128xf32, #tpu.memory_space<vmem>>)
      tpu.yield
    }) : () -> ()
    %mul3A_9 = arith.constant 640 : i32
    %mul3A_10 = arith.muli %arg1, %mul3A_9 : i32
    %add3A_11 = arith.constant 0 : i32
    %add3A_12 = arith.addi %mul3A_10, %add3A_11 : i32
    "tpu.region"() ({
      %run_scoped3A = tpu.sem_alloc : memref<!tpu.dma_semaphore, #tpu.memory_space<semaphore_mem>>
      %dma_start3A = arith.constant 0 : i32
      %dma_start3A_119 = tpu.memref_slice %arg14[%add3A_12, %dma_start3A] : memref<10240x128xf32, #tpu.memory_space<vmem_shared>> -> memref<64x128xf32, #tpu.memory_space<vmem_shared>>
      %dma_start3A_120 = arith.constant 0 : i32
      %dma_start3A_121 = tpu.memref_slice %arg14[%add3A_12, %dma_start3A_120] : memref<10240x128xf32, #tpu.memory_space<vmem_shared>> -> memref<64x128xf32, #tpu.memory_space<vmem_shared>>
      tpu.enqueue_dma source(%arg13 : memref<64x128xf32, #tpu.memory_space<vmem>>) target(%dma_start3A_121 : memref<64x128xf32, #tpu.memory_space<vmem_shared>>) target_semaphore(%run_scoped3A : memref<!tpu.dma_semaphore, #tpu.memory_space<semaphore_mem>>)
      %dma_wait3A = arith.constant 0 : i32
      %dma_wait3A_122 = tpu.memref_slice %arg14[%add3A_12, %dma_wait3A] : memref<10240x128xf32, #tpu.memory_space<vmem_shared>> -> memref<64x128xf32, #tpu.memory_space<vmem_shared>>
      %dma_wait3A_123 = arith.constant 0 : i32
      %dma_wait3A_124 = tpu.memref_slice %arg14[%add3A_12, %dma_wait3A_123] : memref<10240x128xf32, #tpu.memory_space<vmem_shared>> -> memref<64x128xf32, #tpu.memory_space<vmem_shared>>
      tpu.wait_dma2 semaphore(%run_scoped3A : memref<!tpu.dma_semaphore, #tpu.memory_space<semaphore_mem>>) src(%arg13 : memref<64x128xf32, #tpu.memory_space<vmem>>) dst(%dma_wait3A_124 : memref<64x128xf32, #tpu.memory_space<vmem_shared>>)
      tpu.yield
    }) : () -> ()
    %mul3A_13 = arith.constant 640 : i32
    %mul3A_14 = arith.muli %arg1, %mul3A_13 : i32
    %add3A_15 = arith.constant 64 : i32
    %add3A_16 = arith.addi %mul3A_14, %add3A_15 : i32
    "tpu.region"() ({
      %run_scoped3A = tpu.sem_alloc : memref<!tpu.dma_semaphore, #tpu.memory_space<semaphore_mem>>
      %dma_start3A = arith.constant 0 : i32
      %dma_start3A_119 = tpu.memref_slice %arg14[%add3A_16, %dma_start3A] : memref<10240x128xf32, #tpu.memory_space<vmem_shared>> -> memref<64x128xf32, #tpu.memory_space<vmem_shared>>
      %dma_start3A_120 = arith.constant 0 : i32
      %dma_start3A_121 = tpu.memref_slice %arg14[%add3A_16, %dma_start3A_120] : memref<10240x128xf32, #tpu.memory_space<vmem_shared>> -> memref<64x128xf32, #tpu.memory_space<vmem_shared>>
      tpu.enqueue_dma source(%arg13 : memref<64x128xf32, #tpu.memory_space<vmem>>) target(%dma_start3A_121 : memref<64x128xf32, #tpu.memory_space<vmem_shared>>) target_semaphore(%run_scoped3A : memref<!tpu.dma_semaphore, #tpu.memory_space<semaphore_mem>>)
      %dma_wait3A = arith.constant 0 : i32
      %dma_wait3A_122 = tpu.memref_slice %arg14[%add3A_16, %dma_wait3A] : memref<10240x128xf32, #tpu.memory_space<vmem_shared>> -> memref<64x128xf32, #tpu.memory_space<vmem_shared>>
      %dma_wait3A_123 = arith.constant 0 : i32
      %dma_wait3A_124 = tpu.memref_slice %arg14[%add3A_16, %dma_wait3A_123] : memref<10240x128xf32, #tpu.memory_space<vmem_shared>> -> memref<64x128xf32, #tpu.memory_space<vmem_shared>>
      tpu.wait_dma2 semaphore(%run_scoped3A : memref<!tpu.dma_semaphore, #tpu.memory_space<semaphore_mem>>) src(%arg13 : memref<64x128xf32, #tpu.memory_space<vmem>>) dst(%dma_wait3A_124 : memref<64x128xf32, #tpu.memory_space<vmem_shared>>)
      tpu.yield
    }) : () -> ()
    %mul3A_17 = arith.constant 640 : i32
    %mul3A_18 = arith.muli %arg1, %mul3A_17 : i32
    %add3A_19 = arith.constant 128 : i32
    %add3A_20 = arith.addi %mul3A_18, %add3A_19 : i32
    "tpu.region"() ({
      %run_scoped3A = tpu.sem_alloc : memref<!tpu.dma_semaphore, #tpu.memory_space<semaphore_mem>>
      %dma_start3A = arith.constant 0 : i32
      %dma_start3A_119 = tpu.memref_slice %arg14[%add3A_20, %dma_start3A] : memref<10240x128xf32, #tpu.memory_space<vmem_shared>> -> memref<64x128xf32, #tpu.memory_space<vmem_shared>>
      %dma_start3A_120 = arith.constant 0 : i32
      %dma_start3A_121 = tpu.memref_slice %arg14[%add3A_20, %dma_start3A_120] : memref<10240x128xf32, #tpu.memory_space<vmem_shared>> -> memref<64x128xf32, #tpu.memory_space<vmem_shared>>
      tpu.enqueue_dma source(%arg13 : memref<64x128xf32, #tpu.memory_space<vmem>>) target(%dma_start3A_121 : memref<64x128xf32, #tpu.memory_space<vmem_shared>>) target_semaphore(%run_scoped3A : memref<!tpu.dma_semaphore, #tpu.memory_space<semaphore_mem>>)
      %dma_wait3A = arith.constant 0 : i32
      %dma_wait3A_122 = tpu.memref_slice %arg14[%add3A_20, %dma_wait3A] : memref<10240x128xf32, #tpu.memory_space<vmem_shared>> -> memref<64x128xf32, #tpu.memory_space<vmem_shared>>
      %dma_wait3A_123 = arith.constant 0 : i32
      %dma_wait3A_124 = tpu.memref_slice %arg14[%add3A_20, %dma_wait3A_123] : memref<10240x128xf32, #tpu.memory_space<vmem_shared>> -> memref<64x128xf32, #tpu.memory_space<vmem_shared>>
      tpu.wait_dma2 semaphore(%run_scoped3A : memref<!tpu.dma_semaphore, #tpu.memory_space<semaphore_mem>>) src(%arg13 : memref<64x128xf32, #tpu.memory_space<vmem>>) dst(%dma_wait3A_124 : memref<64x128xf32, #tpu.memory_space<vmem_shared>>)
      tpu.yield
    }) : () -> ()
    %mul3A_21 = arith.constant 640 : i32
    %mul3A_22 = arith.muli %arg1, %mul3A_21 : i32
    %add3A_23 = arith.constant 192 : i32
    %add3A_24 = arith.addi %mul3A_22, %add3A_23 : i32
    "tpu.region"() ({
      %run_scoped3A = tpu.sem_alloc : memref<!tpu.dma_semaphore, #tpu.memory_space<semaphore_mem>>
      %dma_start3A = arith.constant 0 : i32
      %dma_start3A_119 = tpu.memref_slice %arg14[%add3A_24, %dma_start3A] : memref<10240x128xf32, #tpu.memory_space<vmem_shared>> -> memref<64x128xf32, #tpu.memory_space<vmem_shared>>
      %dma_start3A_120 = arith.constant 0 : i32
      %dma_start3A_121 = tpu.memref_slice %arg14[%add3A_24, %dma_start3A_120] : memref<10240x128xf32, #tpu.memory_space<vmem_shared>> -> memref<64x128xf32, #tpu.memory_space<vmem_shared>>
      tpu.enqueue_dma source(%arg13 : memref<64x128xf32, #tpu.memory_space<vmem>>) target(%dma_start3A_121 : memref<64x128xf32, #tpu.memory_space<vmem_shared>>) target_semaphore(%run_scoped3A : memref<!tpu.dma_semaphore, #tpu.memory_space<semaphore_mem>>)
      %dma_wait3A = arith.constant 0 : i32
      %dma_wait3A_122 = tpu.memref_slice %arg14[%add3A_24, %dma_wait3A] : memref<10240x128xf32, #tpu.memory_space<vmem_shared>> -> memref<64x128xf32, #tpu.memory_space<vmem_shared>>
      %dma_wait3A_123 = arith.constant 0 : i32
      %dma_wait3A_124 = tpu.memref_slice %arg14[%add3A_24, %dma_wait3A_123] : memref<10240x128xf32, #tpu.memory_space<vmem_shared>> -> memref<64x128xf32, #tpu.memory_space<vmem_shared>>
      tpu.wait_dma2 semaphore(%run_scoped3A : memref<!tpu.dma_semaphore, #tpu.memory_space<semaphore_mem>>) src(%arg13 : memref<64x128xf32, #tpu.memory_space<vmem>>) dst(%dma_wait3A_124 : memref<64x128xf32, #tpu.memory_space<vmem_shared>>)
      tpu.yield
    }) : () -> ()
    %mul3A_25 = arith.constant 640 : i32
    %mul3A_26 = arith.muli %arg1, %mul3A_25 : i32
    %add3A_27 = arith.constant 256 : i32
    %add3A_28 = arith.addi %mul3A_26, %add3A_27 : i32
    "tpu.region"() ({
      %run_scoped3A = tpu.sem_alloc : memref<!tpu.dma_semaphore, #tpu.memory_space<semaphore_mem>>
      %dma_start3A = arith.constant 0 : i32
      %dma_start3A_119 = tpu.memref_slice %arg14[%add3A_28, %dma_start3A] : memref<10240x128xf32, #tpu.memory_space<vmem_shared>> -> memref<64x128xf32, #tpu.memory_space<vmem_shared>>
      %dma_start3A_120 = arith.constant 0 : i32
      %dma_start3A_121 = tpu.memref_slice %arg14[%add3A_28, %dma_start3A_120] : memref<10240x128xf32, #tpu.memory_space<vmem_shared>> -> memref<64x128xf32, #tpu.memory_space<vmem_shared>>
      tpu.enqueue_dma source(%arg13 : memref<64x128xf32, #tpu.memory_space<vmem>>) target(%dma_start3A_121 : memref<64x128xf32, #tpu.memory_space<vmem_shared>>) target_semaphore(%run_scoped3A : memref<!tpu.dma_semaphore, #tpu.memory_space<semaphore_mem>>)
      %dma_wait3A = arith.constant 0 : i32
      %dma_wait3A_122 = tpu.memref_slice %arg14[%add3A_28, %dma_wait3A] : memref<10240x128xf32, #tpu.memory_space<vmem_shared>> -> memref<64x128xf32, #tpu.memory_space<vmem_shared>>
      %dma_wait3A_123 = arith.constant 0 : i32
      %dma_wait3A_124 = tpu.memref_slice %arg14[%add3A_28, %dma_wait3A_123] : memref<10240x128xf32, #tpu.memory_space<vmem_shared>> -> memref<64x128xf32, #tpu.memory_space<vmem_shared>>
      tpu.wait_dma2 semaphore(%run_scoped3A : memref<!tpu.dma_semaphore, #tpu.memory_space<semaphore_mem>>) src(%arg13 : memref<64x128xf32, #tpu.memory_space<vmem>>) dst(%dma_wait3A_124 : memref<64x128xf32, #tpu.memory_space<vmem_shared>>)
      tpu.yield
    }) : () -> ()
    %mul3A_29 = arith.constant 640 : i32
    %mul3A_30 = arith.muli %arg1, %mul3A_29 : i32
    %add3A_31 = arith.constant 320 : i32
    %add3A_32 = arith.addi %mul3A_30, %add3A_31 : i32
    "tpu.region"() ({
      %run_scoped3A = tpu.sem_alloc : memref<!tpu.dma_semaphore, #tpu.memory_space<semaphore_mem>>
      %dma_start3A = arith.constant 0 : i32
      %dma_start3A_119 = tpu.memref_slice %arg14[%add3A_32, %dma_start3A] : memref<10240x128xf32, #tpu.memory_space<vmem_shared>> -> memref<64x128xf32, #tpu.memory_space<vmem_shared>>
      %dma_start3A_120 = arith.constant 0 : i32
      %dma_start3A_121 = tpu.memref_slice %arg14[%add3A_32, %dma_start3A_120] : memref<10240x128xf32, #tpu.memory_space<vmem_shared>> -> memref<64x128xf32, #tpu.memory_space<vmem_shared>>
      tpu.enqueue_dma source(%arg13 : memref<64x128xf32, #tpu.memory_space<vmem>>) target(%dma_start3A_121 : memref<64x128xf32, #tpu.memory_space<vmem_shared>>) target_semaphore(%run_scoped3A : memref<!tpu.dma_semaphore, #tpu.memory_space<semaphore_mem>>)
      %dma_wait3A = arith.constant 0 : i32
      %dma_wait3A_122 = tpu.memref_slice %arg14[%add3A_32, %dma_wait3A] : memref<10240x128xf32, #tpu.memory_space<vmem_shared>> -> memref<64x128xf32, #tpu.memory_space<vmem_shared>>
      %dma_wait3A_123 = arith.constant 0 : i32
      %dma_wait3A_124 = tpu.memref_slice %arg14[%add3A_32, %dma_wait3A_123] : memref<10240x128xf32, #tpu.memory_space<vmem_shared>> -> memref<64x128xf32, #tpu.memory_space<vmem_shared>>
      tpu.wait_dma2 semaphore(%run_scoped3A : memref<!tpu.dma_semaphore, #tpu.memory_space<semaphore_mem>>) src(%arg13 : memref<64x128xf32, #tpu.memory_space<vmem>>) dst(%dma_wait3A_124 : memref<64x128xf32, #tpu.memory_space<vmem_shared>>)
      tpu.yield
    }) : () -> ()
    %mul3A_33 = arith.constant 640 : i32
    %mul3A_34 = arith.muli %arg1, %mul3A_33 : i32
    %add3A_35 = arith.constant 384 : i32
    %add3A_36 = arith.addi %mul3A_34, %add3A_35 : i32
    "tpu.region"() ({
      %run_scoped3A = tpu.sem_alloc : memref<!tpu.dma_semaphore, #tpu.memory_space<semaphore_mem>>
      %dma_start3A = arith.constant 0 : i32
      %dma_start3A_119 = tpu.memref_slice %arg14[%add3A_36, %dma_start3A] : memref<10240x128xf32, #tpu.memory_space<vmem_shared>> -> memref<64x128xf32, #tpu.memory_space<vmem_shared>>
      %dma_start3A_120 = arith.constant 0 : i32
      %dma_start3A_121 = tpu.memref_slice %arg14[%add3A_36, %dma_start3A_120] : memref<10240x128xf32, #tpu.memory_space<vmem_shared>> -> memref<64x128xf32, #tpu.memory_space<vmem_shared>>
      tpu.enqueue_dma source(%arg13 : memref<64x128xf32, #tpu.memory_space<vmem>>) target(%dma_start3A_121 : memref<64x128xf32, #tpu.memory_space<vmem_shared>>) target_semaphore(%run_scoped3A : memref<!tpu.dma_semaphore, #tpu.memory_space<semaphore_mem>>)
      %dma_wait3A = arith.constant 0 : i32
      %dma_wait3A_122 = tpu.memref_slice %arg14[%add3A_36, %dma_wait3A] : memref<10240x128xf32, #tpu.memory_space<vmem_shared>> -> memref<64x128xf32, #tpu.memory_space<vmem_shared>>
      %dma_wait3A_123 = arith.constant 0 : i32
      %dma_wait3A_124 = tpu.memref_slice %arg14[%add3A_36, %dma_wait3A_123] : memref<10240x128xf32, #tpu.memory_space<vmem_shared>> -> memref<64x128xf32, #tpu.memory_space<vmem_shared>>
      tpu.wait_dma2 semaphore(%run_scoped3A : memref<!tpu.dma_semaphore, #tpu.memory_space<semaphore_mem>>) src(%arg13 : memref<64x128xf32, #tpu.memory_space<vmem>>) dst(%dma_wait3A_124 : memref<64x128xf32, #tpu.memory_space<vmem_shared>>)
      tpu.yield
    }) : () -> ()
    %mul3A_37 = arith.constant 640 : i32
    %mul3A_38 = arith.muli %arg1, %mul3A_37 : i32
    %add3A_39 = arith.constant 448 : i32
    %add3A_40 = arith.addi %mul3A_38, %add3A_39 : i32
    "tpu.region"() ({
      %run_scoped3A = tpu.sem_alloc : memref<!tpu.dma_semaphore, #tpu.memory_space<semaphore_mem>>
      %dma_start3A = arith.constant 0 : i32
      %dma_start3A_119 = tpu.memref_slice %arg14[%add3A_40, %dma_start3A] : memref<10240x128xf32, #tpu.memory_space<vmem_shared>> -> memref<64x128xf32, #tpu.memory_space<vmem_shared>>
      %dma_start3A_120 = arith.constant 0 : i32
      %dma_start3A_121 = tpu.memref_slice %arg14[%add3A_40, %dma_start3A_120] : memref<10240x128xf32, #tpu.memory_space<vmem_shared>> -> memref<64x128xf32, #tpu.memory_space<vmem_shared>>
      tpu.enqueue_dma source(%arg13 : memref<64x128xf32, #tpu.memory_space<vmem>>) target(%dma_start3A_121 : memref<64x128xf32, #tpu.memory_space<vmem_shared>>) target_semaphore(%run_scoped3A : memref<!tpu.dma_semaphore, #tpu.memory_space<semaphore_mem>>)
      %dma_wait3A = arith.constant 0 : i32
      %dma_wait3A_122 = tpu.memref_slice %arg14[%add3A_40, %dma_wait3A] : memref<10240x128xf32, #tpu.memory_space<vmem_shared>> -> memref<64x128xf32, #tpu.memory_space<vmem_shared>>
      %dma_wait3A_123 = arith.constant 0 : i32
      %dma_wait3A_124 = tpu.memref_slice %arg14[%add3A_40, %dma_wait3A_123] : memref<10240x128xf32, #tpu.memory_space<vmem_shared>> -> memref<64x128xf32, #tpu.memory_space<vmem_shared>>
      tpu.wait_dma2 semaphore(%run_scoped3A : memref<!tpu.dma_semaphore, #tpu.memory_space<semaphore_mem>>) src(%arg13 : memref<64x128xf32, #tpu.memory_space<vmem>>) dst(%dma_wait3A_124 : memref<64x128xf32, #tpu.memory_space<vmem_shared>>)
      tpu.yield
    }) : () -> ()
    %mul3A_41 = arith.constant 640 : i32
    %mul3A_42 = arith.muli %arg1, %mul3A_41 : i32
    %add3A_43 = arith.constant 512 : i32
    %add3A_44 = arith.addi %mul3A_42, %add3A_43 : i32
    "tpu.region"() ({
      %run_scoped3A = tpu.sem_alloc : memref<!tpu.dma_semaphore, #tpu.memory_space<semaphore_mem>>
      %dma_start3A = arith.constant 0 : i32
      %dma_start3A_119 = tpu.memref_slice %arg14[%add3A_44, %dma_start3A] : memref<10240x128xf32, #tpu.memory_space<vmem_shared>> -> memref<64x128xf32, #tpu.memory_space<vmem_shared>>
      %dma_start3A_120 = arith.constant 0 : i32
      %dma_start3A_121 = tpu.memref_slice %arg14[%add3A_44, %dma_start3A_120] : memref<10240x128xf32, #tpu.memory_space<vmem_shared>> -> memref<64x128xf32, #tpu.memory_space<vmem_shared>>
      tpu.enqueue_dma source(%arg13 : memref<64x128xf32, #tpu.memory_space<vmem>>) target(%dma_start3A_121 : memref<64x128xf32, #tpu.memory_space<vmem_shared>>) target_semaphore(%run_scoped3A : memref<!tpu.dma_semaphore, #tpu.memory_space<semaphore_mem>>)
      %dma_wait3A = arith.constant 0 : i32
      %dma_wait3A_122 = tpu.memref_slice %arg14[%add3A_44, %dma_wait3A] : memref<10240x128xf32, #tpu.memory_space<vmem_shared>> -> memref<64x128xf32, #tpu.memory_space<vmem_shared>>
      %dma_wait3A_123 = arith.constant 0 : i32
      %dma_wait3A_124 = tpu.memref_slice %arg14[%add3A_44, %dma_wait3A_123] : memref<10240x128xf32, #tpu.memory_space<vmem_shared>> -> memref<64x128xf32, #tpu.memory_space<vmem_shared>>
      tpu.wait_dma2 semaphore(%run_scoped3A : memref<!tpu.dma_semaphore, #tpu.memory_space<semaphore_mem>>) src(%arg13 : memref<64x128xf32, #tpu.memory_space<vmem>>) dst(%dma_wait3A_124 : memref<64x128xf32, #tpu.memory_space<vmem_shared>>)
      tpu.yield
    }) : () -> ()
    %mul3A_45 = arith.constant 640 : i32
    %mul3A_46 = arith.muli %arg1, %mul3A_45 : i32
    %add3A_47 = arith.constant 576 : i32
    %add3A_48 = arith.addi %mul3A_46, %add3A_47 : i32
    "tpu.region"() ({
      %run_scoped3A = tpu.sem_alloc : memref<!tpu.dma_semaphore, #tpu.memory_space<semaphore_mem>>
      %dma_start3A = arith.constant 0 : i32
      %dma_start3A_119 = tpu.memref_slice %arg14[%add3A_48, %dma_start3A] : memref<10240x128xf32, #tpu.memory_space<vmem_shared>> -> memref<64x128xf32, #tpu.memory_space<vmem_shared>>
      %dma_start3A_120 = arith.constant 0 : i32
      %dma_start3A_121 = tpu.memref_slice %arg14[%add3A_48, %dma_start3A_120] : memref<10240x128xf32, #tpu.memory_space<vmem_shared>> -> memref<64x128xf32, #tpu.memory_space<vmem_shared>>
      tpu.enqueue_dma source(%arg13 : memref<64x128xf32, #tpu.memory_space<vmem>>) target(%dma_start3A_121 : memref<64x128xf32, #tpu.memory_space<vmem_shared>>) target_semaphore(%run_scoped3A : memref<!tpu.dma_semaphore, #tpu.memory_space<semaphore_mem>>)
      %dma_wait3A = arith.constant 0 : i32
      %dma_wait3A_122 = tpu.memref_slice %arg14[%add3A_48, %dma_wait3A] : memref<10240x128xf32, #tpu.memory_space<vmem_shared>> -> memref<64x128xf32, #tpu.memory_space<vmem_shared>>
      %dma_wait3A_123 = arith.constant 0 : i32
      %dma_wait3A_124 = tpu.memref_slice %arg14[%add3A_48, %dma_wait3A_123] : memref<10240x128xf32, #tpu.memory_space<vmem_shared>> -> memref<64x128xf32, #tpu.memory_space<vmem_shared>>
      tpu.wait_dma2 semaphore(%run_scoped3A : memref<!tpu.dma_semaphore, #tpu.memory_space<semaphore_mem>>) src(%arg13 : memref<64x128xf32, #tpu.memory_space<vmem>>) dst(%dma_wait3A_124 : memref<64x128xf32, #tpu.memory_space<vmem_shared>>)
      tpu.yield
    }) : () -> ()
    %barrier3A = arith.constant 0 : index
    tpu.barrier barrier_id(%barrier3A)
    %while3A = arith.constant 0 : i32
    %while3A_49 = arith.constant 0 : i32
    %while3A_50 = arith.subi %select_n3A_8, %while3A_49 : i32
    %while3A_51 = arith.addi %while3A_49, %while3A_50 : i32
    %while3A_52 = arith.constant 1 : i32
    %while3A_53 = arith.divsi %while3A_50, %while3A_52 : i32
    %while3A_54 = arith.muli %while3A_53, %while3A_52 : i32
    %while3A_55 = arith.addi %while3A_49, %while3A_54 : i32
    %while3A_56 = arith.constant 1 : i32
    scf.for %while3A_119 = %while3A_49 to %while3A_55 step %while3A_56  : i32 {
      %mul3A_120 = arith.constant 8 : i32
      %mul3A_121 = arith.muli %while3A_119, %mul3A_120 : i32
      %add3A_122 = arith.addi %select_n3A, %mul3A_121 : i32
      "tpu.region"() ({
        %run_scoped3A = tpu.sem_alloc : memref<!tpu.dma_semaphore, #tpu.memory_space<semaphore_mem>>
        %dma_start3A_569 = arith.constant 0 : i32
        %dma_start3A_570 = tpu.memref_slice %arg3[%add3A_122, %dma_start3A_569] : memref<2560x128xi32, #tpu.memory_space<hbm>> -> memref<8x128xi32, #tpu.memory_space<hbm>>
        %dma_start3A_571 = arith.constant 0 : i32
        %dma_start3A_572 = tpu.memref_slice %arg3[%add3A_122, %dma_start3A_571] : memref<2560x128xi32, #tpu.memory_space<hbm>> -> memref<8x128xi32, #tpu.memory_space<hbm>>
        tpu.enqueue_dma source(%dma_start3A_572 : memref<8x128xi32, #tpu.memory_space<hbm>>) target(%arg9 : memref<8x128xi32, #tpu.memory_space<vmem>>) target_semaphore(%run_scoped3A : memref<!tpu.dma_semaphore, #tpu.memory_space<semaphore_mem>>)
        %dma_wait3A_573 = arith.constant 0 : i32
        %dma_wait3A_574 = tpu.memref_slice %arg3[%add3A_122, %dma_wait3A_573] : memref<2560x128xi32, #tpu.memory_space<hbm>> -> memref<8x128xi32, #tpu.memory_space<hbm>>
        %dma_wait3A_575 = arith.constant 0 : i32
        %dma_wait3A_576 = tpu.memref_slice %arg3[%add3A_122, %dma_wait3A_575] : memref<2560x128xi32, #tpu.memory_space<hbm>> -> memref<8x128xi32, #tpu.memory_space<hbm>>
        tpu.wait_dma2 semaphore(%run_scoped3A : memref<!tpu.dma_semaphore, #tpu.memory_space<semaphore_mem>>) src(%dma_wait3A_576 : memref<8x128xi32, #tpu.memory_space<hbm>>) dst(%arg9 : memref<8x128xi32, #tpu.memory_space<vmem>>)
        tpu.yield
      }) : () -> ()
      "tpu.region"() ({
        %run_scoped3A = tpu.sem_alloc : memref<!tpu.dma_semaphore, #tpu.memory_space<semaphore_mem>>
        %dma_start3A_569 = arith.constant 0 : i32
        %dma_start3A_570 = tpu.memref_slice %arg4[%add3A_122, %dma_start3A_569] : memref<2560x128xi32, #tpu.memory_space<hbm>> -> memref<8x128xi32, #tpu.memory_space<hbm>>
        %dma_start3A_571 = arith.constant 0 : i32
        %dma_start3A_572 = tpu.memref_slice %arg4[%add3A_122, %dma_start3A_571] : memref<2560x128xi32, #tpu.memory_space<hbm>> -> memref<8x128xi32, #tpu.memory_space<hbm>>
        tpu.enqueue_dma source(%dma_start3A_572 : memref<8x128xi32, #tpu.memory_space<hbm>>) target(%arg10 : memref<8x128xi32, #tpu.memory_space<vmem>>) target_semaphore(%run_scoped3A : memref<!tpu.dma_semaphore, #tpu.memory_space<semaphore_mem>>)
        %dma_wait3A_573 = arith.constant 0 : i32
        %dma_wait3A_574 = tpu.memref_slice %arg4[%add3A_122, %dma_wait3A_573] : memref<2560x128xi32, #tpu.memory_space<hbm>> -> memref<8x128xi32, #tpu.memory_space<hbm>>
        %dma_wait3A_575 = arith.constant 0 : i32
        %dma_wait3A_576 = tpu.memref_slice %arg4[%add3A_122, %dma_wait3A_575] : memref<2560x128xi32, #tpu.memory_space<hbm>> -> memref<8x128xi32, #tpu.memory_space<hbm>>
        tpu.wait_dma2 semaphore(%run_scoped3A : memref<!tpu.dma_semaphore, #tpu.memory_space<semaphore_mem>>) src(%dma_wait3A_576 : memref<8x128xi32, #tpu.memory_space<hbm>>) dst(%arg10 : memref<8x128xi32, #tpu.memory_space<vmem>>)
        tpu.yield
      }) : () -> ()
      %dma_start3A = arith.constant 0 : i32
      %dma_start3A_123 = arith.constant 0 : i32
      %dma_start3A_124 = tpu.memref_slice %arg9[%dma_start3A, %dma_start3A_123] : memref<8x128xi32, #tpu.memory_space<vmem>> -> memref<1x128xi32, #tpu.memory_space<vmem>>
      %dma_start3A_125 = tpu.memref_squeeze %dma_start3A_124 : memref<1x128xi32, #tpu.memory_space<vmem>> -> memref<128xi32, #tpu.memory_space<vmem>>
      %dma_start3A_126 = arith.constant 0 : i32
      %dma_start3A_127 = arith.constant 0 : i32
      %dma_start3A_128 = tpu.memref_slice %arg2[%dma_start3A_126, %dma_start3A_127] : memref<10240x128xf32, #tpu.memory_space<hbm>> -> memref<10240x128xf32, #tpu.memory_space<hbm>>
      tpu.enqueue_indirect_dma source(%dma_start3A_128 : memref<10240x128xf32, #tpu.memory_space<hbm>>) target(%arg11 : memref<128x128xf32, #tpu.memory_space<vmem>>) offsets(%dma_start3A_125 : memref<128xi32, #tpu.memory_space<vmem>>) semaphore(%arg15 : memref<!tpu.dma_semaphore, #tpu.memory_space<semaphore_mem>>)
      %dma_start3A_129 = arith.constant 0 : i32
      %dma_start3A_130 = arith.constant 0 : i32
      %dma_start3A_131 = tpu.memref_slice %arg10[%dma_start3A_129, %dma_start3A_130] : memref<8x128xi32, #tpu.memory_space<vmem>> -> memref<1x128xi32, #tpu.memory_space<vmem>>
      %dma_start3A_132 = tpu.memref_squeeze %dma_start3A_131 : memref<1x128xi32, #tpu.memory_space<vmem>> -> memref<128xi32, #tpu.memory_space<vmem>>
      %dma_start3A_133 = arith.constant 0 : i32
      %dma_start3A_134 = arith.constant 0 : i32
      %dma_start3A_135 = tpu.memref_slice %arg2[%dma_start3A_133, %dma_start3A_134] : memref<10240x128xf32, #tpu.memory_space<hbm>> -> memref<10240x128xf32, #tpu.memory_space<hbm>>
      tpu.enqueue_indirect_dma source(%dma_start3A_135 : memref<10240x128xf32, #tpu.memory_space<hbm>>) target(%arg12 : memref<128x128xf32, #tpu.memory_space<vmem>>) offsets(%dma_start3A_132 : memref<128xi32, #tpu.memory_space<vmem>>) semaphore(%arg16 : memref<!tpu.dma_semaphore, #tpu.memory_space<semaphore_mem>>)
      %dma_wait3A = arith.constant 0 : i32
      %dma_wait3A_136 = arith.constant 0 : i32
      %dma_wait3A_137 = tpu.memref_slice %arg9[%dma_wait3A, %dma_wait3A_136] : memref<8x128xi32, #tpu.memory_space<vmem>> -> memref<1x128xi32, #tpu.memory_space<vmem>>
      %dma_wait3A_138 = tpu.memref_squeeze %dma_wait3A_137 : memref<1x128xi32, #tpu.memory_space<vmem>> -> memref<128xi32, #tpu.memory_space<vmem>>
      %dma_wait3A_139 = arith.constant 0 : i32
      %dma_wait3A_140 = arith.constant 0 : i32
      %dma_wait3A_141 = tpu.memref_slice %arg2[%dma_wait3A_139, %dma_wait3A_140] : memref<10240x128xf32, #tpu.memory_space<hbm>> -> memref<10240x128xf32, #tpu.memory_space<hbm>>
      tpu.wait_indirect_dma semaphore(%arg15 : memref<!tpu.dma_semaphore, #tpu.memory_space<semaphore_mem>>) src(%dma_wait3A_141 : memref<10240x128xf32, #tpu.memory_space<hbm>>) dst(%arg11 : memref<128x128xf32, #tpu.memory_space<vmem>>)
      %dma_start3A_142 = arith.constant 0 : i32
      %dma_start3A_143 = arith.constant 0 : i32
      %dma_start3A_144 = tpu.memref_slice %arg10[%dma_start3A_142, %dma_start3A_143] : memref<8x128xi32, #tpu.memory_space<vmem>> -> memref<1x128xi32, #tpu.memory_space<vmem>>
      %dma_start3A_145 = tpu.memref_squeeze %dma_start3A_144 : memref<1x128xi32, #tpu.memory_space<vmem>> -> memref<128xi32, #tpu.memory_space<vmem>>
      %dma_start3A_146 = arith.constant 0 : i32
      %dma_start3A_147 = arith.constant 0 : i32
      %dma_start3A_148 = tpu.memref_slice %arg14[%dma_start3A_146, %dma_start3A_147] : memref<10240x128xf32, #tpu.memory_space<vmem_shared>> -> memref<10240x128xf32, #tpu.memory_space<vmem_shared>>
      tpu.enqueue_indirect_dma source(%arg11 : memref<128x128xf32, #tpu.memory_space<vmem>>) target(%dma_start3A_148 : memref<10240x128xf32, #tpu.memory_space<vmem_shared>>) offsets(%dma_start3A_145 : memref<128xi32, #tpu.memory_space<vmem>>) semaphore(%arg17 : memref<!tpu.dma_semaphore, #tpu.memory_space<semaphore_mem>>) {add = true}
      %dma_wait3A_149 = arith.constant 0 : i32
      %dma_wait3A_150 = arith.constant 0 : i32
      %dma_wait3A_151 = tpu.memref_slice %arg10[%dma_wait3A_149, %dma_wait3A_150] : memref<8x128xi32, #tpu.memory_space<vmem>> -> memref<1x128xi32, #tpu.memory_space<vmem>>
      %dma_wait3A_152 = tpu.memref_squeeze %dma_wait3A_151 : memref<1x128xi32, #tpu.memory_space<vmem>> -> memref<128xi32, #tpu.memory_space<vmem>>
      %dma_wait3A_153 = arith.constant 0 : i32
      %dma_wait3A_154 = arith.constant 0 : i32
      %dma_wait3A_155 = tpu.memref_slice %arg14[%dma_wait3A_153, %dma_wait3A_154] : memref<10240x128xf32, #tpu.memory_space<vmem_shared>> -> memref<10240x128xf32, #tpu.memory_space<vmem_shared>>
      tpu.wait_indirect_dma semaphore(%arg17 : memref<!tpu.dma_semaphore, #tpu.memory_space<semaphore_mem>>) src(%arg11 : memref<128x128xf32, #tpu.memory_space<vmem>>) dst(%dma_wait3A_155 : memref<10240x128xf32, #tpu.memory_space<vmem_shared>>)
      %dma_start3A_156 = arith.constant 1 : i32
      %dma_start3A_157 = arith.constant 0 : i32
      %dma_start3A_158 = tpu.memref_slice %arg9[%dma_start3A_156, %dma_start3A_157] : memref<8x128xi32, #tpu.memory_space<vmem>> -> memref<1x128xi32, #tpu.memory_space<vmem>>
      %dma_start3A_159 = tpu.memref_squeeze %dma_start3A_158 : memref<1x128xi32, #tpu.memory_space<vmem>> -> memref<128xi32, #tpu.memory_space<vmem>>
      %dma_start3A_160 = arith.constant 0 : i32
      %dma_start3A_161 = arith.constant 0 : i32
      %dma_start3A_162 = tpu.memref_slice %arg2[%dma_start3A_160, %dma_start3A_161] : memref<10240x128xf32, #tpu.memory_space<hbm>> -> memref<10240x128xf32, #tpu.memory_space<hbm>>
      tpu.enqueue_indirect_dma source(%dma_start3A_162 : memref<10240x128xf32, #tpu.memory_space<hbm>>) target(%arg11 : memref<128x128xf32, #tpu.memory_space<vmem>>) offsets(%dma_start3A_159 : memref<128xi32, #tpu.memory_space<vmem>>) semaphore(%arg15 : memref<!tpu.dma_semaphore, #tpu.memory_space<semaphore_mem>>)
      %dma_wait3A_163 = arith.constant 0 : i32
      %dma_wait3A_164 = arith.constant 0 : i32
      %dma_wait3A_165 = tpu.memref_slice %arg10[%dma_wait3A_163, %dma_wait3A_164] : memref<8x128xi32, #tpu.memory_space<vmem>> -> memref<1x128xi32, #tpu.memory_space<vmem>>
      %dma_wait3A_166 = tpu.memref_squeeze %dma_wait3A_165 : memref<1x128xi32, #tpu.memory_space<vmem>> -> memref<128xi32, #tpu.memory_space<vmem>>
      %dma_wait3A_167 = arith.constant 0 : i32
      %dma_wait3A_168 = arith.constant 0 : i32
      %dma_wait3A_169 = tpu.memref_slice %arg2[%dma_wait3A_167, %dma_wait3A_168] : memref<10240x128xf32, #tpu.memory_space<hbm>> -> memref<10240x128xf32, #tpu.memory_space<hbm>>
      tpu.wait_indirect_dma semaphore(%arg16 : memref<!tpu.dma_semaphore, #tpu.memory_space<semaphore_mem>>) src(%dma_wait3A_169 : memref<10240x128xf32, #tpu.memory_space<hbm>>) dst(%arg12 : memref<128x128xf32, #tpu.memory_space<vmem>>)
      %dma_start3A_170 = arith.constant 0 : i32
      %dma_start3A_171 = arith.constant 0 : i32
      %dma_start3A_172 = tpu.memref_slice %arg9[%dma_start3A_170, %dma_start3A_171] : memref<8x128xi32, #tpu.memory_space<vmem>> -> memref<1x128xi32, #tpu.memory_space<vmem>>
      %dma_start3A_173 = tpu.memref_squeeze %dma_start3A_172 : memref<1x128xi32, #tpu.memory_space<vmem>> -> memref<128xi32, #tpu.memory_space<vmem>>
      %dma_start3A_174 = arith.constant 0 : i32
      %dma_start3A_175 = arith.constant 0 : i32
      %dma_start3A_176 = tpu.memref_slice %arg14[%dma_start3A_174, %dma_start3A_175] : memref<10240x128xf32, #tpu.memory_space<vmem_shared>> -> memref<10240x128xf32, #tpu.memory_space<vmem_shared>>
      tpu.enqueue_indirect_dma source(%arg12 : memref<128x128xf32, #tpu.memory_space<vmem>>) target(%dma_start3A_176 : memref<10240x128xf32, #tpu.memory_space<vmem_shared>>) offsets(%dma_start3A_173 : memref<128xi32, #tpu.memory_space<vmem>>) semaphore(%arg18 : memref<!tpu.dma_semaphore, #tpu.memory_space<semaphore_mem>>) {add = true}
      %dma_wait3A_177 = arith.constant 0 : i32
      %dma_wait3A_178 = arith.constant 0 : i32
      %dma_wait3A_179 = tpu.memref_slice %arg9[%dma_wait3A_177, %dma_wait3A_178] : memref<8x128xi32, #tpu.memory_space<vmem>> -> memref<1x128xi32, #tpu.memory_space<vmem>>
      %dma_wait3A_180 = tpu.memref_squeeze %dma_wait3A_179 : memref<1x128xi32, #tpu.memory_space<vmem>> -> memref<128xi32, #tpu.memory_space<vmem>>
      %dma_wait3A_181 = arith.constant 0 : i32
      %dma_wait3A_182 = arith.constant 0 : i32
      %dma_wait3A_183 = tpu.memref_slice %arg14[%dma_wait3A_181, %dma_wait3A_182] : memref<10240x128xf32, #tpu.memory_space<vmem_shared>> -> memref<10240x128xf32, #tpu.memory_space<vmem_shared>>
      tpu.wait_indirect_dma semaphore(%arg18 : memref<!tpu.dma_semaphore, #tpu.memory_space<semaphore_mem>>) src(%arg12 : memref<128x128xf32, #tpu.memory_space<vmem>>) dst(%dma_wait3A_183 : memref<10240x128xf32, #tpu.memory_space<vmem_shared>>)
      %dma_start3A_184 = arith.constant 1 : i32
      %dma_start3A_185 = arith.constant 0 : i32
      %dma_start3A_186 = tpu.memref_slice %arg10[%dma_start3A_184, %dma_start3A_185] : memref<8x128xi32, #tpu.memory_space<vmem>> -> memref<1x128xi32, #tpu.memory_space<vmem>>
      %dma_start3A_187 = tpu.memref_squeeze %dma_start3A_186 : memref<1x128xi32, #tpu.memory_space<vmem>> -> memref<128xi32, #tpu.memory_space<vmem>>
      %dma_start3A_188 = arith.constant 0 : i32
      %dma_start3A_189 = arith.constant 0 : i32
      %dma_start3A_190 = tpu.memref_slice %arg2[%dma_start3A_188, %dma_start3A_189] : memref<10240x128xf32, #tpu.memory_space<hbm>> -> memref<10240x128xf32, #tpu.memory_space<hbm>>
      tpu.enqueue_indirect_dma source(%dma_start3A_190 : memref<10240x128xf32, #tpu.memory_space<hbm>>) target(%arg12 : memref<128x128xf32, #tpu.memory_space<vmem>>) offsets(%dma_start3A_187 : memref<128xi32, #tpu.memory_space<vmem>>) semaphore(%arg16 : memref<!tpu.dma_semaphore, #tpu.memory_space<semaphore_mem>>)
      %dma_wait3A_191 = arith.constant 1 : i32
      %dma_wait3A_192 = arith.constant 0 : i32
      %dma_wait3A_193 = tpu.memref_slice %arg9[%dma_wait3A_191, %dma_wait3A_192] : memref<8x128xi32, #tpu.memory_space<vmem>> -> memref<1x128xi32, #tpu.memory_space<vmem>>
      %dma_wait3A_194 = tpu.memref_squeeze %dma_wait3A_193 : memref<1x128xi32, #tpu.memory_space<vmem>> -> memref<128xi32, #tpu.memory_space<vmem>>
      %dma_wait3A_195 = arith.constant 0 : i32
      %dma_wait3A_196 = arith.constant 0 : i32
      %dma_wait3A_197 = tpu.memref_slice %arg2[%dma_wait3A_195, %dma_wait3A_196] : memref<10240x128xf32, #tpu.memory_space<hbm>> -> memref<10240x128xf32, #tpu.memory_space<hbm>>
      tpu.wait_indirect_dma semaphore(%arg15 : memref<!tpu.dma_semaphore, #tpu.memory_space<semaphore_mem>>) src(%dma_wait3A_197 : memref<10240x128xf32, #tpu.memory_space<hbm>>) dst(%arg11 : memref<128x128xf32, #tpu.memory_space<vmem>>)
      %dma_start3A_198 = arith.constant 1 : i32
      %dma_start3A_199 = arith.constant 0 : i32
      %dma_start3A_200 = tpu.memref_slice %arg10[%dma_start3A_198, %dma_start3A_199] : memref<8x128xi32, #tpu.memory_space<vmem>> -> memref<1x128xi32, #tpu.memory_space<vmem>>
      %dma_start3A_201 = tpu.memref_squeeze %dma_start3A_200 : memref<1x128xi32, #tpu.memory_space<vmem>> -> memref<128xi32, #tpu.memory_space<vmem>>
      %dma_start3A_202 = arith.constant 0 : i32
      %dma_start3A_203 = arith.constant 0 : i32
      %dma_start3A_204 = tpu.memref_slice %arg14[%dma_start3A_202, %dma_start3A_203] : memref<10240x128xf32, #tpu.memory_space<vmem_shared>> -> memref<10240x128xf32, #tpu.memory_space<vmem_shared>>
      tpu.enqueue_indirect_dma source(%arg11 : memref<128x128xf32, #tpu.memory_space<vmem>>) target(%dma_start3A_204 : memref<10240x128xf32, #tpu.memory_space<vmem_shared>>) offsets(%dma_start3A_201 : memref<128xi32, #tpu.memory_space<vmem>>) semaphore(%arg17 : memref<!tpu.dma_semaphore, #tpu.memory_space<semaphore_mem>>) {add = true}
      %dma_wait3A_205 = arith.constant 1 : i32
      %dma_wait3A_206 = arith.constant 0 : i32
      %dma_wait3A_207 = tpu.memref_slice %arg10[%dma_wait3A_205, %dma_wait3A_206] : memref<8x128xi32, #tpu.memory_space<vmem>> -> memref<1x128xi32, #tpu.memory_space<vmem>>
      %dma_wait3A_208 = tpu.memref_squeeze %dma_wait3A_207 : memref<1x128xi32, #tpu.memory_space<vmem>> -> memref<128xi32, #tpu.memory_space<vmem>>
      %dma_wait3A_209 = arith.constant 0 : i32
      %dma_wait3A_210 = arith.constant 0 : i32
      %dma_wait3A_211 = tpu.memref_slice %arg14[%dma_wait3A_209, %dma_wait3A_210] : memref<10240x128xf32, #tpu.memory_space<vmem_shared>> -> memref<10240x128xf32, #tpu.memory_space<vmem_shared>>
      tpu.wait_indirect_dma semaphore(%arg17 : memref<!tpu.dma_semaphore, #tpu.memory_space<semaphore_mem>>) src(%arg11 : memref<128x128xf32, #tpu.memory_space<vmem>>) dst(%dma_wait3A_211 : memref<10240x128xf32, #tpu.memory_space<vmem_shared>>)
      %dma_start3A_212 = arith.constant 2 : i32
      %dma_start3A_213 = arith.constant 0 : i32
      %dma_start3A_214 = tpu.memref_slice %arg9[%dma_start3A_212, %dma_start3A_213] : memref<8x128xi32, #tpu.memory_space<vmem>> -> memref<1x128xi32, #tpu.memory_space<vmem>>
      %dma_start3A_215 = tpu.memref_squeeze %dma_start3A_214 : memref<1x128xi32, #tpu.memory_space<vmem>> -> memref<128xi32, #tpu.memory_space<vmem>>
      %dma_start3A_216 = arith.constant 0 : i32
      %dma_start3A_217 = arith.constant 0 : i32
      %dma_start3A_218 = tpu.memref_slice %arg2[%dma_start3A_216, %dma_start3A_217] : memref<10240x128xf32, #tpu.memory_space<hbm>> -> memref<10240x128xf32, #tpu.memory_space<hbm>>
      tpu.enqueue_indirect_dma source(%dma_start3A_218 : memref<10240x128xf32, #tpu.memory_space<hbm>>) target(%arg11 : memref<128x128xf32, #tpu.memory_space<vmem>>) offsets(%dma_start3A_215 : memref<128xi32, #tpu.memory_space<vmem>>) semaphore(%arg15 : memref<!tpu.dma_semaphore, #tpu.memory_space<semaphore_mem>>)
      %dma_wait3A_219 = arith.constant 1 : i32
      %dma_wait3A_220 = arith.constant 0 : i32
      %dma_wait3A_221 = tpu.memref_slice %arg10[%dma_wait3A_219, %dma_wait3A_220] : memref<8x128xi32, #tpu.memory_space<vmem>> -> memref<1x128xi32, #tpu.memory_space<vmem>>
      %dma_wait3A_222 = tpu.memref_squeeze %dma_wait3A_221 : memref<1x128xi32, #tpu.memory_space<vmem>> -> memref<128xi32, #tpu.memory_space<vmem>>
      %dma_wait3A_223 = arith.constant 0 : i32
      %dma_wait3A_224 = arith.constant 0 : i32
      %dma_wait3A_225 = tpu.memref_slice %arg2[%dma_wait3A_223, %dma_wait3A_224] : memref<10240x128xf32, #tpu.memory_space<hbm>> -> memref<10240x128xf32, #tpu.memory_space<hbm>>
      tpu.wait_indirect_dma semaphore(%arg16 : memref<!tpu.dma_semaphore, #tpu.memory_space<semaphore_mem>>) src(%dma_wait3A_225 : memref<10240x128xf32, #tpu.memory_space<hbm>>) dst(%arg12 : memref<128x128xf32, #tpu.memory_space<vmem>>)
      %dma_start3A_226 = arith.constant 1 : i32
      %dma_start3A_227 = arith.constant 0 : i32
      %dma_start3A_228 = tpu.memref_slice %arg9[%dma_start3A_226, %dma_start3A_227] : memref<8x128xi32, #tpu.memory_space<vmem>> -> memref<1x128xi32, #tpu.memory_space<vmem>>
      %dma_start3A_229 = tpu.memref_squeeze %dma_start3A_228 : memref<1x128xi32, #tpu.memory_space<vmem>> -> memref<128xi32, #tpu.memory_space<vmem>>
      %dma_start3A_230 = arith.constant 0 : i32
      %dma_start3A_231 = arith.constant 0 : i32
      %dma_start3A_232 = tpu.memref_slice %arg14[%dma_start3A_230, %dma_start3A_231] : memref<10240x128xf32, #tpu.memory_space<vmem_shared>> -> memref<10240x128xf32, #tpu.memory_space<vmem_shared>>
      tpu.enqueue_indirect_dma source(%arg12 : memref<128x128xf32, #tpu.memory_space<vmem>>) target(%dma_start3A_232 : memref<10240x128xf32, #tpu.memory_space<vmem_shared>>) offsets(%dma_start3A_229 : memref<128xi32, #tpu.memory_space<vmem>>) semaphore(%arg18 : memref<!tpu.dma_semaphore, #tpu.memory_space<semaphore_mem>>) {add = true}
      %dma_wait3A_233 = arith.constant 1 : i32
      %dma_wait3A_234 = arith.constant 0 : i32
      %dma_wait3A_235 = tpu.memref_slice %arg9[%dma_wait3A_233, %dma_wait3A_234] : memref<8x128xi32, #tpu.memory_space<vmem>> -> memref<1x128xi32, #tpu.memory_space<vmem>>
      %dma_wait3A_236 = tpu.memref_squeeze %dma_wait3A_235 : memref<1x128xi32, #tpu.memory_space<vmem>> -> memref<128xi32, #tpu.memory_space<vmem>>
      %dma_wait3A_237 = arith.constant 0 : i32
      %dma_wait3A_238 = arith.constant 0 : i32
      %dma_wait3A_239 = tpu.memref_slice %arg14[%dma_wait3A_237, %dma_wait3A_238] : memref<10240x128xf32, #tpu.memory_space<vmem_shared>> -> memref<10240x128xf32, #tpu.memory_space<vmem_shared>>
      tpu.wait_indirect_dma semaphore(%arg18 : memref<!tpu.dma_semaphore, #tpu.memory_space<semaphore_mem>>) src(%arg12 : memref<128x128xf32, #tpu.memory_space<vmem>>) dst(%dma_wait3A_239 : memref<10240x128xf32, #tpu.memory_space<vmem_shared>>)
      %dma_start3A_240 = arith.constant 2 : i32
      %dma_start3A_241 = arith.constant 0 : i32
      %dma_start3A_242 = tpu.memref_slice %arg10[%dma_start3A_240, %dma_start3A_241] : memref<8x128xi32, #tpu.memory_space<vmem>> -> memref<1x128xi32, #tpu.memory_space<vmem>>
      %dma_start3A_243 = tpu.memref_squeeze %dma_start3A_242 : memref<1x128xi32, #tpu.memory_space<vmem>> -> memref<128xi32, #tpu.memory_space<vmem>>
      %dma_start3A_244 = arith.constant 0 : i32
      %dma_start3A_245 = arith.constant 0 : i32
      %dma_start3A_246 = tpu.memref_slice %arg2[%dma_start3A_244, %dma_start3A_245] : memref<10240x128xf32, #tpu.memory_space<hbm>> -> memref<10240x128xf32, #tpu.memory_space<hbm>>
      tpu.enqueue_indirect_dma source(%dma_start3A_246 : memref<10240x128xf32, #tpu.memory_space<hbm>>) target(%arg12 : memref<128x128xf32, #tpu.memory_space<vmem>>) offsets(%dma_start3A_243 : memref<128xi32, #tpu.memory_space<vmem>>) semaphore(%arg16 : memref<!tpu.dma_semaphore, #tpu.memory_space<semaphore_mem>>)
      %dma_wait3A_247 = arith.constant 2 : i32
      %dma_wait3A_248 = arith.constant 0 : i32
      %dma_wait3A_249 = tpu.memref_slice %arg9[%dma_wait3A_247, %dma_wait3A_248] : memref<8x128xi32, #tpu.memory_space<vmem>> -> memref<1x128xi32, #tpu.memory_space<vmem>>
      %dma_wait3A_250 = tpu.memref_squeeze %dma_wait3A_249 : memref<1x128xi32, #tpu.memory_space<vmem>> -> memref<128xi32, #tpu.memory_space<vmem>>
      %dma_wait3A_251 = arith.constant 0 : i32
      %dma_wait3A_252 = arith.constant 0 : i32
      %dma_wait3A_253 = tpu.memref_slice %arg2[%dma_wait3A_251, %dma_wait3A_252] : memref<10240x128xf32, #tpu.memory_space<hbm>> -> memref<10240x128xf32, #tpu.memory_space<hbm>>
      tpu.wait_indirect_dma semaphore(%arg15 : memref<!tpu.dma_semaphore, #tpu.memory_space<semaphore_mem>>) src(%dma_wait3A_253 : memref<10240x128xf32, #tpu.memory_space<hbm>>) dst(%arg11 : memref<128x128xf32, #tpu.memory_space<vmem>>)
      %dma_start3A_254 = arith.constant 2 : i32
      %dma_start3A_255 = arith.constant 0 : i32
      %dma_start3A_256 = tpu.memref_slice %arg10[%dma_start3A_254, %dma_start3A_255] : memref<8x128xi32, #tpu.memory_space<vmem>> -> memref<1x128xi32, #tpu.memory_space<vmem>>
      %dma_start3A_257 = tpu.memref_squeeze %dma_start3A_256 : memref<1x128xi32, #tpu.memory_space<vmem>> -> memref<128xi32, #tpu.memory_space<vmem>>
      %dma_start3A_258 = arith.constant 0 : i32
      %dma_start3A_259 = arith.constant 0 : i32
      %dma_start3A_260 = tpu.memref_slice %arg14[%dma_start3A_258, %dma_start3A_259] : memref<10240x128xf32, #tpu.memory_space<vmem_shared>> -> memref<10240x128xf32, #tpu.memory_space<vmem_shared>>
      tpu.enqueue_indirect_dma source(%arg11 : memref<128x128xf32, #tpu.memory_space<vmem>>) target(%dma_start3A_260 : memref<10240x128xf32, #tpu.memory_space<vmem_shared>>) offsets(%dma_start3A_257 : memref<128xi32, #tpu.memory_space<vmem>>) semaphore(%arg17 : memref<!tpu.dma_semaphore, #tpu.memory_space<semaphore_mem>>) {add = true}
      %dma_wait3A_261 = arith.constant 2 : i32
      %dma_wait3A_262 = arith.constant 0 : i32
      %dma_wait3A_263 = tpu.memref_slice %arg10[%dma_wait3A_261, %dma_wait3A_262] : memref<8x128xi32, #tpu.memory_space<vmem>> -> memref<1x128xi32, #tpu.memory_space<vmem>>
      %dma_wait3A_264 = tpu.memref_squeeze %dma_wait3A_263 : memref<1x128xi32, #tpu.memory_space<vmem>> -> memref<128xi32, #tpu.memory_space<vmem>>
      %dma_wait3A_265 = arith.constant 0 : i32
      %dma_wait3A_266 = arith.constant 0 : i32
      %dma_wait3A_267 = tpu.memref_slice %arg14[%dma_wait3A_265, %dma_wait3A_266] : memref<10240x128xf32, #tpu.memory_space<vmem_shared>> -> memref<10240x128xf32, #tpu.memory_space<vmem_shared>>
      tpu.wait_indirect_dma semaphore(%arg17 : memref<!tpu.dma_semaphore, #tpu.memory_space<semaphore_mem>>) src(%arg11 : memref<128x128xf32, #tpu.memory_space<vmem>>) dst(%dma_wait3A_267 : memref<10240x128xf32, #tpu.memory_space<vmem_shared>>)
      %dma_start3A_268 = arith.constant 3 : i32
      %dma_start3A_269 = arith.constant 0 : i32
      %dma_start3A_270 = tpu.memref_slice %arg9[%dma_start3A_268, %dma_start3A_269] : memref<8x128xi32, #tpu.memory_space<vmem>> -> memref<1x128xi32, #tpu.memory_space<vmem>>
      %dma_start3A_271 = tpu.memref_squeeze %dma_start3A_270 : memref<1x128xi32, #tpu.memory_space<vmem>> -> memref<128xi32, #tpu.memory_space<vmem>>
      %dma_start3A_272 = arith.constant 0 : i32
      %dma_start3A_273 = arith.constant 0 : i32
      %dma_start3A_274 = tpu.memref_slice %arg2[%dma_start3A_272, %dma_start3A_273] : memref<10240x128xf32, #tpu.memory_space<hbm>> -> memref<10240x128xf32, #tpu.memory_space<hbm>>
      tpu.enqueue_indirect_dma source(%dma_start3A_274 : memref<10240x128xf32, #tpu.memory_space<hbm>>) target(%arg11 : memref<128x128xf32, #tpu.memory_space<vmem>>) offsets(%dma_start3A_271 : memref<128xi32, #tpu.memory_space<vmem>>) semaphore(%arg15 : memref<!tpu.dma_semaphore, #tpu.memory_space<semaphore_mem>>)
      %dma_wait3A_275 = arith.constant 2 : i32
      %dma_wait3A_276 = arith.constant 0 : i32
      %dma_wait3A_277 = tpu.memref_slice %arg10[%dma_wait3A_275, %dma_wait3A_276] : memref<8x128xi32, #tpu.memory_space<vmem>> -> memref<1x128xi32, #tpu.memory_space<vmem>>
      %dma_wait3A_278 = tpu.memref_squeeze %dma_wait3A_277 : memref<1x128xi32, #tpu.memory_space<vmem>> -> memref<128xi32, #tpu.memory_space<vmem>>
      %dma_wait3A_279 = arith.constant 0 : i32
      %dma_wait3A_280 = arith.constant 0 : i32
      %dma_wait3A_281 = tpu.memref_slice %arg2[%dma_wait3A_279, %dma_wait3A_280] : memref<10240x128xf32, #tpu.memory_space<hbm>> -> memref<10240x128xf32, #tpu.memory_space<hbm>>
      tpu.wait_indirect_dma semaphore(%arg16 : memref<!tpu.dma_semaphore, #tpu.memory_space<semaphore_mem>>) src(%dma_wait3A_281 : memref<10240x128xf32, #tpu.memory_space<hbm>>) dst(%arg12 : memref<128x128xf32, #tpu.memory_space<vmem>>)
      %dma_start3A_282 = arith.constant 2 : i32
      %dma_start3A_283 = arith.constant 0 : i32
      %dma_start3A_284 = tpu.memref_slice %arg9[%dma_start3A_282, %dma_start3A_283] : memref<8x128xi32, #tpu.memory_space<vmem>> -> memref<1x128xi32, #tpu.memory_space<vmem>>
      %dma_start3A_285 = tpu.memref_squeeze %dma_start3A_284 : memref<1x128xi32, #tpu.memory_space<vmem>> -> memref<128xi32, #tpu.memory_space<vmem>>
      %dma_start3A_286 = arith.constant 0 : i32
      %dma_start3A_287 = arith.constant 0 : i32
      %dma_start3A_288 = tpu.memref_slice %arg14[%dma_start3A_286, %dma_start3A_287] : memref<10240x128xf32, #tpu.memory_space<vmem_shared>> -> memref<10240x128xf32, #tpu.memory_space<vmem_shared>>
      tpu.enqueue_indirect_dma source(%arg12 : memref<128x128xf32, #tpu.memory_space<vmem>>) target(%dma_start3A_288 : memref<10240x128xf32, #tpu.memory_space<vmem_shared>>) offsets(%dma_start3A_285 : memref<128xi32, #tpu.memory_space<vmem>>) semaphore(%arg18 : memref<!tpu.dma_semaphore, #tpu.memory_space<semaphore_mem>>) {add = true}
      %dma_wait3A_289 = arith.constant 2 : i32
      %dma_wait3A_290 = arith.constant 0 : i32
      %dma_wait3A_291 = tpu.memref_slice %arg9[%dma_wait3A_289, %dma_wait3A_290] : memref<8x128xi32, #tpu.memory_space<vmem>> -> memref<1x128xi32, #tpu.memory_space<vmem>>
      %dma_wait3A_292 = tpu.memref_squeeze %dma_wait3A_291 : memref<1x128xi32, #tpu.memory_space<vmem>> -> memref<128xi32, #tpu.memory_space<vmem>>
      %dma_wait3A_293 = arith.constant 0 : i32
      %dma_wait3A_294 = arith.constant 0 : i32
      %dma_wait3A_295 = tpu.memref_slice %arg14[%dma_wait3A_293, %dma_wait3A_294] : memref<10240x128xf32, #tpu.memory_space<vmem_shared>> -> memref<10240x128xf32, #tpu.memory_space<vmem_shared>>
      tpu.wait_indirect_dma semaphore(%arg18 : memref<!tpu.dma_semaphore, #tpu.memory_space<semaphore_mem>>) src(%arg12 : memref<128x128xf32, #tpu.memory_space<vmem>>) dst(%dma_wait3A_295 : memref<10240x128xf32, #tpu.memory_space<vmem_shared>>)
      %dma_start3A_296 = arith.constant 3 : i32
      %dma_start3A_297 = arith.constant 0 : i32
      %dma_start3A_298 = tpu.memref_slice %arg10[%dma_start3A_296, %dma_start3A_297] : memref<8x128xi32, #tpu.memory_space<vmem>> -> memref<1x128xi32, #tpu.memory_space<vmem>>
      %dma_start3A_299 = tpu.memref_squeeze %dma_start3A_298 : memref<1x128xi32, #tpu.memory_space<vmem>> -> memref<128xi32, #tpu.memory_space<vmem>>
      %dma_start3A_300 = arith.constant 0 : i32
      %dma_start3A_301 = arith.constant 0 : i32
      %dma_start3A_302 = tpu.memref_slice %arg2[%dma_start3A_300, %dma_start3A_301] : memref<10240x128xf32, #tpu.memory_space<hbm>> -> memref<10240x128xf32, #tpu.memory_space<hbm>>
      tpu.enqueue_indirect_dma source(%dma_start3A_302 : memref<10240x128xf32, #tpu.memory_space<hbm>>) target(%arg12 : memref<128x128xf32, #tpu.memory_space<vmem>>) offsets(%dma_start3A_299 : memref<128xi32, #tpu.memory_space<vmem>>) semaphore(%arg16 : memref<!tpu.dma_semaphore, #tpu.memory_space<semaphore_mem>>)
      %dma_wait3A_303 = arith.constant 3 : i32
      %dma_wait3A_304 = arith.constant 0 : i32
      %dma_wait3A_305 = tpu.memref_slice %arg9[%dma_wait3A_303, %dma_wait3A_304] : memref<8x128xi32, #tpu.memory_space<vmem>> -> memref<1x128xi32, #tpu.memory_space<vmem>>
      %dma_wait3A_306 = tpu.memref_squeeze %dma_wait3A_305 : memref<1x128xi32, #tpu.memory_space<vmem>> -> memref<128xi32, #tpu.memory_space<vmem>>
      %dma_wait3A_307 = arith.constant 0 : i32
      %dma_wait3A_308 = arith.constant 0 : i32
      %dma_wait3A_309 = tpu.memref_slice %arg2[%dma_wait3A_307, %dma_wait3A_308] : memref<10240x128xf32, #tpu.memory_space<hbm>> -> memref<10240x128xf32, #tpu.memory_space<hbm>>
      tpu.wait_indirect_dma semaphore(%arg15 : memref<!tpu.dma_semaphore, #tpu.memory_space<semaphore_mem>>) src(%dma_wait3A_309 : memref<10240x128xf32, #tpu.memory_space<hbm>>) dst(%arg11 : memref<128x128xf32, #tpu.memory_space<vmem>>)
      %dma_start3A_310 = arith.constant 3 : i32
      %dma_start3A_311 = arith.constant 0 : i32
      %dma_start3A_312 = tpu.memref_slice %arg10[%dma_start3A_310, %dma_start3A_311] : memref<8x128xi32, #tpu.memory_space<vmem>> -> memref<1x128xi32, #tpu.memory_space<vmem>>
      %dma_start3A_313 = tpu.memref_squeeze %dma_start3A_312 : memref<1x128xi32, #tpu.memory_space<vmem>> -> memref<128xi32, #tpu.memory_space<vmem>>
      %dma_start3A_314 = arith.constant 0 : i32
      %dma_start3A_315 = arith.constant 0 : i32
      %dma_start3A_316 = tpu.memref_slice %arg14[%dma_start3A_314, %dma_start3A_315] : memref<10240x128xf32, #tpu.memory_space<vmem_shared>> -> memref<10240x128xf32, #tpu.memory_space<vmem_shared>>
      tpu.enqueue_indirect_dma source(%arg11 : memref<128x128xf32, #tpu.memory_space<vmem>>) target(%dma_start3A_316 : memref<10240x128xf32, #tpu.memory_space<vmem_shared>>) offsets(%dma_start3A_313 : memref<128xi32, #tpu.memory_space<vmem>>) semaphore(%arg17 : memref<!tpu.dma_semaphore, #tpu.memory_space<semaphore_mem>>) {add = true}
      %dma_wait3A_317 = arith.constant 3 : i32
      %dma_wait3A_318 = arith.constant 0 : i32
      %dma_wait3A_319 = tpu.memref_slice %arg10[%dma_wait3A_317, %dma_wait3A_318] : memref<8x128xi32, #tpu.memory_space<vmem>> -> memref<1x128xi32, #tpu.memory_space<vmem>>
      %dma_wait3A_320 = tpu.memref_squeeze %dma_wait3A_319 : memref<1x128xi32, #tpu.memory_space<vmem>> -> memref<128xi32, #tpu.memory_space<vmem>>
      %dma_wait3A_321 = arith.constant 0 : i32
      %dma_wait3A_322 = arith.constant 0 : i32
      %dma_wait3A_323 = tpu.memref_slice %arg14[%dma_wait3A_321, %dma_wait3A_322] : memref<10240x128xf32, #tpu.memory_space<vmem_shared>> -> memref<10240x128xf32, #tpu.memory_space<vmem_shared>>
      tpu.wait_indirect_dma semaphore(%arg17 : memref<!tpu.dma_semaphore, #tpu.memory_space<semaphore_mem>>) src(%arg11 : memref<128x128xf32, #tpu.memory_space<vmem>>) dst(%dma_wait3A_323 : memref<10240x128xf32, #tpu.memory_space<vmem_shared>>)
      %dma_start3A_324 = arith.constant 4 : i32
      %dma_start3A_325 = arith.constant 0 : i32
      %dma_start3A_326 = tpu.memref_slice %arg9[%dma_start3A_324, %dma_start3A_325] : memref<8x128xi32, #tpu.memory_space<vmem>> -> memref<1x128xi32, #tpu.memory_space<vmem>>
      %dma_start3A_327 = tpu.memref_squeeze %dma_start3A_326 : memref<1x128xi32, #tpu.memory_space<vmem>> -> memref<128xi32, #tpu.memory_space<vmem>>
      %dma_start3A_328 = arith.constant 0 : i32
      %dma_start3A_329 = arith.constant 0 : i32
      %dma_start3A_330 = tpu.memref_slice %arg2[%dma_start3A_328, %dma_start3A_329] : memref<10240x128xf32, #tpu.memory_space<hbm>> -> memref<10240x128xf32, #tpu.memory_space<hbm>>
      tpu.enqueue_indirect_dma source(%dma_start3A_330 : memref<10240x128xf32, #tpu.memory_space<hbm>>) target(%arg11 : memref<128x128xf32, #tpu.memory_space<vmem>>) offsets(%dma_start3A_327 : memref<128xi32, #tpu.memory_space<vmem>>) semaphore(%arg15 : memref<!tpu.dma_semaphore, #tpu.memory_space<semaphore_mem>>)
      %dma_wait3A_331 = arith.constant 3 : i32
      %dma_wait3A_332 = arith.constant 0 : i32
      %dma_wait3A_333 = tpu.memref_slice %arg10[%dma_wait3A_331, %dma_wait3A_332] : memref<8x128xi32, #tpu.memory_space<vmem>> -> memref<1x128xi32, #tpu.memory_space<vmem>>
      %dma_wait3A_334 = tpu.memref_squeeze %dma_wait3A_333 : memref<1x128xi32, #tpu.memory_space<vmem>> -> memref<128xi32, #tpu.memory_space<vmem>>
      %dma_wait3A_335 = arith.constant 0 : i32
      %dma_wait3A_336 = arith.constant 0 : i32
      %dma_wait3A_337 = tpu.memref_slice %arg2[%dma_wait3A_335, %dma_wait3A_336] : memref<10240x128xf32, #tpu.memory_space<hbm>> -> memref<10240x128xf32, #tpu.memory_space<hbm>>
      tpu.wait_indirect_dma semaphore(%arg16 : memref<!tpu.dma_semaphore, #tpu.memory_space<semaphore_mem>>) src(%dma_wait3A_337 : memref<10240x128xf32, #tpu.memory_space<hbm>>) dst(%arg12 : memref<128x128xf32, #tpu.memory_space<vmem>>)
      %dma_start3A_338 = arith.constant 3 : i32
      %dma_start3A_339 = arith.constant 0 : i32
      %dma_start3A_340 = tpu.memref_slice %arg9[%dma_start3A_338, %dma_start3A_339] : memref<8x128xi32, #tpu.memory_space<vmem>> -> memref<1x128xi32, #tpu.memory_space<vmem>>
      %dma_start3A_341 = tpu.memref_squeeze %dma_start3A_340 : memref<1x128xi32, #tpu.memory_space<vmem>> -> memref<128xi32, #tpu.memory_space<vmem>>
      %dma_start3A_342 = arith.constant 0 : i32
      %dma_start3A_343 = arith.constant 0 : i32
      %dma_start3A_344 = tpu.memref_slice %arg14[%dma_start3A_342, %dma_start3A_343] : memref<10240x128xf32, #tpu.memory_space<vmem_shared>> -> memref<10240x128xf32, #tpu.memory_space<vmem_shared>>
      tpu.enqueue_indirect_dma source(%arg12 : memref<128x128xf32, #tpu.memory_space<vmem>>) target(%dma_start3A_344 : memref<10240x128xf32, #tpu.memory_space<vmem_shared>>) offsets(%dma_start3A_341 : memref<128xi32, #tpu.memory_space<vmem>>) semaphore(%arg18 : memref<!tpu.dma_semaphore, #tpu.memory_space<semaphore_mem>>) {add = true}
      %dma_wait3A_345 = arith.constant 3 : i32
      %dma_wait3A_346 = arith.constant 0 : i32
      %dma_wait3A_347 = tpu.memref_slice %arg9[%dma_wait3A_345, %dma_wait3A_346] : memref<8x128xi32, #tpu.memory_space<vmem>> -> memref<1x128xi32, #tpu.memory_space<vmem>>
      %dma_wait3A_348 = tpu.memref_squeeze %dma_wait3A_347 : memref<1x128xi32, #tpu.memory_space<vmem>> -> memref<128xi32, #tpu.memory_space<vmem>>
      %dma_wait3A_349 = arith.constant 0 : i32
      %dma_wait3A_350 = arith.constant 0 : i32
      %dma_wait3A_351 = tpu.memref_slice %arg14[%dma_wait3A_349, %dma_wait3A_350] : memref<10240x128xf32, #tpu.memory_space<vmem_shared>> -> memref<10240x128xf32, #tpu.memory_space<vmem_shared>>
      tpu.wait_indirect_dma semaphore(%arg18 : memref<!tpu.dma_semaphore, #tpu.memory_space<semaphore_mem>>) src(%arg12 : memref<128x128xf32, #tpu.memory_space<vmem>>) dst(%dma_wait3A_351 : memref<10240x128xf32, #tpu.memory_space<vmem_shared>>)
      %dma_start3A_352 = arith.constant 4 : i32
      %dma_start3A_353 = arith.constant 0 : i32
      %dma_start3A_354 = tpu.memref_slice %arg10[%dma_start3A_352, %dma_start3A_353] : memref<8x128xi32, #tpu.memory_space<vmem>> -> memref<1x128xi32, #tpu.memory_space<vmem>>
      %dma_start3A_355 = tpu.memref_squeeze %dma_start3A_354 : memref<1x128xi32, #tpu.memory_space<vmem>> -> memref<128xi32, #tpu.memory_space<vmem>>
      %dma_start3A_356 = arith.constant 0 : i32
      %dma_start3A_357 = arith.constant 0 : i32
      %dma_start3A_358 = tpu.memref_slice %arg2[%dma_start3A_356, %dma_start3A_357] : memref<10240x128xf32, #tpu.memory_space<hbm>> -> memref<10240x128xf32, #tpu.memory_space<hbm>>
      tpu.enqueue_indirect_dma source(%dma_start3A_358 : memref<10240x128xf32, #tpu.memory_space<hbm>>) target(%arg12 : memref<128x128xf32, #tpu.memory_space<vmem>>) offsets(%dma_start3A_355 : memref<128xi32, #tpu.memory_space<vmem>>) semaphore(%arg16 : memref<!tpu.dma_semaphore, #tpu.memory_space<semaphore_mem>>)
      %dma_wait3A_359 = arith.constant 4 : i32
      %dma_wait3A_360 = arith.constant 0 : i32
      %dma_wait3A_361 = tpu.memref_slice %arg9[%dma_wait3A_359, %dma_wait3A_360] : memref<8x128xi32, #tpu.memory_space<vmem>> -> memref<1x128xi32, #tpu.memory_space<vmem>>
      %dma_wait3A_362 = tpu.memref_squeeze %dma_wait3A_361 : memref<1x128xi32, #tpu.memory_space<vmem>> -> memref<128xi32, #tpu.memory_space<vmem>>
      %dma_wait3A_363 = arith.constant 0 : i32
      %dma_wait3A_364 = arith.constant 0 : i32
      %dma_wait3A_365 = tpu.memref_slice %arg2[%dma_wait3A_363, %dma_wait3A_364] : memref<10240x128xf32, #tpu.memory_space<hbm>> -> memref<10240x128xf32, #tpu.memory_space<hbm>>
      tpu.wait_indirect_dma semaphore(%arg15 : memref<!tpu.dma_semaphore, #tpu.memory_space<semaphore_mem>>) src(%dma_wait3A_365 : memref<10240x128xf32, #tpu.memory_space<hbm>>) dst(%arg11 : memref<128x128xf32, #tpu.memory_space<vmem>>)
      %dma_start3A_366 = arith.constant 4 : i32
      %dma_start3A_367 = arith.constant 0 : i32
      %dma_start3A_368 = tpu.memref_slice %arg10[%dma_start3A_366, %dma_start3A_367] : memref<8x128xi32, #tpu.memory_space<vmem>> -> memref<1x128xi32, #tpu.memory_space<vmem>>
      %dma_start3A_369 = tpu.memref_squeeze %dma_start3A_368 : memref<1x128xi32, #tpu.memory_space<vmem>> -> memref<128xi32, #tpu.memory_space<vmem>>
      %dma_start3A_370 = arith.constant 0 : i32
      %dma_start3A_371 = arith.constant 0 : i32
      %dma_start3A_372 = tpu.memref_slice %arg14[%dma_start3A_370, %dma_start3A_371] : memref<10240x128xf32, #tpu.memory_space<vmem_shared>> -> memref<10240x128xf32, #tpu.memory_space<vmem_shared>>
      tpu.enqueue_indirect_dma source(%arg11 : memref<128x128xf32, #tpu.memory_space<vmem>>) target(%dma_start3A_372 : memref<10240x128xf32, #tpu.memory_space<vmem_shared>>) offsets(%dma_start3A_369 : memref<128xi32, #tpu.memory_space<vmem>>) semaphore(%arg17 : memref<!tpu.dma_semaphore, #tpu.memory_space<semaphore_mem>>) {add = true}
      %dma_wait3A_373 = arith.constant 4 : i32
      %dma_wait3A_374 = arith.constant 0 : i32
      %dma_wait3A_375 = tpu.memref_slice %arg10[%dma_wait3A_373, %dma_wait3A_374] : memref<8x128xi32, #tpu.memory_space<vmem>> -> memref<1x128xi32, #tpu.memory_space<vmem>>
      %dma_wait3A_376 = tpu.memref_squeeze %dma_wait3A_375 : memref<1x128xi32, #tpu.memory_space<vmem>> -> memref<128xi32, #tpu.memory_space<vmem>>
      %dma_wait3A_377 = arith.constant 0 : i32
      %dma_wait3A_378 = arith.constant 0 : i32
      %dma_wait3A_379 = tpu.memref_slice %arg14[%dma_wait3A_377, %dma_wait3A_378] : memref<10240x128xf32, #tpu.memory_space<vmem_shared>> -> memref<10240x128xf32, #tpu.memory_space<vmem_shared>>
      tpu.wait_indirect_dma semaphore(%arg17 : memref<!tpu.dma_semaphore, #tpu.memory_space<semaphore_mem>>) src(%arg11 : memref<128x128xf32, #tpu.memory_space<vmem>>) dst(%dma_wait3A_379 : memref<10240x128xf32, #tpu.memory_space<vmem_shared>>)
      %dma_start3A_380 = arith.constant 5 : i32
      %dma_start3A_381 = arith.constant 0 : i32
      %dma_start3A_382 = tpu.memref_slice %arg9[%dma_start3A_380, %dma_start3A_381] : memref<8x128xi32, #tpu.memory_space<vmem>> -> memref<1x128xi32, #tpu.memory_space<vmem>>
      %dma_start3A_383 = tpu.memref_squeeze %dma_start3A_382 : memref<1x128xi32, #tpu.memory_space<vmem>> -> memref<128xi32, #tpu.memory_space<vmem>>
      %dma_start3A_384 = arith.constant 0 : i32
      %dma_start3A_385 = arith.constant 0 : i32
      %dma_start3A_386 = tpu.memref_slice %arg2[%dma_start3A_384, %dma_start3A_385] : memref<10240x128xf32, #tpu.memory_space<hbm>> -> memref<10240x128xf32, #tpu.memory_space<hbm>>
      tpu.enqueue_indirect_dma source(%dma_start3A_386 : memref<10240x128xf32, #tpu.memory_space<hbm>>) target(%arg11 : memref<128x128xf32, #tpu.memory_space<vmem>>) offsets(%dma_start3A_383 : memref<128xi32, #tpu.memory_space<vmem>>) semaphore(%arg15 : memref<!tpu.dma_semaphore, #tpu.memory_space<semaphore_mem>>)
      %dma_wait3A_387 = arith.constant 4 : i32
      %dma_wait3A_388 = arith.constant 0 : i32
      %dma_wait3A_389 = tpu.memref_slice %arg10[%dma_wait3A_387, %dma_wait3A_388] : memref<8x128xi32, #tpu.memory_space<vmem>> -> memref<1x128xi32, #tpu.memory_space<vmem>>
      %dma_wait3A_390 = tpu.memref_squeeze %dma_wait3A_389 : memref<1x128xi32, #tpu.memory_space<vmem>> -> memref<128xi32, #tpu.memory_space<vmem>>
      %dma_wait3A_391 = arith.constant 0 : i32
      %dma_wait3A_392 = arith.constant 0 : i32
      %dma_wait3A_393 = tpu.memref_slice %arg2[%dma_wait3A_391, %dma_wait3A_392] : memref<10240x128xf32, #tpu.memory_space<hbm>> -> memref<10240x128xf32, #tpu.memory_space<hbm>>
      tpu.wait_indirect_dma semaphore(%arg16 : memref<!tpu.dma_semaphore, #tpu.memory_space<semaphore_mem>>) src(%dma_wait3A_393 : memref<10240x128xf32, #tpu.memory_space<hbm>>) dst(%arg12 : memref<128x128xf32, #tpu.memory_space<vmem>>)
      %dma_start3A_394 = arith.constant 4 : i32
      %dma_start3A_395 = arith.constant 0 : i32
      %dma_start3A_396 = tpu.memref_slice %arg9[%dma_start3A_394, %dma_start3A_395] : memref<8x128xi32, #tpu.memory_space<vmem>> -> memref<1x128xi32, #tpu.memory_space<vmem>>
      %dma_start3A_397 = tpu.memref_squeeze %dma_start3A_396 : memref<1x128xi32, #tpu.memory_space<vmem>> -> memref<128xi32, #tpu.memory_space<vmem>>
      %dma_start3A_398 = arith.constant 0 : i32
      %dma_start3A_399 = arith.constant 0 : i32
      %dma_start3A_400 = tpu.memref_slice %arg14[%dma_start3A_398, %dma_start3A_399] : memref<10240x128xf32, #tpu.memory_space<vmem_shared>> -> memref<10240x128xf32, #tpu.memory_space<vmem_shared>>
      tpu.enqueue_indirect_dma source(%arg12 : memref<128x128xf32, #tpu.memory_space<vmem>>) target(%dma_start3A_400 : memref<10240x128xf32, #tpu.memory_space<vmem_shared>>) offsets(%dma_start3A_397 : memref<128xi32, #tpu.memory_space<vmem>>) semaphore(%arg18 : memref<!tpu.dma_semaphore, #tpu.memory_space<semaphore_mem>>) {add = true}
      %dma_wait3A_401 = arith.constant 4 : i32
      %dma_wait3A_402 = arith.constant 0 : i32
      %dma_wait3A_403 = tpu.memref_slice %arg9[%dma_wait3A_401, %dma_wait3A_402] : memref<8x128xi32, #tpu.memory_space<vmem>> -> memref<1x128xi32, #tpu.memory_space<vmem>>
      %dma_wait3A_404 = tpu.memref_squeeze %dma_wait3A_403 : memref<1x128xi32, #tpu.memory_space<vmem>> -> memref<128xi32, #tpu.memory_space<vmem>>
      %dma_wait3A_405 = arith.constant 0 : i32
      %dma_wait3A_406 = arith.constant 0 : i32
      %dma_wait3A_407 = tpu.memref_slice %arg14[%dma_wait3A_405, %dma_wait3A_406] : memref<10240x128xf32, #tpu.memory_space<vmem_shared>> -> memref<10240x128xf32, #tpu.memory_space<vmem_shared>>
      tpu.wait_indirect_dma semaphore(%arg18 : memref<!tpu.dma_semaphore, #tpu.memory_space<semaphore_mem>>) src(%arg12 : memref<128x128xf32, #tpu.memory_space<vmem>>) dst(%dma_wait3A_407 : memref<10240x128xf32, #tpu.memory_space<vmem_shared>>)
      %dma_start3A_408 = arith.constant 5 : i32
      %dma_start3A_409 = arith.constant 0 : i32
      %dma_start3A_410 = tpu.memref_slice %arg10[%dma_start3A_408, %dma_start3A_409] : memref<8x128xi32, #tpu.memory_space<vmem>> -> memref<1x128xi32, #tpu.memory_space<vmem>>
      %dma_start3A_411 = tpu.memref_squeeze %dma_start3A_410 : memref<1x128xi32, #tpu.memory_space<vmem>> -> memref<128xi32, #tpu.memory_space<vmem>>
      %dma_start3A_412 = arith.constant 0 : i32
      %dma_start3A_413 = arith.constant 0 : i32
      %dma_start3A_414 = tpu.memref_slice %arg2[%dma_start3A_412, %dma_start3A_413] : memref<10240x128xf32, #tpu.memory_space<hbm>> -> memref<10240x128xf32, #tpu.memory_space<hbm>>
      tpu.enqueue_indirect_dma source(%dma_start3A_414 : memref<10240x128xf32, #tpu.memory_space<hbm>>) target(%arg12 : memref<128x128xf32, #tpu.memory_space<vmem>>) offsets(%dma_start3A_411 : memref<128xi32, #tpu.memory_space<vmem>>) semaphore(%arg16 : memref<!tpu.dma_semaphore, #tpu.memory_space<semaphore_mem>>)
      %dma_wait3A_415 = arith.constant 5 : i32
      %dma_wait3A_416 = arith.constant 0 : i32
      %dma_wait3A_417 = tpu.memref_slice %arg9[%dma_wait3A_415, %dma_wait3A_416] : memref<8x128xi32, #tpu.memory_space<vmem>> -> memref<1x128xi32, #tpu.memory_space<vmem>>
      %dma_wait3A_418 = tpu.memref_squeeze %dma_wait3A_417 : memref<1x128xi32, #tpu.memory_space<vmem>> -> memref<128xi32, #tpu.memory_space<vmem>>
      %dma_wait3A_419 = arith.constant 0 : i32
      %dma_wait3A_420 = arith.constant 0 : i32
      %dma_wait3A_421 = tpu.memref_slice %arg2[%dma_wait3A_419, %dma_wait3A_420] : memref<10240x128xf32, #tpu.memory_space<hbm>> -> memref<10240x128xf32, #tpu.memory_space<hbm>>
      tpu.wait_indirect_dma semaphore(%arg15 : memref<!tpu.dma_semaphore, #tpu.memory_space<semaphore_mem>>) src(%dma_wait3A_421 : memref<10240x128xf32, #tpu.memory_space<hbm>>) dst(%arg11 : memref<128x128xf32, #tpu.memory_space<vmem>>)
      %dma_start3A_422 = arith.constant 5 : i32
      %dma_start3A_423 = arith.constant 0 : i32
      %dma_start3A_424 = tpu.memref_slice %arg10[%dma_start3A_422, %dma_start3A_423] : memref<8x128xi32, #tpu.memory_space<vmem>> -> memref<1x128xi32, #tpu.memory_space<vmem>>
      %dma_start3A_425 = tpu.memref_squeeze %dma_start3A_424 : memref<1x128xi32, #tpu.memory_space<vmem>> -> memref<128xi32, #tpu.memory_space<vmem>>
      %dma_start3A_426 = arith.constant 0 : i32
      %dma_start3A_427 = arith.constant 0 : i32
      %dma_start3A_428 = tpu.memref_slice %arg14[%dma_start3A_426, %dma_start3A_427] : memref<10240x128xf32, #tpu.memory_space<vmem_shared>> -> memref<10240x128xf32, #tpu.memory_space<vmem_shared>>
      tpu.enqueue_indirect_dma source(%arg11 : memref<128x128xf32, #tpu.memory_space<vmem>>) target(%dma_start3A_428 : memref<10240x128xf32, #tpu.memory_space<vmem_shared>>) offsets(%dma_start3A_425 : memref<128xi32, #tpu.memory_space<vmem>>) semaphore(%arg17 : memref<!tpu.dma_semaphore, #tpu.memory_space<semaphore_mem>>) {add = true}
      %dma_wait3A_429 = arith.constant 5 : i32
      %dma_wait3A_430 = arith.constant 0 : i32
      %dma_wait3A_431 = tpu.memref_slice %arg10[%dma_wait3A_429, %dma_wait3A_430] : memref<8x128xi32, #tpu.memory_space<vmem>> -> memref<1x128xi32, #tpu.memory_space<vmem>>
      %dma_wait3A_432 = tpu.memref_squeeze %dma_wait3A_431 : memref<1x128xi32, #tpu.memory_space<vmem>> -> memref<128xi32, #tpu.memory_space<vmem>>
      %dma_wait3A_433 = arith.constant 0 : i32
      %dma_wait3A_434 = arith.constant 0 : i32
      %dma_wait3A_435 = tpu.memref_slice %arg14[%dma_wait3A_433, %dma_wait3A_434] : memref<10240x128xf32, #tpu.memory_space<vmem_shared>> -> memref<10240x128xf32, #tpu.memory_space<vmem_shared>>
      tpu.wait_indirect_dma semaphore(%arg17 : memref<!tpu.dma_semaphore, #tpu.memory_space<semaphore_mem>>) src(%arg11 : memref<128x128xf32, #tpu.memory_space<vmem>>) dst(%dma_wait3A_435 : memref<10240x128xf32, #tpu.memory_space<vmem_shared>>)
      %dma_start3A_436 = arith.constant 6 : i32
      %dma_start3A_437 = arith.constant 0 : i32
      %dma_start3A_438 = tpu.memref_slice %arg9[%dma_start3A_436, %dma_start3A_437] : memref<8x128xi32, #tpu.memory_space<vmem>> -> memref<1x128xi32, #tpu.memory_space<vmem>>
      %dma_start3A_439 = tpu.memref_squeeze %dma_start3A_438 : memref<1x128xi32, #tpu.memory_space<vmem>> -> memref<128xi32, #tpu.memory_space<vmem>>
      %dma_start3A_440 = arith.constant 0 : i32
      %dma_start3A_441 = arith.constant 0 : i32
      %dma_start3A_442 = tpu.memref_slice %arg2[%dma_start3A_440, %dma_start3A_441] : memref<10240x128xf32, #tpu.memory_space<hbm>> -> memref<10240x128xf32, #tpu.memory_space<hbm>>
      tpu.enqueue_indirect_dma source(%dma_start3A_442 : memref<10240x128xf32, #tpu.memory_space<hbm>>) target(%arg11 : memref<128x128xf32, #tpu.memory_space<vmem>>) offsets(%dma_start3A_439 : memref<128xi32, #tpu.memory_space<vmem>>) semaphore(%arg15 : memref<!tpu.dma_semaphore, #tpu.memory_space<semaphore_mem>>)
      %dma_wait3A_443 = arith.constant 5 : i32
      %dma_wait3A_444 = arith.constant 0 : i32
      %dma_wait3A_445 = tpu.memref_slice %arg10[%dma_wait3A_443, %dma_wait3A_444] : memref<8x128xi32, #tpu.memory_space<vmem>> -> memref<1x128xi32, #tpu.memory_space<vmem>>
      %dma_wait3A_446 = tpu.memref_squeeze %dma_wait3A_445 : memref<1x128xi32, #tpu.memory_space<vmem>> -> memref<128xi32, #tpu.memory_space<vmem>>
      %dma_wait3A_447 = arith.constant 0 : i32
      %dma_wait3A_448 = arith.constant 0 : i32
      %dma_wait3A_449 = tpu.memref_slice %arg2[%dma_wait3A_447, %dma_wait3A_448] : memref<10240x128xf32, #tpu.memory_space<hbm>> -> memref<10240x128xf32, #tpu.memory_space<hbm>>
      tpu.wait_indirect_dma semaphore(%arg16 : memref<!tpu.dma_semaphore, #tpu.memory_space<semaphore_mem>>) src(%dma_wait3A_449 : memref<10240x128xf32, #tpu.memory_space<hbm>>) dst(%arg12 : memref<128x128xf32, #tpu.memory_space<vmem>>)
      %dma_start3A_450 = arith.constant 5 : i32
      %dma_start3A_451 = arith.constant 0 : i32
      %dma_start3A_452 = tpu.memref_slice %arg9[%dma_start3A_450, %dma_start3A_451] : memref<8x128xi32, #tpu.memory_space<vmem>> -> memref<1x128xi32, #tpu.memory_space<vmem>>
      %dma_start3A_453 = tpu.memref_squeeze %dma_start3A_452 : memref<1x128xi32, #tpu.memory_space<vmem>> -> memref<128xi32, #tpu.memory_space<vmem>>
      %dma_start3A_454 = arith.constant 0 : i32
      %dma_start3A_455 = arith.constant 0 : i32
      %dma_start3A_456 = tpu.memref_slice %arg14[%dma_start3A_454, %dma_start3A_455] : memref<10240x128xf32, #tpu.memory_space<vmem_shared>> -> memref<10240x128xf32, #tpu.memory_space<vmem_shared>>
      tpu.enqueue_indirect_dma source(%arg12 : memref<128x128xf32, #tpu.memory_space<vmem>>) target(%dma_start3A_456 : memref<10240x128xf32, #tpu.memory_space<vmem_shared>>) offsets(%dma_start3A_453 : memref<128xi32, #tpu.memory_space<vmem>>) semaphore(%arg18 : memref<!tpu.dma_semaphore, #tpu.memory_space<semaphore_mem>>) {add = true}
      %dma_wait3A_457 = arith.constant 5 : i32
      %dma_wait3A_458 = arith.constant 0 : i32
      %dma_wait3A_459 = tpu.memref_slice %arg9[%dma_wait3A_457, %dma_wait3A_458] : memref<8x128xi32, #tpu.memory_space<vmem>> -> memref<1x128xi32, #tpu.memory_space<vmem>>
      %dma_wait3A_460 = tpu.memref_squeeze %dma_wait3A_459 : memref<1x128xi32, #tpu.memory_space<vmem>> -> memref<128xi32, #tpu.memory_space<vmem>>
      %dma_wait3A_461 = arith.constant 0 : i32
      %dma_wait3A_462 = arith.constant 0 : i32
      %dma_wait3A_463 = tpu.memref_slice %arg14[%dma_wait3A_461, %dma_wait3A_462] : memref<10240x128xf32, #tpu.memory_space<vmem_shared>> -> memref<10240x128xf32, #tpu.memory_space<vmem_shared>>
      tpu.wait_indirect_dma semaphore(%arg18 : memref<!tpu.dma_semaphore, #tpu.memory_space<semaphore_mem>>) src(%arg12 : memref<128x128xf32, #tpu.memory_space<vmem>>) dst(%dma_wait3A_463 : memref<10240x128xf32, #tpu.memory_space<vmem_shared>>)
      %dma_start3A_464 = arith.constant 6 : i32
      %dma_start3A_465 = arith.constant 0 : i32
      %dma_start3A_466 = tpu.memref_slice %arg10[%dma_start3A_464, %dma_start3A_465] : memref<8x128xi32, #tpu.memory_space<vmem>> -> memref<1x128xi32, #tpu.memory_space<vmem>>
      %dma_start3A_467 = tpu.memref_squeeze %dma_start3A_466 : memref<1x128xi32, #tpu.memory_space<vmem>> -> memref<128xi32, #tpu.memory_space<vmem>>
      %dma_start3A_468 = arith.constant 0 : i32
      %dma_start3A_469 = arith.constant 0 : i32
      %dma_start3A_470 = tpu.memref_slice %arg2[%dma_start3A_468, %dma_start3A_469] : memref<10240x128xf32, #tpu.memory_space<hbm>> -> memref<10240x128xf32, #tpu.memory_space<hbm>>
      tpu.enqueue_indirect_dma source(%dma_start3A_470 : memref<10240x128xf32, #tpu.memory_space<hbm>>) target(%arg12 : memref<128x128xf32, #tpu.memory_space<vmem>>) offsets(%dma_start3A_467 : memref<128xi32, #tpu.memory_space<vmem>>) semaphore(%arg16 : memref<!tpu.dma_semaphore, #tpu.memory_space<semaphore_mem>>)
      %dma_wait3A_471 = arith.constant 6 : i32
      %dma_wait3A_472 = arith.constant 0 : i32
      %dma_wait3A_473 = tpu.memref_slice %arg9[%dma_wait3A_471, %dma_wait3A_472] : memref<8x128xi32, #tpu.memory_space<vmem>> -> memref<1x128xi32, #tpu.memory_space<vmem>>
      %dma_wait3A_474 = tpu.memref_squeeze %dma_wait3A_473 : memref<1x128xi32, #tpu.memory_space<vmem>> -> memref<128xi32, #tpu.memory_space<vmem>>
      %dma_wait3A_475 = arith.constant 0 : i32
      %dma_wait3A_476 = arith.constant 0 : i32
      %dma_wait3A_477 = tpu.memref_slice %arg2[%dma_wait3A_475, %dma_wait3A_476] : memref<10240x128xf32, #tpu.memory_space<hbm>> -> memref<10240x128xf32, #tpu.memory_space<hbm>>
      tpu.wait_indirect_dma semaphore(%arg15 : memref<!tpu.dma_semaphore, #tpu.memory_space<semaphore_mem>>) src(%dma_wait3A_477 : memref<10240x128xf32, #tpu.memory_space<hbm>>) dst(%arg11 : memref<128x128xf32, #tpu.memory_space<vmem>>)
      %dma_start3A_478 = arith.constant 6 : i32
      %dma_start3A_479 = arith.constant 0 : i32
      %dma_start3A_480 = tpu.memref_slice %arg10[%dma_start3A_478, %dma_start3A_479] : memref<8x128xi32, #tpu.memory_space<vmem>> -> memref<1x128xi32, #tpu.memory_space<vmem>>
      %dma_start3A_481 = tpu.memref_squeeze %dma_start3A_480 : memref<1x128xi32, #tpu.memory_space<vmem>> -> memref<128xi32, #tpu.memory_space<vmem>>
      %dma_start3A_482 = arith.constant 0 : i32
      %dma_start3A_483 = arith.constant 0 : i32
      %dma_start3A_484 = tpu.memref_slice %arg14[%dma_start3A_482, %dma_start3A_483] : memref<10240x128xf32, #tpu.memory_space<vmem_shared>> -> memref<10240x128xf32, #tpu.memory_space<vmem_shared>>
      tpu.enqueue_indirect_dma source(%arg11 : memref<128x128xf32, #tpu.memory_space<vmem>>) target(%dma_start3A_484 : memref<10240x128xf32, #tpu.memory_space<vmem_shared>>) offsets(%dma_start3A_481 : memref<128xi32, #tpu.memory_space<vmem>>) semaphore(%arg17 : memref<!tpu.dma_semaphore, #tpu.memory_space<semaphore_mem>>) {add = true}
      %dma_wait3A_485 = arith.constant 6 : i32
      %dma_wait3A_486 = arith.constant 0 : i32
      %dma_wait3A_487 = tpu.memref_slice %arg10[%dma_wait3A_485, %dma_wait3A_486] : memref<8x128xi32, #tpu.memory_space<vmem>> -> memref<1x128xi32, #tpu.memory_space<vmem>>
      %dma_wait3A_488 = tpu.memref_squeeze %dma_wait3A_487 : memref<1x128xi32, #tpu.memory_space<vmem>> -> memref<128xi32, #tpu.memory_space<vmem>>
      %dma_wait3A_489 = arith.constant 0 : i32
      %dma_wait3A_490 = arith.constant 0 : i32
      %dma_wait3A_491 = tpu.memref_slice %arg14[%dma_wait3A_489, %dma_wait3A_490] : memref<10240x128xf32, #tpu.memory_space<vmem_shared>> -> memref<10240x128xf32, #tpu.memory_space<vmem_shared>>
      tpu.wait_indirect_dma semaphore(%arg17 : memref<!tpu.dma_semaphore, #tpu.memory_space<semaphore_mem>>) src(%arg11 : memref<128x128xf32, #tpu.memory_space<vmem>>) dst(%dma_wait3A_491 : memref<10240x128xf32, #tpu.memory_space<vmem_shared>>)
      %dma_start3A_492 = arith.constant 7 : i32
      %dma_start3A_493 = arith.constant 0 : i32
      %dma_start3A_494 = tpu.memref_slice %arg9[%dma_start3A_492, %dma_start3A_493] : memref<8x128xi32, #tpu.memory_space<vmem>> -> memref<1x128xi32, #tpu.memory_space<vmem>>
      %dma_start3A_495 = tpu.memref_squeeze %dma_start3A_494 : memref<1x128xi32, #tpu.memory_space<vmem>> -> memref<128xi32, #tpu.memory_space<vmem>>
      %dma_start3A_496 = arith.constant 0 : i32
      %dma_start3A_497 = arith.constant 0 : i32
      %dma_start3A_498 = tpu.memref_slice %arg2[%dma_start3A_496, %dma_start3A_497] : memref<10240x128xf32, #tpu.memory_space<hbm>> -> memref<10240x128xf32, #tpu.memory_space<hbm>>
      tpu.enqueue_indirect_dma source(%dma_start3A_498 : memref<10240x128xf32, #tpu.memory_space<hbm>>) target(%arg11 : memref<128x128xf32, #tpu.memory_space<vmem>>) offsets(%dma_start3A_495 : memref<128xi32, #tpu.memory_space<vmem>>) semaphore(%arg15 : memref<!tpu.dma_semaphore, #tpu.memory_space<semaphore_mem>>)
      %dma_wait3A_499 = arith.constant 6 : i32
      %dma_wait3A_500 = arith.constant 0 : i32
      %dma_wait3A_501 = tpu.memref_slice %arg10[%dma_wait3A_499, %dma_wait3A_500] : memref<8x128xi32, #tpu.memory_space<vmem>> -> memref<1x128xi32, #tpu.memory_space<vmem>>
      %dma_wait3A_502 = tpu.memref_squeeze %dma_wait3A_501 : memref<1x128xi32, #tpu.memory_space<vmem>> -> memref<128xi32, #tpu.memory_space<vmem>>
      %dma_wait3A_503 = arith.constant 0 : i32
      %dma_wait3A_504 = arith.constant 0 : i32
      %dma_wait3A_505 = tpu.memref_slice %arg2[%dma_wait3A_503, %dma_wait3A_504] : memref<10240x128xf32, #tpu.memory_space<hbm>> -> memref<10240x128xf32, #tpu.memory_space<hbm>>
      tpu.wait_indirect_dma semaphore(%arg16 : memref<!tpu.dma_semaphore, #tpu.memory_space<semaphore_mem>>) src(%dma_wait3A_505 : memref<10240x128xf32, #tpu.memory_space<hbm>>) dst(%arg12 : memref<128x128xf32, #tpu.memory_space<vmem>>)
      %dma_start3A_506 = arith.constant 6 : i32
      %dma_start3A_507 = arith.constant 0 : i32
      %dma_start3A_508 = tpu.memref_slice %arg9[%dma_start3A_506, %dma_start3A_507] : memref<8x128xi32, #tpu.memory_space<vmem>> -> memref<1x128xi32, #tpu.memory_space<vmem>>
      %dma_start3A_509 = tpu.memref_squeeze %dma_start3A_508 : memref<1x128xi32, #tpu.memory_space<vmem>> -> memref<128xi32, #tpu.memory_space<vmem>>
      %dma_start3A_510 = arith.constant 0 : i32
      %dma_start3A_511 = arith.constant 0 : i32
      %dma_start3A_512 = tpu.memref_slice %arg14[%dma_start3A_510, %dma_start3A_511] : memref<10240x128xf32, #tpu.memory_space<vmem_shared>> -> memref<10240x128xf32, #tpu.memory_space<vmem_shared>>
      tpu.enqueue_indirect_dma source(%arg12 : memref<128x128xf32, #tpu.memory_space<vmem>>) target(%dma_start3A_512 : memref<10240x128xf32, #tpu.memory_space<vmem_shared>>) offsets(%dma_start3A_509 : memref<128xi32, #tpu.memory_space<vmem>>) semaphore(%arg18 : memref<!tpu.dma_semaphore, #tpu.memory_space<semaphore_mem>>) {add = true}
      %dma_wait3A_513 = arith.constant 6 : i32
      %dma_wait3A_514 = arith.constant 0 : i32
      %dma_wait3A_515 = tpu.memref_slice %arg9[%dma_wait3A_513, %dma_wait3A_514] : memref<8x128xi32, #tpu.memory_space<vmem>> -> memref<1x128xi32, #tpu.memory_space<vmem>>
      %dma_wait3A_516 = tpu.memref_squeeze %dma_wait3A_515 : memref<1x128xi32, #tpu.memory_space<vmem>> -> memref<128xi32, #tpu.memory_space<vmem>>
      %dma_wait3A_517 = arith.constant 0 : i32
      %dma_wait3A_518 = arith.constant 0 : i32
      %dma_wait3A_519 = tpu.memref_slice %arg14[%dma_wait3A_517, %dma_wait3A_518] : memref<10240x128xf32, #tpu.memory_space<vmem_shared>> -> memref<10240x128xf32, #tpu.memory_space<vmem_shared>>
      tpu.wait_indirect_dma semaphore(%arg18 : memref<!tpu.dma_semaphore, #tpu.memory_space<semaphore_mem>>) src(%arg12 : memref<128x128xf32, #tpu.memory_space<vmem>>) dst(%dma_wait3A_519 : memref<10240x128xf32, #tpu.memory_space<vmem_shared>>)
      %dma_start3A_520 = arith.constant 7 : i32
      %dma_start3A_521 = arith.constant 0 : i32
      %dma_start3A_522 = tpu.memref_slice %arg10[%dma_start3A_520, %dma_start3A_521] : memref<8x128xi32, #tpu.memory_space<vmem>> -> memref<1x128xi32, #tpu.memory_space<vmem>>
      %dma_start3A_523 = tpu.memref_squeeze %dma_start3A_522 : memref<1x128xi32, #tpu.memory_space<vmem>> -> memref<128xi32, #tpu.memory_space<vmem>>
      %dma_start3A_524 = arith.constant 0 : i32
      %dma_start3A_525 = arith.constant 0 : i32
      %dma_start3A_526 = tpu.memref_slice %arg2[%dma_start3A_524, %dma_start3A_525] : memref<10240x128xf32, #tpu.memory_space<hbm>> -> memref<10240x128xf32, #tpu.memory_space<hbm>>
      tpu.enqueue_indirect_dma source(%dma_start3A_526 : memref<10240x128xf32, #tpu.memory_space<hbm>>) target(%arg12 : memref<128x128xf32, #tpu.memory_space<vmem>>) offsets(%dma_start3A_523 : memref<128xi32, #tpu.memory_space<vmem>>) semaphore(%arg16 : memref<!tpu.dma_semaphore, #tpu.memory_space<semaphore_mem>>)
      %dma_wait3A_527 = arith.constant 7 : i32
      %dma_wait3A_528 = arith.constant 0 : i32
      %dma_wait3A_529 = tpu.memref_slice %arg9[%dma_wait3A_527, %dma_wait3A_528] : memref<8x128xi32, #tpu.memory_space<vmem>> -> memref<1x128xi32, #tpu.memory_space<vmem>>
      %dma_wait3A_530 = tpu.memref_squeeze %dma_wait3A_529 : memref<1x128xi32, #tpu.memory_space<vmem>> -> memref<128xi32, #tpu.memory_space<vmem>>
      %dma_wait3A_531 = arith.constant 0 : i32
      %dma_wait3A_532 = arith.constant 0 : i32
      %dma_wait3A_533 = tpu.memref_slice %arg2[%dma_wait3A_531, %dma_wait3A_532] : memref<10240x128xf32, #tpu.memory_space<hbm>> -> memref<10240x128xf32, #tpu.memory_space<hbm>>
      tpu.wait_indirect_dma semaphore(%arg15 : memref<!tpu.dma_semaphore, #tpu.memory_space<semaphore_mem>>) src(%dma_wait3A_533 : memref<10240x128xf32, #tpu.memory_space<hbm>>) dst(%arg11 : memref<128x128xf32, #tpu.memory_space<vmem>>)
      %dma_start3A_534 = arith.constant 7 : i32
      %dma_start3A_535 = arith.constant 0 : i32
      %dma_start3A_536 = tpu.memref_slice %arg10[%dma_start3A_534, %dma_start3A_535] : memref<8x128xi32, #tpu.memory_space<vmem>> -> memref<1x128xi32, #tpu.memory_space<vmem>>
      %dma_start3A_537 = tpu.memref_squeeze %dma_start3A_536 : memref<1x128xi32, #tpu.memory_space<vmem>> -> memref<128xi32, #tpu.memory_space<vmem>>
      %dma_start3A_538 = arith.constant 0 : i32
      %dma_start3A_539 = arith.constant 0 : i32
      %dma_start3A_540 = tpu.memref_slice %arg14[%dma_start3A_538, %dma_start3A_539] : memref<10240x128xf32, #tpu.memory_space<vmem_shared>> -> memref<10240x128xf32, #tpu.memory_space<vmem_shared>>
      tpu.enqueue_indirect_dma source(%arg11 : memref<128x128xf32, #tpu.memory_space<vmem>>) target(%dma_start3A_540 : memref<10240x128xf32, #tpu.memory_space<vmem_shared>>) offsets(%dma_start3A_537 : memref<128xi32, #tpu.memory_space<vmem>>) semaphore(%arg17 : memref<!tpu.dma_semaphore, #tpu.memory_space<semaphore_mem>>) {add = true}
      %dma_wait3A_541 = arith.constant 7 : i32
      %dma_wait3A_542 = arith.constant 0 : i32
      %dma_wait3A_543 = tpu.memref_slice %arg10[%dma_wait3A_541, %dma_wait3A_542] : memref<8x128xi32, #tpu.memory_space<vmem>> -> memref<1x128xi32, #tpu.memory_space<vmem>>
      %dma_wait3A_544 = tpu.memref_squeeze %dma_wait3A_543 : memref<1x128xi32, #tpu.memory_space<vmem>> -> memref<128xi32, #tpu.memory_space<vmem>>
      %dma_wait3A_545 = arith.constant 0 : i32
      %dma_wait3A_546 = arith.constant 0 : i32
      %dma_wait3A_547 = tpu.memref_slice %arg2[%dma_wait3A_545, %dma_wait3A_546] : memref<10240x128xf32, #tpu.memory_space<hbm>> -> memref<10240x128xf32, #tpu.memory_space<hbm>>
      tpu.wait_indirect_dma semaphore(%arg16 : memref<!tpu.dma_semaphore, #tpu.memory_space<semaphore_mem>>) src(%dma_wait3A_547 : memref<10240x128xf32, #tpu.memory_space<hbm>>) dst(%arg12 : memref<128x128xf32, #tpu.memory_space<vmem>>)
      %dma_start3A_548 = arith.constant 7 : i32
      %dma_start3A_549 = arith.constant 0 : i32
      %dma_start3A_550 = tpu.memref_slice %arg9[%dma_start3A_548, %dma_start3A_549] : memref<8x128xi32, #tpu.memory_space<vmem>> -> memref<1x128xi32, #tpu.memory_space<vmem>>
      %dma_start3A_551 = tpu.memref_squeeze %dma_start3A_550 : memref<1x128xi32, #tpu.memory_space<vmem>> -> memref<128xi32, #tpu.memory_space<vmem>>
      %dma_start3A_552 = arith.constant 0 : i32
      %dma_start3A_553 = arith.constant 0 : i32
      %dma_start3A_554 = tpu.memref_slice %arg14[%dma_start3A_552, %dma_start3A_553] : memref<10240x128xf32, #tpu.memory_space<vmem_shared>> -> memref<10240x128xf32, #tpu.memory_space<vmem_shared>>
      tpu.enqueue_indirect_dma source(%arg12 : memref<128x128xf32, #tpu.memory_space<vmem>>) target(%dma_start3A_554 : memref<10240x128xf32, #tpu.memory_space<vmem_shared>>) offsets(%dma_start3A_551 : memref<128xi32, #tpu.memory_space<vmem>>) semaphore(%arg18 : memref<!tpu.dma_semaphore, #tpu.memory_space<semaphore_mem>>) {add = true}
      %dma_wait3A_555 = arith.constant 7 : i32
      %dma_wait3A_556 = arith.constant 0 : i32
      %dma_wait3A_557 = tpu.memref_slice %arg10[%dma_wait3A_555, %dma_wait3A_556] : memref<8x128xi32, #tpu.memory_space<vmem>> -> memref<1x128xi32, #tpu.memory_space<vmem>>
      %dma_wait3A_558 = tpu.memref_squeeze %dma_wait3A_557 : memref<1x128xi32, #tpu.memory_space<vmem>> -> memref<128xi32, #tpu.memory_space<vmem>>
      %dma_wait3A_559 = arith.constant 0 : i32
      %dma_wait3A_560 = arith.constant 0 : i32
      %dma_wait3A_561 = tpu.memref_slice %arg14[%dma_wait3A_559, %dma_wait3A_560] : memref<10240x128xf32, #tpu.memory_space<vmem_shared>> -> memref<10240x128xf32, #tpu.memory_space<vmem_shared>>
      tpu.wait_indirect_dma semaphore(%arg17 : memref<!tpu.dma_semaphore, #tpu.memory_space<semaphore_mem>>) src(%arg11 : memref<128x128xf32, #tpu.memory_space<vmem>>) dst(%dma_wait3A_561 : memref<10240x128xf32, #tpu.memory_space<vmem_shared>>)
      %dma_wait3A_562 = arith.constant 7 : i32
      %dma_wait3A_563 = arith.constant 0 : i32
      %dma_wait3A_564 = tpu.memref_slice %arg9[%dma_wait3A_562, %dma_wait3A_563] : memref<8x128xi32, #tpu.memory_space<vmem>> -> memref<1x128xi32, #tpu.memory_space<vmem>>
      %dma_wait3A_565 = tpu.memref_squeeze %dma_wait3A_564 : memref<1x128xi32, #tpu.memory_space<vmem>> -> memref<128xi32, #tpu.memory_space<vmem>>
      %dma_wait3A_566 = arith.constant 0 : i32
      %dma_wait3A_567 = arith.constant 0 : i32
      %dma_wait3A_568 = tpu.memref_slice %arg14[%dma_wait3A_566, %dma_wait3A_567] : memref<10240x128xf32, #tpu.memory_space<vmem_shared>> -> memref<10240x128xf32, #tpu.memory_space<vmem_shared>>
      tpu.wait_indirect_dma semaphore(%arg18 : memref<!tpu.dma_semaphore, #tpu.memory_space<semaphore_mem>>) src(%arg12 : memref<128x128xf32, #tpu.memory_space<vmem>>) dst(%dma_wait3A_568 : memref<10240x128xf32, #tpu.memory_space<vmem_shared>>)
    }
    %while3A_57 = arith.constant 1 : i32
    scf.for %while3A_119 = %while3A_55 to %while3A_51 step %while3A_57  : i32 {
      %mul3A_120 = arith.constant 8 : i32
      %mul3A_121 = arith.muli %while3A_119, %mul3A_120 : i32
      %add3A_122 = arith.addi %select_n3A, %mul3A_121 : i32
      "tpu.region"() ({
        %run_scoped3A = tpu.sem_alloc : memref<!tpu.dma_semaphore, #tpu.memory_space<semaphore_mem>>
        %dma_start3A_569 = arith.constant 0 : i32
        %dma_start3A_570 = tpu.memref_slice %arg3[%add3A_122, %dma_start3A_569] : memref<2560x128xi32, #tpu.memory_space<hbm>> -> memref<8x128xi32, #tpu.memory_space<hbm>>
        %dma_start3A_571 = arith.constant 0 : i32
        %dma_start3A_572 = tpu.memref_slice %arg3[%add3A_122, %dma_start3A_571] : memref<2560x128xi32, #tpu.memory_space<hbm>> -> memref<8x128xi32, #tpu.memory_space<hbm>>
        tpu.enqueue_dma source(%dma_start3A_572 : memref<8x128xi32, #tpu.memory_space<hbm>>) target(%arg9 : memref<8x128xi32, #tpu.memory_space<vmem>>) target_semaphore(%run_scoped3A : memref<!tpu.dma_semaphore, #tpu.memory_space<semaphore_mem>>)
        %dma_wait3A_573 = arith.constant 0 : i32
        %dma_wait3A_574 = tpu.memref_slice %arg3[%add3A_122, %dma_wait3A_573] : memref<2560x128xi32, #tpu.memory_space<hbm>> -> memref<8x128xi32, #tpu.memory_space<hbm>>
        %dma_wait3A_575 = arith.constant 0 : i32
        %dma_wait3A_576 = tpu.memref_slice %arg3[%add3A_122, %dma_wait3A_575] : memref<2560x128xi32, #tpu.memory_space<hbm>> -> memref<8x128xi32, #tpu.memory_space<hbm>>
        tpu.wait_dma2 semaphore(%run_scoped3A : memref<!tpu.dma_semaphore, #tpu.memory_space<semaphore_mem>>) src(%dma_wait3A_576 : memref<8x128xi32, #tpu.memory_space<hbm>>) dst(%arg9 : memref<8x128xi32, #tpu.memory_space<vmem>>)
        tpu.yield
      }) : () -> ()
      "tpu.region"() ({
        %run_scoped3A = tpu.sem_alloc : memref<!tpu.dma_semaphore, #tpu.memory_space<semaphore_mem>>
        %dma_start3A_569 = arith.constant 0 : i32
        %dma_start3A_570 = tpu.memref_slice %arg4[%add3A_122, %dma_start3A_569] : memref<2560x128xi32, #tpu.memory_space<hbm>> -> memref<8x128xi32, #tpu.memory_space<hbm>>
        %dma_start3A_571 = arith.constant 0 : i32
        %dma_start3A_572 = tpu.memref_slice %arg4[%add3A_122, %dma_start3A_571] : memref<2560x128xi32, #tpu.memory_space<hbm>> -> memref<8x128xi32, #tpu.memory_space<hbm>>
        tpu.enqueue_dma source(%dma_start3A_572 : memref<8x128xi32, #tpu.memory_space<hbm>>) target(%arg10 : memref<8x128xi32, #tpu.memory_space<vmem>>) target_semaphore(%run_scoped3A : memref<!tpu.dma_semaphore, #tpu.memory_space<semaphore_mem>>)
        %dma_wait3A_573 = arith.constant 0 : i32
        %dma_wait3A_574 = tpu.memref_slice %arg4[%add3A_122, %dma_wait3A_573] : memref<2560x128xi32, #tpu.memory_space<hbm>> -> memref<8x128xi32, #tpu.memory_space<hbm>>
        %dma_wait3A_575 = arith.constant 0 : i32
        %dma_wait3A_576 = tpu.memref_slice %arg4[%add3A_122, %dma_wait3A_575] : memref<2560x128xi32, #tpu.memory_space<hbm>> -> memref<8x128xi32, #tpu.memory_space<hbm>>
        tpu.wait_dma2 semaphore(%run_scoped3A : memref<!tpu.dma_semaphore, #tpu.memory_space<semaphore_mem>>) src(%dma_wait3A_576 : memref<8x128xi32, #tpu.memory_space<hbm>>) dst(%arg10 : memref<8x128xi32, #tpu.memory_space<vmem>>)
        tpu.yield
      }) : () -> ()
      %dma_start3A = arith.constant 0 : i32
      %dma_start3A_123 = arith.constant 0 : i32
      %dma_start3A_124 = tpu.memref_slice %arg9[%dma_start3A, %dma_start3A_123] : memref<8x128xi32, #tpu.memory_space<vmem>> -> memref<1x128xi32, #tpu.memory_space<vmem>>
      %dma_start3A_125 = tpu.memref_squeeze %dma_start3A_124 : memref<1x128xi32, #tpu.memory_space<vmem>> -> memref<128xi32, #tpu.memory_space<vmem>>
      %dma_start3A_126 = arith.constant 0 : i32
      %dma_start3A_127 = arith.constant 0 : i32
      %dma_start3A_128 = tpu.memref_slice %arg2[%dma_start3A_126, %dma_start3A_127] : memref<10240x128xf32, #tpu.memory_space<hbm>> -> memref<10240x128xf32, #tpu.memory_space<hbm>>
      tpu.enqueue_indirect_dma source(%dma_start3A_128 : memref<10240x128xf32, #tpu.memory_space<hbm>>) target(%arg11 : memref<128x128xf32, #tpu.memory_space<vmem>>) offsets(%dma_start3A_125 : memref<128xi32, #tpu.memory_space<vmem>>) semaphore(%arg15 : memref<!tpu.dma_semaphore, #tpu.memory_space<semaphore_mem>>)
      %dma_start3A_129 = arith.constant 0 : i32
      %dma_start3A_130 = arith.constant 0 : i32
      %dma_start3A_131 = tpu.memref_slice %arg10[%dma_start3A_129, %dma_start3A_130] : memref<8x128xi32, #tpu.memory_space<vmem>> -> memref<1x128xi32, #tpu.memory_space<vmem>>
      %dma_start3A_132 = tpu.memref_squeeze %dma_start3A_131 : memref<1x128xi32, #tpu.memory_space<vmem>> -> memref<128xi32, #tpu.memory_space<vmem>>
      %dma_start3A_133 = arith.constant 0 : i32
      %dma_start3A_134 = arith.constant 0 : i32
      %dma_start3A_135 = tpu.memref_slice %arg2[%dma_start3A_133, %dma_start3A_134] : memref<10240x128xf32, #tpu.memory_space<hbm>> -> memref<10240x128xf32, #tpu.memory_space<hbm>>
      tpu.enqueue_indirect_dma source(%dma_start3A_135 : memref<10240x128xf32, #tpu.memory_space<hbm>>) target(%arg12 : memref<128x128xf32, #tpu.memory_space<vmem>>) offsets(%dma_start3A_132 : memref<128xi32, #tpu.memory_space<vmem>>) semaphore(%arg16 : memref<!tpu.dma_semaphore, #tpu.memory_space<semaphore_mem>>)
      %dma_wait3A = arith.constant 0 : i32
      %dma_wait3A_136 = arith.constant 0 : i32
      %dma_wait3A_137 = tpu.memref_slice %arg9[%dma_wait3A, %dma_wait3A_136] : memref<8x128xi32, #tpu.memory_space<vmem>> -> memref<1x128xi32, #tpu.memory_space<vmem>>
      %dma_wait3A_138 = tpu.memref_squeeze %dma_wait3A_137 : memref<1x128xi32, #tpu.memory_space<vmem>> -> memref<128xi32, #tpu.memory_space<vmem>>
      %dma_wait3A_139 = arith.constant 0 : i32
      %dma_wait3A_140 = arith.constant 0 : i32
      %dma_wait3A_141 = tpu.memref_slice %arg2[%dma_wait3A_139, %dma_wait3A_140] : memref<10240x128xf32, #tpu.memory_space<hbm>> -> memref<10240x128xf32, #tpu.memory_space<hbm>>
      tpu.wait_indirect_dma semaphore(%arg15 : memref<!tpu.dma_semaphore, #tpu.memory_space<semaphore_mem>>) src(%dma_wait3A_141 : memref<10240x128xf32, #tpu.memory_space<hbm>>) dst(%arg11 : memref<128x128xf32, #tpu.memory_space<vmem>>)
      %dma_start3A_142 = arith.constant 0 : i32
      %dma_start3A_143 = arith.constant 0 : i32
      %dma_start3A_144 = tpu.memref_slice %arg10[%dma_start3A_142, %dma_start3A_143] : memref<8x128xi32, #tpu.memory_space<vmem>> -> memref<1x128xi32, #tpu.memory_space<vmem>>
      %dma_start3A_145 = tpu.memref_squeeze %dma_start3A_144 : memref<1x128xi32, #tpu.memory_space<vmem>> -> memref<128xi32, #tpu.memory_space<vmem>>
      %dma_start3A_146 = arith.constant 0 : i32
      %dma_start3A_147 = arith.constant 0 : i32
      %dma_start3A_148 = tpu.memref_slice %arg14[%dma_start3A_146, %dma_start3A_147] : memref<10240x128xf32, #tpu.memory_space<vmem_shared>> -> memref<10240x128xf32, #tpu.memory_space<vmem_shared>>
      tpu.enqueue_indirect_dma source(%arg11 : memref<128x128xf32, #tpu.memory_space<vmem>>) target(%dma_start3A_148 : memref<10240x128xf32, #tpu.memory_space<vmem_shared>>) offsets(%dma_start3A_145 : memref<128xi32, #tpu.memory_space<vmem>>) semaphore(%arg17 : memref<!tpu.dma_semaphore, #tpu.memory_space<semaphore_mem>>) {add = true}
      %dma_wait3A_149 = arith.constant 0 : i32
      %dma_wait3A_150 = arith.constant 0 : i32
      %dma_wait3A_151 = tpu.memref_slice %arg10[%dma_wait3A_149, %dma_wait3A_150] : memref<8x128xi32, #tpu.memory_space<vmem>> -> memref<1x128xi32, #tpu.memory_space<vmem>>
      %dma_wait3A_152 = tpu.memref_squeeze %dma_wait3A_151 : memref<1x128xi32, #tpu.memory_space<vmem>> -> memref<128xi32, #tpu.memory_space<vmem>>
      %dma_wait3A_153 = arith.constant 0 : i32
      %dma_wait3A_154 = arith.constant 0 : i32
      %dma_wait3A_155 = tpu.memref_slice %arg14[%dma_wait3A_153, %dma_wait3A_154] : memref<10240x128xf32, #tpu.memory_space<vmem_shared>> -> memref<10240x128xf32, #tpu.memory_space<vmem_shared>>
      tpu.wait_indirect_dma semaphore(%arg17 : memref<!tpu.dma_semaphore, #tpu.memory_space<semaphore_mem>>) src(%arg11 : memref<128x128xf32, #tpu.memory_space<vmem>>) dst(%dma_wait3A_155 : memref<10240x128xf32, #tpu.memory_space<vmem_shared>>)
      %dma_start3A_156 = arith.constant 1 : i32
      %dma_start3A_157 = arith.constant 0 : i32
      %dma_start3A_158 = tpu.memref_slice %arg9[%dma_start3A_156, %dma_start3A_157] : memref<8x128xi32, #tpu.memory_space<vmem>> -> memref<1x128xi32, #tpu.memory_space<vmem>>
      %dma_start3A_159 = tpu.memref_squeeze %dma_start3A_158 : memref<1x128xi32, #tpu.memory_space<vmem>> -> memref<128xi32, #tpu.memory_space<vmem>>
      %dma_start3A_160 = arith.constant 0 : i32
      %dma_start3A_161 = arith.constant 0 : i32
      %dma_start3A_162 = tpu.memref_slice %arg2[%dma_start3A_160, %dma_start3A_161] : memref<10240x128xf32, #tpu.memory_space<hbm>> -> memref<10240x128xf32, #tpu.memory_space<hbm>>
      tpu.enqueue_indirect_dma source(%dma_start3A_162 : memref<10240x128xf32, #tpu.memory_space<hbm>>) target(%arg11 : memref<128x128xf32, #tpu.memory_space<vmem>>) offsets(%dma_start3A_159 : memref<128xi32, #tpu.memory_space<vmem>>) semaphore(%arg15 : memref<!tpu.dma_semaphore, #tpu.memory_space<semaphore_mem>>)
      %dma_wait3A_163 = arith.constant 0 : i32
      %dma_wait3A_164 = arith.constant 0 : i32
      %dma_wait3A_165 = tpu.memref_slice %arg10[%dma_wait3A_163, %dma_wait3A_164] : memref<8x128xi32, #tpu.memory_space<vmem>> -> memref<1x128xi32, #tpu.memory_space<vmem>>
      %dma_wait3A_166 = tpu.memref_squeeze %dma_wait3A_165 : memref<1x128xi32, #tpu.memory_space<vmem>> -> memref<128xi32, #tpu.memory_space<vmem>>
      %dma_wait3A_167 = arith.constant 0 : i32
      %dma_wait3A_168 = arith.constant 0 : i32
      %dma_wait3A_169 = tpu.memref_slice %arg2[%dma_wait3A_167, %dma_wait3A_168] : memref<10240x128xf32, #tpu.memory_space<hbm>> -> memref<10240x128xf32, #tpu.memory_space<hbm>>
      tpu.wait_indirect_dma semaphore(%arg16 : memref<!tpu.dma_semaphore, #tpu.memory_space<semaphore_mem>>) src(%dma_wait3A_169 : memref<10240x128xf32, #tpu.memory_space<hbm>>) dst(%arg12 : memref<128x128xf32, #tpu.memory_space<vmem>>)
      %dma_start3A_170 = arith.constant 0 : i32
      %dma_start3A_171 = arith.constant 0 : i32
      %dma_start3A_172 = tpu.memref_slice %arg9[%dma_start3A_170, %dma_start3A_171] : memref<8x128xi32, #tpu.memory_space<vmem>> -> memref<1x128xi32, #tpu.memory_space<vmem>>
      %dma_start3A_173 = tpu.memref_squeeze %dma_start3A_172 : memref<1x128xi32, #tpu.memory_space<vmem>> -> memref<128xi32, #tpu.memory_space<vmem>>
      %dma_start3A_174 = arith.constant 0 : i32
      %dma_start3A_175 = arith.constant 0 : i32
      %dma_start3A_176 = tpu.memref_slice %arg14[%dma_start3A_174, %dma_start3A_175] : memref<10240x128xf32, #tpu.memory_space<vmem_shared>> -> memref<10240x128xf32, #tpu.memory_space<vmem_shared>>
      tpu.enqueue_indirect_dma source(%arg12 : memref<128x128xf32, #tpu.memory_space<vmem>>) target(%dma_start3A_176 : memref<10240x128xf32, #tpu.memory_space<vmem_shared>>) offsets(%dma_start3A_173 : memref<128xi32, #tpu.memory_space<vmem>>) semaphore(%arg18 : memref<!tpu.dma_semaphore, #tpu.memory_space<semaphore_mem>>) {add = true}
      %dma_wait3A_177 = arith.constant 0 : i32
      %dma_wait3A_178 = arith.constant 0 : i32
      %dma_wait3A_179 = tpu.memref_slice %arg9[%dma_wait3A_177, %dma_wait3A_178] : memref<8x128xi32, #tpu.memory_space<vmem>> -> memref<1x128xi32, #tpu.memory_space<vmem>>
      %dma_wait3A_180 = tpu.memref_squeeze %dma_wait3A_179 : memref<1x128xi32, #tpu.memory_space<vmem>> -> memref<128xi32, #tpu.memory_space<vmem>>
      %dma_wait3A_181 = arith.constant 0 : i32
      %dma_wait3A_182 = arith.constant 0 : i32
      %dma_wait3A_183 = tpu.memref_slice %arg14[%dma_wait3A_181, %dma_wait3A_182] : memref<10240x128xf32, #tpu.memory_space<vmem_shared>> -> memref<10240x128xf32, #tpu.memory_space<vmem_shared>>
      tpu.wait_indirect_dma semaphore(%arg18 : memref<!tpu.dma_semaphore, #tpu.memory_space<semaphore_mem>>) src(%arg12 : memref<128x128xf32, #tpu.memory_space<vmem>>) dst(%dma_wait3A_183 : memref<10240x128xf32, #tpu.memory_space<vmem_shared>>)
      %dma_start3A_184 = arith.constant 1 : i32
      %dma_start3A_185 = arith.constant 0 : i32
      %dma_start3A_186 = tpu.memref_slice %arg10[%dma_start3A_184, %dma_start3A_185] : memref<8x128xi32, #tpu.memory_space<vmem>> -> memref<1x128xi32, #tpu.memory_space<vmem>>
      %dma_start3A_187 = tpu.memref_squeeze %dma_start3A_186 : memref<1x128xi32, #tpu.memory_space<vmem>> -> memref<128xi32, #tpu.memory_space<vmem>>
      %dma_start3A_188 = arith.constant 0 : i32
      %dma_start3A_189 = arith.constant 0 : i32
      %dma_start3A_190 = tpu.memref_slice %arg2[%dma_start3A_188, %dma_start3A_189] : memref<10240x128xf32, #tpu.memory_space<hbm>> -> memref<10240x128xf32, #tpu.memory_space<hbm>>
      tpu.enqueue_indirect_dma source(%dma_start3A_190 : memref<10240x128xf32, #tpu.memory_space<hbm>>) target(%arg12 : memref<128x128xf32, #tpu.memory_space<vmem>>) offsets(%dma_start3A_187 : memref<128xi32, #tpu.memory_space<vmem>>) semaphore(%arg16 : memref<!tpu.dma_semaphore, #tpu.memory_space<semaphore_mem>>)
      %dma_wait3A_191 = arith.constant 1 : i32
      %dma_wait3A_192 = arith.constant 0 : i32
      %dma_wait3A_193 = tpu.memref_slice %arg9[%dma_wait3A_191, %dma_wait3A_192] : memref<8x128xi32, #tpu.memory_space<vmem>> -> memref<1x128xi32, #tpu.memory_space<vmem>>
      %dma_wait3A_194 = tpu.memref_squeeze %dma_wait3A_193 : memref<1x128xi32, #tpu.memory_space<vmem>> -> memref<128xi32, #tpu.memory_space<vmem>>
      %dma_wait3A_195 = arith.constant 0 : i32
      %dma_wait3A_196 = arith.constant 0 : i32
      %dma_wait3A_197 = tpu.memref_slice %arg2[%dma_wait3A_195, %dma_wait3A_196] : memref<10240x128xf32, #tpu.memory_space<hbm>> -> memref<10240x128xf32, #tpu.memory_space<hbm>>
      tpu.wait_indirect_dma semaphore(%arg15 : memref<!tpu.dma_semaphore, #tpu.memory_space<semaphore_mem>>) src(%dma_wait3A_197 : memref<10240x128xf32, #tpu.memory_space<hbm>>) dst(%arg11 : memref<128x128xf32, #tpu.memory_space<vmem>>)
      %dma_start3A_198 = arith.constant 1 : i32
      %dma_start3A_199 = arith.constant 0 : i32
      %dma_start3A_200 = tpu.memref_slice %arg10[%dma_start3A_198, %dma_start3A_199] : memref<8x128xi32, #tpu.memory_space<vmem>> -> memref<1x128xi32, #tpu.memory_space<vmem>>
      %dma_start3A_201 = tpu.memref_squeeze %dma_start3A_200 : memref<1x128xi32, #tpu.memory_space<vmem>> -> memref<128xi32, #tpu.memory_space<vmem>>
      %dma_start3A_202 = arith.constant 0 : i32
      %dma_start3A_203 = arith.constant 0 : i32
      %dma_start3A_204 = tpu.memref_slice %arg14[%dma_start3A_202, %dma_start3A_203] : memref<10240x128xf32, #tpu.memory_space<vmem_shared>> -> memref<10240x128xf32, #tpu.memory_space<vmem_shared>>
      tpu.enqueue_indirect_dma source(%arg11 : memref<128x128xf32, #tpu.memory_space<vmem>>) target(%dma_start3A_204 : memref<10240x128xf32, #tpu.memory_space<vmem_shared>>) offsets(%dma_start3A_201 : memref<128xi32, #tpu.memory_space<vmem>>) semaphore(%arg17 : memref<!tpu.dma_semaphore, #tpu.memory_space<semaphore_mem>>) {add = true}
      %dma_wait3A_205 = arith.constant 1 : i32
      %dma_wait3A_206 = arith.constant 0 : i32
      %dma_wait3A_207 = tpu.memref_slice %arg10[%dma_wait3A_205, %dma_wait3A_206] : memref<8x128xi32, #tpu.memory_space<vmem>> -> memref<1x128xi32, #tpu.memory_space<vmem>>
      %dma_wait3A_208 = tpu.memref_squeeze %dma_wait3A_207 : memref<1x128xi32, #tpu.memory_space<vmem>> -> memref<128xi32, #tpu.memory_space<vmem>>
      %dma_wait3A_209 = arith.constant 0 : i32
      %dma_wait3A_210 = arith.constant 0 : i32
      %dma_wait3A_211 = tpu.memref_slice %arg14[%dma_wait3A_209, %dma_wait3A_210] : memref<10240x128xf32, #tpu.memory_space<vmem_shared>> -> memref<10240x128xf32, #tpu.memory_space<vmem_shared>>
      tpu.wait_indirect_dma semaphore(%arg17 : memref<!tpu.dma_semaphore, #tpu.memory_space<semaphore_mem>>) src(%arg11 : memref<128x128xf32, #tpu.memory_space<vmem>>) dst(%dma_wait3A_211 : memref<10240x128xf32, #tpu.memory_space<vmem_shared>>)
      %dma_start3A_212 = arith.constant 2 : i32
      %dma_start3A_213 = arith.constant 0 : i32
      %dma_start3A_214 = tpu.memref_slice %arg9[%dma_start3A_212, %dma_start3A_213] : memref<8x128xi32, #tpu.memory_space<vmem>> -> memref<1x128xi32, #tpu.memory_space<vmem>>
      %dma_start3A_215 = tpu.memref_squeeze %dma_start3A_214 : memref<1x128xi32, #tpu.memory_space<vmem>> -> memref<128xi32, #tpu.memory_space<vmem>>
      %dma_start3A_216 = arith.constant 0 : i32
      %dma_start3A_217 = arith.constant 0 : i32
      %dma_start3A_218 = tpu.memref_slice %arg2[%dma_start3A_216, %dma_start3A_217] : memref<10240x128xf32, #tpu.memory_space<hbm>> -> memref<10240x128xf32, #tpu.memory_space<hbm>>
      tpu.enqueue_indirect_dma source(%dma_start3A_218 : memref<10240x128xf32, #tpu.memory_space<hbm>>) target(%arg11 : memref<128x128xf32, #tpu.memory_space<vmem>>) offsets(%dma_start3A_215 : memref<128xi32, #tpu.memory_space<vmem>>) semaphore(%arg15 : memref<!tpu.dma_semaphore, #tpu.memory_space<semaphore_mem>>)
      %dma_wait3A_219 = arith.constant 1 : i32
      %dma_wait3A_220 = arith.constant 0 : i32
      %dma_wait3A_221 = tpu.memref_slice %arg10[%dma_wait3A_219, %dma_wait3A_220] : memref<8x128xi32, #tpu.memory_space<vmem>> -> memref<1x128xi32, #tpu.memory_space<vmem>>
      %dma_wait3A_222 = tpu.memref_squeeze %dma_wait3A_221 : memref<1x128xi32, #tpu.memory_space<vmem>> -> memref<128xi32, #tpu.memory_space<vmem>>
      %dma_wait3A_223 = arith.constant 0 : i32
      %dma_wait3A_224 = arith.constant 0 : i32
      %dma_wait3A_225 = tpu.memref_slice %arg2[%dma_wait3A_223, %dma_wait3A_224] : memref<10240x128xf32, #tpu.memory_space<hbm>> -> memref<10240x128xf32, #tpu.memory_space<hbm>>
      tpu.wait_indirect_dma semaphore(%arg16 : memref<!tpu.dma_semaphore, #tpu.memory_space<semaphore_mem>>) src(%dma_wait3A_225 : memref<10240x128xf32, #tpu.memory_space<hbm>>) dst(%arg12 : memref<128x128xf32, #tpu.memory_space<vmem>>)
      %dma_start3A_226 = arith.constant 1 : i32
      %dma_start3A_227 = arith.constant 0 : i32
      %dma_start3A_228 = tpu.memref_slice %arg9[%dma_start3A_226, %dma_start3A_227] : memref<8x128xi32, #tpu.memory_space<vmem>> -> memref<1x128xi32, #tpu.memory_space<vmem>>
      %dma_start3A_229 = tpu.memref_squeeze %dma_start3A_228 : memref<1x128xi32, #tpu.memory_space<vmem>> -> memref<128xi32, #tpu.memory_space<vmem>>
      %dma_start3A_230 = arith.constant 0 : i32
      %dma_start3A_231 = arith.constant 0 : i32
      %dma_start3A_232 = tpu.memref_slice %arg14[%dma_start3A_230, %dma_start3A_231] : memref<10240x128xf32, #tpu.memory_space<vmem_shared>> -> memref<10240x128xf32, #tpu.memory_space<vmem_shared>>
      tpu.enqueue_indirect_dma source(%arg12 : memref<128x128xf32, #tpu.memory_space<vmem>>) target(%dma_start3A_232 : memref<10240x128xf32, #tpu.memory_space<vmem_shared>>) offsets(%dma_start3A_229 : memref<128xi32, #tpu.memory_space<vmem>>) semaphore(%arg18 : memref<!tpu.dma_semaphore, #tpu.memory_space<semaphore_mem>>) {add = true}
      %dma_wait3A_233 = arith.constant 1 : i32
      %dma_wait3A_234 = arith.constant 0 : i32
      %dma_wait3A_235 = tpu.memref_slice %arg9[%dma_wait3A_233, %dma_wait3A_234] : memref<8x128xi32, #tpu.memory_space<vmem>> -> memref<1x128xi32, #tpu.memory_space<vmem>>
      %dma_wait3A_236 = tpu.memref_squeeze %dma_wait3A_235 : memref<1x128xi32, #tpu.memory_space<vmem>> -> memref<128xi32, #tpu.memory_space<vmem>>
      %dma_wait3A_237 = arith.constant 0 : i32
      %dma_wait3A_238 = arith.constant 0 : i32
      %dma_wait3A_239 = tpu.memref_slice %arg14[%dma_wait3A_237, %dma_wait3A_238] : memref<10240x128xf32, #tpu.memory_space<vmem_shared>> -> memref<10240x128xf32, #tpu.memory_space<vmem_shared>>
      tpu.wait_indirect_dma semaphore(%arg18 : memref<!tpu.dma_semaphore, #tpu.memory_space<semaphore_mem>>) src(%arg12 : memref<128x128xf32, #tpu.memory_space<vmem>>) dst(%dma_wait3A_239 : memref<10240x128xf32, #tpu.memory_space<vmem_shared>>)
      %dma_start3A_240 = arith.constant 2 : i32
      %dma_start3A_241 = arith.constant 0 : i32
      %dma_start3A_242 = tpu.memref_slice %arg10[%dma_start3A_240, %dma_start3A_241] : memref<8x128xi32, #tpu.memory_space<vmem>> -> memref<1x128xi32, #tpu.memory_space<vmem>>
      %dma_start3A_243 = tpu.memref_squeeze %dma_start3A_242 : memref<1x128xi32, #tpu.memory_space<vmem>> -> memref<128xi32, #tpu.memory_space<vmem>>
      %dma_start3A_244 = arith.constant 0 : i32
      %dma_start3A_245 = arith.constant 0 : i32
      %dma_start3A_246 = tpu.memref_slice %arg2[%dma_start3A_244, %dma_start3A_245] : memref<10240x128xf32, #tpu.memory_space<hbm>> -> memref<10240x128xf32, #tpu.memory_space<hbm>>
      tpu.enqueue_indirect_dma source(%dma_start3A_246 : memref<10240x128xf32, #tpu.memory_space<hbm>>) target(%arg12 : memref<128x128xf32, #tpu.memory_space<vmem>>) offsets(%dma_start3A_243 : memref<128xi32, #tpu.memory_space<vmem>>) semaphore(%arg16 : memref<!tpu.dma_semaphore, #tpu.memory_space<semaphore_mem>>)
      %dma_wait3A_247 = arith.constant 2 : i32
      %dma_wait3A_248 = arith.constant 0 : i32
      %dma_wait3A_249 = tpu.memref_slice %arg9[%dma_wait3A_247, %dma_wait3A_248] : memref<8x128xi32, #tpu.memory_space<vmem>> -> memref<1x128xi32, #tpu.memory_space<vmem>>
      %dma_wait3A_250 = tpu.memref_squeeze %dma_wait3A_249 : memref<1x128xi32, #tpu.memory_space<vmem>> -> memref<128xi32, #tpu.memory_space<vmem>>
      %dma_wait3A_251 = arith.constant 0 : i32
      %dma_wait3A_252 = arith.constant 0 : i32
      %dma_wait3A_253 = tpu.memref_slice %arg2[%dma_wait3A_251, %dma_wait3A_252] : memref<10240x128xf32, #tpu.memory_space<hbm>> -> memref<10240x128xf32, #tpu.memory_space<hbm>>
      tpu.wait_indirect_dma semaphore(%arg15 : memref<!tpu.dma_semaphore, #tpu.memory_space<semaphore_mem>>) src(%dma_wait3A_253 : memref<10240x128xf32, #tpu.memory_space<hbm>>) dst(%arg11 : memref<128x128xf32, #tpu.memory_space<vmem>>)
      %dma_start3A_254 = arith.constant 2 : i32
      %dma_start3A_255 = arith.constant 0 : i32
      %dma_start3A_256 = tpu.memref_slice %arg10[%dma_start3A_254, %dma_start3A_255] : memref<8x128xi32, #tpu.memory_space<vmem>> -> memref<1x128xi32, #tpu.memory_space<vmem>>
      %dma_start3A_257 = tpu.memref_squeeze %dma_start3A_256 : memref<1x128xi32, #tpu.memory_space<vmem>> -> memref<128xi32, #tpu.memory_space<vmem>>
      %dma_start3A_258 = arith.constant 0 : i32
      %dma_start3A_259 = arith.constant 0 : i32
      %dma_start3A_260 = tpu.memref_slice %arg14[%dma_start3A_258, %dma_start3A_259] : memref<10240x128xf32, #tpu.memory_space<vmem_shared>> -> memref<10240x128xf32, #tpu.memory_space<vmem_shared>>
      tpu.enqueue_indirect_dma source(%arg11 : memref<128x128xf32, #tpu.memory_space<vmem>>) target(%dma_start3A_260 : memref<10240x128xf32, #tpu.memory_space<vmem_shared>>) offsets(%dma_start3A_257 : memref<128xi32, #tpu.memory_space<vmem>>) semaphore(%arg17 : memref<!tpu.dma_semaphore, #tpu.memory_space<semaphore_mem>>) {add = true}
      %dma_wait3A_261 = arith.constant 2 : i32
      %dma_wait3A_262 = arith.constant 0 : i32
      %dma_wait3A_263 = tpu.memref_slice %arg10[%dma_wait3A_261, %dma_wait3A_262] : memref<8x128xi32, #tpu.memory_space<vmem>> -> memref<1x128xi32, #tpu.memory_space<vmem>>
      %dma_wait3A_264 = tpu.memref_squeeze %dma_wait3A_263 : memref<1x128xi32, #tpu.memory_space<vmem>> -> memref<128xi32, #tpu.memory_space<vmem>>
      %dma_wait3A_265 = arith.constant 0 : i32
      %dma_wait3A_266 = arith.constant 0 : i32
      %dma_wait3A_267 = tpu.memref_slice %arg14[%dma_wait3A_265, %dma_wait3A_266] : memref<10240x128xf32, #tpu.memory_space<vmem_shared>> -> memref<10240x128xf32, #tpu.memory_space<vmem_shared>>
      tpu.wait_indirect_dma semaphore(%arg17 : memref<!tpu.dma_semaphore, #tpu.memory_space<semaphore_mem>>) src(%arg11 : memref<128x128xf32, #tpu.memory_space<vmem>>) dst(%dma_wait3A_267 : memref<10240x128xf32, #tpu.memory_space<vmem_shared>>)
      %dma_start3A_268 = arith.constant 3 : i32
      %dma_start3A_269 = arith.constant 0 : i32
      %dma_start3A_270 = tpu.memref_slice %arg9[%dma_start3A_268, %dma_start3A_269] : memref<8x128xi32, #tpu.memory_space<vmem>> -> memref<1x128xi32, #tpu.memory_space<vmem>>
      %dma_start3A_271 = tpu.memref_squeeze %dma_start3A_270 : memref<1x128xi32, #tpu.memory_space<vmem>> -> memref<128xi32, #tpu.memory_space<vmem>>
      %dma_start3A_272 = arith.constant 0 : i32
      %dma_start3A_273 = arith.constant 0 : i32
      %dma_start3A_274 = tpu.memref_slice %arg2[%dma_start3A_272, %dma_start3A_273] : memref<10240x128xf32, #tpu.memory_space<hbm>> -> memref<10240x128xf32, #tpu.memory_space<hbm>>
      tpu.enqueue_indirect_dma source(%dma_start3A_274 : memref<10240x128xf32, #tpu.memory_space<hbm>>) target(%arg11 : memref<128x128xf32, #tpu.memory_space<vmem>>) offsets(%dma_start3A_271 : memref<128xi32, #tpu.memory_space<vmem>>) semaphore(%arg15 : memref<!tpu.dma_semaphore, #tpu.memory_space<semaphore_mem>>)
      %dma_wait3A_275 = arith.constant 2 : i32
      %dma_wait3A_276 = arith.constant 0 : i32
      %dma_wait3A_277 = tpu.memref_slice %arg10[%dma_wait3A_275, %dma_wait3A_276] : memref<8x128xi32, #tpu.memory_space<vmem>> -> memref<1x128xi32, #tpu.memory_space<vmem>>
      %dma_wait3A_278 = tpu.memref_squeeze %dma_wait3A_277 : memref<1x128xi32, #tpu.memory_space<vmem>> -> memref<128xi32, #tpu.memory_space<vmem>>
      %dma_wait3A_279 = arith.constant 0 : i32
      %dma_wait3A_280 = arith.constant 0 : i32
      %dma_wait3A_281 = tpu.memref_slice %arg2[%dma_wait3A_279, %dma_wait3A_280] : memref<10240x128xf32, #tpu.memory_space<hbm>> -> memref<10240x128xf32, #tpu.memory_space<hbm>>
      tpu.wait_indirect_dma semaphore(%arg16 : memref<!tpu.dma_semaphore, #tpu.memory_space<semaphore_mem>>) src(%dma_wait3A_281 : memref<10240x128xf32, #tpu.memory_space<hbm>>) dst(%arg12 : memref<128x128xf32, #tpu.memory_space<vmem>>)
      %dma_start3A_282 = arith.constant 2 : i32
      %dma_start3A_283 = arith.constant 0 : i32
      %dma_start3A_284 = tpu.memref_slice %arg9[%dma_start3A_282, %dma_start3A_283] : memref<8x128xi32, #tpu.memory_space<vmem>> -> memref<1x128xi32, #tpu.memory_space<vmem>>
      %dma_start3A_285 = tpu.memref_squeeze %dma_start3A_284 : memref<1x128xi32, #tpu.memory_space<vmem>> -> memref<128xi32, #tpu.memory_space<vmem>>
      %dma_start3A_286 = arith.constant 0 : i32
      %dma_start3A_287 = arith.constant 0 : i32
      %dma_start3A_288 = tpu.memref_slice %arg14[%dma_start3A_286, %dma_start3A_287] : memref<10240x128xf32, #tpu.memory_space<vmem_shared>> -> memref<10240x128xf32, #tpu.memory_space<vmem_shared>>
      tpu.enqueue_indirect_dma source(%arg12 : memref<128x128xf32, #tpu.memory_space<vmem>>) target(%dma_start3A_288 : memref<10240x128xf32, #tpu.memory_space<vmem_shared>>) offsets(%dma_start3A_285 : memref<128xi32, #tpu.memory_space<vmem>>) semaphore(%arg18 : memref<!tpu.dma_semaphore, #tpu.memory_space<semaphore_mem>>) {add = true}
      %dma_wait3A_289 = arith.constant 2 : i32
      %dma_wait3A_290 = arith.constant 0 : i32
      %dma_wait3A_291 = tpu.memref_slice %arg9[%dma_wait3A_289, %dma_wait3A_290] : memref<8x128xi32, #tpu.memory_space<vmem>> -> memref<1x128xi32, #tpu.memory_space<vmem>>
      %dma_wait3A_292 = tpu.memref_squeeze %dma_wait3A_291 : memref<1x128xi32, #tpu.memory_space<vmem>> -> memref<128xi32, #tpu.memory_space<vmem>>
      %dma_wait3A_293 = arith.constant 0 : i32
      %dma_wait3A_294 = arith.constant 0 : i32
      %dma_wait3A_295 = tpu.memref_slice %arg14[%dma_wait3A_293, %dma_wait3A_294] : memref<10240x128xf32, #tpu.memory_space<vmem_shared>> -> memref<10240x128xf32, #tpu.memory_space<vmem_shared>>
      tpu.wait_indirect_dma semaphore(%arg18 : memref<!tpu.dma_semaphore, #tpu.memory_space<semaphore_mem>>) src(%arg12 : memref<128x128xf32, #tpu.memory_space<vmem>>) dst(%dma_wait3A_295 : memref<10240x128xf32, #tpu.memory_space<vmem_shared>>)
      %dma_start3A_296 = arith.constant 3 : i32
      %dma_start3A_297 = arith.constant 0 : i32
      %dma_start3A_298 = tpu.memref_slice %arg10[%dma_start3A_296, %dma_start3A_297] : memref<8x128xi32, #tpu.memory_space<vmem>> -> memref<1x128xi32, #tpu.memory_space<vmem>>
      %dma_start3A_299 = tpu.memref_squeeze %dma_start3A_298 : memref<1x128xi32, #tpu.memory_space<vmem>> -> memref<128xi32, #tpu.memory_space<vmem>>
      %dma_start3A_300 = arith.constant 0 : i32
      %dma_start3A_301 = arith.constant 0 : i32
      %dma_start3A_302 = tpu.memref_slice %arg2[%dma_start3A_300, %dma_start3A_301] : memref<10240x128xf32, #tpu.memory_space<hbm>> -> memref<10240x128xf32, #tpu.memory_space<hbm>>
      tpu.enqueue_indirect_dma source(%dma_start3A_302 : memref<10240x128xf32, #tpu.memory_space<hbm>>) target(%arg12 : memref<128x128xf32, #tpu.memory_space<vmem>>) offsets(%dma_start3A_299 : memref<128xi32, #tpu.memory_space<vmem>>) semaphore(%arg16 : memref<!tpu.dma_semaphore, #tpu.memory_space<semaphore_mem>>)
      %dma_wait3A_303 = arith.constant 3 : i32
      %dma_wait3A_304 = arith.constant 0 : i32
      %dma_wait3A_305 = tpu.memref_slice %arg9[%dma_wait3A_303, %dma_wait3A_304] : memref<8x128xi32, #tpu.memory_space<vmem>> -> memref<1x128xi32, #tpu.memory_space<vmem>>
      %dma_wait3A_306 = tpu.memref_squeeze %dma_wait3A_305 : memref<1x128xi32, #tpu.memory_space<vmem>> -> memref<128xi32, #tpu.memory_space<vmem>>
      %dma_wait3A_307 = arith.constant 0 : i32
      %dma_wait3A_308 = arith.constant 0 : i32
      %dma_wait3A_309 = tpu.memref_slice %arg2[%dma_wait3A_307, %dma_wait3A_308] : memref<10240x128xf32, #tpu.memory_space<hbm>> -> memref<10240x128xf32, #tpu.memory_space<hbm>>
      tpu.wait_indirect_dma semaphore(%arg15 : memref<!tpu.dma_semaphore, #tpu.memory_space<semaphore_mem>>) src(%dma_wait3A_309 : memref<10240x128xf32, #tpu.memory_space<hbm>>) dst(%arg11 : memref<128x128xf32, #tpu.memory_space<vmem>>)
      %dma_start3A_310 = arith.constant 3 : i32
      %dma_start3A_311 = arith.constant 0 : i32
      %dma_start3A_312 = tpu.memref_slice %arg10[%dma_start3A_310, %dma_start3A_311] : memref<8x128xi32, #tpu.memory_space<vmem>> -> memref<1x128xi32, #tpu.memory_space<vmem>>
      %dma_start3A_313 = tpu.memref_squeeze %dma_start3A_312 : memref<1x128xi32, #tpu.memory_space<vmem>> -> memref<128xi32, #tpu.memory_space<vmem>>
      %dma_start3A_314 = arith.constant 0 : i32
      %dma_start3A_315 = arith.constant 0 : i32
      %dma_start3A_316 = tpu.memref_slice %arg14[%dma_start3A_314, %dma_start3A_315] : memref<10240x128xf32, #tpu.memory_space<vmem_shared>> -> memref<10240x128xf32, #tpu.memory_space<vmem_shared>>
      tpu.enqueue_indirect_dma source(%arg11 : memref<128x128xf32, #tpu.memory_space<vmem>>) target(%dma_start3A_316 : memref<10240x128xf32, #tpu.memory_space<vmem_shared>>) offsets(%dma_start3A_313 : memref<128xi32, #tpu.memory_space<vmem>>) semaphore(%arg17 : memref<!tpu.dma_semaphore, #tpu.memory_space<semaphore_mem>>) {add = true}
      %dma_wait3A_317 = arith.constant 3 : i32
      %dma_wait3A_318 = arith.constant 0 : i32
      %dma_wait3A_319 = tpu.memref_slice %arg10[%dma_wait3A_317, %dma_wait3A_318] : memref<8x128xi32, #tpu.memory_space<vmem>> -> memref<1x128xi32, #tpu.memory_space<vmem>>
      %dma_wait3A_320 = tpu.memref_squeeze %dma_wait3A_319 : memref<1x128xi32, #tpu.memory_space<vmem>> -> memref<128xi32, #tpu.memory_space<vmem>>
      %dma_wait3A_321 = arith.constant 0 : i32
      %dma_wait3A_322 = arith.constant 0 : i32
      %dma_wait3A_323 = tpu.memref_slice %arg14[%dma_wait3A_321, %dma_wait3A_322] : memref<10240x128xf32, #tpu.memory_space<vmem_shared>> -> memref<10240x128xf32, #tpu.memory_space<vmem_shared>>
      tpu.wait_indirect_dma semaphore(%arg17 : memref<!tpu.dma_semaphore, #tpu.memory_space<semaphore_mem>>) src(%arg11 : memref<128x128xf32, #tpu.memory_space<vmem>>) dst(%dma_wait3A_323 : memref<10240x128xf32, #tpu.memory_space<vmem_shared>>)
      %dma_start3A_324 = arith.constant 4 : i32
      %dma_start3A_325 = arith.constant 0 : i32
      %dma_start3A_326 = tpu.memref_slice %arg9[%dma_start3A_324, %dma_start3A_325] : memref<8x128xi32, #tpu.memory_space<vmem>> -> memref<1x128xi32, #tpu.memory_space<vmem>>
      %dma_start3A_327 = tpu.memref_squeeze %dma_start3A_326 : memref<1x128xi32, #tpu.memory_space<vmem>> -> memref<128xi32, #tpu.memory_space<vmem>>
      %dma_start3A_328 = arith.constant 0 : i32
      %dma_start3A_329 = arith.constant 0 : i32
      %dma_start3A_330 = tpu.memref_slice %arg2[%dma_start3A_328, %dma_start3A_329] : memref<10240x128xf32, #tpu.memory_space<hbm>> -> memref<10240x128xf32, #tpu.memory_space<hbm>>
      tpu.enqueue_indirect_dma source(%dma_start3A_330 : memref<10240x128xf32, #tpu.memory_space<hbm>>) target(%arg11 : memref<128x128xf32, #tpu.memory_space<vmem>>) offsets(%dma_start3A_327 : memref<128xi32, #tpu.memory_space<vmem>>) semaphore(%arg15 : memref<!tpu.dma_semaphore, #tpu.memory_space<semaphore_mem>>)
      %dma_wait3A_331 = arith.constant 3 : i32
      %dma_wait3A_332 = arith.constant 0 : i32
      %dma_wait3A_333 = tpu.memref_slice %arg10[%dma_wait3A_331, %dma_wait3A_332] : memref<8x128xi32, #tpu.memory_space<vmem>> -> memref<1x128xi32, #tpu.memory_space<vmem>>
      %dma_wait3A_334 = tpu.memref_squeeze %dma_wait3A_333 : memref<1x128xi32, #tpu.memory_space<vmem>> -> memref<128xi32, #tpu.memory_space<vmem>>
      %dma_wait3A_335 = arith.constant 0 : i32
      %dma_wait3A_336 = arith.constant 0 : i32
      %dma_wait3A_337 = tpu.memref_slice %arg2[%dma_wait3A_335, %dma_wait3A_336] : memref<10240x128xf32, #tpu.memory_space<hbm>> -> memref<10240x128xf32, #tpu.memory_space<hbm>>
      tpu.wait_indirect_dma semaphore(%arg16 : memref<!tpu.dma_semaphore, #tpu.memory_space<semaphore_mem>>) src(%dma_wait3A_337 : memref<10240x128xf32, #tpu.memory_space<hbm>>) dst(%arg12 : memref<128x128xf32, #tpu.memory_space<vmem>>)
      %dma_start3A_338 = arith.constant 3 : i32
      %dma_start3A_339 = arith.constant 0 : i32
      %dma_start3A_340 = tpu.memref_slice %arg9[%dma_start3A_338, %dma_start3A_339] : memref<8x128xi32, #tpu.memory_space<vmem>> -> memref<1x128xi32, #tpu.memory_space<vmem>>
      %dma_start3A_341 = tpu.memref_squeeze %dma_start3A_340 : memref<1x128xi32, #tpu.memory_space<vmem>> -> memref<128xi32, #tpu.memory_space<vmem>>
      %dma_start3A_342 = arith.constant 0 : i32
      %dma_start3A_343 = arith.constant 0 : i32
      %dma_start3A_344 = tpu.memref_slice %arg14[%dma_start3A_342, %dma_start3A_343] : memref<10240x128xf32, #tpu.memory_space<vmem_shared>> -> memref<10240x128xf32, #tpu.memory_space<vmem_shared>>
      tpu.enqueue_indirect_dma source(%arg12 : memref<128x128xf32, #tpu.memory_space<vmem>>) target(%dma_start3A_344 : memref<10240x128xf32, #tpu.memory_space<vmem_shared>>) offsets(%dma_start3A_341 : memref<128xi32, #tpu.memory_space<vmem>>) semaphore(%arg18 : memref<!tpu.dma_semaphore, #tpu.memory_space<semaphore_mem>>) {add = true}
      %dma_wait3A_345 = arith.constant 3 : i32
      %dma_wait3A_346 = arith.constant 0 : i32
      %dma_wait3A_347 = tpu.memref_slice %arg9[%dma_wait3A_345, %dma_wait3A_346] : memref<8x128xi32, #tpu.memory_space<vmem>> -> memref<1x128xi32, #tpu.memory_space<vmem>>
      %dma_wait3A_348 = tpu.memref_squeeze %dma_wait3A_347 : memref<1x128xi32, #tpu.memory_space<vmem>> -> memref<128xi32, #tpu.memory_space<vmem>>
      %dma_wait3A_349 = arith.constant 0 : i32
      %dma_wait3A_350 = arith.constant 0 : i32
      %dma_wait3A_351 = tpu.memref_slice %arg14[%dma_wait3A_349, %dma_wait3A_350] : memref<10240x128xf32, #tpu.memory_space<vmem_shared>> -> memref<10240x128xf32, #tpu.memory_space<vmem_shared>>
      tpu.wait_indirect_dma semaphore(%arg18 : memref<!tpu.dma_semaphore, #tpu.memory_space<semaphore_mem>>) src(%arg12 : memref<128x128xf32, #tpu.memory_space<vmem>>) dst(%dma_wait3A_351 : memref<10240x128xf32, #tpu.memory_space<vmem_shared>>)
      %dma_start3A_352 = arith.constant 4 : i32
      %dma_start3A_353 = arith.constant 0 : i32
      %dma_start3A_354 = tpu.memref_slice %arg10[%dma_start3A_352, %dma_start3A_353] : memref<8x128xi32, #tpu.memory_space<vmem>> -> memref<1x128xi32, #tpu.memory_space<vmem>>
      %dma_start3A_355 = tpu.memref_squeeze %dma_start3A_354 : memref<1x128xi32, #tpu.memory_space<vmem>> -> memref<128xi32, #tpu.memory_space<vmem>>
      %dma_start3A_356 = arith.constant 0 : i32
      %dma_start3A_357 = arith.constant 0 : i32
      %dma_start3A_358 = tpu.memref_slice %arg2[%dma_start3A_356, %dma_start3A_357] : memref<10240x128xf32, #tpu.memory_space<hbm>> -> memref<10240x128xf32, #tpu.memory_space<hbm>>
      tpu.enqueue_indirect_dma source(%dma_start3A_358 : memref<10240x128xf32, #tpu.memory_space<hbm>>) target(%arg12 : memref<128x128xf32, #tpu.memory_space<vmem>>) offsets(%dma_start3A_355 : memref<128xi32, #tpu.memory_space<vmem>>) semaphore(%arg16 : memref<!tpu.dma_semaphore, #tpu.memory_space<semaphore_mem>>)
      %dma_wait3A_359 = arith.constant 4 : i32
      %dma_wait3A_360 = arith.constant 0 : i32
      %dma_wait3A_361 = tpu.memref_slice %arg9[%dma_wait3A_359, %dma_wait3A_360] : memref<8x128xi32, #tpu.memory_space<vmem>> -> memref<1x128xi32, #tpu.memory_space<vmem>>
      %dma_wait3A_362 = tpu.memref_squeeze %dma_wait3A_361 : memref<1x128xi32, #tpu.memory_space<vmem>> -> memref<128xi32, #tpu.memory_space<vmem>>
      %dma_wait3A_363 = arith.constant 0 : i32
      %dma_wait3A_364 = arith.constant 0 : i32
      %dma_wait3A_365 = tpu.memref_slice %arg2[%dma_wait3A_363, %dma_wait3A_364] : memref<10240x128xf32, #tpu.memory_space<hbm>> -> memref<10240x128xf32, #tpu.memory_space<hbm>>
      tpu.wait_indirect_dma semaphore(%arg15 : memref<!tpu.dma_semaphore, #tpu.memory_space<semaphore_mem>>) src(%dma_wait3A_365 : memref<10240x128xf32, #tpu.memory_space<hbm>>) dst(%arg11 : memref<128x128xf32, #tpu.memory_space<vmem>>)
      %dma_start3A_366 = arith.constant 4 : i32
      %dma_start3A_367 = arith.constant 0 : i32
      %dma_start3A_368 = tpu.memref_slice %arg10[%dma_start3A_366, %dma_start3A_367] : memref<8x128xi32, #tpu.memory_space<vmem>> -> memref<1x128xi32, #tpu.memory_space<vmem>>
      %dma_start3A_369 = tpu.memref_squeeze %dma_start3A_368 : memref<1x128xi32, #tpu.memory_space<vmem>> -> memref<128xi32, #tpu.memory_space<vmem>>
      %dma_start3A_370 = arith.constant 0 : i32
      %dma_start3A_371 = arith.constant 0 : i32
      %dma_start3A_372 = tpu.memref_slice %arg14[%dma_start3A_370, %dma_start3A_371] : memref<10240x128xf32, #tpu.memory_space<vmem_shared>> -> memref<10240x128xf32, #tpu.memory_space<vmem_shared>>
      tpu.enqueue_indirect_dma source(%arg11 : memref<128x128xf32, #tpu.memory_space<vmem>>) target(%dma_start3A_372 : memref<10240x128xf32, #tpu.memory_space<vmem_shared>>) offsets(%dma_start3A_369 : memref<128xi32, #tpu.memory_space<vmem>>) semaphore(%arg17 : memref<!tpu.dma_semaphore, #tpu.memory_space<semaphore_mem>>) {add = true}
      %dma_wait3A_373 = arith.constant 4 : i32
      %dma_wait3A_374 = arith.constant 0 : i32
      %dma_wait3A_375 = tpu.memref_slice %arg10[%dma_wait3A_373, %dma_wait3A_374] : memref<8x128xi32, #tpu.memory_space<vmem>> -> memref<1x128xi32, #tpu.memory_space<vmem>>
      %dma_wait3A_376 = tpu.memref_squeeze %dma_wait3A_375 : memref<1x128xi32, #tpu.memory_space<vmem>> -> memref<128xi32, #tpu.memory_space<vmem>>
      %dma_wait3A_377 = arith.constant 0 : i32
      %dma_wait3A_378 = arith.constant 0 : i32
      %dma_wait3A_379 = tpu.memref_slice %arg14[%dma_wait3A_377, %dma_wait3A_378] : memref<10240x128xf32, #tpu.memory_space<vmem_shared>> -> memref<10240x128xf32, #tpu.memory_space<vmem_shared>>
      tpu.wait_indirect_dma semaphore(%arg17 : memref<!tpu.dma_semaphore, #tpu.memory_space<semaphore_mem>>) src(%arg11 : memref<128x128xf32, #tpu.memory_space<vmem>>) dst(%dma_wait3A_379 : memref<10240x128xf32, #tpu.memory_space<vmem_shared>>)
      %dma_start3A_380 = arith.constant 5 : i32
      %dma_start3A_381 = arith.constant 0 : i32
      %dma_start3A_382 = tpu.memref_slice %arg9[%dma_start3A_380, %dma_start3A_381] : memref<8x128xi32, #tpu.memory_space<vmem>> -> memref<1x128xi32, #tpu.memory_space<vmem>>
      %dma_start3A_383 = tpu.memref_squeeze %dma_start3A_382 : memref<1x128xi32, #tpu.memory_space<vmem>> -> memref<128xi32, #tpu.memory_space<vmem>>
      %dma_start3A_384 = arith.constant 0 : i32
      %dma_start3A_385 = arith.constant 0 : i32
      %dma_start3A_386 = tpu.memref_slice %arg2[%dma_start3A_384, %dma_start3A_385] : memref<10240x128xf32, #tpu.memory_space<hbm>> -> memref<10240x128xf32, #tpu.memory_space<hbm>>
      tpu.enqueue_indirect_dma source(%dma_start3A_386 : memref<10240x128xf32, #tpu.memory_space<hbm>>) target(%arg11 : memref<128x128xf32, #tpu.memory_space<vmem>>) offsets(%dma_start3A_383 : memref<128xi32, #tpu.memory_space<vmem>>) semaphore(%arg15 : memref<!tpu.dma_semaphore, #tpu.memory_space<semaphore_mem>>)
      %dma_wait3A_387 = arith.constant 4 : i32
      %dma_wait3A_388 = arith.constant 0 : i32
      %dma_wait3A_389 = tpu.memref_slice %arg10[%dma_wait3A_387, %dma_wait3A_388] : memref<8x128xi32, #tpu.memory_space<vmem>> -> memref<1x128xi32, #tpu.memory_space<vmem>>
      %dma_wait3A_390 = tpu.memref_squeeze %dma_wait3A_389 : memref<1x128xi32, #tpu.memory_space<vmem>> -> memref<128xi32, #tpu.memory_space<vmem>>
      %dma_wait3A_391 = arith.constant 0 : i32
      %dma_wait3A_392 = arith.constant 0 : i32
      %dma_wait3A_393 = tpu.memref_slice %arg2[%dma_wait3A_391, %dma_wait3A_392] : memref<10240x128xf32, #tpu.memory_space<hbm>> -> memref<10240x128xf32, #tpu.memory_space<hbm>>
      tpu.wait_indirect_dma semaphore(%arg16 : memref<!tpu.dma_semaphore, #tpu.memory_space<semaphore_mem>>) src(%dma_wait3A_393 : memref<10240x128xf32, #tpu.memory_space<hbm>>) dst(%arg12 : memref<128x128xf32, #tpu.memory_space<vmem>>)
      %dma_start3A_394 = arith.constant 4 : i32
      %dma_start3A_395 = arith.constant 0 : i32
      %dma_start3A_396 = tpu.memref_slice %arg9[%dma_start3A_394, %dma_start3A_395] : memref<8x128xi32, #tpu.memory_space<vmem>> -> memref<1x128xi32, #tpu.memory_space<vmem>>
      %dma_start3A_397 = tpu.memref_squeeze %dma_start3A_396 : memref<1x128xi32, #tpu.memory_space<vmem>> -> memref<128xi32, #tpu.memory_space<vmem>>
      %dma_start3A_398 = arith.constant 0 : i32
      %dma_start3A_399 = arith.constant 0 : i32
      %dma_start3A_400 = tpu.memref_slice %arg14[%dma_start3A_398, %dma_start3A_399] : memref<10240x128xf32, #tpu.memory_space<vmem_shared>> -> memref<10240x128xf32, #tpu.memory_space<vmem_shared>>
      tpu.enqueue_indirect_dma source(%arg12 : memref<128x128xf32, #tpu.memory_space<vmem>>) target(%dma_start3A_400 : memref<10240x128xf32, #tpu.memory_space<vmem_shared>>) offsets(%dma_start3A_397 : memref<128xi32, #tpu.memory_space<vmem>>) semaphore(%arg18 : memref<!tpu.dma_semaphore, #tpu.memory_space<semaphore_mem>>) {add = true}
      %dma_wait3A_401 = arith.constant 4 : i32
      %dma_wait3A_402 = arith.constant 0 : i32
      %dma_wait3A_403 = tpu.memref_slice %arg9[%dma_wait3A_401, %dma_wait3A_402] : memref<8x128xi32, #tpu.memory_space<vmem>> -> memref<1x128xi32, #tpu.memory_space<vmem>>
      %dma_wait3A_404 = tpu.memref_squeeze %dma_wait3A_403 : memref<1x128xi32, #tpu.memory_space<vmem>> -> memref<128xi32, #tpu.memory_space<vmem>>
      %dma_wait3A_405 = arith.constant 0 : i32
      %dma_wait3A_406 = arith.constant 0 : i32
      %dma_wait3A_407 = tpu.memref_slice %arg14[%dma_wait3A_405, %dma_wait3A_406] : memref<10240x128xf32, #tpu.memory_space<vmem_shared>> -> memref<10240x128xf32, #tpu.memory_space<vmem_shared>>
      tpu.wait_indirect_dma semaphore(%arg18 : memref<!tpu.dma_semaphore, #tpu.memory_space<semaphore_mem>>) src(%arg12 : memref<128x128xf32, #tpu.memory_space<vmem>>) dst(%dma_wait3A_407 : memref<10240x128xf32, #tpu.memory_space<vmem_shared>>)
      %dma_start3A_408 = arith.constant 5 : i32
      %dma_start3A_409 = arith.constant 0 : i32
      %dma_start3A_410 = tpu.memref_slice %arg10[%dma_start3A_408, %dma_start3A_409] : memref<8x128xi32, #tpu.memory_space<vmem>> -> memref<1x128xi32, #tpu.memory_space<vmem>>
      %dma_start3A_411 = tpu.memref_squeeze %dma_start3A_410 : memref<1x128xi32, #tpu.memory_space<vmem>> -> memref<128xi32, #tpu.memory_space<vmem>>
      %dma_start3A_412 = arith.constant 0 : i32
      %dma_start3A_413 = arith.constant 0 : i32
      %dma_start3A_414 = tpu.memref_slice %arg2[%dma_start3A_412, %dma_start3A_413] : memref<10240x128xf32, #tpu.memory_space<hbm>> -> memref<10240x128xf32, #tpu.memory_space<hbm>>
      tpu.enqueue_indirect_dma source(%dma_start3A_414 : memref<10240x128xf32, #tpu.memory_space<hbm>>) target(%arg12 : memref<128x128xf32, #tpu.memory_space<vmem>>) offsets(%dma_start3A_411 : memref<128xi32, #tpu.memory_space<vmem>>) semaphore(%arg16 : memref<!tpu.dma_semaphore, #tpu.memory_space<semaphore_mem>>)
      %dma_wait3A_415 = arith.constant 5 : i32
      %dma_wait3A_416 = arith.constant 0 : i32
      %dma_wait3A_417 = tpu.memref_slice %arg9[%dma_wait3A_415, %dma_wait3A_416] : memref<8x128xi32, #tpu.memory_space<vmem>> -> memref<1x128xi32, #tpu.memory_space<vmem>>
      %dma_wait3A_418 = tpu.memref_squeeze %dma_wait3A_417 : memref<1x128xi32, #tpu.memory_space<vmem>> -> memref<128xi32, #tpu.memory_space<vmem>>
      %dma_wait3A_419 = arith.constant 0 : i32
      %dma_wait3A_420 = arith.constant 0 : i32
      %dma_wait3A_421 = tpu.memref_slice %arg2[%dma_wait3A_419, %dma_wait3A_420] : memref<10240x128xf32, #tpu.memory_space<hbm>> -> memref<10240x128xf32, #tpu.memory_space<hbm>>
      tpu.wait_indirect_dma semaphore(%arg15 : memref<!tpu.dma_semaphore, #tpu.memory_space<semaphore_mem>>) src(%dma_wait3A_421 : memref<10240x128xf32, #tpu.memory_space<hbm>>) dst(%arg11 : memref<128x128xf32, #tpu.memory_space<vmem>>)
      %dma_start3A_422 = arith.constant 5 : i32
      %dma_start3A_423 = arith.constant 0 : i32
      %dma_start3A_424 = tpu.memref_slice %arg10[%dma_start3A_422, %dma_start3A_423] : memref<8x128xi32, #tpu.memory_space<vmem>> -> memref<1x128xi32, #tpu.memory_space<vmem>>
      %dma_start3A_425 = tpu.memref_squeeze %dma_start3A_424 : memref<1x128xi32, #tpu.memory_space<vmem>> -> memref<128xi32, #tpu.memory_space<vmem>>
      %dma_start3A_426 = arith.constant 0 : i32
      %dma_start3A_427 = arith.constant 0 : i32
      %dma_start3A_428 = tpu.memref_slice %arg14[%dma_start3A_426, %dma_start3A_427] : memref<10240x128xf32, #tpu.memory_space<vmem_shared>> -> memref<10240x128xf32, #tpu.memory_space<vmem_shared>>
      tpu.enqueue_indirect_dma source(%arg11 : memref<128x128xf32, #tpu.memory_space<vmem>>) target(%dma_start3A_428 : memref<10240x128xf32, #tpu.memory_space<vmem_shared>>) offsets(%dma_start3A_425 : memref<128xi32, #tpu.memory_space<vmem>>) semaphore(%arg17 : memref<!tpu.dma_semaphore, #tpu.memory_space<semaphore_mem>>) {add = true}
      %dma_wait3A_429 = arith.constant 5 : i32
      %dma_wait3A_430 = arith.constant 0 : i32
      %dma_wait3A_431 = tpu.memref_slice %arg10[%dma_wait3A_429, %dma_wait3A_430] : memref<8x128xi32, #tpu.memory_space<vmem>> -> memref<1x128xi32, #tpu.memory_space<vmem>>
      %dma_wait3A_432 = tpu.memref_squeeze %dma_wait3A_431 : memref<1x128xi32, #tpu.memory_space<vmem>> -> memref<128xi32, #tpu.memory_space<vmem>>
      %dma_wait3A_433 = arith.constant 0 : i32
      %dma_wait3A_434 = arith.constant 0 : i32
      %dma_wait3A_435 = tpu.memref_slice %arg14[%dma_wait3A_433, %dma_wait3A_434] : memref<10240x128xf32, #tpu.memory_space<vmem_shared>> -> memref<10240x128xf32, #tpu.memory_space<vmem_shared>>
      tpu.wait_indirect_dma semaphore(%arg17 : memref<!tpu.dma_semaphore, #tpu.memory_space<semaphore_mem>>) src(%arg11 : memref<128x128xf32, #tpu.memory_space<vmem>>) dst(%dma_wait3A_435 : memref<10240x128xf32, #tpu.memory_space<vmem_shared>>)
      %dma_start3A_436 = arith.constant 6 : i32
      %dma_start3A_437 = arith.constant 0 : i32
      %dma_start3A_438 = tpu.memref_slice %arg9[%dma_start3A_436, %dma_start3A_437] : memref<8x128xi32, #tpu.memory_space<vmem>> -> memref<1x128xi32, #tpu.memory_space<vmem>>
      %dma_start3A_439 = tpu.memref_squeeze %dma_start3A_438 : memref<1x128xi32, #tpu.memory_space<vmem>> -> memref<128xi32, #tpu.memory_space<vmem>>
      %dma_start3A_440 = arith.constant 0 : i32
      %dma_start3A_441 = arith.constant 0 : i32
      %dma_start3A_442 = tpu.memref_slice %arg2[%dma_start3A_440, %dma_start3A_441] : memref<10240x128xf32, #tpu.memory_space<hbm>> -> memref<10240x128xf32, #tpu.memory_space<hbm>>
      tpu.enqueue_indirect_dma source(%dma_start3A_442 : memref<10240x128xf32, #tpu.memory_space<hbm>>) target(%arg11 : memref<128x128xf32, #tpu.memory_space<vmem>>) offsets(%dma_start3A_439 : memref<128xi32, #tpu.memory_space<vmem>>) semaphore(%arg15 : memref<!tpu.dma_semaphore, #tpu.memory_space<semaphore_mem>>)
      %dma_wait3A_443 = arith.constant 5 : i32
      %dma_wait3A_444 = arith.constant 0 : i32
      %dma_wait3A_445 = tpu.memref_slice %arg10[%dma_wait3A_443, %dma_wait3A_444] : memref<8x128xi32, #tpu.memory_space<vmem>> -> memref<1x128xi32, #tpu.memory_space<vmem>>
      %dma_wait3A_446 = tpu.memref_squeeze %dma_wait3A_445 : memref<1x128xi32, #tpu.memory_space<vmem>> -> memref<128xi32, #tpu.memory_space<vmem>>
      %dma_wait3A_447 = arith.constant 0 : i32
      %dma_wait3A_448 = arith.constant 0 : i32
      %dma_wait3A_449 = tpu.memref_slice %arg2[%dma_wait3A_447, %dma_wait3A_448] : memref<10240x128xf32, #tpu.memory_space<hbm>> -> memref<10240x128xf32, #tpu.memory_space<hbm>>
      tpu.wait_indirect_dma semaphore(%arg16 : memref<!tpu.dma_semaphore, #tpu.memory_space<semaphore_mem>>) src(%dma_wait3A_449 : memref<10240x128xf32, #tpu.memory_space<hbm>>) dst(%arg12 : memref<128x128xf32, #tpu.memory_space<vmem>>)
      %dma_start3A_450 = arith.constant 5 : i32
      %dma_start3A_451 = arith.constant 0 : i32
      %dma_start3A_452 = tpu.memref_slice %arg9[%dma_start3A_450, %dma_start3A_451] : memref<8x128xi32, #tpu.memory_space<vmem>> -> memref<1x128xi32, #tpu.memory_space<vmem>>
      %dma_start3A_453 = tpu.memref_squeeze %dma_start3A_452 : memref<1x128xi32, #tpu.memory_space<vmem>> -> memref<128xi32, #tpu.memory_space<vmem>>
      %dma_start3A_454 = arith.constant 0 : i32
      %dma_start3A_455 = arith.constant 0 : i32
      %dma_start3A_456 = tpu.memref_slice %arg14[%dma_start3A_454, %dma_start3A_455] : memref<10240x128xf32, #tpu.memory_space<vmem_shared>> -> memref<10240x128xf32, #tpu.memory_space<vmem_shared>>
      tpu.enqueue_indirect_dma source(%arg12 : memref<128x128xf32, #tpu.memory_space<vmem>>) target(%dma_start3A_456 : memref<10240x128xf32, #tpu.memory_space<vmem_shared>>) offsets(%dma_start3A_453 : memref<128xi32, #tpu.memory_space<vmem>>) semaphore(%arg18 : memref<!tpu.dma_semaphore, #tpu.memory_space<semaphore_mem>>) {add = true}
      %dma_wait3A_457 = arith.constant 5 : i32
      %dma_wait3A_458 = arith.constant 0 : i32
      %dma_wait3A_459 = tpu.memref_slice %arg9[%dma_wait3A_457, %dma_wait3A_458] : memref<8x128xi32, #tpu.memory_space<vmem>> -> memref<1x128xi32, #tpu.memory_space<vmem>>
      %dma_wait3A_460 = tpu.memref_squeeze %dma_wait3A_459 : memref<1x128xi32, #tpu.memory_space<vmem>> -> memref<128xi32, #tpu.memory_space<vmem>>
      %dma_wait3A_461 = arith.constant 0 : i32
      %dma_wait3A_462 = arith.constant 0 : i32
      %dma_wait3A_463 = tpu.memref_slice %arg14[%dma_wait3A_461, %dma_wait3A_462] : memref<10240x128xf32, #tpu.memory_space<vmem_shared>> -> memref<10240x128xf32, #tpu.memory_space<vmem_shared>>
      tpu.wait_indirect_dma semaphore(%arg18 : memref<!tpu.dma_semaphore, #tpu.memory_space<semaphore_mem>>) src(%arg12 : memref<128x128xf32, #tpu.memory_space<vmem>>) dst(%dma_wait3A_463 : memref<10240x128xf32, #tpu.memory_space<vmem_shared>>)
      %dma_start3A_464 = arith.constant 6 : i32
      %dma_start3A_465 = arith.constant 0 : i32
      %dma_start3A_466 = tpu.memref_slice %arg10[%dma_start3A_464, %dma_start3A_465] : memref<8x128xi32, #tpu.memory_space<vmem>> -> memref<1x128xi32, #tpu.memory_space<vmem>>
      %dma_start3A_467 = tpu.memref_squeeze %dma_start3A_466 : memref<1x128xi32, #tpu.memory_space<vmem>> -> memref<128xi32, #tpu.memory_space<vmem>>
      %dma_start3A_468 = arith.constant 0 : i32
      %dma_start3A_469 = arith.constant 0 : i32
      %dma_start3A_470 = tpu.memref_slice %arg2[%dma_start3A_468, %dma_start3A_469] : memref<10240x128xf32, #tpu.memory_space<hbm>> -> memref<10240x128xf32, #tpu.memory_space<hbm>>
      tpu.enqueue_indirect_dma source(%dma_start3A_470 : memref<10240x128xf32, #tpu.memory_space<hbm>>) target(%arg12 : memref<128x128xf32, #tpu.memory_space<vmem>>) offsets(%dma_start3A_467 : memref<128xi32, #tpu.memory_space<vmem>>) semaphore(%arg16 : memref<!tpu.dma_semaphore, #tpu.memory_space<semaphore_mem>>)
      %dma_wait3A_471 = arith.constant 6 : i32
      %dma_wait3A_472 = arith.constant 0 : i32
      %dma_wait3A_473 = tpu.memref_slice %arg9[%dma_wait3A_471, %dma_wait3A_472] : memref<8x128xi32, #tpu.memory_space<vmem>> -> memref<1x128xi32, #tpu.memory_space<vmem>>
      %dma_wait3A_474 = tpu.memref_squeeze %dma_wait3A_473 : memref<1x128xi32, #tpu.memory_space<vmem>> -> memref<128xi32, #tpu.memory_space<vmem>>
      %dma_wait3A_475 = arith.constant 0 : i32
      %dma_wait3A_476 = arith.constant 0 : i32
      %dma_wait3A_477 = tpu.memref_slice %arg2[%dma_wait3A_475, %dma_wait3A_476] : memref<10240x128xf32, #tpu.memory_space<hbm>> -> memref<10240x128xf32, #tpu.memory_space<hbm>>
      tpu.wait_indirect_dma semaphore(%arg15 : memref<!tpu.dma_semaphore, #tpu.memory_space<semaphore_mem>>) src(%dma_wait3A_477 : memref<10240x128xf32, #tpu.memory_space<hbm>>) dst(%arg11 : memref<128x128xf32, #tpu.memory_space<vmem>>)
      %dma_start3A_478 = arith.constant 6 : i32
      %dma_start3A_479 = arith.constant 0 : i32
      %dma_start3A_480 = tpu.memref_slice %arg10[%dma_start3A_478, %dma_start3A_479] : memref<8x128xi32, #tpu.memory_space<vmem>> -> memref<1x128xi32, #tpu.memory_space<vmem>>
      %dma_start3A_481 = tpu.memref_squeeze %dma_start3A_480 : memref<1x128xi32, #tpu.memory_space<vmem>> -> memref<128xi32, #tpu.memory_space<vmem>>
      %dma_start3A_482 = arith.constant 0 : i32
      %dma_start3A_483 = arith.constant 0 : i32
      %dma_start3A_484 = tpu.memref_slice %arg14[%dma_start3A_482, %dma_start3A_483] : memref<10240x128xf32, #tpu.memory_space<vmem_shared>> -> memref<10240x128xf32, #tpu.memory_space<vmem_shared>>
      tpu.enqueue_indirect_dma source(%arg11 : memref<128x128xf32, #tpu.memory_space<vmem>>) target(%dma_start3A_484 : memref<10240x128xf32, #tpu.memory_space<vmem_shared>>) offsets(%dma_start3A_481 : memref<128xi32, #tpu.memory_space<vmem>>) semaphore(%arg17 : memref<!tpu.dma_semaphore, #tpu.memory_space<semaphore_mem>>) {add = true}
      %dma_wait3A_485 = arith.constant 6 : i32
      %dma_wait3A_486 = arith.constant 0 : i32
      %dma_wait3A_487 = tpu.memref_slice %arg10[%dma_wait3A_485, %dma_wait3A_486] : memref<8x128xi32, #tpu.memory_space<vmem>> -> memref<1x128xi32, #tpu.memory_space<vmem>>
      %dma_wait3A_488 = tpu.memref_squeeze %dma_wait3A_487 : memref<1x128xi32, #tpu.memory_space<vmem>> -> memref<128xi32, #tpu.memory_space<vmem>>
      %dma_wait3A_489 = arith.constant 0 : i32
      %dma_wait3A_490 = arith.constant 0 : i32
      %dma_wait3A_491 = tpu.memref_slice %arg14[%dma_wait3A_489, %dma_wait3A_490] : memref<10240x128xf32, #tpu.memory_space<vmem_shared>> -> memref<10240x128xf32, #tpu.memory_space<vmem_shared>>
      tpu.wait_indirect_dma semaphore(%arg17 : memref<!tpu.dma_semaphore, #tpu.memory_space<semaphore_mem>>) src(%arg11 : memref<128x128xf32, #tpu.memory_space<vmem>>) dst(%dma_wait3A_491 : memref<10240x128xf32, #tpu.memory_space<vmem_shared>>)
      %dma_start3A_492 = arith.constant 7 : i32
      %dma_start3A_493 = arith.constant 0 : i32
      %dma_start3A_494 = tpu.memref_slice %arg9[%dma_start3A_492, %dma_start3A_493] : memref<8x128xi32, #tpu.memory_space<vmem>> -> memref<1x128xi32, #tpu.memory_space<vmem>>
      %dma_start3A_495 = tpu.memref_squeeze %dma_start3A_494 : memref<1x128xi32, #tpu.memory_space<vmem>> -> memref<128xi32, #tpu.memory_space<vmem>>
      %dma_start3A_496 = arith.constant 0 : i32
      %dma_start3A_497 = arith.constant 0 : i32
      %dma_start3A_498 = tpu.memref_slice %arg2[%dma_start3A_496, %dma_start3A_497] : memref<10240x128xf32, #tpu.memory_space<hbm>> -> memref<10240x128xf32, #tpu.memory_space<hbm>>
      tpu.enqueue_indirect_dma source(%dma_start3A_498 : memref<10240x128xf32, #tpu.memory_space<hbm>>) target(%arg11 : memref<128x128xf32, #tpu.memory_space<vmem>>) offsets(%dma_start3A_495 : memref<128xi32, #tpu.memory_space<vmem>>) semaphore(%arg15 : memref<!tpu.dma_semaphore, #tpu.memory_space<semaphore_mem>>)
      %dma_wait3A_499 = arith.constant 6 : i32
      %dma_wait3A_500 = arith.constant 0 : i32
      %dma_wait3A_501 = tpu.memref_slice %arg10[%dma_wait3A_499, %dma_wait3A_500] : memref<8x128xi32, #tpu.memory_space<vmem>> -> memref<1x128xi32, #tpu.memory_space<vmem>>
      %dma_wait3A_502 = tpu.memref_squeeze %dma_wait3A_501 : memref<1x128xi32, #tpu.memory_space<vmem>> -> memref<128xi32, #tpu.memory_space<vmem>>
      %dma_wait3A_503 = arith.constant 0 : i32
      %dma_wait3A_504 = arith.constant 0 : i32
      %dma_wait3A_505 = tpu.memref_slice %arg2[%dma_wait3A_503, %dma_wait3A_504] : memref<10240x128xf32, #tpu.memory_space<hbm>> -> memref<10240x128xf32, #tpu.memory_space<hbm>>
      tpu.wait_indirect_dma semaphore(%arg16 : memref<!tpu.dma_semaphore, #tpu.memory_space<semaphore_mem>>) src(%dma_wait3A_505 : memref<10240x128xf32, #tpu.memory_space<hbm>>) dst(%arg12 : memref<128x128xf32, #tpu.memory_space<vmem>>)
      %dma_start3A_506 = arith.constant 6 : i32
      %dma_start3A_507 = arith.constant 0 : i32
      %dma_start3A_508 = tpu.memref_slice %arg9[%dma_start3A_506, %dma_start3A_507] : memref<8x128xi32, #tpu.memory_space<vmem>> -> memref<1x128xi32, #tpu.memory_space<vmem>>
      %dma_start3A_509 = tpu.memref_squeeze %dma_start3A_508 : memref<1x128xi32, #tpu.memory_space<vmem>> -> memref<128xi32, #tpu.memory_space<vmem>>
      %dma_start3A_510 = arith.constant 0 : i32
      %dma_start3A_511 = arith.constant 0 : i32
      %dma_start3A_512 = tpu.memref_slice %arg14[%dma_start3A_510, %dma_start3A_511] : memref<10240x128xf32, #tpu.memory_space<vmem_shared>> -> memref<10240x128xf32, #tpu.memory_space<vmem_shared>>
      tpu.enqueue_indirect_dma source(%arg12 : memref<128x128xf32, #tpu.memory_space<vmem>>) target(%dma_start3A_512 : memref<10240x128xf32, #tpu.memory_space<vmem_shared>>) offsets(%dma_start3A_509 : memref<128xi32, #tpu.memory_space<vmem>>) semaphore(%arg18 : memref<!tpu.dma_semaphore, #tpu.memory_space<semaphore_mem>>) {add = true}
      %dma_wait3A_513 = arith.constant 6 : i32
      %dma_wait3A_514 = arith.constant 0 : i32
      %dma_wait3A_515 = tpu.memref_slice %arg9[%dma_wait3A_513, %dma_wait3A_514] : memref<8x128xi32, #tpu.memory_space<vmem>> -> memref<1x128xi32, #tpu.memory_space<vmem>>
      %dma_wait3A_516 = tpu.memref_squeeze %dma_wait3A_515 : memref<1x128xi32, #tpu.memory_space<vmem>> -> memref<128xi32, #tpu.memory_space<vmem>>
      %dma_wait3A_517 = arith.constant 0 : i32
      %dma_wait3A_518 = arith.constant 0 : i32
      %dma_wait3A_519 = tpu.memref_slice %arg14[%dma_wait3A_517, %dma_wait3A_518] : memref<10240x128xf32, #tpu.memory_space<vmem_shared>> -> memref<10240x128xf32, #tpu.memory_space<vmem_shared>>
      tpu.wait_indirect_dma semaphore(%arg18 : memref<!tpu.dma_semaphore, #tpu.memory_space<semaphore_mem>>) src(%arg12 : memref<128x128xf32, #tpu.memory_space<vmem>>) dst(%dma_wait3A_519 : memref<10240x128xf32, #tpu.memory_space<vmem_shared>>)
      %dma_start3A_520 = arith.constant 7 : i32
      %dma_start3A_521 = arith.constant 0 : i32
      %dma_start3A_522 = tpu.memref_slice %arg10[%dma_start3A_520, %dma_start3A_521] : memref<8x128xi32, #tpu.memory_space<vmem>> -> memref<1x128xi32, #tpu.memory_space<vmem>>
      %dma_start3A_523 = tpu.memref_squeeze %dma_start3A_522 : memref<1x128xi32, #tpu.memory_space<vmem>> -> memref<128xi32, #tpu.memory_space<vmem>>
      %dma_start3A_524 = arith.constant 0 : i32
      %dma_start3A_525 = arith.constant 0 : i32
      %dma_start3A_526 = tpu.memref_slice %arg2[%dma_start3A_524, %dma_start3A_525] : memref<10240x128xf32, #tpu.memory_space<hbm>> -> memref<10240x128xf32, #tpu.memory_space<hbm>>
      tpu.enqueue_indirect_dma source(%dma_start3A_526 : memref<10240x128xf32, #tpu.memory_space<hbm>>) target(%arg12 : memref<128x128xf32, #tpu.memory_space<vmem>>) offsets(%dma_start3A_523 : memref<128xi32, #tpu.memory_space<vmem>>) semaphore(%arg16 : memref<!tpu.dma_semaphore, #tpu.memory_space<semaphore_mem>>)
      %dma_wait3A_527 = arith.constant 7 : i32
      %dma_wait3A_528 = arith.constant 0 : i32
      %dma_wait3A_529 = tpu.memref_slice %arg9[%dma_wait3A_527, %dma_wait3A_528] : memref<8x128xi32, #tpu.memory_space<vmem>> -> memref<1x128xi32, #tpu.memory_space<vmem>>
      %dma_wait3A_530 = tpu.memref_squeeze %dma_wait3A_529 : memref<1x128xi32, #tpu.memory_space<vmem>> -> memref<128xi32, #tpu.memory_space<vmem>>
      %dma_wait3A_531 = arith.constant 0 : i32
      %dma_wait3A_532 = arith.constant 0 : i32
      %dma_wait3A_533 = tpu.memref_slice %arg2[%dma_wait3A_531, %dma_wait3A_532] : memref<10240x128xf32, #tpu.memory_space<hbm>> -> memref<10240x128xf32, #tpu.memory_space<hbm>>
      tpu.wait_indirect_dma semaphore(%arg15 : memref<!tpu.dma_semaphore, #tpu.memory_space<semaphore_mem>>) src(%dma_wait3A_533 : memref<10240x128xf32, #tpu.memory_space<hbm>>) dst(%arg11 : memref<128x128xf32, #tpu.memory_space<vmem>>)
      %dma_start3A_534 = arith.constant 7 : i32
      %dma_start3A_535 = arith.constant 0 : i32
      %dma_start3A_536 = tpu.memref_slice %arg10[%dma_start3A_534, %dma_start3A_535] : memref<8x128xi32, #tpu.memory_space<vmem>> -> memref<1x128xi32, #tpu.memory_space<vmem>>
      %dma_start3A_537 = tpu.memref_squeeze %dma_start3A_536 : memref<1x128xi32, #tpu.memory_space<vmem>> -> memref<128xi32, #tpu.memory_space<vmem>>
      %dma_start3A_538 = arith.constant 0 : i32
      %dma_start3A_539 = arith.constant 0 : i32
      %dma_start3A_540 = tpu.memref_slice %arg14[%dma_start3A_538, %dma_start3A_539] : memref<10240x128xf32, #tpu.memory_space<vmem_shared>> -> memref<10240x128xf32, #tpu.memory_space<vmem_shared>>
      tpu.enqueue_indirect_dma source(%arg11 : memref<128x128xf32, #tpu.memory_space<vmem>>) target(%dma_start3A_540 : memref<10240x128xf32, #tpu.memory_space<vmem_shared>>) offsets(%dma_start3A_537 : memref<128xi32, #tpu.memory_space<vmem>>) semaphore(%arg17 : memref<!tpu.dma_semaphore, #tpu.memory_space<semaphore_mem>>) {add = true}
      %dma_wait3A_541 = arith.constant 7 : i32
      %dma_wait3A_542 = arith.constant 0 : i32
      %dma_wait3A_543 = tpu.memref_slice %arg10[%dma_wait3A_541, %dma_wait3A_542] : memref<8x128xi32, #tpu.memory_space<vmem>> -> memref<1x128xi32, #tpu.memory_space<vmem>>
      %dma_wait3A_544 = tpu.memref_squeeze %dma_wait3A_543 : memref<1x128xi32, #tpu.memory_space<vmem>> -> memref<128xi32, #tpu.memory_space<vmem>>
      %dma_wait3A_545 = arith.constant 0 : i32
      %dma_wait3A_546 = arith.constant 0 : i32
      %dma_wait3A_547 = tpu.memref_slice %arg2[%dma_wait3A_545, %dma_wait3A_546] : memref<10240x128xf32, #tpu.memory_space<hbm>> -> memref<10240x128xf32, #tpu.memory_space<hbm>>
      tpu.wait_indirect_dma semaphore(%arg16 : memref<!tpu.dma_semaphore, #tpu.memory_space<semaphore_mem>>) src(%dma_wait3A_547 : memref<10240x128xf32, #tpu.memory_space<hbm>>) dst(%arg12 : memref<128x128xf32, #tpu.memory_space<vmem>>)
      %dma_start3A_548 = arith.constant 7 : i32
      %dma_start3A_549 = arith.constant 0 : i32
      %dma_start3A_550 = tpu.memref_slice %arg9[%dma_start3A_548, %dma_start3A_549] : memref<8x128xi32, #tpu.memory_space<vmem>> -> memref<1x128xi32, #tpu.memory_space<vmem>>
      %dma_start3A_551 = tpu.memref_squeeze %dma_start3A_550 : memref<1x128xi32, #tpu.memory_space<vmem>> -> memref<128xi32, #tpu.memory_space<vmem>>
      %dma_start3A_552 = arith.constant 0 : i32
      %dma_start3A_553 = arith.constant 0 : i32
      %dma_start3A_554 = tpu.memref_slice %arg14[%dma_start3A_552, %dma_start3A_553] : memref<10240x128xf32, #tpu.memory_space<vmem_shared>> -> memref<10240x128xf32, #tpu.memory_space<vmem_shared>>
      tpu.enqueue_indirect_dma source(%arg12 : memref<128x128xf32, #tpu.memory_space<vmem>>) target(%dma_start3A_554 : memref<10240x128xf32, #tpu.memory_space<vmem_shared>>) offsets(%dma_start3A_551 : memref<128xi32, #tpu.memory_space<vmem>>) semaphore(%arg18 : memref<!tpu.dma_semaphore, #tpu.memory_space<semaphore_mem>>) {add = true}
      %dma_wait3A_555 = arith.constant 7 : i32
      %dma_wait3A_556 = arith.constant 0 : i32
      %dma_wait3A_557 = tpu.memref_slice %arg10[%dma_wait3A_555, %dma_wait3A_556] : memref<8x128xi32, #tpu.memory_space<vmem>> -> memref<1x128xi32, #tpu.memory_space<vmem>>
      %dma_wait3A_558 = tpu.memref_squeeze %dma_wait3A_557 : memref<1x128xi32, #tpu.memory_space<vmem>> -> memref<128xi32, #tpu.memory_space<vmem>>
      %dma_wait3A_559 = arith.constant 0 : i32
      %dma_wait3A_560 = arith.constant 0 : i32
      %dma_wait3A_561 = tpu.memref_slice %arg14[%dma_wait3A_559, %dma_wait3A_560] : memref<10240x128xf32, #tpu.memory_space<vmem_shared>> -> memref<10240x128xf32, #tpu.memory_space<vmem_shared>>
      tpu.wait_indirect_dma semaphore(%arg17 : memref<!tpu.dma_semaphore, #tpu.memory_space<semaphore_mem>>) src(%arg11 : memref<128x128xf32, #tpu.memory_space<vmem>>) dst(%dma_wait3A_561 : memref<10240x128xf32, #tpu.memory_space<vmem_shared>>)
      %dma_wait3A_562 = arith.constant 7 : i32
      %dma_wait3A_563 = arith.constant 0 : i32
      %dma_wait3A_564 = tpu.memref_slice %arg9[%dma_wait3A_562, %dma_wait3A_563] : memref<8x128xi32, #tpu.memory_space<vmem>> -> memref<1x128xi32, #tpu.memory_space<vmem>>
      %dma_wait3A_565 = tpu.memref_squeeze %dma_wait3A_564 : memref<1x128xi32, #tpu.memory_space<vmem>> -> memref<128xi32, #tpu.memory_space<vmem>>
      %dma_wait3A_566 = arith.constant 0 : i32
      %dma_wait3A_567 = arith.constant 0 : i32
      %dma_wait3A_568 = tpu.memref_slice %arg14[%dma_wait3A_566, %dma_wait3A_567] : memref<10240x128xf32, #tpu.memory_space<vmem_shared>> -> memref<10240x128xf32, #tpu.memory_space<vmem_shared>>
      tpu.wait_indirect_dma semaphore(%arg18 : memref<!tpu.dma_semaphore, #tpu.memory_space<semaphore_mem>>) src(%arg12 : memref<128x128xf32, #tpu.memory_space<vmem>>) dst(%dma_wait3A_568 : memref<10240x128xf32, #tpu.memory_space<vmem_shared>>)
    }
    %barrier3A_58 = arith.constant 0 : index
    tpu.barrier barrier_id(%barrier3A_58)
    %mul3A_59 = arith.constant 640 : i32
    %mul3A_60 = arith.muli %arg1, %mul3A_59 : i32
    %mul3A_61 = arith.constant 640 : i32
    %mul3A_62 = arith.muli %arg1, %mul3A_61 : i32
    "tpu.region"() ({
      %run_scoped3A = tpu.sem_alloc : memref<!tpu.dma_semaphore, #tpu.memory_space<semaphore_mem>>
      %dma_start3A = arith.constant 0 : i32
      %dma_start3A_119 = tpu.memref_slice %arg7[%arg0, %mul3A_62, %dma_start3A] : memref<2x10240x128xf32, #tpu.memory_space<hbm>> -> memref<1x640x128xf32, #tpu.memory_space<hbm>>
      %dma_start3A_120 = tpu.memref_squeeze %dma_start3A_119 : memref<1x640x128xf32, #tpu.memory_space<hbm>> -> memref<640x128xf32, #tpu.memory_space<hbm>>
      %dma_start3A_121 = arith.constant 0 : i32
      %dma_start3A_122 = tpu.memref_slice %arg14[%mul3A_60, %dma_start3A_121] : memref<10240x128xf32, #tpu.memory_space<vmem_shared>> -> memref<640x128xf32, #tpu.memory_space<vmem_shared>>
      tpu.enqueue_dma source(%dma_start3A_122 : memref<640x128xf32, #tpu.memory_space<vmem_shared>>) target(%dma_start3A_120 : memref<640x128xf32, #tpu.memory_space<hbm>>) target_semaphore(%run_scoped3A : memref<!tpu.dma_semaphore, #tpu.memory_space<semaphore_mem>>)
      %dma_wait3A = arith.constant 0 : i32
      %dma_wait3A_123 = tpu.memref_slice %arg7[%arg0, %mul3A_62, %dma_wait3A] : memref<2x10240x128xf32, #tpu.memory_space<hbm>> -> memref<1x640x128xf32, #tpu.memory_space<hbm>>
      %dma_wait3A_124 = tpu.memref_squeeze %dma_wait3A_123 : memref<1x640x128xf32, #tpu.memory_space<hbm>> -> memref<640x128xf32, #tpu.memory_space<hbm>>
      %dma_wait3A_125 = arith.constant 0 : i32
      %dma_wait3A_126 = tpu.memref_slice %arg14[%mul3A_60, %dma_wait3A_125] : memref<10240x128xf32, #tpu.memory_space<vmem_shared>> -> memref<640x128xf32, #tpu.memory_space<vmem_shared>>
      tpu.wait_dma2 semaphore(%run_scoped3A : memref<!tpu.dma_semaphore, #tpu.memory_space<semaphore_mem>>) src(%dma_wait3A_126 : memref<640x128xf32, #tpu.memory_space<vmem_shared>>) dst(%dma_wait3A_124 : memref<640x128xf32, #tpu.memory_space<hbm>>)
      tpu.yield
    }) : () -> ()
    %mul3A_63 = arith.constant 640 : i32
    %mul3A_64 = arith.muli %arg1, %mul3A_63 : i32
    %add3A_65 = arith.constant 0 : i32
    %add3A_66 = arith.addi %mul3A_64, %add3A_65 : i32
    "tpu.region"() ({
      %run_scoped3A = tpu.sem_alloc : memref<!tpu.dma_semaphore, #tpu.memory_space<semaphore_mem>>
      %dma_start3A = arith.constant 0 : i32
      %dma_start3A_119 = tpu.memref_slice %arg14[%add3A_66, %dma_start3A] : memref<10240x128xf32, #tpu.memory_space<vmem_shared>> -> memref<64x128xf32, #tpu.memory_space<vmem_shared>>
      %dma_start3A_120 = arith.constant 0 : i32
      %dma_start3A_121 = tpu.memref_slice %arg14[%add3A_66, %dma_start3A_120] : memref<10240x128xf32, #tpu.memory_space<vmem_shared>> -> memref<64x128xf32, #tpu.memory_space<vmem_shared>>
      tpu.enqueue_dma source(%arg13 : memref<64x128xf32, #tpu.memory_space<vmem>>) target(%dma_start3A_121 : memref<64x128xf32, #tpu.memory_space<vmem_shared>>) target_semaphore(%run_scoped3A : memref<!tpu.dma_semaphore, #tpu.memory_space<semaphore_mem>>)
      %dma_wait3A = arith.constant 0 : i32
      %dma_wait3A_122 = tpu.memref_slice %arg14[%add3A_66, %dma_wait3A] : memref<10240x128xf32, #tpu.memory_space<vmem_shared>> -> memref<64x128xf32, #tpu.memory_space<vmem_shared>>
      %dma_wait3A_123 = arith.constant 0 : i32
      %dma_wait3A_124 = tpu.memref_slice %arg14[%add3A_66, %dma_wait3A_123] : memref<10240x128xf32, #tpu.memory_space<vmem_shared>> -> memref<64x128xf32, #tpu.memory_space<vmem_shared>>
      tpu.wait_dma2 semaphore(%run_scoped3A : memref<!tpu.dma_semaphore, #tpu.memory_space<semaphore_mem>>) src(%arg13 : memref<64x128xf32, #tpu.memory_space<vmem>>) dst(%dma_wait3A_124 : memref<64x128xf32, #tpu.memory_space<vmem_shared>>)
      tpu.yield
    }) : () -> ()
    %mul3A_67 = arith.constant 640 : i32
    %mul3A_68 = arith.muli %arg1, %mul3A_67 : i32
    %add3A_69 = arith.constant 64 : i32
    %add3A_70 = arith.addi %mul3A_68, %add3A_69 : i32
    "tpu.region"() ({
      %run_scoped3A = tpu.sem_alloc : memref<!tpu.dma_semaphore, #tpu.memory_space<semaphore_mem>>
      %dma_start3A = arith.constant 0 : i32
      %dma_start3A_119 = tpu.memref_slice %arg14[%add3A_70, %dma_start3A] : memref<10240x128xf32, #tpu.memory_space<vmem_shared>> -> memref<64x128xf32, #tpu.memory_space<vmem_shared>>
      %dma_start3A_120 = arith.constant 0 : i32
      %dma_start3A_121 = tpu.memref_slice %arg14[%add3A_70, %dma_start3A_120] : memref<10240x128xf32, #tpu.memory_space<vmem_shared>> -> memref<64x128xf32, #tpu.memory_space<vmem_shared>>
      tpu.enqueue_dma source(%arg13 : memref<64x128xf32, #tpu.memory_space<vmem>>) target(%dma_start3A_121 : memref<64x128xf32, #tpu.memory_space<vmem_shared>>) target_semaphore(%run_scoped3A : memref<!tpu.dma_semaphore, #tpu.memory_space<semaphore_mem>>)
      %dma_wait3A = arith.constant 0 : i32
      %dma_wait3A_122 = tpu.memref_slice %arg14[%add3A_70, %dma_wait3A] : memref<10240x128xf32, #tpu.memory_space<vmem_shared>> -> memref<64x128xf32, #tpu.memory_space<vmem_shared>>
      %dma_wait3A_123 = arith.constant 0 : i32
      %dma_wait3A_124 = tpu.memref_slice %arg14[%add3A_70, %dma_wait3A_123] : memref<10240x128xf32, #tpu.memory_space<vmem_shared>> -> memref<64x128xf32, #tpu.memory_space<vmem_shared>>
      tpu.wait_dma2 semaphore(%run_scoped3A : memref<!tpu.dma_semaphore, #tpu.memory_space<semaphore_mem>>) src(%arg13 : memref<64x128xf32, #tpu.memory_space<vmem>>) dst(%dma_wait3A_124 : memref<64x128xf32, #tpu.memory_space<vmem_shared>>)
      tpu.yield
    }) : () -> ()
    %mul3A_71 = arith.constant 640 : i32
    %mul3A_72 = arith.muli %arg1, %mul3A_71 : i32
    %add3A_73 = arith.constant 128 : i32
    %add3A_74 = arith.addi %mul3A_72, %add3A_73 : i32
    "tpu.region"() ({
      %run_scoped3A = tpu.sem_alloc : memref<!tpu.dma_semaphore, #tpu.memory_space<semaphore_mem>>
      %dma_start3A = arith.constant 0 : i32
      %dma_start3A_119 = tpu.memref_slice %arg14[%add3A_74, %dma_start3A] : memref<10240x128xf32, #tpu.memory_space<vmem_shared>> -> memref<64x128xf32, #tpu.memory_space<vmem_shared>>
      %dma_start3A_120 = arith.constant 0 : i32
      %dma_start3A_121 = tpu.memref_slice %arg14[%add3A_74, %dma_start3A_120] : memref<10240x128xf32, #tpu.memory_space<vmem_shared>> -> memref<64x128xf32, #tpu.memory_space<vmem_shared>>
      tpu.enqueue_dma source(%arg13 : memref<64x128xf32, #tpu.memory_space<vmem>>) target(%dma_start3A_121 : memref<64x128xf32, #tpu.memory_space<vmem_shared>>) target_semaphore(%run_scoped3A : memref<!tpu.dma_semaphore, #tpu.memory_space<semaphore_mem>>)
      %dma_wait3A = arith.constant 0 : i32
      %dma_wait3A_122 = tpu.memref_slice %arg14[%add3A_74, %dma_wait3A] : memref<10240x128xf32, #tpu.memory_space<vmem_shared>> -> memref<64x128xf32, #tpu.memory_space<vmem_shared>>
      %dma_wait3A_123 = arith.constant 0 : i32
      %dma_wait3A_124 = tpu.memref_slice %arg14[%add3A_74, %dma_wait3A_123] : memref<10240x128xf32, #tpu.memory_space<vmem_shared>> -> memref<64x128xf32, #tpu.memory_space<vmem_shared>>
      tpu.wait_dma2 semaphore(%run_scoped3A : memref<!tpu.dma_semaphore, #tpu.memory_space<semaphore_mem>>) src(%arg13 : memref<64x128xf32, #tpu.memory_space<vmem>>) dst(%dma_wait3A_124 : memref<64x128xf32, #tpu.memory_space<vmem_shared>>)
      tpu.yield
    }) : () -> ()
    %mul3A_75 = arith.constant 640 : i32
    %mul3A_76 = arith.muli %arg1, %mul3A_75 : i32
    %add3A_77 = arith.constant 192 : i32
    %add3A_78 = arith.addi %mul3A_76, %add3A_77 : i32
    "tpu.region"() ({
      %run_scoped3A = tpu.sem_alloc : memref<!tpu.dma_semaphore, #tpu.memory_space<semaphore_mem>>
      %dma_start3A = arith.constant 0 : i32
      %dma_start3A_119 = tpu.memref_slice %arg14[%add3A_78, %dma_start3A] : memref<10240x128xf32, #tpu.memory_space<vmem_shared>> -> memref<64x128xf32, #tpu.memory_space<vmem_shared>>
      %dma_start3A_120 = arith.constant 0 : i32
      %dma_start3A_121 = tpu.memref_slice %arg14[%add3A_78, %dma_start3A_120] : memref<10240x128xf32, #tpu.memory_space<vmem_shared>> -> memref<64x128xf32, #tpu.memory_space<vmem_shared>>
      tpu.enqueue_dma source(%arg13 : memref<64x128xf32, #tpu.memory_space<vmem>>) target(%dma_start3A_121 : memref<64x128xf32, #tpu.memory_space<vmem_shared>>) target_semaphore(%run_scoped3A : memref<!tpu.dma_semaphore, #tpu.memory_space<semaphore_mem>>)
      %dma_wait3A = arith.constant 0 : i32
      %dma_wait3A_122 = tpu.memref_slice %arg14[%add3A_78, %dma_wait3A] : memref<10240x128xf32, #tpu.memory_space<vmem_shared>> -> memref<64x128xf32, #tpu.memory_space<vmem_shared>>
      %dma_wait3A_123 = arith.constant 0 : i32
      %dma_wait3A_124 = tpu.memref_slice %arg14[%add3A_78, %dma_wait3A_123] : memref<10240x128xf32, #tpu.memory_space<vmem_shared>> -> memref<64x128xf32, #tpu.memory_space<vmem_shared>>
      tpu.wait_dma2 semaphore(%run_scoped3A : memref<!tpu.dma_semaphore, #tpu.memory_space<semaphore_mem>>) src(%arg13 : memref<64x128xf32, #tpu.memory_space<vmem>>) dst(%dma_wait3A_124 : memref<64x128xf32, #tpu.memory_space<vmem_shared>>)
      tpu.yield
    }) : () -> ()
    %mul3A_79 = arith.constant 640 : i32
    %mul3A_80 = arith.muli %arg1, %mul3A_79 : i32
    %add3A_81 = arith.constant 256 : i32
    %add3A_82 = arith.addi %mul3A_80, %add3A_81 : i32
    "tpu.region"() ({
      %run_scoped3A = tpu.sem_alloc : memref<!tpu.dma_semaphore, #tpu.memory_space<semaphore_mem>>
      %dma_start3A = arith.constant 0 : i32
      %dma_start3A_119 = tpu.memref_slice %arg14[%add3A_82, %dma_start3A] : memref<10240x128xf32, #tpu.memory_space<vmem_shared>> -> memref<64x128xf32, #tpu.memory_space<vmem_shared>>
      %dma_start3A_120 = arith.constant 0 : i32
      %dma_start3A_121 = tpu.memref_slice %arg14[%add3A_82, %dma_start3A_120] : memref<10240x128xf32, #tpu.memory_space<vmem_shared>> -> memref<64x128xf32, #tpu.memory_space<vmem_shared>>
      tpu.enqueue_dma source(%arg13 : memref<64x128xf32, #tpu.memory_space<vmem>>) target(%dma_start3A_121 : memref<64x128xf32, #tpu.memory_space<vmem_shared>>) target_semaphore(%run_scoped3A : memref<!tpu.dma_semaphore, #tpu.memory_space<semaphore_mem>>)
      %dma_wait3A = arith.constant 0 : i32
      %dma_wait3A_122 = tpu.memref_slice %arg14[%add3A_82, %dma_wait3A] : memref<10240x128xf32, #tpu.memory_space<vmem_shared>> -> memref<64x128xf32, #tpu.memory_space<vmem_shared>>
      %dma_wait3A_123 = arith.constant 0 : i32
      %dma_wait3A_124 = tpu.memref_slice %arg14[%add3A_82, %dma_wait3A_123] : memref<10240x128xf32, #tpu.memory_space<vmem_shared>> -> memref<64x128xf32, #tpu.memory_space<vmem_shared>>
      tpu.wait_dma2 semaphore(%run_scoped3A : memref<!tpu.dma_semaphore, #tpu.memory_space<semaphore_mem>>) src(%arg13 : memref<64x128xf32, #tpu.memory_space<vmem>>) dst(%dma_wait3A_124 : memref<64x128xf32, #tpu.memory_space<vmem_shared>>)
      tpu.yield
    }) : () -> ()
    %mul3A_83 = arith.constant 640 : i32
    %mul3A_84 = arith.muli %arg1, %mul3A_83 : i32
    %add3A_85 = arith.constant 320 : i32
    %add3A_86 = arith.addi %mul3A_84, %add3A_85 : i32
    "tpu.region"() ({
      %run_scoped3A = tpu.sem_alloc : memref<!tpu.dma_semaphore, #tpu.memory_space<semaphore_mem>>
      %dma_start3A = arith.constant 0 : i32
      %dma_start3A_119 = tpu.memref_slice %arg14[%add3A_86, %dma_start3A] : memref<10240x128xf32, #tpu.memory_space<vmem_shared>> -> memref<64x128xf32, #tpu.memory_space<vmem_shared>>
      %dma_start3A_120 = arith.constant 0 : i32
      %dma_start3A_121 = tpu.memref_slice %arg14[%add3A_86, %dma_start3A_120] : memref<10240x128xf32, #tpu.memory_space<vmem_shared>> -> memref<64x128xf32, #tpu.memory_space<vmem_shared>>
      tpu.enqueue_dma source(%arg13 : memref<64x128xf32, #tpu.memory_space<vmem>>) target(%dma_start3A_121 : memref<64x128xf32, #tpu.memory_space<vmem_shared>>) target_semaphore(%run_scoped3A : memref<!tpu.dma_semaphore, #tpu.memory_space<semaphore_mem>>)
      %dma_wait3A = arith.constant 0 : i32
      %dma_wait3A_122 = tpu.memref_slice %arg14[%add3A_86, %dma_wait3A] : memref<10240x128xf32, #tpu.memory_space<vmem_shared>> -> memref<64x128xf32, #tpu.memory_space<vmem_shared>>
      %dma_wait3A_123 = arith.constant 0 : i32
      %dma_wait3A_124 = tpu.memref_slice %arg14[%add3A_86, %dma_wait3A_123] : memref<10240x128xf32, #tpu.memory_space<vmem_shared>> -> memref<64x128xf32, #tpu.memory_space<vmem_shared>>
      tpu.wait_dma2 semaphore(%run_scoped3A : memref<!tpu.dma_semaphore, #tpu.memory_space<semaphore_mem>>) src(%arg13 : memref<64x128xf32, #tpu.memory_space<vmem>>) dst(%dma_wait3A_124 : memref<64x128xf32, #tpu.memory_space<vmem_shared>>)
      tpu.yield
    }) : () -> ()
    %mul3A_87 = arith.constant 640 : i32
    %mul3A_88 = arith.muli %arg1, %mul3A_87 : i32
    %add3A_89 = arith.constant 384 : i32
    %add3A_90 = arith.addi %mul3A_88, %add3A_89 : i32
    "tpu.region"() ({
      %run_scoped3A = tpu.sem_alloc : memref<!tpu.dma_semaphore, #tpu.memory_space<semaphore_mem>>
      %dma_start3A = arith.constant 0 : i32
      %dma_start3A_119 = tpu.memref_slice %arg14[%add3A_90, %dma_start3A] : memref<10240x128xf32, #tpu.memory_space<vmem_shared>> -> memref<64x128xf32, #tpu.memory_space<vmem_shared>>
      %dma_start3A_120 = arith.constant 0 : i32
      %dma_start3A_121 = tpu.memref_slice %arg14[%add3A_90, %dma_start3A_120] : memref<10240x128xf32, #tpu.memory_space<vmem_shared>> -> memref<64x128xf32, #tpu.memory_space<vmem_shared>>
      tpu.enqueue_dma source(%arg13 : memref<64x128xf32, #tpu.memory_space<vmem>>) target(%dma_start3A_121 : memref<64x128xf32, #tpu.memory_space<vmem_shared>>) target_semaphore(%run_scoped3A : memref<!tpu.dma_semaphore, #tpu.memory_space<semaphore_mem>>)
      %dma_wait3A = arith.constant 0 : i32
      %dma_wait3A_122 = tpu.memref_slice %arg14[%add3A_90, %dma_wait3A] : memref<10240x128xf32, #tpu.memory_space<vmem_shared>> -> memref<64x128xf32, #tpu.memory_space<vmem_shared>>
      %dma_wait3A_123 = arith.constant 0 : i32
      %dma_wait3A_124 = tpu.memref_slice %arg14[%add3A_90, %dma_wait3A_123] : memref<10240x128xf32, #tpu.memory_space<vmem_shared>> -> memref<64x128xf32, #tpu.memory_space<vmem_shared>>
      tpu.wait_dma2 semaphore(%run_scoped3A : memref<!tpu.dma_semaphore, #tpu.memory_space<semaphore_mem>>) src(%arg13 : memref<64x128xf32, #tpu.memory_space<vmem>>) dst(%dma_wait3A_124 : memref<64x128xf32, #tpu.memory_space<vmem_shared>>)
      tpu.yield
    }) : () -> ()
    %mul3A_91 = arith.constant 640 : i32
    %mul3A_92 = arith.muli %arg1, %mul3A_91 : i32
    %add3A_93 = arith.constant 448 : i32
    %add3A_94 = arith.addi %mul3A_92, %add3A_93 : i32
    "tpu.region"() ({
      %run_scoped3A = tpu.sem_alloc : memref<!tpu.dma_semaphore, #tpu.memory_space<semaphore_mem>>
      %dma_start3A = arith.constant 0 : i32
      %dma_start3A_119 = tpu.memref_slice %arg14[%add3A_94, %dma_start3A] : memref<10240x128xf32, #tpu.memory_space<vmem_shared>> -> memref<64x128xf32, #tpu.memory_space<vmem_shared>>
      %dma_start3A_120 = arith.constant 0 : i32
      %dma_start3A_121 = tpu.memref_slice %arg14[%add3A_94, %dma_start3A_120] : memref<10240x128xf32, #tpu.memory_space<vmem_shared>> -> memref<64x128xf32, #tpu.memory_space<vmem_shared>>
      tpu.enqueue_dma source(%arg13 : memref<64x128xf32, #tpu.memory_space<vmem>>) target(%dma_start3A_121 : memref<64x128xf32, #tpu.memory_space<vmem_shared>>) target_semaphore(%run_scoped3A : memref<!tpu.dma_semaphore, #tpu.memory_space<semaphore_mem>>)
      %dma_wait3A = arith.constant 0 : i32
      %dma_wait3A_122 = tpu.memref_slice %arg14[%add3A_94, %dma_wait3A] : memref<10240x128xf32, #tpu.memory_space<vmem_shared>> -> memref<64x128xf32, #tpu.memory_space<vmem_shared>>
      %dma_wait3A_123 = arith.constant 0 : i32
      %dma_wait3A_124 = tpu.memref_slice %arg14[%add3A_94, %dma_wait3A_123] : memref<10240x128xf32, #tpu.memory_space<vmem_shared>> -> memref<64x128xf32, #tpu.memory_space<vmem_shared>>
      tpu.wait_dma2 semaphore(%run_scoped3A : memref<!tpu.dma_semaphore, #tpu.memory_space<semaphore_mem>>) src(%arg13 : memref<64x128xf32, #tpu.memory_space<vmem>>) dst(%dma_wait3A_124 : memref<64x128xf32, #tpu.memory_space<vmem_shared>>)
      tpu.yield
    }) : () -> ()
    %mul3A_95 = arith.constant 640 : i32
    %mul3A_96 = arith.muli %arg1, %mul3A_95 : i32
    %add3A_97 = arith.constant 512 : i32
    %add3A_98 = arith.addi %mul3A_96, %add3A_97 : i32
    "tpu.region"() ({
      %run_scoped3A = tpu.sem_alloc : memref<!tpu.dma_semaphore, #tpu.memory_space<semaphore_mem>>
      %dma_start3A = arith.constant 0 : i32
      %dma_start3A_119 = tpu.memref_slice %arg14[%add3A_98, %dma_start3A] : memref<10240x128xf32, #tpu.memory_space<vmem_shared>> -> memref<64x128xf32, #tpu.memory_space<vmem_shared>>
      %dma_start3A_120 = arith.constant 0 : i32
      %dma_start3A_121 = tpu.memref_slice %arg14[%add3A_98, %dma_start3A_120] : memref<10240x128xf32, #tpu.memory_space<vmem_shared>> -> memref<64x128xf32, #tpu.memory_space<vmem_shared>>
      tpu.enqueue_dma source(%arg13 : memref<64x128xf32, #tpu.memory_space<vmem>>) target(%dma_start3A_121 : memref<64x128xf32, #tpu.memory_space<vmem_shared>>) target_semaphore(%run_scoped3A : memref<!tpu.dma_semaphore, #tpu.memory_space<semaphore_mem>>)
      %dma_wait3A = arith.constant 0 : i32
      %dma_wait3A_122 = tpu.memref_slice %arg14[%add3A_98, %dma_wait3A] : memref<10240x128xf32, #tpu.memory_space<vmem_shared>> -> memref<64x128xf32, #tpu.memory_space<vmem_shared>>
      %dma_wait3A_123 = arith.constant 0 : i32
      %dma_wait3A_124 = tpu.memref_slice %arg14[%add3A_98, %dma_wait3A_123] : memref<10240x128xf32, #tpu.memory_space<vmem_shared>> -> memref<64x128xf32, #tpu.memory_space<vmem_shared>>
      tpu.wait_dma2 semaphore(%run_scoped3A : memref<!tpu.dma_semaphore, #tpu.memory_space<semaphore_mem>>) src(%arg13 : memref<64x128xf32, #tpu.memory_space<vmem>>) dst(%dma_wait3A_124 : memref<64x128xf32, #tpu.memory_space<vmem_shared>>)
      tpu.yield
    }) : () -> ()
    %mul3A_99 = arith.constant 640 : i32
    %mul3A_100 = arith.muli %arg1, %mul3A_99 : i32
    %add3A_101 = arith.constant 576 : i32
    %add3A_102 = arith.addi %mul3A_100, %add3A_101 : i32
    "tpu.region"() ({
      %run_scoped3A = tpu.sem_alloc : memref<!tpu.dma_semaphore, #tpu.memory_space<semaphore_mem>>
      %dma_start3A = arith.constant 0 : i32
      %dma_start3A_119 = tpu.memref_slice %arg14[%add3A_102, %dma_start3A] : memref<10240x128xf32, #tpu.memory_space<vmem_shared>> -> memref<64x128xf32, #tpu.memory_space<vmem_shared>>
      %dma_start3A_120 = arith.constant 0 : i32
      %dma_start3A_121 = tpu.memref_slice %arg14[%add3A_102, %dma_start3A_120] : memref<10240x128xf32, #tpu.memory_space<vmem_shared>> -> memref<64x128xf32, #tpu.memory_space<vmem_shared>>
      tpu.enqueue_dma source(%arg13 : memref<64x128xf32, #tpu.memory_space<vmem>>) target(%dma_start3A_121 : memref<64x128xf32, #tpu.memory_space<vmem_shared>>) target_semaphore(%run_scoped3A : memref<!tpu.dma_semaphore, #tpu.memory_space<semaphore_mem>>)
      %dma_wait3A = arith.constant 0 : i32
      %dma_wait3A_122 = tpu.memref_slice %arg14[%add3A_102, %dma_wait3A] : memref<10240x128xf32, #tpu.memory_space<vmem_shared>> -> memref<64x128xf32, #tpu.memory_space<vmem_shared>>
      %dma_wait3A_123 = arith.constant 0 : i32
      %dma_wait3A_124 = tpu.memref_slice %arg14[%add3A_102, %dma_wait3A_123] : memref<10240x128xf32, #tpu.memory_space<vmem_shared>> -> memref<64x128xf32, #tpu.memory_space<vmem_shared>>
      tpu.wait_dma2 semaphore(%run_scoped3A : memref<!tpu.dma_semaphore, #tpu.memory_space<semaphore_mem>>) src(%arg13 : memref<64x128xf32, #tpu.memory_space<vmem>>) dst(%dma_wait3A_124 : memref<64x128xf32, #tpu.memory_space<vmem_shared>>)
      tpu.yield
    }) : () -> ()
    "tpu.region"() ({
      %run_scoped3A = tpu.sem_alloc : memref<!tpu.dma_semaphore, #tpu.memory_space<semaphore_mem>>
      tpu.enqueue_dma source(%arg6 : memref<128x128xf32, #tpu.memory_space<hbm>>) target(%arg11 : memref<128x128xf32, #tpu.memory_space<vmem>>) target_semaphore(%run_scoped3A : memref<!tpu.dma_semaphore, #tpu.memory_space<semaphore_mem>>)
      tpu.wait_dma2 semaphore(%run_scoped3A : memref<!tpu.dma_semaphore, #tpu.memory_space<semaphore_mem>>) src(%arg6 : memref<128x128xf32, #tpu.memory_space<hbm>>) dst(%arg11 : memref<128x128xf32, #tpu.memory_space<vmem>>)
      tpu.yield
    }) : () -> ()
    %barrier3A_103 = arith.constant 0 : index
    tpu.barrier barrier_id(%barrier3A_103)
    %while3A_104 = arith.constant 0 : i32
    %while3A_105 = arith.constant 0 : i32
    %while3A_106 = arith.subi %select_n3A_8, %while3A_105 : i32
    %while3A_107 = arith.addi %while3A_105, %while3A_106 : i32
    %while3A_108 = arith.constant 1 : i32
    %while3A_109 = arith.divsi %while3A_106, %while3A_108 : i32
    %while3A_110 = arith.muli %while3A_109, %while3A_108 : i32
    %while3A_111 = arith.addi %while3A_105, %while3A_110 : i32
    %while3A_112 = arith.constant 1 : i32
    scf.for %while3A_119 = %while3A_105 to %while3A_111 step %while3A_112  : i32 {
      %mul3A_120 = arith.constant 8 : i32
      %mul3A_121 = arith.muli %while3A_119, %mul3A_120 : i32
      %add3A_122 = arith.addi %select_n3A, %mul3A_121 : i32
      "tpu.region"() ({
        %run_scoped3A = tpu.sem_alloc : memref<!tpu.dma_semaphore, #tpu.memory_space<semaphore_mem>>
        %dma_start3A_345 = arith.constant 0 : i32
        %dma_start3A_346 = tpu.memref_slice %arg3[%add3A_122, %dma_start3A_345] : memref<2560x128xi32, #tpu.memory_space<hbm>> -> memref<8x128xi32, #tpu.memory_space<hbm>>
        %dma_start3A_347 = arith.constant 0 : i32
        %dma_start3A_348 = tpu.memref_slice %arg3[%add3A_122, %dma_start3A_347] : memref<2560x128xi32, #tpu.memory_space<hbm>> -> memref<8x128xi32, #tpu.memory_space<hbm>>
        tpu.enqueue_dma source(%dma_start3A_348 : memref<8x128xi32, #tpu.memory_space<hbm>>) target(%arg9 : memref<8x128xi32, #tpu.memory_space<vmem>>) target_semaphore(%run_scoped3A : memref<!tpu.dma_semaphore, #tpu.memory_space<semaphore_mem>>)
        %dma_wait3A_349 = arith.constant 0 : i32
        %dma_wait3A_350 = tpu.memref_slice %arg3[%add3A_122, %dma_wait3A_349] : memref<2560x128xi32, #tpu.memory_space<hbm>> -> memref<8x128xi32, #tpu.memory_space<hbm>>
        %dma_wait3A_351 = arith.constant 0 : i32
        %dma_wait3A_352 = tpu.memref_slice %arg3[%add3A_122, %dma_wait3A_351] : memref<2560x128xi32, #tpu.memory_space<hbm>> -> memref<8x128xi32, #tpu.memory_space<hbm>>
        tpu.wait_dma2 semaphore(%run_scoped3A : memref<!tpu.dma_semaphore, #tpu.memory_space<semaphore_mem>>) src(%dma_wait3A_352 : memref<8x128xi32, #tpu.memory_space<hbm>>) dst(%arg9 : memref<8x128xi32, #tpu.memory_space<vmem>>)
        tpu.yield
      }) : () -> ()
      "tpu.region"() ({
        %run_scoped3A = tpu.sem_alloc : memref<!tpu.dma_semaphore, #tpu.memory_space<semaphore_mem>>
        %dma_start3A_345 = arith.constant 0 : i32
        %dma_start3A_346 = tpu.memref_slice %arg4[%add3A_122, %dma_start3A_345] : memref<2560x128xi32, #tpu.memory_space<hbm>> -> memref<8x128xi32, #tpu.memory_space<hbm>>
        %dma_start3A_347 = arith.constant 0 : i32
        %dma_start3A_348 = tpu.memref_slice %arg4[%add3A_122, %dma_start3A_347] : memref<2560x128xi32, #tpu.memory_space<hbm>> -> memref<8x128xi32, #tpu.memory_space<hbm>>
        tpu.enqueue_dma source(%dma_start3A_348 : memref<8x128xi32, #tpu.memory_space<hbm>>) target(%arg10 : memref<8x128xi32, #tpu.memory_space<vmem>>) target_semaphore(%run_scoped3A : memref<!tpu.dma_semaphore, #tpu.memory_space<semaphore_mem>>)
        %dma_wait3A_349 = arith.constant 0 : i32
        %dma_wait3A_350 = tpu.memref_slice %arg4[%add3A_122, %dma_wait3A_349] : memref<2560x128xi32, #tpu.memory_space<hbm>> -> memref<8x128xi32, #tpu.memory_space<hbm>>
        %dma_wait3A_351 = arith.constant 0 : i32
        %dma_wait3A_352 = tpu.memref_slice %arg4[%add3A_122, %dma_wait3A_351] : memref<2560x128xi32, #tpu.memory_space<hbm>> -> memref<8x128xi32, #tpu.memory_space<hbm>>
        tpu.wait_dma2 semaphore(%run_scoped3A : memref<!tpu.dma_semaphore, #tpu.memory_space<semaphore_mem>>) src(%dma_wait3A_352 : memref<8x128xi32, #tpu.memory_space<hbm>>) dst(%arg10 : memref<8x128xi32, #tpu.memory_space<vmem>>)
        tpu.yield
      }) : () -> ()
      %dma_start3A = arith.constant 0 : i32
      %dma_start3A_123 = arith.constant 0 : i32
      %dma_start3A_124 = tpu.memref_slice %arg10[%dma_start3A, %dma_start3A_123] : memref<8x128xi32, #tpu.memory_space<vmem>> -> memref<1x128xi32, #tpu.memory_space<vmem>>
      %dma_start3A_125 = tpu.memref_squeeze %dma_start3A_124 : memref<1x128xi32, #tpu.memory_space<vmem>> -> memref<128xi32, #tpu.memory_space<vmem>>
      %dma_start3A_126 = arith.constant 0 : i32
      %dma_start3A_127 = arith.constant 0 : i32
      %dma_start3A_128 = tpu.memref_slice %arg14[%dma_start3A_126, %dma_start3A_127] : memref<10240x128xf32, #tpu.memory_space<vmem_shared>> -> memref<10240x128xf32, #tpu.memory_space<vmem_shared>>
      tpu.enqueue_indirect_dma source(%arg11 : memref<128x128xf32, #tpu.memory_space<vmem>>) target(%dma_start3A_128 : memref<10240x128xf32, #tpu.memory_space<vmem_shared>>) offsets(%dma_start3A_125 : memref<128xi32, #tpu.memory_space<vmem>>) semaphore(%arg17 : memref<!tpu.dma_semaphore, #tpu.memory_space<semaphore_mem>>) {add = true}
      %dma_start3A_129 = arith.constant 0 : i32
      %dma_start3A_130 = arith.constant 0 : i32
      %dma_start3A_131 = tpu.memref_slice %arg9[%dma_start3A_129, %dma_start3A_130] : memref<8x128xi32, #tpu.memory_space<vmem>> -> memref<1x128xi32, #tpu.memory_space<vmem>>
      %dma_start3A_132 = tpu.memref_squeeze %dma_start3A_131 : memref<1x128xi32, #tpu.memory_space<vmem>> -> memref<128xi32, #tpu.memory_space<vmem>>
      %dma_start3A_133 = arith.constant 0 : i32
      %dma_start3A_134 = arith.constant 0 : i32
      %dma_start3A_135 = tpu.memref_slice %arg14[%dma_start3A_133, %dma_start3A_134] : memref<10240x128xf32, #tpu.memory_space<vmem_shared>> -> memref<10240x128xf32, #tpu.memory_space<vmem_shared>>
      tpu.enqueue_indirect_dma source(%arg11 : memref<128x128xf32, #tpu.memory_space<vmem>>) target(%dma_start3A_135 : memref<10240x128xf32, #tpu.memory_space<vmem_shared>>) offsets(%dma_start3A_132 : memref<128xi32, #tpu.memory_space<vmem>>) semaphore(%arg17 : memref<!tpu.dma_semaphore, #tpu.memory_space<semaphore_mem>>) {add = true}
      %dma_start3A_136 = arith.constant 1 : i32
      %dma_start3A_137 = arith.constant 0 : i32
      %dma_start3A_138 = tpu.memref_slice %arg10[%dma_start3A_136, %dma_start3A_137] : memref<8x128xi32, #tpu.memory_space<vmem>> -> memref<1x128xi32, #tpu.memory_space<vmem>>
      %dma_start3A_139 = tpu.memref_squeeze %dma_start3A_138 : memref<1x128xi32, #tpu.memory_space<vmem>> -> memref<128xi32, #tpu.memory_space<vmem>>
      %dma_start3A_140 = arith.constant 0 : i32
      %dma_start3A_141 = arith.constant 0 : i32
      %dma_start3A_142 = tpu.memref_slice %arg14[%dma_start3A_140, %dma_start3A_141] : memref<10240x128xf32, #tpu.memory_space<vmem_shared>> -> memref<10240x128xf32, #tpu.memory_space<vmem_shared>>
      tpu.enqueue_indirect_dma source(%arg11 : memref<128x128xf32, #tpu.memory_space<vmem>>) target(%dma_start3A_142 : memref<10240x128xf32, #tpu.memory_space<vmem_shared>>) offsets(%dma_start3A_139 : memref<128xi32, #tpu.memory_space<vmem>>) semaphore(%arg17 : memref<!tpu.dma_semaphore, #tpu.memory_space<semaphore_mem>>) {add = true}
      %dma_start3A_143 = arith.constant 1 : i32
      %dma_start3A_144 = arith.constant 0 : i32
      %dma_start3A_145 = tpu.memref_slice %arg9[%dma_start3A_143, %dma_start3A_144] : memref<8x128xi32, #tpu.memory_space<vmem>> -> memref<1x128xi32, #tpu.memory_space<vmem>>
      %dma_start3A_146 = tpu.memref_squeeze %dma_start3A_145 : memref<1x128xi32, #tpu.memory_space<vmem>> -> memref<128xi32, #tpu.memory_space<vmem>>
      %dma_start3A_147 = arith.constant 0 : i32
      %dma_start3A_148 = arith.constant 0 : i32
      %dma_start3A_149 = tpu.memref_slice %arg14[%dma_start3A_147, %dma_start3A_148] : memref<10240x128xf32, #tpu.memory_space<vmem_shared>> -> memref<10240x128xf32, #tpu.memory_space<vmem_shared>>
      tpu.enqueue_indirect_dma source(%arg11 : memref<128x128xf32, #tpu.memory_space<vmem>>) target(%dma_start3A_149 : memref<10240x128xf32, #tpu.memory_space<vmem_shared>>) offsets(%dma_start3A_146 : memref<128xi32, #tpu.memory_space<vmem>>) semaphore(%arg17 : memref<!tpu.dma_semaphore, #tpu.memory_space<semaphore_mem>>) {add = true}
      %dma_start3A_150 = arith.constant 2 : i32
      %dma_start3A_151 = arith.constant 0 : i32
      %dma_start3A_152 = tpu.memref_slice %arg10[%dma_start3A_150, %dma_start3A_151] : memref<8x128xi32, #tpu.memory_space<vmem>> -> memref<1x128xi32, #tpu.memory_space<vmem>>
      %dma_start3A_153 = tpu.memref_squeeze %dma_start3A_152 : memref<1x128xi32, #tpu.memory_space<vmem>> -> memref<128xi32, #tpu.memory_space<vmem>>
      %dma_start3A_154 = arith.constant 0 : i32
      %dma_start3A_155 = arith.constant 0 : i32
      %dma_start3A_156 = tpu.memref_slice %arg14[%dma_start3A_154, %dma_start3A_155] : memref<10240x128xf32, #tpu.memory_space<vmem_shared>> -> memref<10240x128xf32, #tpu.memory_space<vmem_shared>>
      tpu.enqueue_indirect_dma source(%arg11 : memref<128x128xf32, #tpu.memory_space<vmem>>) target(%dma_start3A_156 : memref<10240x128xf32, #tpu.memory_space<vmem_shared>>) offsets(%dma_start3A_153 : memref<128xi32, #tpu.memory_space<vmem>>) semaphore(%arg17 : memref<!tpu.dma_semaphore, #tpu.memory_space<semaphore_mem>>) {add = true}
      %dma_start3A_157 = arith.constant 2 : i32
      %dma_start3A_158 = arith.constant 0 : i32
      %dma_start3A_159 = tpu.memref_slice %arg9[%dma_start3A_157, %dma_start3A_158] : memref<8x128xi32, #tpu.memory_space<vmem>> -> memref<1x128xi32, #tpu.memory_space<vmem>>
      %dma_start3A_160 = tpu.memref_squeeze %dma_start3A_159 : memref<1x128xi32, #tpu.memory_space<vmem>> -> memref<128xi32, #tpu.memory_space<vmem>>
      %dma_start3A_161 = arith.constant 0 : i32
      %dma_start3A_162 = arith.constant 0 : i32
      %dma_start3A_163 = tpu.memref_slice %arg14[%dma_start3A_161, %dma_start3A_162] : memref<10240x128xf32, #tpu.memory_space<vmem_shared>> -> memref<10240x128xf32, #tpu.memory_space<vmem_shared>>
      tpu.enqueue_indirect_dma source(%arg11 : memref<128x128xf32, #tpu.memory_space<vmem>>) target(%dma_start3A_163 : memref<10240x128xf32, #tpu.memory_space<vmem_shared>>) offsets(%dma_start3A_160 : memref<128xi32, #tpu.memory_space<vmem>>) semaphore(%arg17 : memref<!tpu.dma_semaphore, #tpu.memory_space<semaphore_mem>>) {add = true}
      %dma_start3A_164 = arith.constant 3 : i32
      %dma_start3A_165 = arith.constant 0 : i32
      %dma_start3A_166 = tpu.memref_slice %arg10[%dma_start3A_164, %dma_start3A_165] : memref<8x128xi32, #tpu.memory_space<vmem>> -> memref<1x128xi32, #tpu.memory_space<vmem>>
      %dma_start3A_167 = tpu.memref_squeeze %dma_start3A_166 : memref<1x128xi32, #tpu.memory_space<vmem>> -> memref<128xi32, #tpu.memory_space<vmem>>
      %dma_start3A_168 = arith.constant 0 : i32
      %dma_start3A_169 = arith.constant 0 : i32
      %dma_start3A_170 = tpu.memref_slice %arg14[%dma_start3A_168, %dma_start3A_169] : memref<10240x128xf32, #tpu.memory_space<vmem_shared>> -> memref<10240x128xf32, #tpu.memory_space<vmem_shared>>
      tpu.enqueue_indirect_dma source(%arg11 : memref<128x128xf32, #tpu.memory_space<vmem>>) target(%dma_start3A_170 : memref<10240x128xf32, #tpu.memory_space<vmem_shared>>) offsets(%dma_start3A_167 : memref<128xi32, #tpu.memory_space<vmem>>) semaphore(%arg17 : memref<!tpu.dma_semaphore, #tpu.memory_space<semaphore_mem>>) {add = true}
      %dma_start3A_171 = arith.constant 3 : i32
      %dma_start3A_172 = arith.constant 0 : i32
      %dma_start3A_173 = tpu.memref_slice %arg9[%dma_start3A_171, %dma_start3A_172] : memref<8x128xi32, #tpu.memory_space<vmem>> -> memref<1x128xi32, #tpu.memory_space<vmem>>
      %dma_start3A_174 = tpu.memref_squeeze %dma_start3A_173 : memref<1x128xi32, #tpu.memory_space<vmem>> -> memref<128xi32, #tpu.memory_space<vmem>>
      %dma_start3A_175 = arith.constant 0 : i32
      %dma_start3A_176 = arith.constant 0 : i32
      %dma_start3A_177 = tpu.memref_slice %arg14[%dma_start3A_175, %dma_start3A_176] : memref<10240x128xf32, #tpu.memory_space<vmem_shared>> -> memref<10240x128xf32, #tpu.memory_space<vmem_shared>>
      tpu.enqueue_indirect_dma source(%arg11 : memref<128x128xf32, #tpu.memory_space<vmem>>) target(%dma_start3A_177 : memref<10240x128xf32, #tpu.memory_space<vmem_shared>>) offsets(%dma_start3A_174 : memref<128xi32, #tpu.memory_space<vmem>>) semaphore(%arg17 : memref<!tpu.dma_semaphore, #tpu.memory_space<semaphore_mem>>) {add = true}
      %dma_start3A_178 = arith.constant 4 : i32
      %dma_start3A_179 = arith.constant 0 : i32
      %dma_start3A_180 = tpu.memref_slice %arg10[%dma_start3A_178, %dma_start3A_179] : memref<8x128xi32, #tpu.memory_space<vmem>> -> memref<1x128xi32, #tpu.memory_space<vmem>>
      %dma_start3A_181 = tpu.memref_squeeze %dma_start3A_180 : memref<1x128xi32, #tpu.memory_space<vmem>> -> memref<128xi32, #tpu.memory_space<vmem>>
      %dma_start3A_182 = arith.constant 0 : i32
      %dma_start3A_183 = arith.constant 0 : i32
      %dma_start3A_184 = tpu.memref_slice %arg14[%dma_start3A_182, %dma_start3A_183] : memref<10240x128xf32, #tpu.memory_space<vmem_shared>> -> memref<10240x128xf32, #tpu.memory_space<vmem_shared>>
      tpu.enqueue_indirect_dma source(%arg11 : memref<128x128xf32, #tpu.memory_space<vmem>>) target(%dma_start3A_184 : memref<10240x128xf32, #tpu.memory_space<vmem_shared>>) offsets(%dma_start3A_181 : memref<128xi32, #tpu.memory_space<vmem>>) semaphore(%arg17 : memref<!tpu.dma_semaphore, #tpu.memory_space<semaphore_mem>>) {add = true}
      %dma_start3A_185 = arith.constant 4 : i32
      %dma_start3A_186 = arith.constant 0 : i32
      %dma_start3A_187 = tpu.memref_slice %arg9[%dma_start3A_185, %dma_start3A_186] : memref<8x128xi32, #tpu.memory_space<vmem>> -> memref<1x128xi32, #tpu.memory_space<vmem>>
      %dma_start3A_188 = tpu.memref_squeeze %dma_start3A_187 : memref<1x128xi32, #tpu.memory_space<vmem>> -> memref<128xi32, #tpu.memory_space<vmem>>
      %dma_start3A_189 = arith.constant 0 : i32
      %dma_start3A_190 = arith.constant 0 : i32
      %dma_start3A_191 = tpu.memref_slice %arg14[%dma_start3A_189, %dma_start3A_190] : memref<10240x128xf32, #tpu.memory_space<vmem_shared>> -> memref<10240x128xf32, #tpu.memory_space<vmem_shared>>
      tpu.enqueue_indirect_dma source(%arg11 : memref<128x128xf32, #tpu.memory_space<vmem>>) target(%dma_start3A_191 : memref<10240x128xf32, #tpu.memory_space<vmem_shared>>) offsets(%dma_start3A_188 : memref<128xi32, #tpu.memory_space<vmem>>) semaphore(%arg17 : memref<!tpu.dma_semaphore, #tpu.memory_space<semaphore_mem>>) {add = true}
      %dma_start3A_192 = arith.constant 5 : i32
      %dma_start3A_193 = arith.constant 0 : i32
      %dma_start3A_194 = tpu.memref_slice %arg10[%dma_start3A_192, %dma_start3A_193] : memref<8x128xi32, #tpu.memory_space<vmem>> -> memref<1x128xi32, #tpu.memory_space<vmem>>
      %dma_start3A_195 = tpu.memref_squeeze %dma_start3A_194 : memref<1x128xi32, #tpu.memory_space<vmem>> -> memref<128xi32, #tpu.memory_space<vmem>>
      %dma_start3A_196 = arith.constant 0 : i32
      %dma_start3A_197 = arith.constant 0 : i32
      %dma_start3A_198 = tpu.memref_slice %arg14[%dma_start3A_196, %dma_start3A_197] : memref<10240x128xf32, #tpu.memory_space<vmem_shared>> -> memref<10240x128xf32, #tpu.memory_space<vmem_shared>>
      tpu.enqueue_indirect_dma source(%arg11 : memref<128x128xf32, #tpu.memory_space<vmem>>) target(%dma_start3A_198 : memref<10240x128xf32, #tpu.memory_space<vmem_shared>>) offsets(%dma_start3A_195 : memref<128xi32, #tpu.memory_space<vmem>>) semaphore(%arg17 : memref<!tpu.dma_semaphore, #tpu.memory_space<semaphore_mem>>) {add = true}
      %dma_start3A_199 = arith.constant 5 : i32
      %dma_start3A_200 = arith.constant 0 : i32
      %dma_start3A_201 = tpu.memref_slice %arg9[%dma_start3A_199, %dma_start3A_200] : memref<8x128xi32, #tpu.memory_space<vmem>> -> memref<1x128xi32, #tpu.memory_space<vmem>>
      %dma_start3A_202 = tpu.memref_squeeze %dma_start3A_201 : memref<1x128xi32, #tpu.memory_space<vmem>> -> memref<128xi32, #tpu.memory_space<vmem>>
      %dma_start3A_203 = arith.constant 0 : i32
      %dma_start3A_204 = arith.constant 0 : i32
      %dma_start3A_205 = tpu.memref_slice %arg14[%dma_start3A_203, %dma_start3A_204] : memref<10240x128xf32, #tpu.memory_space<vmem_shared>> -> memref<10240x128xf32, #tpu.memory_space<vmem_shared>>
      tpu.enqueue_indirect_dma source(%arg11 : memref<128x128xf32, #tpu.memory_space<vmem>>) target(%dma_start3A_205 : memref<10240x128xf32, #tpu.memory_space<vmem_shared>>) offsets(%dma_start3A_202 : memref<128xi32, #tpu.memory_space<vmem>>) semaphore(%arg17 : memref<!tpu.dma_semaphore, #tpu.memory_space<semaphore_mem>>) {add = true}
      %dma_start3A_206 = arith.constant 6 : i32
      %dma_start3A_207 = arith.constant 0 : i32
      %dma_start3A_208 = tpu.memref_slice %arg10[%dma_start3A_206, %dma_start3A_207] : memref<8x128xi32, #tpu.memory_space<vmem>> -> memref<1x128xi32, #tpu.memory_space<vmem>>
      %dma_start3A_209 = tpu.memref_squeeze %dma_start3A_208 : memref<1x128xi32, #tpu.memory_space<vmem>> -> memref<128xi32, #tpu.memory_space<vmem>>
      %dma_start3A_210 = arith.constant 0 : i32
      %dma_start3A_211 = arith.constant 0 : i32
      %dma_start3A_212 = tpu.memref_slice %arg14[%dma_start3A_210, %dma_start3A_211] : memref<10240x128xf32, #tpu.memory_space<vmem_shared>> -> memref<10240x128xf32, #tpu.memory_space<vmem_shared>>
      tpu.enqueue_indirect_dma source(%arg11 : memref<128x128xf32, #tpu.memory_space<vmem>>) target(%dma_start3A_212 : memref<10240x128xf32, #tpu.memory_space<vmem_shared>>) offsets(%dma_start3A_209 : memref<128xi32, #tpu.memory_space<vmem>>) semaphore(%arg17 : memref<!tpu.dma_semaphore, #tpu.memory_space<semaphore_mem>>) {add = true}
      %dma_start3A_213 = arith.constant 6 : i32
      %dma_start3A_214 = arith.constant 0 : i32
      %dma_start3A_215 = tpu.memref_slice %arg9[%dma_start3A_213, %dma_start3A_214] : memref<8x128xi32, #tpu.memory_space<vmem>> -> memref<1x128xi32, #tpu.memory_space<vmem>>
      %dma_start3A_216 = tpu.memref_squeeze %dma_start3A_215 : memref<1x128xi32, #tpu.memory_space<vmem>> -> memref<128xi32, #tpu.memory_space<vmem>>
      %dma_start3A_217 = arith.constant 0 : i32
      %dma_start3A_218 = arith.constant 0 : i32
      %dma_start3A_219 = tpu.memref_slice %arg14[%dma_start3A_217, %dma_start3A_218] : memref<10240x128xf32, #tpu.memory_space<vmem_shared>> -> memref<10240x128xf32, #tpu.memory_space<vmem_shared>>
      tpu.enqueue_indirect_dma source(%arg11 : memref<128x128xf32, #tpu.memory_space<vmem>>) target(%dma_start3A_219 : memref<10240x128xf32, #tpu.memory_space<vmem_shared>>) offsets(%dma_start3A_216 : memref<128xi32, #tpu.memory_space<vmem>>) semaphore(%arg17 : memref<!tpu.dma_semaphore, #tpu.memory_space<semaphore_mem>>) {add = true}
      %dma_start3A_220 = arith.constant 7 : i32
      %dma_start3A_221 = arith.constant 0 : i32
      %dma_start3A_222 = tpu.memref_slice %arg10[%dma_start3A_220, %dma_start3A_221] : memref<8x128xi32, #tpu.memory_space<vmem>> -> memref<1x128xi32, #tpu.memory_space<vmem>>
      %dma_start3A_223 = tpu.memref_squeeze %dma_start3A_222 : memref<1x128xi32, #tpu.memory_space<vmem>> -> memref<128xi32, #tpu.memory_space<vmem>>
      %dma_start3A_224 = arith.constant 0 : i32
      %dma_start3A_225 = arith.constant 0 : i32
      %dma_start3A_226 = tpu.memref_slice %arg14[%dma_start3A_224, %dma_start3A_225] : memref<10240x128xf32, #tpu.memory_space<vmem_shared>> -> memref<10240x128xf32, #tpu.memory_space<vmem_shared>>
      tpu.enqueue_indirect_dma source(%arg11 : memref<128x128xf32, #tpu.memory_space<vmem>>) target(%dma_start3A_226 : memref<10240x128xf32, #tpu.memory_space<vmem_shared>>) offsets(%dma_start3A_223 : memref<128xi32, #tpu.memory_space<vmem>>) semaphore(%arg17 : memref<!tpu.dma_semaphore, #tpu.memory_space<semaphore_mem>>) {add = true}
      %dma_start3A_227 = arith.constant 7 : i32
      %dma_start3A_228 = arith.constant 0 : i32
      %dma_start3A_229 = tpu.memref_slice %arg9[%dma_start3A_227, %dma_start3A_228] : memref<8x128xi32, #tpu.memory_space<vmem>> -> memref<1x128xi32, #tpu.memory_space<vmem>>
      %dma_start3A_230 = tpu.memref_squeeze %dma_start3A_229 : memref<1x128xi32, #tpu.memory_space<vmem>> -> memref<128xi32, #tpu.memory_space<vmem>>
      %dma_start3A_231 = arith.constant 0 : i32
      %dma_start3A_232 = arith.constant 0 : i32
      %dma_start3A_233 = tpu.memref_slice %arg14[%dma_start3A_231, %dma_start3A_232] : memref<10240x128xf32, #tpu.memory_space<vmem_shared>> -> memref<10240x128xf32, #tpu.memory_space<vmem_shared>>
      tpu.enqueue_indirect_dma source(%arg11 : memref<128x128xf32, #tpu.memory_space<vmem>>) target(%dma_start3A_233 : memref<10240x128xf32, #tpu.memory_space<vmem_shared>>) offsets(%dma_start3A_230 : memref<128xi32, #tpu.memory_space<vmem>>) semaphore(%arg17 : memref<!tpu.dma_semaphore, #tpu.memory_space<semaphore_mem>>) {add = true}
      %dma_wait3A = arith.constant 0 : i32
      %dma_wait3A_234 = arith.constant 0 : i32
      %dma_wait3A_235 = tpu.memref_slice %arg10[%dma_wait3A, %dma_wait3A_234] : memref<8x128xi32, #tpu.memory_space<vmem>> -> memref<1x128xi32, #tpu.memory_space<vmem>>
      %dma_wait3A_236 = tpu.memref_squeeze %dma_wait3A_235 : memref<1x128xi32, #tpu.memory_space<vmem>> -> memref<128xi32, #tpu.memory_space<vmem>>
      %dma_wait3A_237 = arith.constant 0 : i32
      %dma_wait3A_238 = arith.constant 0 : i32
      %dma_wait3A_239 = tpu.memref_slice %arg14[%dma_wait3A_237, %dma_wait3A_238] : memref<10240x128xf32, #tpu.memory_space<vmem_shared>> -> memref<10240x128xf32, #tpu.memory_space<vmem_shared>>
      tpu.wait_indirect_dma semaphore(%arg17 : memref<!tpu.dma_semaphore, #tpu.memory_space<semaphore_mem>>) src(%arg11 : memref<128x128xf32, #tpu.memory_space<vmem>>) dst(%dma_wait3A_239 : memref<10240x128xf32, #tpu.memory_space<vmem_shared>>)
      %dma_wait3A_240 = arith.constant 0 : i32
      %dma_wait3A_241 = arith.constant 0 : i32
      %dma_wait3A_242 = tpu.memref_slice %arg9[%dma_wait3A_240, %dma_wait3A_241] : memref<8x128xi32, #tpu.memory_space<vmem>> -> memref<1x128xi32, #tpu.memory_space<vmem>>
      %dma_wait3A_243 = tpu.memref_squeeze %dma_wait3A_242 : memref<1x128xi32, #tpu.memory_space<vmem>> -> memref<128xi32, #tpu.memory_space<vmem>>
      %dma_wait3A_244 = arith.constant 0 : i32
      %dma_wait3A_245 = arith.constant 0 : i32
      %dma_wait3A_246 = tpu.memref_slice %arg14[%dma_wait3A_244, %dma_wait3A_245] : memref<10240x128xf32, #tpu.memory_space<vmem_shared>> -> memref<10240x128xf32, #tpu.memory_space<vmem_shared>>
      tpu.wait_indirect_dma semaphore(%arg17 : memref<!tpu.dma_semaphore, #tpu.memory_space<semaphore_mem>>) src(%arg11 : memref<128x128xf32, #tpu.memory_space<vmem>>) dst(%dma_wait3A_246 : memref<10240x128xf32, #tpu.memory_space<vmem_shared>>)
      %dma_wait3A_247 = arith.constant 1 : i32
      %dma_wait3A_248 = arith.constant 0 : i32
      %dma_wait3A_249 = tpu.memref_slice %arg10[%dma_wait3A_247, %dma_wait3A_248] : memref<8x128xi32, #tpu.memory_space<vmem>> -> memref<1x128xi32, #tpu.memory_space<vmem>>
      %dma_wait3A_250 = tpu.memref_squeeze %dma_wait3A_249 : memref<1x128xi32, #tpu.memory_space<vmem>> -> memref<128xi32, #tpu.memory_space<vmem>>
      %dma_wait3A_251 = arith.constant 0 : i32
      %dma_wait3A_252 = arith.constant 0 : i32
      %dma_wait3A_253 = tpu.memref_slice %arg14[%dma_wait3A_251, %dma_wait3A_252] : memref<10240x128xf32, #tpu.memory_space<vmem_shared>> -> memref<10240x128xf32, #tpu.memory_space<vmem_shared>>
      tpu.wait_indirect_dma semaphore(%arg17 : memref<!tpu.dma_semaphore, #tpu.memory_space<semaphore_mem>>) src(%arg11 : memref<128x128xf32, #tpu.memory_space<vmem>>) dst(%dma_wait3A_253 : memref<10240x128xf32, #tpu.memory_space<vmem_shared>>)
      %dma_wait3A_254 = arith.constant 1 : i32
      %dma_wait3A_255 = arith.constant 0 : i32
      %dma_wait3A_256 = tpu.memref_slice %arg9[%dma_wait3A_254, %dma_wait3A_255] : memref<8x128xi32, #tpu.memory_space<vmem>> -> memref<1x128xi32, #tpu.memory_space<vmem>>
      %dma_wait3A_257 = tpu.memref_squeeze %dma_wait3A_256 : memref<1x128xi32, #tpu.memory_space<vmem>> -> memref<128xi32, #tpu.memory_space<vmem>>
      %dma_wait3A_258 = arith.constant 0 : i32
      %dma_wait3A_259 = arith.constant 0 : i32
      %dma_wait3A_260 = tpu.memref_slice %arg14[%dma_wait3A_258, %dma_wait3A_259] : memref<10240x128xf32, #tpu.memory_space<vmem_shared>> -> memref<10240x128xf32, #tpu.memory_space<vmem_shared>>
      tpu.wait_indirect_dma semaphore(%arg17 : memref<!tpu.dma_semaphore, #tpu.memory_space<semaphore_mem>>) src(%arg11 : memref<128x128xf32, #tpu.memory_space<vmem>>) dst(%dma_wait3A_260 : memref<10240x128xf32, #tpu.memory_space<vmem_shared>>)
      %dma_wait3A_261 = arith.constant 2 : i32
      %dma_wait3A_262 = arith.constant 0 : i32
      %dma_wait3A_263 = tpu.memref_slice %arg10[%dma_wait3A_261, %dma_wait3A_262] : memref<8x128xi32, #tpu.memory_space<vmem>> -> memref<1x128xi32, #tpu.memory_space<vmem>>
      %dma_wait3A_264 = tpu.memref_squeeze %dma_wait3A_263 : memref<1x128xi32, #tpu.memory_space<vmem>> -> memref<128xi32, #tpu.memory_space<vmem>>
      %dma_wait3A_265 = arith.constant 0 : i32
      %dma_wait3A_266 = arith.constant 0 : i32
      %dma_wait3A_267 = tpu.memref_slice %arg14[%dma_wait3A_265, %dma_wait3A_266] : memref<10240x128xf32, #tpu.memory_space<vmem_shared>> -> memref<10240x128xf32, #tpu.memory_space<vmem_shared>>
      tpu.wait_indirect_dma semaphore(%arg17 : memref<!tpu.dma_semaphore, #tpu.memory_space<semaphore_mem>>) src(%arg11 : memref<128x128xf32, #tpu.memory_space<vmem>>) dst(%dma_wait3A_267 : memref<10240x128xf32, #tpu.memory_space<vmem_shared>>)
      %dma_wait3A_268 = arith.constant 2 : i32
      %dma_wait3A_269 = arith.constant 0 : i32
      %dma_wait3A_270 = tpu.memref_slice %arg9[%dma_wait3A_268, %dma_wait3A_269] : memref<8x128xi32, #tpu.memory_space<vmem>> -> memref<1x128xi32, #tpu.memory_space<vmem>>
      %dma_wait3A_271 = tpu.memref_squeeze %dma_wait3A_270 : memref<1x128xi32, #tpu.memory_space<vmem>> -> memref<128xi32, #tpu.memory_space<vmem>>
      %dma_wait3A_272 = arith.constant 0 : i32
      %dma_wait3A_273 = arith.constant 0 : i32
      %dma_wait3A_274 = tpu.memref_slice %arg14[%dma_wait3A_272, %dma_wait3A_273] : memref<10240x128xf32, #tpu.memory_space<vmem_shared>> -> memref<10240x128xf32, #tpu.memory_space<vmem_shared>>
      tpu.wait_indirect_dma semaphore(%arg17 : memref<!tpu.dma_semaphore, #tpu.memory_space<semaphore_mem>>) src(%arg11 : memref<128x128xf32, #tpu.memory_space<vmem>>) dst(%dma_wait3A_274 : memref<10240x128xf32, #tpu.memory_space<vmem_shared>>)
      %dma_wait3A_275 = arith.constant 3 : i32
      %dma_wait3A_276 = arith.constant 0 : i32
      %dma_wait3A_277 = tpu.memref_slice %arg10[%dma_wait3A_275, %dma_wait3A_276] : memref<8x128xi32, #tpu.memory_space<vmem>> -> memref<1x128xi32, #tpu.memory_space<vmem>>
      %dma_wait3A_278 = tpu.memref_squeeze %dma_wait3A_277 : memref<1x128xi32, #tpu.memory_space<vmem>> -> memref<128xi32, #tpu.memory_space<vmem>>
      %dma_wait3A_279 = arith.constant 0 : i32
      %dma_wait3A_280 = arith.constant 0 : i32
      %dma_wait3A_281 = tpu.memref_slice %arg14[%dma_wait3A_279, %dma_wait3A_280] : memref<10240x128xf32, #tpu.memory_space<vmem_shared>> -> memref<10240x128xf32, #tpu.memory_space<vmem_shared>>
      tpu.wait_indirect_dma semaphore(%arg17 : memref<!tpu.dma_semaphore, #tpu.memory_space<semaphore_mem>>) src(%arg11 : memref<128x128xf32, #tpu.memory_space<vmem>>) dst(%dma_wait3A_281 : memref<10240x128xf32, #tpu.memory_space<vmem_shared>>)
      %dma_wait3A_282 = arith.constant 3 : i32
      %dma_wait3A_283 = arith.constant 0 : i32
      %dma_wait3A_284 = tpu.memref_slice %arg9[%dma_wait3A_282, %dma_wait3A_283] : memref<8x128xi32, #tpu.memory_space<vmem>> -> memref<1x128xi32, #tpu.memory_space<vmem>>
      %dma_wait3A_285 = tpu.memref_squeeze %dma_wait3A_284 : memref<1x128xi32, #tpu.memory_space<vmem>> -> memref<128xi32, #tpu.memory_space<vmem>>
      %dma_wait3A_286 = arith.constant 0 : i32
      %dma_wait3A_287 = arith.constant 0 : i32
      %dma_wait3A_288 = tpu.memref_slice %arg14[%dma_wait3A_286, %dma_wait3A_287] : memref<10240x128xf32, #tpu.memory_space<vmem_shared>> -> memref<10240x128xf32, #tpu.memory_space<vmem_shared>>
      tpu.wait_indirect_dma semaphore(%arg17 : memref<!tpu.dma_semaphore, #tpu.memory_space<semaphore_mem>>) src(%arg11 : memref<128x128xf32, #tpu.memory_space<vmem>>) dst(%dma_wait3A_288 : memref<10240x128xf32, #tpu.memory_space<vmem_shared>>)
      %dma_wait3A_289 = arith.constant 4 : i32
      %dma_wait3A_290 = arith.constant 0 : i32
      %dma_wait3A_291 = tpu.memref_slice %arg10[%dma_wait3A_289, %dma_wait3A_290] : memref<8x128xi32, #tpu.memory_space<vmem>> -> memref<1x128xi32, #tpu.memory_space<vmem>>
      %dma_wait3A_292 = tpu.memref_squeeze %dma_wait3A_291 : memref<1x128xi32, #tpu.memory_space<vmem>> -> memref<128xi32, #tpu.memory_space<vmem>>
      %dma_wait3A_293 = arith.constant 0 : i32
      %dma_wait3A_294 = arith.constant 0 : i32
      %dma_wait3A_295 = tpu.memref_slice %arg14[%dma_wait3A_293, %dma_wait3A_294] : memref<10240x128xf32, #tpu.memory_space<vmem_shared>> -> memref<10240x128xf32, #tpu.memory_space<vmem_shared>>
      tpu.wait_indirect_dma semaphore(%arg17 : memref<!tpu.dma_semaphore, #tpu.memory_space<semaphore_mem>>) src(%arg11 : memref<128x128xf32, #tpu.memory_space<vmem>>) dst(%dma_wait3A_295 : memref<10240x128xf32, #tpu.memory_space<vmem_shared>>)
      %dma_wait3A_296 = arith.constant 4 : i32
      %dma_wait3A_297 = arith.constant 0 : i32
      %dma_wait3A_298 = tpu.memref_slice %arg9[%dma_wait3A_296, %dma_wait3A_297] : memref<8x128xi32, #tpu.memory_space<vmem>> -> memref<1x128xi32, #tpu.memory_space<vmem>>
      %dma_wait3A_299 = tpu.memref_squeeze %dma_wait3A_298 : memref<1x128xi32, #tpu.memory_space<vmem>> -> memref<128xi32, #tpu.memory_space<vmem>>
      %dma_wait3A_300 = arith.constant 0 : i32
      %dma_wait3A_301 = arith.constant 0 : i32
      %dma_wait3A_302 = tpu.memref_slice %arg14[%dma_wait3A_300, %dma_wait3A_301] : memref<10240x128xf32, #tpu.memory_space<vmem_shared>> -> memref<10240x128xf32, #tpu.memory_space<vmem_shared>>
      tpu.wait_indirect_dma semaphore(%arg17 : memref<!tpu.dma_semaphore, #tpu.memory_space<semaphore_mem>>) src(%arg11 : memref<128x128xf32, #tpu.memory_space<vmem>>) dst(%dma_wait3A_302 : memref<10240x128xf32, #tpu.memory_space<vmem_shared>>)
      %dma_wait3A_303 = arith.constant 5 : i32
      %dma_wait3A_304 = arith.constant 0 : i32
      %dma_wait3A_305 = tpu.memref_slice %arg10[%dma_wait3A_303, %dma_wait3A_304] : memref<8x128xi32, #tpu.memory_space<vmem>> -> memref<1x128xi32, #tpu.memory_space<vmem>>
      %dma_wait3A_306 = tpu.memref_squeeze %dma_wait3A_305 : memref<1x128xi32, #tpu.memory_space<vmem>> -> memref<128xi32, #tpu.memory_space<vmem>>
      %dma_wait3A_307 = arith.constant 0 : i32
      %dma_wait3A_308 = arith.constant 0 : i32
      %dma_wait3A_309 = tpu.memref_slice %arg14[%dma_wait3A_307, %dma_wait3A_308] : memref<10240x128xf32, #tpu.memory_space<vmem_shared>> -> memref<10240x128xf32, #tpu.memory_space<vmem_shared>>
      tpu.wait_indirect_dma semaphore(%arg17 : memref<!tpu.dma_semaphore, #tpu.memory_space<semaphore_mem>>) src(%arg11 : memref<128x128xf32, #tpu.memory_space<vmem>>) dst(%dma_wait3A_309 : memref<10240x128xf32, #tpu.memory_space<vmem_shared>>)
      %dma_wait3A_310 = arith.constant 5 : i32
      %dma_wait3A_311 = arith.constant 0 : i32
      %dma_wait3A_312 = tpu.memref_slice %arg9[%dma_wait3A_310, %dma_wait3A_311] : memref<8x128xi32, #tpu.memory_space<vmem>> -> memref<1x128xi32, #tpu.memory_space<vmem>>
      %dma_wait3A_313 = tpu.memref_squeeze %dma_wait3A_312 : memref<1x128xi32, #tpu.memory_space<vmem>> -> memref<128xi32, #tpu.memory_space<vmem>>
      %dma_wait3A_314 = arith.constant 0 : i32
      %dma_wait3A_315 = arith.constant 0 : i32
      %dma_wait3A_316 = tpu.memref_slice %arg14[%dma_wait3A_314, %dma_wait3A_315] : memref<10240x128xf32, #tpu.memory_space<vmem_shared>> -> memref<10240x128xf32, #tpu.memory_space<vmem_shared>>
      tpu.wait_indirect_dma semaphore(%arg17 : memref<!tpu.dma_semaphore, #tpu.memory_space<semaphore_mem>>) src(%arg11 : memref<128x128xf32, #tpu.memory_space<vmem>>) dst(%dma_wait3A_316 : memref<10240x128xf32, #tpu.memory_space<vmem_shared>>)
      %dma_wait3A_317 = arith.constant 6 : i32
      %dma_wait3A_318 = arith.constant 0 : i32
      %dma_wait3A_319 = tpu.memref_slice %arg10[%dma_wait3A_317, %dma_wait3A_318] : memref<8x128xi32, #tpu.memory_space<vmem>> -> memref<1x128xi32, #tpu.memory_space<vmem>>
      %dma_wait3A_320 = tpu.memref_squeeze %dma_wait3A_319 : memref<1x128xi32, #tpu.memory_space<vmem>> -> memref<128xi32, #tpu.memory_space<vmem>>
      %dma_wait3A_321 = arith.constant 0 : i32
      %dma_wait3A_322 = arith.constant 0 : i32
      %dma_wait3A_323 = tpu.memref_slice %arg14[%dma_wait3A_321, %dma_wait3A_322] : memref<10240x128xf32, #tpu.memory_space<vmem_shared>> -> memref<10240x128xf32, #tpu.memory_space<vmem_shared>>
      tpu.wait_indirect_dma semaphore(%arg17 : memref<!tpu.dma_semaphore, #tpu.memory_space<semaphore_mem>>) src(%arg11 : memref<128x128xf32, #tpu.memory_space<vmem>>) dst(%dma_wait3A_323 : memref<10240x128xf32, #tpu.memory_space<vmem_shared>>)
      %dma_wait3A_324 = arith.constant 6 : i32
      %dma_wait3A_325 = arith.constant 0 : i32
      %dma_wait3A_326 = tpu.memref_slice %arg9[%dma_wait3A_324, %dma_wait3A_325] : memref<8x128xi32, #tpu.memory_space<vmem>> -> memref<1x128xi32, #tpu.memory_space<vmem>>
      %dma_wait3A_327 = tpu.memref_squeeze %dma_wait3A_326 : memref<1x128xi32, #tpu.memory_space<vmem>> -> memref<128xi32, #tpu.memory_space<vmem>>
      %dma_wait3A_328 = arith.constant 0 : i32
      %dma_wait3A_329 = arith.constant 0 : i32
      %dma_wait3A_330 = tpu.memref_slice %arg14[%dma_wait3A_328, %dma_wait3A_329] : memref<10240x128xf32, #tpu.memory_space<vmem_shared>> -> memref<10240x128xf32, #tpu.memory_space<vmem_shared>>
      tpu.wait_indirect_dma semaphore(%arg17 : memref<!tpu.dma_semaphore, #tpu.memory_space<semaphore_mem>>) src(%arg11 : memref<128x128xf32, #tpu.memory_space<vmem>>) dst(%dma_wait3A_330 : memref<10240x128xf32, #tpu.memory_space<vmem_shared>>)
      %dma_wait3A_331 = arith.constant 7 : i32
      %dma_wait3A_332 = arith.constant 0 : i32
      %dma_wait3A_333 = tpu.memref_slice %arg10[%dma_wait3A_331, %dma_wait3A_332] : memref<8x128xi32, #tpu.memory_space<vmem>> -> memref<1x128xi32, #tpu.memory_space<vmem>>
      %dma_wait3A_334 = tpu.memref_squeeze %dma_wait3A_333 : memref<1x128xi32, #tpu.memory_space<vmem>> -> memref<128xi32, #tpu.memory_space<vmem>>
      %dma_wait3A_335 = arith.constant 0 : i32
      %dma_wait3A_336 = arith.constant 0 : i32
      %dma_wait3A_337 = tpu.memref_slice %arg14[%dma_wait3A_335, %dma_wait3A_336] : memref<10240x128xf32, #tpu.memory_space<vmem_shared>> -> memref<10240x128xf32, #tpu.memory_space<vmem_shared>>
      tpu.wait_indirect_dma semaphore(%arg17 : memref<!tpu.dma_semaphore, #tpu.memory_space<semaphore_mem>>) src(%arg11 : memref<128x128xf32, #tpu.memory_space<vmem>>) dst(%dma_wait3A_337 : memref<10240x128xf32, #tpu.memory_space<vmem_shared>>)
      %dma_wait3A_338 = arith.constant 7 : i32
      %dma_wait3A_339 = arith.constant 0 : i32
      %dma_wait3A_340 = tpu.memref_slice %arg9[%dma_wait3A_338, %dma_wait3A_339] : memref<8x128xi32, #tpu.memory_space<vmem>> -> memref<1x128xi32, #tpu.memory_space<vmem>>
      %dma_wait3A_341 = tpu.memref_squeeze %dma_wait3A_340 : memref<1x128xi32, #tpu.memory_space<vmem>> -> memref<128xi32, #tpu.memory_space<vmem>>
      %dma_wait3A_342 = arith.constant 0 : i32
      %dma_wait3A_343 = arith.constant 0 : i32
      %dma_wait3A_344 = tpu.memref_slice %arg14[%dma_wait3A_342, %dma_wait3A_343] : memref<10240x128xf32, #tpu.memory_space<vmem_shared>> -> memref<10240x128xf32, #tpu.memory_space<vmem_shared>>
      tpu.wait_indirect_dma semaphore(%arg17 : memref<!tpu.dma_semaphore, #tpu.memory_space<semaphore_mem>>) src(%arg11 : memref<128x128xf32, #tpu.memory_space<vmem>>) dst(%dma_wait3A_344 : memref<10240x128xf32, #tpu.memory_space<vmem_shared>>)
    }
    %while3A_113 = arith.constant 1 : i32
    scf.for %while3A_119 = %while3A_111 to %while3A_107 step %while3A_113  : i32 {
      %mul3A_120 = arith.constant 8 : i32
      %mul3A_121 = arith.muli %while3A_119, %mul3A_120 : i32
      %add3A_122 = arith.addi %select_n3A, %mul3A_121 : i32
      "tpu.region"() ({
        %run_scoped3A = tpu.sem_alloc : memref<!tpu.dma_semaphore, #tpu.memory_space<semaphore_mem>>
        %dma_start3A_345 = arith.constant 0 : i32
        %dma_start3A_346 = tpu.memref_slice %arg3[%add3A_122, %dma_start3A_345] : memref<2560x128xi32, #tpu.memory_space<hbm>> -> memref<8x128xi32, #tpu.memory_space<hbm>>
        %dma_start3A_347 = arith.constant 0 : i32
        %dma_start3A_348 = tpu.memref_slice %arg3[%add3A_122, %dma_start3A_347] : memref<2560x128xi32, #tpu.memory_space<hbm>> -> memref<8x128xi32, #tpu.memory_space<hbm>>
        tpu.enqueue_dma source(%dma_start3A_348 : memref<8x128xi32, #tpu.memory_space<hbm>>) target(%arg9 : memref<8x128xi32, #tpu.memory_space<vmem>>) target_semaphore(%run_scoped3A : memref<!tpu.dma_semaphore, #tpu.memory_space<semaphore_mem>>)
        %dma_wait3A_349 = arith.constant 0 : i32
        %dma_wait3A_350 = tpu.memref_slice %arg3[%add3A_122, %dma_wait3A_349] : memref<2560x128xi32, #tpu.memory_space<hbm>> -> memref<8x128xi32, #tpu.memory_space<hbm>>
        %dma_wait3A_351 = arith.constant 0 : i32
        %dma_wait3A_352 = tpu.memref_slice %arg3[%add3A_122, %dma_wait3A_351] : memref<2560x128xi32, #tpu.memory_space<hbm>> -> memref<8x128xi32, #tpu.memory_space<hbm>>
        tpu.wait_dma2 semaphore(%run_scoped3A : memref<!tpu.dma_semaphore, #tpu.memory_space<semaphore_mem>>) src(%dma_wait3A_352 : memref<8x128xi32, #tpu.memory_space<hbm>>) dst(%arg9 : memref<8x128xi32, #tpu.memory_space<vmem>>)
        tpu.yield
      }) : () -> ()
      "tpu.region"() ({
        %run_scoped3A = tpu.sem_alloc : memref<!tpu.dma_semaphore, #tpu.memory_space<semaphore_mem>>
        %dma_start3A_345 = arith.constant 0 : i32
        %dma_start3A_346 = tpu.memref_slice %arg4[%add3A_122, %dma_start3A_345] : memref<2560x128xi32, #tpu.memory_space<hbm>> -> memref<8x128xi32, #tpu.memory_space<hbm>>
        %dma_start3A_347 = arith.constant 0 : i32
        %dma_start3A_348 = tpu.memref_slice %arg4[%add3A_122, %dma_start3A_347] : memref<2560x128xi32, #tpu.memory_space<hbm>> -> memref<8x128xi32, #tpu.memory_space<hbm>>
        tpu.enqueue_dma source(%dma_start3A_348 : memref<8x128xi32, #tpu.memory_space<hbm>>) target(%arg10 : memref<8x128xi32, #tpu.memory_space<vmem>>) target_semaphore(%run_scoped3A : memref<!tpu.dma_semaphore, #tpu.memory_space<semaphore_mem>>)
        %dma_wait3A_349 = arith.constant 0 : i32
        %dma_wait3A_350 = tpu.memref_slice %arg4[%add3A_122, %dma_wait3A_349] : memref<2560x128xi32, #tpu.memory_space<hbm>> -> memref<8x128xi32, #tpu.memory_space<hbm>>
        %dma_wait3A_351 = arith.constant 0 : i32
        %dma_wait3A_352 = tpu.memref_slice %arg4[%add3A_122, %dma_wait3A_351] : memref<2560x128xi32, #tpu.memory_space<hbm>> -> memref<8x128xi32, #tpu.memory_space<hbm>>
        tpu.wait_dma2 semaphore(%run_scoped3A : memref<!tpu.dma_semaphore, #tpu.memory_space<semaphore_mem>>) src(%dma_wait3A_352 : memref<8x128xi32, #tpu.memory_space<hbm>>) dst(%arg10 : memref<8x128xi32, #tpu.memory_space<vmem>>)
        tpu.yield
      }) : () -> ()
      %dma_start3A = arith.constant 0 : i32
      %dma_start3A_123 = arith.constant 0 : i32
      %dma_start3A_124 = tpu.memref_slice %arg10[%dma_start3A, %dma_start3A_123] : memref<8x128xi32, #tpu.memory_space<vmem>> -> memref<1x128xi32, #tpu.memory_space<vmem>>
      %dma_start3A_125 = tpu.memref_squeeze %dma_start3A_124 : memref<1x128xi32, #tpu.memory_space<vmem>> -> memref<128xi32, #tpu.memory_space<vmem>>
      %dma_start3A_126 = arith.constant 0 : i32
      %dma_start3A_127 = arith.constant 0 : i32
      %dma_start3A_128 = tpu.memref_slice %arg14[%dma_start3A_126, %dma_start3A_127] : memref<10240x128xf32, #tpu.memory_space<vmem_shared>> -> memref<10240x128xf32, #tpu.memory_space<vmem_shared>>
      tpu.enqueue_indirect_dma source(%arg11 : memref<128x128xf32, #tpu.memory_space<vmem>>) target(%dma_start3A_128 : memref<10240x128xf32, #tpu.memory_space<vmem_shared>>) offsets(%dma_start3A_125 : memref<128xi32, #tpu.memory_space<vmem>>) semaphore(%arg17 : memref<!tpu.dma_semaphore, #tpu.memory_space<semaphore_mem>>) {add = true}
      %dma_start3A_129 = arith.constant 0 : i32
      %dma_start3A_130 = arith.constant 0 : i32
      %dma_start3A_131 = tpu.memref_slice %arg9[%dma_start3A_129, %dma_start3A_130] : memref<8x128xi32, #tpu.memory_space<vmem>> -> memref<1x128xi32, #tpu.memory_space<vmem>>
      %dma_start3A_132 = tpu.memref_squeeze %dma_start3A_131 : memref<1x128xi32, #tpu.memory_space<vmem>> -> memref<128xi32, #tpu.memory_space<vmem>>
      %dma_start3A_133 = arith.constant 0 : i32
      %dma_start3A_134 = arith.constant 0 : i32
      %dma_start3A_135 = tpu.memref_slice %arg14[%dma_start3A_133, %dma_start3A_134] : memref<10240x128xf32, #tpu.memory_space<vmem_shared>> -> memref<10240x128xf32, #tpu.memory_space<vmem_shared>>
      tpu.enqueue_indirect_dma source(%arg11 : memref<128x128xf32, #tpu.memory_space<vmem>>) target(%dma_start3A_135 : memref<10240x128xf32, #tpu.memory_space<vmem_shared>>) offsets(%dma_start3A_132 : memref<128xi32, #tpu.memory_space<vmem>>) semaphore(%arg17 : memref<!tpu.dma_semaphore, #tpu.memory_space<semaphore_mem>>) {add = true}
      %dma_start3A_136 = arith.constant 1 : i32
      %dma_start3A_137 = arith.constant 0 : i32
      %dma_start3A_138 = tpu.memref_slice %arg10[%dma_start3A_136, %dma_start3A_137] : memref<8x128xi32, #tpu.memory_space<vmem>> -> memref<1x128xi32, #tpu.memory_space<vmem>>
      %dma_start3A_139 = tpu.memref_squeeze %dma_start3A_138 : memref<1x128xi32, #tpu.memory_space<vmem>> -> memref<128xi32, #tpu.memory_space<vmem>>
      %dma_start3A_140 = arith.constant 0 : i32
      %dma_start3A_141 = arith.constant 0 : i32
      %dma_start3A_142 = tpu.memref_slice %arg14[%dma_start3A_140, %dma_start3A_141] : memref<10240x128xf32, #tpu.memory_space<vmem_shared>> -> memref<10240x128xf32, #tpu.memory_space<vmem_shared>>
      tpu.enqueue_indirect_dma source(%arg11 : memref<128x128xf32, #tpu.memory_space<vmem>>) target(%dma_start3A_142 : memref<10240x128xf32, #tpu.memory_space<vmem_shared>>) offsets(%dma_start3A_139 : memref<128xi32, #tpu.memory_space<vmem>>) semaphore(%arg17 : memref<!tpu.dma_semaphore, #tpu.memory_space<semaphore_mem>>) {add = true}
      %dma_start3A_143 = arith.constant 1 : i32
      %dma_start3A_144 = arith.constant 0 : i32
      %dma_start3A_145 = tpu.memref_slice %arg9[%dma_start3A_143, %dma_start3A_144] : memref<8x128xi32, #tpu.memory_space<vmem>> -> memref<1x128xi32, #tpu.memory_space<vmem>>
      %dma_start3A_146 = tpu.memref_squeeze %dma_start3A_145 : memref<1x128xi32, #tpu.memory_space<vmem>> -> memref<128xi32, #tpu.memory_space<vmem>>
      %dma_start3A_147 = arith.constant 0 : i32
      %dma_start3A_148 = arith.constant 0 : i32
      %dma_start3A_149 = tpu.memref_slice %arg14[%dma_start3A_147, %dma_start3A_148] : memref<10240x128xf32, #tpu.memory_space<vmem_shared>> -> memref<10240x128xf32, #tpu.memory_space<vmem_shared>>
      tpu.enqueue_indirect_dma source(%arg11 : memref<128x128xf32, #tpu.memory_space<vmem>>) target(%dma_start3A_149 : memref<10240x128xf32, #tpu.memory_space<vmem_shared>>) offsets(%dma_start3A_146 : memref<128xi32, #tpu.memory_space<vmem>>) semaphore(%arg17 : memref<!tpu.dma_semaphore, #tpu.memory_space<semaphore_mem>>) {add = true}
      %dma_start3A_150 = arith.constant 2 : i32
      %dma_start3A_151 = arith.constant 0 : i32
      %dma_start3A_152 = tpu.memref_slice %arg10[%dma_start3A_150, %dma_start3A_151] : memref<8x128xi32, #tpu.memory_space<vmem>> -> memref<1x128xi32, #tpu.memory_space<vmem>>
      %dma_start3A_153 = tpu.memref_squeeze %dma_start3A_152 : memref<1x128xi32, #tpu.memory_space<vmem>> -> memref<128xi32, #tpu.memory_space<vmem>>
      %dma_start3A_154 = arith.constant 0 : i32
      %dma_start3A_155 = arith.constant 0 : i32
      %dma_start3A_156 = tpu.memref_slice %arg14[%dma_start3A_154, %dma_start3A_155] : memref<10240x128xf32, #tpu.memory_space<vmem_shared>> -> memref<10240x128xf32, #tpu.memory_space<vmem_shared>>
      tpu.enqueue_indirect_dma source(%arg11 : memref<128x128xf32, #tpu.memory_space<vmem>>) target(%dma_start3A_156 : memref<10240x128xf32, #tpu.memory_space<vmem_shared>>) offsets(%dma_start3A_153 : memref<128xi32, #tpu.memory_space<vmem>>) semaphore(%arg17 : memref<!tpu.dma_semaphore, #tpu.memory_space<semaphore_mem>>) {add = true}
      %dma_start3A_157 = arith.constant 2 : i32
      %dma_start3A_158 = arith.constant 0 : i32
      %dma_start3A_159 = tpu.memref_slice %arg9[%dma_start3A_157, %dma_start3A_158] : memref<8x128xi32, #tpu.memory_space<vmem>> -> memref<1x128xi32, #tpu.memory_space<vmem>>
      %dma_start3A_160 = tpu.memref_squeeze %dma_start3A_159 : memref<1x128xi32, #tpu.memory_space<vmem>> -> memref<128xi32, #tpu.memory_space<vmem>>
      %dma_start3A_161 = arith.constant 0 : i32
      %dma_start3A_162 = arith.constant 0 : i32
      %dma_start3A_163 = tpu.memref_slice %arg14[%dma_start3A_161, %dma_start3A_162] : memref<10240x128xf32, #tpu.memory_space<vmem_shared>> -> memref<10240x128xf32, #tpu.memory_space<vmem_shared>>
      tpu.enqueue_indirect_dma source(%arg11 : memref<128x128xf32, #tpu.memory_space<vmem>>) target(%dma_start3A_163 : memref<10240x128xf32, #tpu.memory_space<vmem_shared>>) offsets(%dma_start3A_160 : memref<128xi32, #tpu.memory_space<vmem>>) semaphore(%arg17 : memref<!tpu.dma_semaphore, #tpu.memory_space<semaphore_mem>>) {add = true}
      %dma_start3A_164 = arith.constant 3 : i32
      %dma_start3A_165 = arith.constant 0 : i32
      %dma_start3A_166 = tpu.memref_slice %arg10[%dma_start3A_164, %dma_start3A_165] : memref<8x128xi32, #tpu.memory_space<vmem>> -> memref<1x128xi32, #tpu.memory_space<vmem>>
      %dma_start3A_167 = tpu.memref_squeeze %dma_start3A_166 : memref<1x128xi32, #tpu.memory_space<vmem>> -> memref<128xi32, #tpu.memory_space<vmem>>
      %dma_start3A_168 = arith.constant 0 : i32
      %dma_start3A_169 = arith.constant 0 : i32
      %dma_start3A_170 = tpu.memref_slice %arg14[%dma_start3A_168, %dma_start3A_169] : memref<10240x128xf32, #tpu.memory_space<vmem_shared>> -> memref<10240x128xf32, #tpu.memory_space<vmem_shared>>
      tpu.enqueue_indirect_dma source(%arg11 : memref<128x128xf32, #tpu.memory_space<vmem>>) target(%dma_start3A_170 : memref<10240x128xf32, #tpu.memory_space<vmem_shared>>) offsets(%dma_start3A_167 : memref<128xi32, #tpu.memory_space<vmem>>) semaphore(%arg17 : memref<!tpu.dma_semaphore, #tpu.memory_space<semaphore_mem>>) {add = true}
      %dma_start3A_171 = arith.constant 3 : i32
      %dma_start3A_172 = arith.constant 0 : i32
      %dma_start3A_173 = tpu.memref_slice %arg9[%dma_start3A_171, %dma_start3A_172] : memref<8x128xi32, #tpu.memory_space<vmem>> -> memref<1x128xi32, #tpu.memory_space<vmem>>
      %dma_start3A_174 = tpu.memref_squeeze %dma_start3A_173 : memref<1x128xi32, #tpu.memory_space<vmem>> -> memref<128xi32, #tpu.memory_space<vmem>>
      %dma_start3A_175 = arith.constant 0 : i32
      %dma_start3A_176 = arith.constant 0 : i32
      %dma_start3A_177 = tpu.memref_slice %arg14[%dma_start3A_175, %dma_start3A_176] : memref<10240x128xf32, #tpu.memory_space<vmem_shared>> -> memref<10240x128xf32, #tpu.memory_space<vmem_shared>>
      tpu.enqueue_indirect_dma source(%arg11 : memref<128x128xf32, #tpu.memory_space<vmem>>) target(%dma_start3A_177 : memref<10240x128xf32, #tpu.memory_space<vmem_shared>>) offsets(%dma_start3A_174 : memref<128xi32, #tpu.memory_space<vmem>>) semaphore(%arg17 : memref<!tpu.dma_semaphore, #tpu.memory_space<semaphore_mem>>) {add = true}
      %dma_start3A_178 = arith.constant 4 : i32
      %dma_start3A_179 = arith.constant 0 : i32
      %dma_start3A_180 = tpu.memref_slice %arg10[%dma_start3A_178, %dma_start3A_179] : memref<8x128xi32, #tpu.memory_space<vmem>> -> memref<1x128xi32, #tpu.memory_space<vmem>>
      %dma_start3A_181 = tpu.memref_squeeze %dma_start3A_180 : memref<1x128xi32, #tpu.memory_space<vmem>> -> memref<128xi32, #tpu.memory_space<vmem>>
      %dma_start3A_182 = arith.constant 0 : i32
      %dma_start3A_183 = arith.constant 0 : i32
      %dma_start3A_184 = tpu.memref_slice %arg14[%dma_start3A_182, %dma_start3A_183] : memref<10240x128xf32, #tpu.memory_space<vmem_shared>> -> memref<10240x128xf32, #tpu.memory_space<vmem_shared>>
      tpu.enqueue_indirect_dma source(%arg11 : memref<128x128xf32, #tpu.memory_space<vmem>>) target(%dma_start3A_184 : memref<10240x128xf32, #tpu.memory_space<vmem_shared>>) offsets(%dma_start3A_181 : memref<128xi32, #tpu.memory_space<vmem>>) semaphore(%arg17 : memref<!tpu.dma_semaphore, #tpu.memory_space<semaphore_mem>>) {add = true}
      %dma_start3A_185 = arith.constant 4 : i32
      %dma_start3A_186 = arith.constant 0 : i32
      %dma_start3A_187 = tpu.memref_slice %arg9[%dma_start3A_185, %dma_start3A_186] : memref<8x128xi32, #tpu.memory_space<vmem>> -> memref<1x128xi32, #tpu.memory_space<vmem>>
      %dma_start3A_188 = tpu.memref_squeeze %dma_start3A_187 : memref<1x128xi32, #tpu.memory_space<vmem>> -> memref<128xi32, #tpu.memory_space<vmem>>
      %dma_start3A_189 = arith.constant 0 : i32
      %dma_start3A_190 = arith.constant 0 : i32
      %dma_start3A_191 = tpu.memref_slice %arg14[%dma_start3A_189, %dma_start3A_190] : memref<10240x128xf32, #tpu.memory_space<vmem_shared>> -> memref<10240x128xf32, #tpu.memory_space<vmem_shared>>
      tpu.enqueue_indirect_dma source(%arg11 : memref<128x128xf32, #tpu.memory_space<vmem>>) target(%dma_start3A_191 : memref<10240x128xf32, #tpu.memory_space<vmem_shared>>) offsets(%dma_start3A_188 : memref<128xi32, #tpu.memory_space<vmem>>) semaphore(%arg17 : memref<!tpu.dma_semaphore, #tpu.memory_space<semaphore_mem>>) {add = true}
      %dma_start3A_192 = arith.constant 5 : i32
      %dma_start3A_193 = arith.constant 0 : i32
      %dma_start3A_194 = tpu.memref_slice %arg10[%dma_start3A_192, %dma_start3A_193] : memref<8x128xi32, #tpu.memory_space<vmem>> -> memref<1x128xi32, #tpu.memory_space<vmem>>
      %dma_start3A_195 = tpu.memref_squeeze %dma_start3A_194 : memref<1x128xi32, #tpu.memory_space<vmem>> -> memref<128xi32, #tpu.memory_space<vmem>>
      %dma_start3A_196 = arith.constant 0 : i32
      %dma_start3A_197 = arith.constant 0 : i32
      %dma_start3A_198 = tpu.memref_slice %arg14[%dma_start3A_196, %dma_start3A_197] : memref<10240x128xf32, #tpu.memory_space<vmem_shared>> -> memref<10240x128xf32, #tpu.memory_space<vmem_shared>>
      tpu.enqueue_indirect_dma source(%arg11 : memref<128x128xf32, #tpu.memory_space<vmem>>) target(%dma_start3A_198 : memref<10240x128xf32, #tpu.memory_space<vmem_shared>>) offsets(%dma_start3A_195 : memref<128xi32, #tpu.memory_space<vmem>>) semaphore(%arg17 : memref<!tpu.dma_semaphore, #tpu.memory_space<semaphore_mem>>) {add = true}
      %dma_start3A_199 = arith.constant 5 : i32
      %dma_start3A_200 = arith.constant 0 : i32
      %dma_start3A_201 = tpu.memref_slice %arg9[%dma_start3A_199, %dma_start3A_200] : memref<8x128xi32, #tpu.memory_space<vmem>> -> memref<1x128xi32, #tpu.memory_space<vmem>>
      %dma_start3A_202 = tpu.memref_squeeze %dma_start3A_201 : memref<1x128xi32, #tpu.memory_space<vmem>> -> memref<128xi32, #tpu.memory_space<vmem>>
      %dma_start3A_203 = arith.constant 0 : i32
      %dma_start3A_204 = arith.constant 0 : i32
      %dma_start3A_205 = tpu.memref_slice %arg14[%dma_start3A_203, %dma_start3A_204] : memref<10240x128xf32, #tpu.memory_space<vmem_shared>> -> memref<10240x128xf32, #tpu.memory_space<vmem_shared>>
      tpu.enqueue_indirect_dma source(%arg11 : memref<128x128xf32, #tpu.memory_space<vmem>>) target(%dma_start3A_205 : memref<10240x128xf32, #tpu.memory_space<vmem_shared>>) offsets(%dma_start3A_202 : memref<128xi32, #tpu.memory_space<vmem>>) semaphore(%arg17 : memref<!tpu.dma_semaphore, #tpu.memory_space<semaphore_mem>>) {add = true}
      %dma_start3A_206 = arith.constant 6 : i32
      %dma_start3A_207 = arith.constant 0 : i32
      %dma_start3A_208 = tpu.memref_slice %arg10[%dma_start3A_206, %dma_start3A_207] : memref<8x128xi32, #tpu.memory_space<vmem>> -> memref<1x128xi32, #tpu.memory_space<vmem>>
      %dma_start3A_209 = tpu.memref_squeeze %dma_start3A_208 : memref<1x128xi32, #tpu.memory_space<vmem>> -> memref<128xi32, #tpu.memory_space<vmem>>
      %dma_start3A_210 = arith.constant 0 : i32
      %dma_start3A_211 = arith.constant 0 : i32
      %dma_start3A_212 = tpu.memref_slice %arg14[%dma_start3A_210, %dma_start3A_211] : memref<10240x128xf32, #tpu.memory_space<vmem_shared>> -> memref<10240x128xf32, #tpu.memory_space<vmem_shared>>
      tpu.enqueue_indirect_dma source(%arg11 : memref<128x128xf32, #tpu.memory_space<vmem>>) target(%dma_start3A_212 : memref<10240x128xf32, #tpu.memory_space<vmem_shared>>) offsets(%dma_start3A_209 : memref<128xi32, #tpu.memory_space<vmem>>) semaphore(%arg17 : memref<!tpu.dma_semaphore, #tpu.memory_space<semaphore_mem>>) {add = true}
      %dma_start3A_213 = arith.constant 6 : i32
      %dma_start3A_214 = arith.constant 0 : i32
      %dma_start3A_215 = tpu.memref_slice %arg9[%dma_start3A_213, %dma_start3A_214] : memref<8x128xi32, #tpu.memory_space<vmem>> -> memref<1x128xi32, #tpu.memory_space<vmem>>
      %dma_start3A_216 = tpu.memref_squeeze %dma_start3A_215 : memref<1x128xi32, #tpu.memory_space<vmem>> -> memref<128xi32, #tpu.memory_space<vmem>>
      %dma_start3A_217 = arith.constant 0 : i32
      %dma_start3A_218 = arith.constant 0 : i32
      %dma_start3A_219 = tpu.memref_slice %arg14[%dma_start3A_217, %dma_start3A_218] : memref<10240x128xf32, #tpu.memory_space<vmem_shared>> -> memref<10240x128xf32, #tpu.memory_space<vmem_shared>>
      tpu.enqueue_indirect_dma source(%arg11 : memref<128x128xf32, #tpu.memory_space<vmem>>) target(%dma_start3A_219 : memref<10240x128xf32, #tpu.memory_space<vmem_shared>>) offsets(%dma_start3A_216 : memref<128xi32, #tpu.memory_space<vmem>>) semaphore(%arg17 : memref<!tpu.dma_semaphore, #tpu.memory_space<semaphore_mem>>) {add = true}
      %dma_start3A_220 = arith.constant 7 : i32
      %dma_start3A_221 = arith.constant 0 : i32
      %dma_start3A_222 = tpu.memref_slice %arg10[%dma_start3A_220, %dma_start3A_221] : memref<8x128xi32, #tpu.memory_space<vmem>> -> memref<1x128xi32, #tpu.memory_space<vmem>>
      %dma_start3A_223 = tpu.memref_squeeze %dma_start3A_222 : memref<1x128xi32, #tpu.memory_space<vmem>> -> memref<128xi32, #tpu.memory_space<vmem>>
      %dma_start3A_224 = arith.constant 0 : i32
      %dma_start3A_225 = arith.constant 0 : i32
      %dma_start3A_226 = tpu.memref_slice %arg14[%dma_start3A_224, %dma_start3A_225] : memref<10240x128xf32, #tpu.memory_space<vmem_shared>> -> memref<10240x128xf32, #tpu.memory_space<vmem_shared>>
      tpu.enqueue_indirect_dma source(%arg11 : memref<128x128xf32, #tpu.memory_space<vmem>>) target(%dma_start3A_226 : memref<10240x128xf32, #tpu.memory_space<vmem_shared>>) offsets(%dma_start3A_223 : memref<128xi32, #tpu.memory_space<vmem>>) semaphore(%arg17 : memref<!tpu.dma_semaphore, #tpu.memory_space<semaphore_mem>>) {add = true}
      %dma_start3A_227 = arith.constant 7 : i32
      %dma_start3A_228 = arith.constant 0 : i32
      %dma_start3A_229 = tpu.memref_slice %arg9[%dma_start3A_227, %dma_start3A_228] : memref<8x128xi32, #tpu.memory_space<vmem>> -> memref<1x128xi32, #tpu.memory_space<vmem>>
      %dma_start3A_230 = tpu.memref_squeeze %dma_start3A_229 : memref<1x128xi32, #tpu.memory_space<vmem>> -> memref<128xi32, #tpu.memory_space<vmem>>
      %dma_start3A_231 = arith.constant 0 : i32
      %dma_start3A_232 = arith.constant 0 : i32
      %dma_start3A_233 = tpu.memref_slice %arg14[%dma_start3A_231, %dma_start3A_232] : memref<10240x128xf32, #tpu.memory_space<vmem_shared>> -> memref<10240x128xf32, #tpu.memory_space<vmem_shared>>
      tpu.enqueue_indirect_dma source(%arg11 : memref<128x128xf32, #tpu.memory_space<vmem>>) target(%dma_start3A_233 : memref<10240x128xf32, #tpu.memory_space<vmem_shared>>) offsets(%dma_start3A_230 : memref<128xi32, #tpu.memory_space<vmem>>) semaphore(%arg17 : memref<!tpu.dma_semaphore, #tpu.memory_space<semaphore_mem>>) {add = true}
      %dma_wait3A = arith.constant 0 : i32
      %dma_wait3A_234 = arith.constant 0 : i32
      %dma_wait3A_235 = tpu.memref_slice %arg10[%dma_wait3A, %dma_wait3A_234] : memref<8x128xi32, #tpu.memory_space<vmem>> -> memref<1x128xi32, #tpu.memory_space<vmem>>
      %dma_wait3A_236 = tpu.memref_squeeze %dma_wait3A_235 : memref<1x128xi32, #tpu.memory_space<vmem>> -> memref<128xi32, #tpu.memory_space<vmem>>
      %dma_wait3A_237 = arith.constant 0 : i32
      %dma_wait3A_238 = arith.constant 0 : i32
      %dma_wait3A_239 = tpu.memref_slice %arg14[%dma_wait3A_237, %dma_wait3A_238] : memref<10240x128xf32, #tpu.memory_space<vmem_shared>> -> memref<10240x128xf32, #tpu.memory_space<vmem_shared>>
      tpu.wait_indirect_dma semaphore(%arg17 : memref<!tpu.dma_semaphore, #tpu.memory_space<semaphore_mem>>) src(%arg11 : memref<128x128xf32, #tpu.memory_space<vmem>>) dst(%dma_wait3A_239 : memref<10240x128xf32, #tpu.memory_space<vmem_shared>>)
      %dma_wait3A_240 = arith.constant 0 : i32
      %dma_wait3A_241 = arith.constant 0 : i32
      %dma_wait3A_242 = tpu.memref_slice %arg9[%dma_wait3A_240, %dma_wait3A_241] : memref<8x128xi32, #tpu.memory_space<vmem>> -> memref<1x128xi32, #tpu.memory_space<vmem>>
      %dma_wait3A_243 = tpu.memref_squeeze %dma_wait3A_242 : memref<1x128xi32, #tpu.memory_space<vmem>> -> memref<128xi32, #tpu.memory_space<vmem>>
      %dma_wait3A_244 = arith.constant 0 : i32
      %dma_wait3A_245 = arith.constant 0 : i32
      %dma_wait3A_246 = tpu.memref_slice %arg14[%dma_wait3A_244, %dma_wait3A_245] : memref<10240x128xf32, #tpu.memory_space<vmem_shared>> -> memref<10240x128xf32, #tpu.memory_space<vmem_shared>>
      tpu.wait_indirect_dma semaphore(%arg17 : memref<!tpu.dma_semaphore, #tpu.memory_space<semaphore_mem>>) src(%arg11 : memref<128x128xf32, #tpu.memory_space<vmem>>) dst(%dma_wait3A_246 : memref<10240x128xf32, #tpu.memory_space<vmem_shared>>)
      %dma_wait3A_247 = arith.constant 1 : i32
      %dma_wait3A_248 = arith.constant 0 : i32
      %dma_wait3A_249 = tpu.memref_slice %arg10[%dma_wait3A_247, %dma_wait3A_248] : memref<8x128xi32, #tpu.memory_space<vmem>> -> memref<1x128xi32, #tpu.memory_space<vmem>>
      %dma_wait3A_250 = tpu.memref_squeeze %dma_wait3A_249 : memref<1x128xi32, #tpu.memory_space<vmem>> -> memref<128xi32, #tpu.memory_space<vmem>>
      %dma_wait3A_251 = arith.constant 0 : i32
      %dma_wait3A_252 = arith.constant 0 : i32
      %dma_wait3A_253 = tpu.memref_slice %arg14[%dma_wait3A_251, %dma_wait3A_252] : memref<10240x128xf32, #tpu.memory_space<vmem_shared>> -> memref<10240x128xf32, #tpu.memory_space<vmem_shared>>
      tpu.wait_indirect_dma semaphore(%arg17 : memref<!tpu.dma_semaphore, #tpu.memory_space<semaphore_mem>>) src(%arg11 : memref<128x128xf32, #tpu.memory_space<vmem>>) dst(%dma_wait3A_253 : memref<10240x128xf32, #tpu.memory_space<vmem_shared>>)
      %dma_wait3A_254 = arith.constant 1 : i32
      %dma_wait3A_255 = arith.constant 0 : i32
      %dma_wait3A_256 = tpu.memref_slice %arg9[%dma_wait3A_254, %dma_wait3A_255] : memref<8x128xi32, #tpu.memory_space<vmem>> -> memref<1x128xi32, #tpu.memory_space<vmem>>
      %dma_wait3A_257 = tpu.memref_squeeze %dma_wait3A_256 : memref<1x128xi32, #tpu.memory_space<vmem>> -> memref<128xi32, #tpu.memory_space<vmem>>
      %dma_wait3A_258 = arith.constant 0 : i32
      %dma_wait3A_259 = arith.constant 0 : i32
      %dma_wait3A_260 = tpu.memref_slice %arg14[%dma_wait3A_258, %dma_wait3A_259] : memref<10240x128xf32, #tpu.memory_space<vmem_shared>> -> memref<10240x128xf32, #tpu.memory_space<vmem_shared>>
      tpu.wait_indirect_dma semaphore(%arg17 : memref<!tpu.dma_semaphore, #tpu.memory_space<semaphore_mem>>) src(%arg11 : memref<128x128xf32, #tpu.memory_space<vmem>>) dst(%dma_wait3A_260 : memref<10240x128xf32, #tpu.memory_space<vmem_shared>>)
      %dma_wait3A_261 = arith.constant 2 : i32
      %dma_wait3A_262 = arith.constant 0 : i32
      %dma_wait3A_263 = tpu.memref_slice %arg10[%dma_wait3A_261, %dma_wait3A_262] : memref<8x128xi32, #tpu.memory_space<vmem>> -> memref<1x128xi32, #tpu.memory_space<vmem>>
      %dma_wait3A_264 = tpu.memref_squeeze %dma_wait3A_263 : memref<1x128xi32, #tpu.memory_space<vmem>> -> memref<128xi32, #tpu.memory_space<vmem>>
      %dma_wait3A_265 = arith.constant 0 : i32
      %dma_wait3A_266 = arith.constant 0 : i32
      %dma_wait3A_267 = tpu.memref_slice %arg14[%dma_wait3A_265, %dma_wait3A_266] : memref<10240x128xf32, #tpu.memory_space<vmem_shared>> -> memref<10240x128xf32, #tpu.memory_space<vmem_shared>>
      tpu.wait_indirect_dma semaphore(%arg17 : memref<!tpu.dma_semaphore, #tpu.memory_space<semaphore_mem>>) src(%arg11 : memref<128x128xf32, #tpu.memory_space<vmem>>) dst(%dma_wait3A_267 : memref<10240x128xf32, #tpu.memory_space<vmem_shared>>)
      %dma_wait3A_268 = arith.constant 2 : i32
      %dma_wait3A_269 = arith.constant 0 : i32
      %dma_wait3A_270 = tpu.memref_slice %arg9[%dma_wait3A_268, %dma_wait3A_269] : memref<8x128xi32, #tpu.memory_space<vmem>> -> memref<1x128xi32, #tpu.memory_space<vmem>>
      %dma_wait3A_271 = tpu.memref_squeeze %dma_wait3A_270 : memref<1x128xi32, #tpu.memory_space<vmem>> -> memref<128xi32, #tpu.memory_space<vmem>>
      %dma_wait3A_272 = arith.constant 0 : i32
      %dma_wait3A_273 = arith.constant 0 : i32
      %dma_wait3A_274 = tpu.memref_slice %arg14[%dma_wait3A_272, %dma_wait3A_273] : memref<10240x128xf32, #tpu.memory_space<vmem_shared>> -> memref<10240x128xf32, #tpu.memory_space<vmem_shared>>
      tpu.wait_indirect_dma semaphore(%arg17 : memref<!tpu.dma_semaphore, #tpu.memory_space<semaphore_mem>>) src(%arg11 : memref<128x128xf32, #tpu.memory_space<vmem>>) dst(%dma_wait3A_274 : memref<10240x128xf32, #tpu.memory_space<vmem_shared>>)
      %dma_wait3A_275 = arith.constant 3 : i32
      %dma_wait3A_276 = arith.constant 0 : i32
      %dma_wait3A_277 = tpu.memref_slice %arg10[%dma_wait3A_275, %dma_wait3A_276] : memref<8x128xi32, #tpu.memory_space<vmem>> -> memref<1x128xi32, #tpu.memory_space<vmem>>
      %dma_wait3A_278 = tpu.memref_squeeze %dma_wait3A_277 : memref<1x128xi32, #tpu.memory_space<vmem>> -> memref<128xi32, #tpu.memory_space<vmem>>
      %dma_wait3A_279 = arith.constant 0 : i32
      %dma_wait3A_280 = arith.constant 0 : i32
      %dma_wait3A_281 = tpu.memref_slice %arg14[%dma_wait3A_279, %dma_wait3A_280] : memref<10240x128xf32, #tpu.memory_space<vmem_shared>> -> memref<10240x128xf32, #tpu.memory_space<vmem_shared>>
      tpu.wait_indirect_dma semaphore(%arg17 : memref<!tpu.dma_semaphore, #tpu.memory_space<semaphore_mem>>) src(%arg11 : memref<128x128xf32, #tpu.memory_space<vmem>>) dst(%dma_wait3A_281 : memref<10240x128xf32, #tpu.memory_space<vmem_shared>>)
      %dma_wait3A_282 = arith.constant 3 : i32
      %dma_wait3A_283 = arith.constant 0 : i32
      %dma_wait3A_284 = tpu.memref_slice %arg9[%dma_wait3A_282, %dma_wait3A_283] : memref<8x128xi32, #tpu.memory_space<vmem>> -> memref<1x128xi32, #tpu.memory_space<vmem>>
      %dma_wait3A_285 = tpu.memref_squeeze %dma_wait3A_284 : memref<1x128xi32, #tpu.memory_space<vmem>> -> memref<128xi32, #tpu.memory_space<vmem>>
      %dma_wait3A_286 = arith.constant 0 : i32
      %dma_wait3A_287 = arith.constant 0 : i32
      %dma_wait3A_288 = tpu.memref_slice %arg14[%dma_wait3A_286, %dma_wait3A_287] : memref<10240x128xf32, #tpu.memory_space<vmem_shared>> -> memref<10240x128xf32, #tpu.memory_space<vmem_shared>>
      tpu.wait_indirect_dma semaphore(%arg17 : memref<!tpu.dma_semaphore, #tpu.memory_space<semaphore_mem>>) src(%arg11 : memref<128x128xf32, #tpu.memory_space<vmem>>) dst(%dma_wait3A_288 : memref<10240x128xf32, #tpu.memory_space<vmem_shared>>)
      %dma_wait3A_289 = arith.constant 4 : i32
      %dma_wait3A_290 = arith.constant 0 : i32
      %dma_wait3A_291 = tpu.memref_slice %arg10[%dma_wait3A_289, %dma_wait3A_290] : memref<8x128xi32, #tpu.memory_space<vmem>> -> memref<1x128xi32, #tpu.memory_space<vmem>>
      %dma_wait3A_292 = tpu.memref_squeeze %dma_wait3A_291 : memref<1x128xi32, #tpu.memory_space<vmem>> -> memref<128xi32, #tpu.memory_space<vmem>>
      %dma_wait3A_293 = arith.constant 0 : i32
      %dma_wait3A_294 = arith.constant 0 : i32
      %dma_wait3A_295 = tpu.memref_slice %arg14[%dma_wait3A_293, %dma_wait3A_294] : memref<10240x128xf32, #tpu.memory_space<vmem_shared>> -> memref<10240x128xf32, #tpu.memory_space<vmem_shared>>
      tpu.wait_indirect_dma semaphore(%arg17 : memref<!tpu.dma_semaphore, #tpu.memory_space<semaphore_mem>>) src(%arg11 : memref<128x128xf32, #tpu.memory_space<vmem>>) dst(%dma_wait3A_295 : memref<10240x128xf32, #tpu.memory_space<vmem_shared>>)
      %dma_wait3A_296 = arith.constant 4 : i32
      %dma_wait3A_297 = arith.constant 0 : i32
      %dma_wait3A_298 = tpu.memref_slice %arg9[%dma_wait3A_296, %dma_wait3A_297] : memref<8x128xi32, #tpu.memory_space<vmem>> -> memref<1x128xi32, #tpu.memory_space<vmem>>
      %dma_wait3A_299 = tpu.memref_squeeze %dma_wait3A_298 : memref<1x128xi32, #tpu.memory_space<vmem>> -> memref<128xi32, #tpu.memory_space<vmem>>
      %dma_wait3A_300 = arith.constant 0 : i32
      %dma_wait3A_301 = arith.constant 0 : i32
      %dma_wait3A_302 = tpu.memref_slice %arg14[%dma_wait3A_300, %dma_wait3A_301] : memref<10240x128xf32, #tpu.memory_space<vmem_shared>> -> memref<10240x128xf32, #tpu.memory_space<vmem_shared>>
      tpu.wait_indirect_dma semaphore(%arg17 : memref<!tpu.dma_semaphore, #tpu.memory_space<semaphore_mem>>) src(%arg11 : memref<128x128xf32, #tpu.memory_space<vmem>>) dst(%dma_wait3A_302 : memref<10240x128xf32, #tpu.memory_space<vmem_shared>>)
      %dma_wait3A_303 = arith.constant 5 : i32
      %dma_wait3A_304 = arith.constant 0 : i32
      %dma_wait3A_305 = tpu.memref_slice %arg10[%dma_wait3A_303, %dma_wait3A_304] : memref<8x128xi32, #tpu.memory_space<vmem>> -> memref<1x128xi32, #tpu.memory_space<vmem>>
      %dma_wait3A_306 = tpu.memref_squeeze %dma_wait3A_305 : memref<1x128xi32, #tpu.memory_space<vmem>> -> memref<128xi32, #tpu.memory_space<vmem>>
      %dma_wait3A_307 = arith.constant 0 : i32
      %dma_wait3A_308 = arith.constant 0 : i32
      %dma_wait3A_309 = tpu.memref_slice %arg14[%dma_wait3A_307, %dma_wait3A_308] : memref<10240x128xf32, #tpu.memory_space<vmem_shared>> -> memref<10240x128xf32, #tpu.memory_space<vmem_shared>>
      tpu.wait_indirect_dma semaphore(%arg17 : memref<!tpu.dma_semaphore, #tpu.memory_space<semaphore_mem>>) src(%arg11 : memref<128x128xf32, #tpu.memory_space<vmem>>) dst(%dma_wait3A_309 : memref<10240x128xf32, #tpu.memory_space<vmem_shared>>)
      %dma_wait3A_310 = arith.constant 5 : i32
      %dma_wait3A_311 = arith.constant 0 : i32
      %dma_wait3A_312 = tpu.memref_slice %arg9[%dma_wait3A_310, %dma_wait3A_311] : memref<8x128xi32, #tpu.memory_space<vmem>> -> memref<1x128xi32, #tpu.memory_space<vmem>>
      %dma_wait3A_313 = tpu.memref_squeeze %dma_wait3A_312 : memref<1x128xi32, #tpu.memory_space<vmem>> -> memref<128xi32, #tpu.memory_space<vmem>>
      %dma_wait3A_314 = arith.constant 0 : i32
      %dma_wait3A_315 = arith.constant 0 : i32
      %dma_wait3A_316 = tpu.memref_slice %arg14[%dma_wait3A_314, %dma_wait3A_315] : memref<10240x128xf32, #tpu.memory_space<vmem_shared>> -> memref<10240x128xf32, #tpu.memory_space<vmem_shared>>
      tpu.wait_indirect_dma semaphore(%arg17 : memref<!tpu.dma_semaphore, #tpu.memory_space<semaphore_mem>>) src(%arg11 : memref<128x128xf32, #tpu.memory_space<vmem>>) dst(%dma_wait3A_316 : memref<10240x128xf32, #tpu.memory_space<vmem_shared>>)
      %dma_wait3A_317 = arith.constant 6 : i32
      %dma_wait3A_318 = arith.constant 0 : i32
      %dma_wait3A_319 = tpu.memref_slice %arg10[%dma_wait3A_317, %dma_wait3A_318] : memref<8x128xi32, #tpu.memory_space<vmem>> -> memref<1x128xi32, #tpu.memory_space<vmem>>
      %dma_wait3A_320 = tpu.memref_squeeze %dma_wait3A_319 : memref<1x128xi32, #tpu.memory_space<vmem>> -> memref<128xi32, #tpu.memory_space<vmem>>
      %dma_wait3A_321 = arith.constant 0 : i32
      %dma_wait3A_322 = arith.constant 0 : i32
      %dma_wait3A_323 = tpu.memref_slice %arg14[%dma_wait3A_321, %dma_wait3A_322] : memref<10240x128xf32, #tpu.memory_space<vmem_shared>> -> memref<10240x128xf32, #tpu.memory_space<vmem_shared>>
      tpu.wait_indirect_dma semaphore(%arg17 : memref<!tpu.dma_semaphore, #tpu.memory_space<semaphore_mem>>) src(%arg11 : memref<128x128xf32, #tpu.memory_space<vmem>>) dst(%dma_wait3A_323 : memref<10240x128xf32, #tpu.memory_space<vmem_shared>>)
      %dma_wait3A_324 = arith.constant 6 : i32
      %dma_wait3A_325 = arith.constant 0 : i32
      %dma_wait3A_326 = tpu.memref_slice %arg9[%dma_wait3A_324, %dma_wait3A_325] : memref<8x128xi32, #tpu.memory_space<vmem>> -> memref<1x128xi32, #tpu.memory_space<vmem>>
      %dma_wait3A_327 = tpu.memref_squeeze %dma_wait3A_326 : memref<1x128xi32, #tpu.memory_space<vmem>> -> memref<128xi32, #tpu.memory_space<vmem>>
      %dma_wait3A_328 = arith.constant 0 : i32
      %dma_wait3A_329 = arith.constant 0 : i32
      %dma_wait3A_330 = tpu.memref_slice %arg14[%dma_wait3A_328, %dma_wait3A_329] : memref<10240x128xf32, #tpu.memory_space<vmem_shared>> -> memref<10240x128xf32, #tpu.memory_space<vmem_shared>>
      tpu.wait_indirect_dma semaphore(%arg17 : memref<!tpu.dma_semaphore, #tpu.memory_space<semaphore_mem>>) src(%arg11 : memref<128x128xf32, #tpu.memory_space<vmem>>) dst(%dma_wait3A_330 : memref<10240x128xf32, #tpu.memory_space<vmem_shared>>)
      %dma_wait3A_331 = arith.constant 7 : i32
      %dma_wait3A_332 = arith.constant 0 : i32
      %dma_wait3A_333 = tpu.memref_slice %arg10[%dma_wait3A_331, %dma_wait3A_332] : memref<8x128xi32, #tpu.memory_space<vmem>> -> memref<1x128xi32, #tpu.memory_space<vmem>>
      %dma_wait3A_334 = tpu.memref_squeeze %dma_wait3A_333 : memref<1x128xi32, #tpu.memory_space<vmem>> -> memref<128xi32, #tpu.memory_space<vmem>>
      %dma_wait3A_335 = arith.constant 0 : i32
      %dma_wait3A_336 = arith.constant 0 : i32
      %dma_wait3A_337 = tpu.memref_slice %arg14[%dma_wait3A_335, %dma_wait3A_336] : memref<10240x128xf32, #tpu.memory_space<vmem_shared>> -> memref<10240x128xf32, #tpu.memory_space<vmem_shared>>
      tpu.wait_indirect_dma semaphore(%arg17 : memref<!tpu.dma_semaphore, #tpu.memory_space<semaphore_mem>>) src(%arg11 : memref<128x128xf32, #tpu.memory_space<vmem>>) dst(%dma_wait3A_337 : memref<10240x128xf32, #tpu.memory_space<vmem_shared>>)
      %dma_wait3A_338 = arith.constant 7 : i32
      %dma_wait3A_339 = arith.constant 0 : i32
      %dma_wait3A_340 = tpu.memref_slice %arg9[%dma_wait3A_338, %dma_wait3A_339] : memref<8x128xi32, #tpu.memory_space<vmem>> -> memref<1x128xi32, #tpu.memory_space<vmem>>
      %dma_wait3A_341 = tpu.memref_squeeze %dma_wait3A_340 : memref<1x128xi32, #tpu.memory_space<vmem>> -> memref<128xi32, #tpu.memory_space<vmem>>
      %dma_wait3A_342 = arith.constant 0 : i32
      %dma_wait3A_343 = arith.constant 0 : i32
      %dma_wait3A_344 = tpu.memref_slice %arg14[%dma_wait3A_342, %dma_wait3A_343] : memref<10240x128xf32, #tpu.memory_space<vmem_shared>> -> memref<10240x128xf32, #tpu.memory_space<vmem_shared>>
      tpu.wait_indirect_dma semaphore(%arg17 : memref<!tpu.dma_semaphore, #tpu.memory_space<semaphore_mem>>) src(%arg11 : memref<128x128xf32, #tpu.memory_space<vmem>>) dst(%dma_wait3A_344 : memref<10240x128xf32, #tpu.memory_space<vmem_shared>>)
    }
    %barrier3A_114 = arith.constant 0 : index
    tpu.barrier barrier_id(%barrier3A_114)
    %mul3A_115 = arith.constant 640 : i32
    %mul3A_116 = arith.muli %arg1, %mul3A_115 : i32
    %mul3A_117 = arith.constant 640 : i32
    %mul3A_118 = arith.muli %arg1, %mul3A_117 : i32
    "tpu.region"() ({
      %run_scoped3A = tpu.sem_alloc : memref<!tpu.dma_semaphore, #tpu.memory_space<semaphore_mem>>
      %dma_start3A = arith.constant 0 : i32
      %dma_start3A_119 = tpu.memref_slice %arg8[%arg0, %mul3A_118, %dma_start3A] : memref<2x10240x128xf32, #tpu.memory_space<hbm>> -> memref<1x640x128xf32, #tpu.memory_space<hbm>>
      %dma_start3A_120 = tpu.memref_squeeze %dma_start3A_119 : memref<1x640x128xf32, #tpu.memory_space<hbm>> -> memref<640x128xf32, #tpu.memory_space<hbm>>
      %dma_start3A_121 = arith.constant 0 : i32
      %dma_start3A_122 = tpu.memref_slice %arg14[%mul3A_116, %dma_start3A_121] : memref<10240x128xf32, #tpu.memory_space<vmem_shared>> -> memref<640x128xf32, #tpu.memory_space<vmem_shared>>
      tpu.enqueue_dma source(%dma_start3A_122 : memref<640x128xf32, #tpu.memory_space<vmem_shared>>) target(%dma_start3A_120 : memref<640x128xf32, #tpu.memory_space<hbm>>) target_semaphore(%run_scoped3A : memref<!tpu.dma_semaphore, #tpu.memory_space<semaphore_mem>>)
      %dma_wait3A = arith.constant 0 : i32
      %dma_wait3A_123 = tpu.memref_slice %arg8[%arg0, %mul3A_118, %dma_wait3A] : memref<2x10240x128xf32, #tpu.memory_space<hbm>> -> memref<1x640x128xf32, #tpu.memory_space<hbm>>
      %dma_wait3A_124 = tpu.memref_squeeze %dma_wait3A_123 : memref<1x640x128xf32, #tpu.memory_space<hbm>> -> memref<640x128xf32, #tpu.memory_space<hbm>>
      %dma_wait3A_125 = arith.constant 0 : i32
      %dma_wait3A_126 = tpu.memref_slice %arg14[%mul3A_116, %dma_wait3A_125] : memref<10240x128xf32, #tpu.memory_space<vmem_shared>> -> memref<640x128xf32, #tpu.memory_space<vmem_shared>>
      tpu.wait_dma2 semaphore(%run_scoped3A : memref<!tpu.dma_semaphore, #tpu.memory_space<semaphore_mem>>) src(%dma_wait3A_126 : memref<640x128xf32, #tpu.memory_space<vmem_shared>>) dst(%dma_wait3A_124 : memref<640x128xf32, #tpu.memory_space<hbm>>)
      tpu.yield
    }) : () -> ()
    return
  }
}

#map = affine_map<(d0, d1) -> (0, 0)>
#map1 = affine_map<(d0, d1) -> (0, 0, 0)>
module attributes {stable_mosaic.version = 14 : i64} {
  func.func @k(%arg0: i32, %arg1: i32, %arg2: memref<10240x128xf32, #tpu.memory_space<hbm>>, %arg3: memref<2560x128xi32, #tpu.memory_space<hbm>>, %arg4: memref<2560x128xi32, #tpu.memory_space<hbm>>, %arg5: memref<64x128xf32, #tpu.memory_space<hbm>>, %arg6: memref<128x128xf32, #tpu.memory_space<hbm>>, %arg7: memref<2x10240x128xf32, #tpu.memory_space<hbm>>, %arg8: memref<8x128xi32, #tpu.memory_space<vmem>>, %arg9: memref<8x128xi32, #tpu.memory_space<vmem>>, %arg10: memref<128x128xf32, #tpu.memory_space<vmem>>, %arg11: memref<128x128xf32, #tpu.memory_space<vmem>>, %arg12: memref<64x128xf32, #tpu.memory_space<vmem>>, %arg13: memref<10240x128xf32, #tpu.memory_space<vmem_shared>>, %arg14: memref<!tpu.dma_semaphore, #tpu.memory_space<semaphore_mem>>, %arg15: memref<!tpu.dma_semaphore, #tpu.memory_space<semaphore_mem>>, %arg16: memref<!tpu.dma_semaphore, #tpu.memory_space<semaphore_mem>>, %arg17: memref<!tpu.dma_semaphore, #tpu.memory_space<semaphore_mem>>) attributes {dimension_semantics = [#tpu.dimension_semantics<core_parallel>, #tpu.dimension_semantics<subcore_parallel>], iteration_bounds = array<i64: 2, 16>, scalar_prefetch = 0 : i64, scratch_operands = 10 : i64, tpu.core_type = #tpu.core_type<sc_vector_subcore>, window_params = [{transform_indices = #map}, {transform_indices = #map}, {transform_indices = #map}, {transform_indices = #map}, {transform_indices = #map}, {transform_indices = #map1}]} {
    %eq3A = arith.constant 0 : i32
    %eq3A_0 = arith.cmpi eq, %arg0, %eq3A : i32
    %mul3A = arith.constant 120 : i32
    %mul3A_1 = arith.muli %arg1, %mul3A : i32
    %mul3A_2 = arith.constant 40 : i32
    %mul3A_3 = arith.muli %arg1, %mul3A_2 : i32
    %add3A = arith.constant 1920 : i32
    %add3A_4 = arith.addi %add3A, %mul3A_3 : i32
    %select_n3A = arith.select %eq3A_0, %mul3A_1, %add3A_4 : i32
    %eq3A_5 = arith.constant 0 : i32
    %eq3A_6 = arith.cmpi eq, %arg0, %eq3A_5 : i32
    %jit3A = arith.constant 15 : i32
    %jit3A_7 = arith.constant 5 : i32
    %select_n3A_8 = arith.select %eq3A_6, %jit3A, %jit3A_7 : i32
    "tpu.region"() ({
      %run_scoped3A = tpu.sem_alloc : memref<!tpu.dma_semaphore, #tpu.memory_space<semaphore_mem>>
      tpu.enqueue_dma source(%arg5 : memref<64x128xf32, #tpu.memory_space<hbm>>) target(%arg12 : memref<64x128xf32, #tpu.memory_space<vmem>>) target_semaphore(%run_scoped3A : memref<!tpu.dma_semaphore, #tpu.memory_space<semaphore_mem>>)
      tpu.wait_dma2 semaphore(%run_scoped3A : memref<!tpu.dma_semaphore, #tpu.memory_space<semaphore_mem>>) src(%arg5 : memref<64x128xf32, #tpu.memory_space<hbm>>) dst(%arg12 : memref<64x128xf32, #tpu.memory_space<vmem>>)
      tpu.yield
    }) : () -> ()
    %mul3A_9 = arith.constant 640 : i32
    %mul3A_10 = arith.muli %arg1, %mul3A_9 : i32
    %add3A_11 = arith.constant 0 : i32
    %add3A_12 = arith.addi %mul3A_10, %add3A_11 : i32
    "tpu.region"() ({
      %run_scoped3A = tpu.sem_alloc : memref<!tpu.dma_semaphore, #tpu.memory_space<semaphore_mem>>
      %dma_start3A = arith.constant 0 : i32
      %dma_start3A_63 = tpu.memref_slice %arg13[%add3A_12, %dma_start3A] : memref<10240x128xf32, #tpu.memory_space<vmem_shared>> -> memref<64x128xf32, #tpu.memory_space<vmem_shared>>
      %dma_start3A_64 = arith.constant 0 : i32
      %dma_start3A_65 = tpu.memref_slice %arg13[%add3A_12, %dma_start3A_64] : memref<10240x128xf32, #tpu.memory_space<vmem_shared>> -> memref<64x128xf32, #tpu.memory_space<vmem_shared>>
      tpu.enqueue_dma source(%arg12 : memref<64x128xf32, #tpu.memory_space<vmem>>) target(%dma_start3A_65 : memref<64x128xf32, #tpu.memory_space<vmem_shared>>) target_semaphore(%run_scoped3A : memref<!tpu.dma_semaphore, #tpu.memory_space<semaphore_mem>>)
      %dma_wait3A = arith.constant 0 : i32
      %dma_wait3A_66 = tpu.memref_slice %arg13[%add3A_12, %dma_wait3A] : memref<10240x128xf32, #tpu.memory_space<vmem_shared>> -> memref<64x128xf32, #tpu.memory_space<vmem_shared>>
      %dma_wait3A_67 = arith.constant 0 : i32
      %dma_wait3A_68 = tpu.memref_slice %arg13[%add3A_12, %dma_wait3A_67] : memref<10240x128xf32, #tpu.memory_space<vmem_shared>> -> memref<64x128xf32, #tpu.memory_space<vmem_shared>>
      tpu.wait_dma2 semaphore(%run_scoped3A : memref<!tpu.dma_semaphore, #tpu.memory_space<semaphore_mem>>) src(%arg12 : memref<64x128xf32, #tpu.memory_space<vmem>>) dst(%dma_wait3A_68 : memref<64x128xf32, #tpu.memory_space<vmem_shared>>)
      tpu.yield
    }) : () -> ()
    %mul3A_13 = arith.constant 640 : i32
    %mul3A_14 = arith.muli %arg1, %mul3A_13 : i32
    %add3A_15 = arith.constant 64 : i32
    %add3A_16 = arith.addi %mul3A_14, %add3A_15 : i32
    "tpu.region"() ({
      %run_scoped3A = tpu.sem_alloc : memref<!tpu.dma_semaphore, #tpu.memory_space<semaphore_mem>>
      %dma_start3A = arith.constant 0 : i32
      %dma_start3A_63 = tpu.memref_slice %arg13[%add3A_16, %dma_start3A] : memref<10240x128xf32, #tpu.memory_space<vmem_shared>> -> memref<64x128xf32, #tpu.memory_space<vmem_shared>>
      %dma_start3A_64 = arith.constant 0 : i32
      %dma_start3A_65 = tpu.memref_slice %arg13[%add3A_16, %dma_start3A_64] : memref<10240x128xf32, #tpu.memory_space<vmem_shared>> -> memref<64x128xf32, #tpu.memory_space<vmem_shared>>
      tpu.enqueue_dma source(%arg12 : memref<64x128xf32, #tpu.memory_space<vmem>>) target(%dma_start3A_65 : memref<64x128xf32, #tpu.memory_space<vmem_shared>>) target_semaphore(%run_scoped3A : memref<!tpu.dma_semaphore, #tpu.memory_space<semaphore_mem>>)
      %dma_wait3A = arith.constant 0 : i32
      %dma_wait3A_66 = tpu.memref_slice %arg13[%add3A_16, %dma_wait3A] : memref<10240x128xf32, #tpu.memory_space<vmem_shared>> -> memref<64x128xf32, #tpu.memory_space<vmem_shared>>
      %dma_wait3A_67 = arith.constant 0 : i32
      %dma_wait3A_68 = tpu.memref_slice %arg13[%add3A_16, %dma_wait3A_67] : memref<10240x128xf32, #tpu.memory_space<vmem_shared>> -> memref<64x128xf32, #tpu.memory_space<vmem_shared>>
      tpu.wait_dma2 semaphore(%run_scoped3A : memref<!tpu.dma_semaphore, #tpu.memory_space<semaphore_mem>>) src(%arg12 : memref<64x128xf32, #tpu.memory_space<vmem>>) dst(%dma_wait3A_68 : memref<64x128xf32, #tpu.memory_space<vmem_shared>>)
      tpu.yield
    }) : () -> ()
    %mul3A_17 = arith.constant 640 : i32
    %mul3A_18 = arith.muli %arg1, %mul3A_17 : i32
    %add3A_19 = arith.constant 128 : i32
    %add3A_20 = arith.addi %mul3A_18, %add3A_19 : i32
    "tpu.region"() ({
      %run_scoped3A = tpu.sem_alloc : memref<!tpu.dma_semaphore, #tpu.memory_space<semaphore_mem>>
      %dma_start3A = arith.constant 0 : i32
      %dma_start3A_63 = tpu.memref_slice %arg13[%add3A_20, %dma_start3A] : memref<10240x128xf32, #tpu.memory_space<vmem_shared>> -> memref<64x128xf32, #tpu.memory_space<vmem_shared>>
      %dma_start3A_64 = arith.constant 0 : i32
      %dma_start3A_65 = tpu.memref_slice %arg13[%add3A_20, %dma_start3A_64] : memref<10240x128xf32, #tpu.memory_space<vmem_shared>> -> memref<64x128xf32, #tpu.memory_space<vmem_shared>>
      tpu.enqueue_dma source(%arg12 : memref<64x128xf32, #tpu.memory_space<vmem>>) target(%dma_start3A_65 : memref<64x128xf32, #tpu.memory_space<vmem_shared>>) target_semaphore(%run_scoped3A : memref<!tpu.dma_semaphore, #tpu.memory_space<semaphore_mem>>)
      %dma_wait3A = arith.constant 0 : i32
      %dma_wait3A_66 = tpu.memref_slice %arg13[%add3A_20, %dma_wait3A] : memref<10240x128xf32, #tpu.memory_space<vmem_shared>> -> memref<64x128xf32, #tpu.memory_space<vmem_shared>>
      %dma_wait3A_67 = arith.constant 0 : i32
      %dma_wait3A_68 = tpu.memref_slice %arg13[%add3A_20, %dma_wait3A_67] : memref<10240x128xf32, #tpu.memory_space<vmem_shared>> -> memref<64x128xf32, #tpu.memory_space<vmem_shared>>
      tpu.wait_dma2 semaphore(%run_scoped3A : memref<!tpu.dma_semaphore, #tpu.memory_space<semaphore_mem>>) src(%arg12 : memref<64x128xf32, #tpu.memory_space<vmem>>) dst(%dma_wait3A_68 : memref<64x128xf32, #tpu.memory_space<vmem_shared>>)
      tpu.yield
    }) : () -> ()
    %mul3A_21 = arith.constant 640 : i32
    %mul3A_22 = arith.muli %arg1, %mul3A_21 : i32
    %add3A_23 = arith.constant 192 : i32
    %add3A_24 = arith.addi %mul3A_22, %add3A_23 : i32
    "tpu.region"() ({
      %run_scoped3A = tpu.sem_alloc : memref<!tpu.dma_semaphore, #tpu.memory_space<semaphore_mem>>
      %dma_start3A = arith.constant 0 : i32
      %dma_start3A_63 = tpu.memref_slice %arg13[%add3A_24, %dma_start3A] : memref<10240x128xf32, #tpu.memory_space<vmem_shared>> -> memref<64x128xf32, #tpu.memory_space<vmem_shared>>
      %dma_start3A_64 = arith.constant 0 : i32
      %dma_start3A_65 = tpu.memref_slice %arg13[%add3A_24, %dma_start3A_64] : memref<10240x128xf32, #tpu.memory_space<vmem_shared>> -> memref<64x128xf32, #tpu.memory_space<vmem_shared>>
      tpu.enqueue_dma source(%arg12 : memref<64x128xf32, #tpu.memory_space<vmem>>) target(%dma_start3A_65 : memref<64x128xf32, #tpu.memory_space<vmem_shared>>) target_semaphore(%run_scoped3A : memref<!tpu.dma_semaphore, #tpu.memory_space<semaphore_mem>>)
      %dma_wait3A = arith.constant 0 : i32
      %dma_wait3A_66 = tpu.memref_slice %arg13[%add3A_24, %dma_wait3A] : memref<10240x128xf32, #tpu.memory_space<vmem_shared>> -> memref<64x128xf32, #tpu.memory_space<vmem_shared>>
      %dma_wait3A_67 = arith.constant 0 : i32
      %dma_wait3A_68 = tpu.memref_slice %arg13[%add3A_24, %dma_wait3A_67] : memref<10240x128xf32, #tpu.memory_space<vmem_shared>> -> memref<64x128xf32, #tpu.memory_space<vmem_shared>>
      tpu.wait_dma2 semaphore(%run_scoped3A : memref<!tpu.dma_semaphore, #tpu.memory_space<semaphore_mem>>) src(%arg12 : memref<64x128xf32, #tpu.memory_space<vmem>>) dst(%dma_wait3A_68 : memref<64x128xf32, #tpu.memory_space<vmem_shared>>)
      tpu.yield
    }) : () -> ()
    %mul3A_25 = arith.constant 640 : i32
    %mul3A_26 = arith.muli %arg1, %mul3A_25 : i32
    %add3A_27 = arith.constant 256 : i32
    %add3A_28 = arith.addi %mul3A_26, %add3A_27 : i32
    "tpu.region"() ({
      %run_scoped3A = tpu.sem_alloc : memref<!tpu.dma_semaphore, #tpu.memory_space<semaphore_mem>>
      %dma_start3A = arith.constant 0 : i32
      %dma_start3A_63 = tpu.memref_slice %arg13[%add3A_28, %dma_start3A] : memref<10240x128xf32, #tpu.memory_space<vmem_shared>> -> memref<64x128xf32, #tpu.memory_space<vmem_shared>>
      %dma_start3A_64 = arith.constant 0 : i32
      %dma_start3A_65 = tpu.memref_slice %arg13[%add3A_28, %dma_start3A_64] : memref<10240x128xf32, #tpu.memory_space<vmem_shared>> -> memref<64x128xf32, #tpu.memory_space<vmem_shared>>
      tpu.enqueue_dma source(%arg12 : memref<64x128xf32, #tpu.memory_space<vmem>>) target(%dma_start3A_65 : memref<64x128xf32, #tpu.memory_space<vmem_shared>>) target_semaphore(%run_scoped3A : memref<!tpu.dma_semaphore, #tpu.memory_space<semaphore_mem>>)
      %dma_wait3A = arith.constant 0 : i32
      %dma_wait3A_66 = tpu.memref_slice %arg13[%add3A_28, %dma_wait3A] : memref<10240x128xf32, #tpu.memory_space<vmem_shared>> -> memref<64x128xf32, #tpu.memory_space<vmem_shared>>
      %dma_wait3A_67 = arith.constant 0 : i32
      %dma_wait3A_68 = tpu.memref_slice %arg13[%add3A_28, %dma_wait3A_67] : memref<10240x128xf32, #tpu.memory_space<vmem_shared>> -> memref<64x128xf32, #tpu.memory_space<vmem_shared>>
      tpu.wait_dma2 semaphore(%run_scoped3A : memref<!tpu.dma_semaphore, #tpu.memory_space<semaphore_mem>>) src(%arg12 : memref<64x128xf32, #tpu.memory_space<vmem>>) dst(%dma_wait3A_68 : memref<64x128xf32, #tpu.memory_space<vmem_shared>>)
      tpu.yield
    }) : () -> ()
    %mul3A_29 = arith.constant 640 : i32
    %mul3A_30 = arith.muli %arg1, %mul3A_29 : i32
    %add3A_31 = arith.constant 320 : i32
    %add3A_32 = arith.addi %mul3A_30, %add3A_31 : i32
    "tpu.region"() ({
      %run_scoped3A = tpu.sem_alloc : memref<!tpu.dma_semaphore, #tpu.memory_space<semaphore_mem>>
      %dma_start3A = arith.constant 0 : i32
      %dma_start3A_63 = tpu.memref_slice %arg13[%add3A_32, %dma_start3A] : memref<10240x128xf32, #tpu.memory_space<vmem_shared>> -> memref<64x128xf32, #tpu.memory_space<vmem_shared>>
      %dma_start3A_64 = arith.constant 0 : i32
      %dma_start3A_65 = tpu.memref_slice %arg13[%add3A_32, %dma_start3A_64] : memref<10240x128xf32, #tpu.memory_space<vmem_shared>> -> memref<64x128xf32, #tpu.memory_space<vmem_shared>>
      tpu.enqueue_dma source(%arg12 : memref<64x128xf32, #tpu.memory_space<vmem>>) target(%dma_start3A_65 : memref<64x128xf32, #tpu.memory_space<vmem_shared>>) target_semaphore(%run_scoped3A : memref<!tpu.dma_semaphore, #tpu.memory_space<semaphore_mem>>)
      %dma_wait3A = arith.constant 0 : i32
      %dma_wait3A_66 = tpu.memref_slice %arg13[%add3A_32, %dma_wait3A] : memref<10240x128xf32, #tpu.memory_space<vmem_shared>> -> memref<64x128xf32, #tpu.memory_space<vmem_shared>>
      %dma_wait3A_67 = arith.constant 0 : i32
      %dma_wait3A_68 = tpu.memref_slice %arg13[%add3A_32, %dma_wait3A_67] : memref<10240x128xf32, #tpu.memory_space<vmem_shared>> -> memref<64x128xf32, #tpu.memory_space<vmem_shared>>
      tpu.wait_dma2 semaphore(%run_scoped3A : memref<!tpu.dma_semaphore, #tpu.memory_space<semaphore_mem>>) src(%arg12 : memref<64x128xf32, #tpu.memory_space<vmem>>) dst(%dma_wait3A_68 : memref<64x128xf32, #tpu.memory_space<vmem_shared>>)
      tpu.yield
    }) : () -> ()
    %mul3A_33 = arith.constant 640 : i32
    %mul3A_34 = arith.muli %arg1, %mul3A_33 : i32
    %add3A_35 = arith.constant 384 : i32
    %add3A_36 = arith.addi %mul3A_34, %add3A_35 : i32
    "tpu.region"() ({
      %run_scoped3A = tpu.sem_alloc : memref<!tpu.dma_semaphore, #tpu.memory_space<semaphore_mem>>
      %dma_start3A = arith.constant 0 : i32
      %dma_start3A_63 = tpu.memref_slice %arg13[%add3A_36, %dma_start3A] : memref<10240x128xf32, #tpu.memory_space<vmem_shared>> -> memref<64x128xf32, #tpu.memory_space<vmem_shared>>
      %dma_start3A_64 = arith.constant 0 : i32
      %dma_start3A_65 = tpu.memref_slice %arg13[%add3A_36, %dma_start3A_64] : memref<10240x128xf32, #tpu.memory_space<vmem_shared>> -> memref<64x128xf32, #tpu.memory_space<vmem_shared>>
      tpu.enqueue_dma source(%arg12 : memref<64x128xf32, #tpu.memory_space<vmem>>) target(%dma_start3A_65 : memref<64x128xf32, #tpu.memory_space<vmem_shared>>) target_semaphore(%run_scoped3A : memref<!tpu.dma_semaphore, #tpu.memory_space<semaphore_mem>>)
      %dma_wait3A = arith.constant 0 : i32
      %dma_wait3A_66 = tpu.memref_slice %arg13[%add3A_36, %dma_wait3A] : memref<10240x128xf32, #tpu.memory_space<vmem_shared>> -> memref<64x128xf32, #tpu.memory_space<vmem_shared>>
      %dma_wait3A_67 = arith.constant 0 : i32
      %dma_wait3A_68 = tpu.memref_slice %arg13[%add3A_36, %dma_wait3A_67] : memref<10240x128xf32, #tpu.memory_space<vmem_shared>> -> memref<64x128xf32, #tpu.memory_space<vmem_shared>>
      tpu.wait_dma2 semaphore(%run_scoped3A : memref<!tpu.dma_semaphore, #tpu.memory_space<semaphore_mem>>) src(%arg12 : memref<64x128xf32, #tpu.memory_space<vmem>>) dst(%dma_wait3A_68 : memref<64x128xf32, #tpu.memory_space<vmem_shared>>)
      tpu.yield
    }) : () -> ()
    %mul3A_37 = arith.constant 640 : i32
    %mul3A_38 = arith.muli %arg1, %mul3A_37 : i32
    %add3A_39 = arith.constant 448 : i32
    %add3A_40 = arith.addi %mul3A_38, %add3A_39 : i32
    "tpu.region"() ({
      %run_scoped3A = tpu.sem_alloc : memref<!tpu.dma_semaphore, #tpu.memory_space<semaphore_mem>>
      %dma_start3A = arith.constant 0 : i32
      %dma_start3A_63 = tpu.memref_slice %arg13[%add3A_40, %dma_start3A] : memref<10240x128xf32, #tpu.memory_space<vmem_shared>> -> memref<64x128xf32, #tpu.memory_space<vmem_shared>>
      %dma_start3A_64 = arith.constant 0 : i32
      %dma_start3A_65 = tpu.memref_slice %arg13[%add3A_40, %dma_start3A_64] : memref<10240x128xf32, #tpu.memory_space<vmem_shared>> -> memref<64x128xf32, #tpu.memory_space<vmem_shared>>
      tpu.enqueue_dma source(%arg12 : memref<64x128xf32, #tpu.memory_space<vmem>>) target(%dma_start3A_65 : memref<64x128xf32, #tpu.memory_space<vmem_shared>>) target_semaphore(%run_scoped3A : memref<!tpu.dma_semaphore, #tpu.memory_space<semaphore_mem>>)
      %dma_wait3A = arith.constant 0 : i32
      %dma_wait3A_66 = tpu.memref_slice %arg13[%add3A_40, %dma_wait3A] : memref<10240x128xf32, #tpu.memory_space<vmem_shared>> -> memref<64x128xf32, #tpu.memory_space<vmem_shared>>
      %dma_wait3A_67 = arith.constant 0 : i32
      %dma_wait3A_68 = tpu.memref_slice %arg13[%add3A_40, %dma_wait3A_67] : memref<10240x128xf32, #tpu.memory_space<vmem_shared>> -> memref<64x128xf32, #tpu.memory_space<vmem_shared>>
      tpu.wait_dma2 semaphore(%run_scoped3A : memref<!tpu.dma_semaphore, #tpu.memory_space<semaphore_mem>>) src(%arg12 : memref<64x128xf32, #tpu.memory_space<vmem>>) dst(%dma_wait3A_68 : memref<64x128xf32, #tpu.memory_space<vmem_shared>>)
      tpu.yield
    }) : () -> ()
    %mul3A_41 = arith.constant 640 : i32
    %mul3A_42 = arith.muli %arg1, %mul3A_41 : i32
    %add3A_43 = arith.constant 512 : i32
    %add3A_44 = arith.addi %mul3A_42, %add3A_43 : i32
    "tpu.region"() ({
      %run_scoped3A = tpu.sem_alloc : memref<!tpu.dma_semaphore, #tpu.memory_space<semaphore_mem>>
      %dma_start3A = arith.constant 0 : i32
      %dma_start3A_63 = tpu.memref_slice %arg13[%add3A_44, %dma_start3A] : memref<10240x128xf32, #tpu.memory_space<vmem_shared>> -> memref<64x128xf32, #tpu.memory_space<vmem_shared>>
      %dma_start3A_64 = arith.constant 0 : i32
      %dma_start3A_65 = tpu.memref_slice %arg13[%add3A_44, %dma_start3A_64] : memref<10240x128xf32, #tpu.memory_space<vmem_shared>> -> memref<64x128xf32, #tpu.memory_space<vmem_shared>>
      tpu.enqueue_dma source(%arg12 : memref<64x128xf32, #tpu.memory_space<vmem>>) target(%dma_start3A_65 : memref<64x128xf32, #tpu.memory_space<vmem_shared>>) target_semaphore(%run_scoped3A : memref<!tpu.dma_semaphore, #tpu.memory_space<semaphore_mem>>)
      %dma_wait3A = arith.constant 0 : i32
      %dma_wait3A_66 = tpu.memref_slice %arg13[%add3A_44, %dma_wait3A] : memref<10240x128xf32, #tpu.memory_space<vmem_shared>> -> memref<64x128xf32, #tpu.memory_space<vmem_shared>>
      %dma_wait3A_67 = arith.constant 0 : i32
      %dma_wait3A_68 = tpu.memref_slice %arg13[%add3A_44, %dma_wait3A_67] : memref<10240x128xf32, #tpu.memory_space<vmem_shared>> -> memref<64x128xf32, #tpu.memory_space<vmem_shared>>
      tpu.wait_dma2 semaphore(%run_scoped3A : memref<!tpu.dma_semaphore, #tpu.memory_space<semaphore_mem>>) src(%arg12 : memref<64x128xf32, #tpu.memory_space<vmem>>) dst(%dma_wait3A_68 : memref<64x128xf32, #tpu.memory_space<vmem_shared>>)
      tpu.yield
    }) : () -> ()
    %mul3A_45 = arith.constant 640 : i32
    %mul3A_46 = arith.muli %arg1, %mul3A_45 : i32
    %add3A_47 = arith.constant 576 : i32
    %add3A_48 = arith.addi %mul3A_46, %add3A_47 : i32
    "tpu.region"() ({
      %run_scoped3A = tpu.sem_alloc : memref<!tpu.dma_semaphore, #tpu.memory_space<semaphore_mem>>
      %dma_start3A = arith.constant 0 : i32
      %dma_start3A_63 = tpu.memref_slice %arg13[%add3A_48, %dma_start3A] : memref<10240x128xf32, #tpu.memory_space<vmem_shared>> -> memref<64x128xf32, #tpu.memory_space<vmem_shared>>
      %dma_start3A_64 = arith.constant 0 : i32
      %dma_start3A_65 = tpu.memref_slice %arg13[%add3A_48, %dma_start3A_64] : memref<10240x128xf32, #tpu.memory_space<vmem_shared>> -> memref<64x128xf32, #tpu.memory_space<vmem_shared>>
      tpu.enqueue_dma source(%arg12 : memref<64x128xf32, #tpu.memory_space<vmem>>) target(%dma_start3A_65 : memref<64x128xf32, #tpu.memory_space<vmem_shared>>) target_semaphore(%run_scoped3A : memref<!tpu.dma_semaphore, #tpu.memory_space<semaphore_mem>>)
      %dma_wait3A = arith.constant 0 : i32
      %dma_wait3A_66 = tpu.memref_slice %arg13[%add3A_48, %dma_wait3A] : memref<10240x128xf32, #tpu.memory_space<vmem_shared>> -> memref<64x128xf32, #tpu.memory_space<vmem_shared>>
      %dma_wait3A_67 = arith.constant 0 : i32
      %dma_wait3A_68 = tpu.memref_slice %arg13[%add3A_48, %dma_wait3A_67] : memref<10240x128xf32, #tpu.memory_space<vmem_shared>> -> memref<64x128xf32, #tpu.memory_space<vmem_shared>>
      tpu.wait_dma2 semaphore(%run_scoped3A : memref<!tpu.dma_semaphore, #tpu.memory_space<semaphore_mem>>) src(%arg12 : memref<64x128xf32, #tpu.memory_space<vmem>>) dst(%dma_wait3A_68 : memref<64x128xf32, #tpu.memory_space<vmem_shared>>)
      tpu.yield
    }) : () -> ()
    %barrier3A = arith.constant 0 : index
    tpu.barrier barrier_id(%barrier3A)
    %while3A = arith.constant 0 : i32
    %while3A_49 = arith.constant 0 : i32
    %while3A_50 = arith.subi %select_n3A_8, %while3A_49 : i32
    %while3A_51 = arith.addi %while3A_49, %while3A_50 : i32
    %while3A_52 = arith.constant 1 : i32
    %while3A_53 = arith.divsi %while3A_50, %while3A_52 : i32
    %while3A_54 = arith.muli %while3A_53, %while3A_52 : i32
    %while3A_55 = arith.addi %while3A_49, %while3A_54 : i32
    %while3A_56 = arith.constant 1 : i32
    scf.for %while3A_63 = %while3A_49 to %while3A_55 step %while3A_56  : i32 {
      %mul3A_64 = arith.constant 8 : i32
      %mul3A_65 = arith.muli %while3A_63, %mul3A_64 : i32
      %add3A_66 = arith.addi %select_n3A, %mul3A_65 : i32
      "tpu.region"() ({
        %run_scoped3A = tpu.sem_alloc : memref<!tpu.dma_semaphore, #tpu.memory_space<semaphore_mem>>
        %dma_start3A_513 = arith.constant 0 : i32
        %dma_start3A_514 = tpu.memref_slice %arg3[%add3A_66, %dma_start3A_513] : memref<2560x128xi32, #tpu.memory_space<hbm>> -> memref<8x128xi32, #tpu.memory_space<hbm>>
        %dma_start3A_515 = arith.constant 0 : i32
        %dma_start3A_516 = tpu.memref_slice %arg3[%add3A_66, %dma_start3A_515] : memref<2560x128xi32, #tpu.memory_space<hbm>> -> memref<8x128xi32, #tpu.memory_space<hbm>>
        tpu.enqueue_dma source(%dma_start3A_516 : memref<8x128xi32, #tpu.memory_space<hbm>>) target(%arg8 : memref<8x128xi32, #tpu.memory_space<vmem>>) target_semaphore(%run_scoped3A : memref<!tpu.dma_semaphore, #tpu.memory_space<semaphore_mem>>)
        %dma_wait3A_517 = arith.constant 0 : i32
        %dma_wait3A_518 = tpu.memref_slice %arg3[%add3A_66, %dma_wait3A_517] : memref<2560x128xi32, #tpu.memory_space<hbm>> -> memref<8x128xi32, #tpu.memory_space<hbm>>
        %dma_wait3A_519 = arith.constant 0 : i32
        %dma_wait3A_520 = tpu.memref_slice %arg3[%add3A_66, %dma_wait3A_519] : memref<2560x128xi32, #tpu.memory_space<hbm>> -> memref<8x128xi32, #tpu.memory_space<hbm>>
        tpu.wait_dma2 semaphore(%run_scoped3A : memref<!tpu.dma_semaphore, #tpu.memory_space<semaphore_mem>>) src(%dma_wait3A_520 : memref<8x128xi32, #tpu.memory_space<hbm>>) dst(%arg8 : memref<8x128xi32, #tpu.memory_space<vmem>>)
        tpu.yield
      }) : () -> ()
      "tpu.region"() ({
        %run_scoped3A = tpu.sem_alloc : memref<!tpu.dma_semaphore, #tpu.memory_space<semaphore_mem>>
        %dma_start3A_513 = arith.constant 0 : i32
        %dma_start3A_514 = tpu.memref_slice %arg4[%add3A_66, %dma_start3A_513] : memref<2560x128xi32, #tpu.memory_space<hbm>> -> memref<8x128xi32, #tpu.memory_space<hbm>>
        %dma_start3A_515 = arith.constant 0 : i32
        %dma_start3A_516 = tpu.memref_slice %arg4[%add3A_66, %dma_start3A_515] : memref<2560x128xi32, #tpu.memory_space<hbm>> -> memref<8x128xi32, #tpu.memory_space<hbm>>
        tpu.enqueue_dma source(%dma_start3A_516 : memref<8x128xi32, #tpu.memory_space<hbm>>) target(%arg9 : memref<8x128xi32, #tpu.memory_space<vmem>>) target_semaphore(%run_scoped3A : memref<!tpu.dma_semaphore, #tpu.memory_space<semaphore_mem>>)
        %dma_wait3A_517 = arith.constant 0 : i32
        %dma_wait3A_518 = tpu.memref_slice %arg4[%add3A_66, %dma_wait3A_517] : memref<2560x128xi32, #tpu.memory_space<hbm>> -> memref<8x128xi32, #tpu.memory_space<hbm>>
        %dma_wait3A_519 = arith.constant 0 : i32
        %dma_wait3A_520 = tpu.memref_slice %arg4[%add3A_66, %dma_wait3A_519] : memref<2560x128xi32, #tpu.memory_space<hbm>> -> memref<8x128xi32, #tpu.memory_space<hbm>>
        tpu.wait_dma2 semaphore(%run_scoped3A : memref<!tpu.dma_semaphore, #tpu.memory_space<semaphore_mem>>) src(%dma_wait3A_520 : memref<8x128xi32, #tpu.memory_space<hbm>>) dst(%arg9 : memref<8x128xi32, #tpu.memory_space<vmem>>)
        tpu.yield
      }) : () -> ()
      %dma_start3A = arith.constant 0 : i32
      %dma_start3A_67 = arith.constant 0 : i32
      %dma_start3A_68 = tpu.memref_slice %arg8[%dma_start3A, %dma_start3A_67] : memref<8x128xi32, #tpu.memory_space<vmem>> -> memref<1x128xi32, #tpu.memory_space<vmem>>
      %dma_start3A_69 = tpu.memref_squeeze %dma_start3A_68 : memref<1x128xi32, #tpu.memory_space<vmem>> -> memref<128xi32, #tpu.memory_space<vmem>>
      %dma_start3A_70 = arith.constant 0 : i32
      %dma_start3A_71 = arith.constant 0 : i32
      %dma_start3A_72 = tpu.memref_slice %arg2[%dma_start3A_70, %dma_start3A_71] : memref<10240x128xf32, #tpu.memory_space<hbm>> -> memref<10240x128xf32, #tpu.memory_space<hbm>>
      tpu.enqueue_indirect_dma source(%dma_start3A_72 : memref<10240x128xf32, #tpu.memory_space<hbm>>) target(%arg10 : memref<128x128xf32, #tpu.memory_space<vmem>>) offsets(%dma_start3A_69 : memref<128xi32, #tpu.memory_space<vmem>>) semaphore(%arg14 : memref<!tpu.dma_semaphore, #tpu.memory_space<semaphore_mem>>)
      %dma_start3A_73 = arith.constant 0 : i32
      %dma_start3A_74 = arith.constant 0 : i32
      %dma_start3A_75 = tpu.memref_slice %arg9[%dma_start3A_73, %dma_start3A_74] : memref<8x128xi32, #tpu.memory_space<vmem>> -> memref<1x128xi32, #tpu.memory_space<vmem>>
      %dma_start3A_76 = tpu.memref_squeeze %dma_start3A_75 : memref<1x128xi32, #tpu.memory_space<vmem>> -> memref<128xi32, #tpu.memory_space<vmem>>
      %dma_start3A_77 = arith.constant 0 : i32
      %dma_start3A_78 = arith.constant 0 : i32
      %dma_start3A_79 = tpu.memref_slice %arg2[%dma_start3A_77, %dma_start3A_78] : memref<10240x128xf32, #tpu.memory_space<hbm>> -> memref<10240x128xf32, #tpu.memory_space<hbm>>
      tpu.enqueue_indirect_dma source(%dma_start3A_79 : memref<10240x128xf32, #tpu.memory_space<hbm>>) target(%arg11 : memref<128x128xf32, #tpu.memory_space<vmem>>) offsets(%dma_start3A_76 : memref<128xi32, #tpu.memory_space<vmem>>) semaphore(%arg15 : memref<!tpu.dma_semaphore, #tpu.memory_space<semaphore_mem>>)
      %dma_wait3A = arith.constant 0 : i32
      %dma_wait3A_80 = arith.constant 0 : i32
      %dma_wait3A_81 = tpu.memref_slice %arg8[%dma_wait3A, %dma_wait3A_80] : memref<8x128xi32, #tpu.memory_space<vmem>> -> memref<1x128xi32, #tpu.memory_space<vmem>>
      %dma_wait3A_82 = tpu.memref_squeeze %dma_wait3A_81 : memref<1x128xi32, #tpu.memory_space<vmem>> -> memref<128xi32, #tpu.memory_space<vmem>>
      %dma_wait3A_83 = arith.constant 0 : i32
      %dma_wait3A_84 = arith.constant 0 : i32
      %dma_wait3A_85 = tpu.memref_slice %arg2[%dma_wait3A_83, %dma_wait3A_84] : memref<10240x128xf32, #tpu.memory_space<hbm>> -> memref<10240x128xf32, #tpu.memory_space<hbm>>
      tpu.wait_indirect_dma semaphore(%arg14 : memref<!tpu.dma_semaphore, #tpu.memory_space<semaphore_mem>>) src(%dma_wait3A_85 : memref<10240x128xf32, #tpu.memory_space<hbm>>) dst(%arg10 : memref<128x128xf32, #tpu.memory_space<vmem>>)
      %dma_start3A_86 = arith.constant 0 : i32
      %dma_start3A_87 = arith.constant 0 : i32
      %dma_start3A_88 = tpu.memref_slice %arg9[%dma_start3A_86, %dma_start3A_87] : memref<8x128xi32, #tpu.memory_space<vmem>> -> memref<1x128xi32, #tpu.memory_space<vmem>>
      %dma_start3A_89 = tpu.memref_squeeze %dma_start3A_88 : memref<1x128xi32, #tpu.memory_space<vmem>> -> memref<128xi32, #tpu.memory_space<vmem>>
      %dma_start3A_90 = arith.constant 0 : i32
      %dma_start3A_91 = arith.constant 0 : i32
      %dma_start3A_92 = tpu.memref_slice %arg13[%dma_start3A_90, %dma_start3A_91] : memref<10240x128xf32, #tpu.memory_space<vmem_shared>> -> memref<10240x128xf32, #tpu.memory_space<vmem_shared>>
      tpu.enqueue_indirect_dma source(%arg10 : memref<128x128xf32, #tpu.memory_space<vmem>>) target(%dma_start3A_92 : memref<10240x128xf32, #tpu.memory_space<vmem_shared>>) offsets(%dma_start3A_89 : memref<128xi32, #tpu.memory_space<vmem>>) semaphore(%arg16 : memref<!tpu.dma_semaphore, #tpu.memory_space<semaphore_mem>>) {add = true}
      %dma_wait3A_93 = arith.constant 0 : i32
      %dma_wait3A_94 = arith.constant 0 : i32
      %dma_wait3A_95 = tpu.memref_slice %arg9[%dma_wait3A_93, %dma_wait3A_94] : memref<8x128xi32, #tpu.memory_space<vmem>> -> memref<1x128xi32, #tpu.memory_space<vmem>>
      %dma_wait3A_96 = tpu.memref_squeeze %dma_wait3A_95 : memref<1x128xi32, #tpu.memory_space<vmem>> -> memref<128xi32, #tpu.memory_space<vmem>>
      %dma_wait3A_97 = arith.constant 0 : i32
      %dma_wait3A_98 = arith.constant 0 : i32
      %dma_wait3A_99 = tpu.memref_slice %arg13[%dma_wait3A_97, %dma_wait3A_98] : memref<10240x128xf32, #tpu.memory_space<vmem_shared>> -> memref<10240x128xf32, #tpu.memory_space<vmem_shared>>
      tpu.wait_indirect_dma semaphore(%arg16 : memref<!tpu.dma_semaphore, #tpu.memory_space<semaphore_mem>>) src(%arg10 : memref<128x128xf32, #tpu.memory_space<vmem>>) dst(%dma_wait3A_99 : memref<10240x128xf32, #tpu.memory_space<vmem_shared>>)
      %dma_start3A_100 = arith.constant 1 : i32
      %dma_start3A_101 = arith.constant 0 : i32
      %dma_start3A_102 = tpu.memref_slice %arg8[%dma_start3A_100, %dma_start3A_101] : memref<8x128xi32, #tpu.memory_space<vmem>> -> memref<1x128xi32, #tpu.memory_space<vmem>>
      %dma_start3A_103 = tpu.memref_squeeze %dma_start3A_102 : memref<1x128xi32, #tpu.memory_space<vmem>> -> memref<128xi32, #tpu.memory_space<vmem>>
      %dma_start3A_104 = arith.constant 0 : i32
      %dma_start3A_105 = arith.constant 0 : i32
      %dma_start3A_106 = tpu.memref_slice %arg2[%dma_start3A_104, %dma_start3A_105] : memref<10240x128xf32, #tpu.memory_space<hbm>> -> memref<10240x128xf32, #tpu.memory_space<hbm>>
      tpu.enqueue_indirect_dma source(%dma_start3A_106 : memref<10240x128xf32, #tpu.memory_space<hbm>>) target(%arg10 : memref<128x128xf32, #tpu.memory_space<vmem>>) offsets(%dma_start3A_103 : memref<128xi32, #tpu.memory_space<vmem>>) semaphore(%arg14 : memref<!tpu.dma_semaphore, #tpu.memory_space<semaphore_mem>>)
      %dma_wait3A_107 = arith.constant 0 : i32
      %dma_wait3A_108 = arith.constant 0 : i32
      %dma_wait3A_109 = tpu.memref_slice %arg9[%dma_wait3A_107, %dma_wait3A_108] : memref<8x128xi32, #tpu.memory_space<vmem>> -> memref<1x128xi32, #tpu.memory_space<vmem>>
      %dma_wait3A_110 = tpu.memref_squeeze %dma_wait3A_109 : memref<1x128xi32, #tpu.memory_space<vmem>> -> memref<128xi32, #tpu.memory_space<vmem>>
      %dma_wait3A_111 = arith.constant 0 : i32
      %dma_wait3A_112 = arith.constant 0 : i32
      %dma_wait3A_113 = tpu.memref_slice %arg2[%dma_wait3A_111, %dma_wait3A_112] : memref<10240x128xf32, #tpu.memory_space<hbm>> -> memref<10240x128xf32, #tpu.memory_space<hbm>>
      tpu.wait_indirect_dma semaphore(%arg15 : memref<!tpu.dma_semaphore, #tpu.memory_space<semaphore_mem>>) src(%dma_wait3A_113 : memref<10240x128xf32, #tpu.memory_space<hbm>>) dst(%arg11 : memref<128x128xf32, #tpu.memory_space<vmem>>)
      %dma_start3A_114 = arith.constant 0 : i32
      %dma_start3A_115 = arith.constant 0 : i32
      %dma_start3A_116 = tpu.memref_slice %arg8[%dma_start3A_114, %dma_start3A_115] : memref<8x128xi32, #tpu.memory_space<vmem>> -> memref<1x128xi32, #tpu.memory_space<vmem>>
      %dma_start3A_117 = tpu.memref_squeeze %dma_start3A_116 : memref<1x128xi32, #tpu.memory_space<vmem>> -> memref<128xi32, #tpu.memory_space<vmem>>
      %dma_start3A_118 = arith.constant 0 : i32
      %dma_start3A_119 = arith.constant 0 : i32
      %dma_start3A_120 = tpu.memref_slice %arg13[%dma_start3A_118, %dma_start3A_119] : memref<10240x128xf32, #tpu.memory_space<vmem_shared>> -> memref<10240x128xf32, #tpu.memory_space<vmem_shared>>
      tpu.enqueue_indirect_dma source(%arg11 : memref<128x128xf32, #tpu.memory_space<vmem>>) target(%dma_start3A_120 : memref<10240x128xf32, #tpu.memory_space<vmem_shared>>) offsets(%dma_start3A_117 : memref<128xi32, #tpu.memory_space<vmem>>) semaphore(%arg17 : memref<!tpu.dma_semaphore, #tpu.memory_space<semaphore_mem>>) {add = true}
      %dma_wait3A_121 = arith.constant 0 : i32
      %dma_wait3A_122 = arith.constant 0 : i32
      %dma_wait3A_123 = tpu.memref_slice %arg8[%dma_wait3A_121, %dma_wait3A_122] : memref<8x128xi32, #tpu.memory_space<vmem>> -> memref<1x128xi32, #tpu.memory_space<vmem>>
      %dma_wait3A_124 = tpu.memref_squeeze %dma_wait3A_123 : memref<1x128xi32, #tpu.memory_space<vmem>> -> memref<128xi32, #tpu.memory_space<vmem>>
      %dma_wait3A_125 = arith.constant 0 : i32
      %dma_wait3A_126 = arith.constant 0 : i32
      %dma_wait3A_127 = tpu.memref_slice %arg13[%dma_wait3A_125, %dma_wait3A_126] : memref<10240x128xf32, #tpu.memory_space<vmem_shared>> -> memref<10240x128xf32, #tpu.memory_space<vmem_shared>>
      tpu.wait_indirect_dma semaphore(%arg17 : memref<!tpu.dma_semaphore, #tpu.memory_space<semaphore_mem>>) src(%arg11 : memref<128x128xf32, #tpu.memory_space<vmem>>) dst(%dma_wait3A_127 : memref<10240x128xf32, #tpu.memory_space<vmem_shared>>)
      %dma_start3A_128 = arith.constant 1 : i32
      %dma_start3A_129 = arith.constant 0 : i32
      %dma_start3A_130 = tpu.memref_slice %arg9[%dma_start3A_128, %dma_start3A_129] : memref<8x128xi32, #tpu.memory_space<vmem>> -> memref<1x128xi32, #tpu.memory_space<vmem>>
      %dma_start3A_131 = tpu.memref_squeeze %dma_start3A_130 : memref<1x128xi32, #tpu.memory_space<vmem>> -> memref<128xi32, #tpu.memory_space<vmem>>
      %dma_start3A_132 = arith.constant 0 : i32
      %dma_start3A_133 = arith.constant 0 : i32
      %dma_start3A_134 = tpu.memref_slice %arg2[%dma_start3A_132, %dma_start3A_133] : memref<10240x128xf32, #tpu.memory_space<hbm>> -> memref<10240x128xf32, #tpu.memory_space<hbm>>
      tpu.enqueue_indirect_dma source(%dma_start3A_134 : memref<10240x128xf32, #tpu.memory_space<hbm>>) target(%arg11 : memref<128x128xf32, #tpu.memory_space<vmem>>) offsets(%dma_start3A_131 : memref<128xi32, #tpu.memory_space<vmem>>) semaphore(%arg15 : memref<!tpu.dma_semaphore, #tpu.memory_space<semaphore_mem>>)
      %dma_wait3A_135 = arith.constant 1 : i32
      %dma_wait3A_136 = arith.constant 0 : i32
      %dma_wait3A_137 = tpu.memref_slice %arg8[%dma_wait3A_135, %dma_wait3A_136] : memref<8x128xi32, #tpu.memory_space<vmem>> -> memref<1x128xi32, #tpu.memory_space<vmem>>
      %dma_wait3A_138 = tpu.memref_squeeze %dma_wait3A_137 : memref<1x128xi32, #tpu.memory_space<vmem>> -> memref<128xi32, #tpu.memory_space<vmem>>
      %dma_wait3A_139 = arith.constant 0 : i32
      %dma_wait3A_140 = arith.constant 0 : i32
      %dma_wait3A_141 = tpu.memref_slice %arg2[%dma_wait3A_139, %dma_wait3A_140] : memref<10240x128xf32, #tpu.memory_space<hbm>> -> memref<10240x128xf32, #tpu.memory_space<hbm>>
      tpu.wait_indirect_dma semaphore(%arg14 : memref<!tpu.dma_semaphore, #tpu.memory_space<semaphore_mem>>) src(%dma_wait3A_141 : memref<10240x128xf32, #tpu.memory_space<hbm>>) dst(%arg10 : memref<128x128xf32, #tpu.memory_space<vmem>>)
      %dma_start3A_142 = arith.constant 1 : i32
      %dma_start3A_143 = arith.constant 0 : i32
      %dma_start3A_144 = tpu.memref_slice %arg9[%dma_start3A_142, %dma_start3A_143] : memref<8x128xi32, #tpu.memory_space<vmem>> -> memref<1x128xi32, #tpu.memory_space<vmem>>
      %dma_start3A_145 = tpu.memref_squeeze %dma_start3A_144 : memref<1x128xi32, #tpu.memory_space<vmem>> -> memref<128xi32, #tpu.memory_space<vmem>>
      %dma_start3A_146 = arith.constant 0 : i32
      %dma_start3A_147 = arith.constant 0 : i32
      %dma_start3A_148 = tpu.memref_slice %arg13[%dma_start3A_146, %dma_start3A_147] : memref<10240x128xf32, #tpu.memory_space<vmem_shared>> -> memref<10240x128xf32, #tpu.memory_space<vmem_shared>>
      tpu.enqueue_indirect_dma source(%arg10 : memref<128x128xf32, #tpu.memory_space<vmem>>) target(%dma_start3A_148 : memref<10240x128xf32, #tpu.memory_space<vmem_shared>>) offsets(%dma_start3A_145 : memref<128xi32, #tpu.memory_space<vmem>>) semaphore(%arg16 : memref<!tpu.dma_semaphore, #tpu.memory_space<semaphore_mem>>) {add = true}
      %dma_wait3A_149 = arith.constant 1 : i32
      %dma_wait3A_150 = arith.constant 0 : i32
      %dma_wait3A_151 = tpu.memref_slice %arg9[%dma_wait3A_149, %dma_wait3A_150] : memref<8x128xi32, #tpu.memory_space<vmem>> -> memref<1x128xi32, #tpu.memory_space<vmem>>
      %dma_wait3A_152 = tpu.memref_squeeze %dma_wait3A_151 : memref<1x128xi32, #tpu.memory_space<vmem>> -> memref<128xi32, #tpu.memory_space<vmem>>
      %dma_wait3A_153 = arith.constant 0 : i32
      %dma_wait3A_154 = arith.constant 0 : i32
      %dma_wait3A_155 = tpu.memref_slice %arg13[%dma_wait3A_153, %dma_wait3A_154] : memref<10240x128xf32, #tpu.memory_space<vmem_shared>> -> memref<10240x128xf32, #tpu.memory_space<vmem_shared>>
      tpu.wait_indirect_dma semaphore(%arg16 : memref<!tpu.dma_semaphore, #tpu.memory_space<semaphore_mem>>) src(%arg10 : memref<128x128xf32, #tpu.memory_space<vmem>>) dst(%dma_wait3A_155 : memref<10240x128xf32, #tpu.memory_space<vmem_shared>>)
      %dma_start3A_156 = arith.constant 2 : i32
      %dma_start3A_157 = arith.constant 0 : i32
      %dma_start3A_158 = tpu.memref_slice %arg8[%dma_start3A_156, %dma_start3A_157] : memref<8x128xi32, #tpu.memory_space<vmem>> -> memref<1x128xi32, #tpu.memory_space<vmem>>
      %dma_start3A_159 = tpu.memref_squeeze %dma_start3A_158 : memref<1x128xi32, #tpu.memory_space<vmem>> -> memref<128xi32, #tpu.memory_space<vmem>>
      %dma_start3A_160 = arith.constant 0 : i32
      %dma_start3A_161 = arith.constant 0 : i32
      %dma_start3A_162 = tpu.memref_slice %arg2[%dma_start3A_160, %dma_start3A_161] : memref<10240x128xf32, #tpu.memory_space<hbm>> -> memref<10240x128xf32, #tpu.memory_space<hbm>>
      tpu.enqueue_indirect_dma source(%dma_start3A_162 : memref<10240x128xf32, #tpu.memory_space<hbm>>) target(%arg10 : memref<128x128xf32, #tpu.memory_space<vmem>>) offsets(%dma_start3A_159 : memref<128xi32, #tpu.memory_space<vmem>>) semaphore(%arg14 : memref<!tpu.dma_semaphore, #tpu.memory_space<semaphore_mem>>)
      %dma_wait3A_163 = arith.constant 1 : i32
      %dma_wait3A_164 = arith.constant 0 : i32
      %dma_wait3A_165 = tpu.memref_slice %arg9[%dma_wait3A_163, %dma_wait3A_164] : memref<8x128xi32, #tpu.memory_space<vmem>> -> memref<1x128xi32, #tpu.memory_space<vmem>>
      %dma_wait3A_166 = tpu.memref_squeeze %dma_wait3A_165 : memref<1x128xi32, #tpu.memory_space<vmem>> -> memref<128xi32, #tpu.memory_space<vmem>>
      %dma_wait3A_167 = arith.constant 0 : i32
      %dma_wait3A_168 = arith.constant 0 : i32
      %dma_wait3A_169 = tpu.memref_slice %arg2[%dma_wait3A_167, %dma_wait3A_168] : memref<10240x128xf32, #tpu.memory_space<hbm>> -> memref<10240x128xf32, #tpu.memory_space<hbm>>
      tpu.wait_indirect_dma semaphore(%arg15 : memref<!tpu.dma_semaphore, #tpu.memory_space<semaphore_mem>>) src(%dma_wait3A_169 : memref<10240x128xf32, #tpu.memory_space<hbm>>) dst(%arg11 : memref<128x128xf32, #tpu.memory_space<vmem>>)
      %dma_start3A_170 = arith.constant 1 : i32
      %dma_start3A_171 = arith.constant 0 : i32
      %dma_start3A_172 = tpu.memref_slice %arg8[%dma_start3A_170, %dma_start3A_171] : memref<8x128xi32, #tpu.memory_space<vmem>> -> memref<1x128xi32, #tpu.memory_space<vmem>>
      %dma_start3A_173 = tpu.memref_squeeze %dma_start3A_172 : memref<1x128xi32, #tpu.memory_space<vmem>> -> memref<128xi32, #tpu.memory_space<vmem>>
      %dma_start3A_174 = arith.constant 0 : i32
      %dma_start3A_175 = arith.constant 0 : i32
      %dma_start3A_176 = tpu.memref_slice %arg13[%dma_start3A_174, %dma_start3A_175] : memref<10240x128xf32, #tpu.memory_space<vmem_shared>> -> memref<10240x128xf32, #tpu.memory_space<vmem_shared>>
      tpu.enqueue_indirect_dma source(%arg11 : memref<128x128xf32, #tpu.memory_space<vmem>>) target(%dma_start3A_176 : memref<10240x128xf32, #tpu.memory_space<vmem_shared>>) offsets(%dma_start3A_173 : memref<128xi32, #tpu.memory_space<vmem>>) semaphore(%arg17 : memref<!tpu.dma_semaphore, #tpu.memory_space<semaphore_mem>>) {add = true}
      %dma_wait3A_177 = arith.constant 1 : i32
      %dma_wait3A_178 = arith.constant 0 : i32
      %dma_wait3A_179 = tpu.memref_slice %arg8[%dma_wait3A_177, %dma_wait3A_178] : memref<8x128xi32, #tpu.memory_space<vmem>> -> memref<1x128xi32, #tpu.memory_space<vmem>>
      %dma_wait3A_180 = tpu.memref_squeeze %dma_wait3A_179 : memref<1x128xi32, #tpu.memory_space<vmem>> -> memref<128xi32, #tpu.memory_space<vmem>>
      %dma_wait3A_181 = arith.constant 0 : i32
      %dma_wait3A_182 = arith.constant 0 : i32
      %dma_wait3A_183 = tpu.memref_slice %arg13[%dma_wait3A_181, %dma_wait3A_182] : memref<10240x128xf32, #tpu.memory_space<vmem_shared>> -> memref<10240x128xf32, #tpu.memory_space<vmem_shared>>
      tpu.wait_indirect_dma semaphore(%arg17 : memref<!tpu.dma_semaphore, #tpu.memory_space<semaphore_mem>>) src(%arg11 : memref<128x128xf32, #tpu.memory_space<vmem>>) dst(%dma_wait3A_183 : memref<10240x128xf32, #tpu.memory_space<vmem_shared>>)
      %dma_start3A_184 = arith.constant 2 : i32
      %dma_start3A_185 = arith.constant 0 : i32
      %dma_start3A_186 = tpu.memref_slice %arg9[%dma_start3A_184, %dma_start3A_185] : memref<8x128xi32, #tpu.memory_space<vmem>> -> memref<1x128xi32, #tpu.memory_space<vmem>>
      %dma_start3A_187 = tpu.memref_squeeze %dma_start3A_186 : memref<1x128xi32, #tpu.memory_space<vmem>> -> memref<128xi32, #tpu.memory_space<vmem>>
      %dma_start3A_188 = arith.constant 0 : i32
      %dma_start3A_189 = arith.constant 0 : i32
      %dma_start3A_190 = tpu.memref_slice %arg2[%dma_start3A_188, %dma_start3A_189] : memref<10240x128xf32, #tpu.memory_space<hbm>> -> memref<10240x128xf32, #tpu.memory_space<hbm>>
      tpu.enqueue_indirect_dma source(%dma_start3A_190 : memref<10240x128xf32, #tpu.memory_space<hbm>>) target(%arg11 : memref<128x128xf32, #tpu.memory_space<vmem>>) offsets(%dma_start3A_187 : memref<128xi32, #tpu.memory_space<vmem>>) semaphore(%arg15 : memref<!tpu.dma_semaphore, #tpu.memory_space<semaphore_mem>>)
      %dma_wait3A_191 = arith.constant 2 : i32
      %dma_wait3A_192 = arith.constant 0 : i32
      %dma_wait3A_193 = tpu.memref_slice %arg8[%dma_wait3A_191, %dma_wait3A_192] : memref<8x128xi32, #tpu.memory_space<vmem>> -> memref<1x128xi32, #tpu.memory_space<vmem>>
      %dma_wait3A_194 = tpu.memref_squeeze %dma_wait3A_193 : memref<1x128xi32, #tpu.memory_space<vmem>> -> memref<128xi32, #tpu.memory_space<vmem>>
      %dma_wait3A_195 = arith.constant 0 : i32
      %dma_wait3A_196 = arith.constant 0 : i32
      %dma_wait3A_197 = tpu.memref_slice %arg2[%dma_wait3A_195, %dma_wait3A_196] : memref<10240x128xf32, #tpu.memory_space<hbm>> -> memref<10240x128xf32, #tpu.memory_space<hbm>>
      tpu.wait_indirect_dma semaphore(%arg14 : memref<!tpu.dma_semaphore, #tpu.memory_space<semaphore_mem>>) src(%dma_wait3A_197 : memref<10240x128xf32, #tpu.memory_space<hbm>>) dst(%arg10 : memref<128x128xf32, #tpu.memory_space<vmem>>)
      %dma_start3A_198 = arith.constant 2 : i32
      %dma_start3A_199 = arith.constant 0 : i32
      %dma_start3A_200 = tpu.memref_slice %arg9[%dma_start3A_198, %dma_start3A_199] : memref<8x128xi32, #tpu.memory_space<vmem>> -> memref<1x128xi32, #tpu.memory_space<vmem>>
      %dma_start3A_201 = tpu.memref_squeeze %dma_start3A_200 : memref<1x128xi32, #tpu.memory_space<vmem>> -> memref<128xi32, #tpu.memory_space<vmem>>
      %dma_start3A_202 = arith.constant 0 : i32
      %dma_start3A_203 = arith.constant 0 : i32
      %dma_start3A_204 = tpu.memref_slice %arg13[%dma_start3A_202, %dma_start3A_203] : memref<10240x128xf32, #tpu.memory_space<vmem_shared>> -> memref<10240x128xf32, #tpu.memory_space<vmem_shared>>
      tpu.enqueue_indirect_dma source(%arg10 : memref<128x128xf32, #tpu.memory_space<vmem>>) target(%dma_start3A_204 : memref<10240x128xf32, #tpu.memory_space<vmem_shared>>) offsets(%dma_start3A_201 : memref<128xi32, #tpu.memory_space<vmem>>) semaphore(%arg16 : memref<!tpu.dma_semaphore, #tpu.memory_space<semaphore_mem>>) {add = true}
      %dma_wait3A_205 = arith.constant 2 : i32
      %dma_wait3A_206 = arith.constant 0 : i32
      %dma_wait3A_207 = tpu.memref_slice %arg9[%dma_wait3A_205, %dma_wait3A_206] : memref<8x128xi32, #tpu.memory_space<vmem>> -> memref<1x128xi32, #tpu.memory_space<vmem>>
      %dma_wait3A_208 = tpu.memref_squeeze %dma_wait3A_207 : memref<1x128xi32, #tpu.memory_space<vmem>> -> memref<128xi32, #tpu.memory_space<vmem>>
      %dma_wait3A_209 = arith.constant 0 : i32
      %dma_wait3A_210 = arith.constant 0 : i32
      %dma_wait3A_211 = tpu.memref_slice %arg13[%dma_wait3A_209, %dma_wait3A_210] : memref<10240x128xf32, #tpu.memory_space<vmem_shared>> -> memref<10240x128xf32, #tpu.memory_space<vmem_shared>>
      tpu.wait_indirect_dma semaphore(%arg16 : memref<!tpu.dma_semaphore, #tpu.memory_space<semaphore_mem>>) src(%arg10 : memref<128x128xf32, #tpu.memory_space<vmem>>) dst(%dma_wait3A_211 : memref<10240x128xf32, #tpu.memory_space<vmem_shared>>)
      %dma_start3A_212 = arith.constant 3 : i32
      %dma_start3A_213 = arith.constant 0 : i32
      %dma_start3A_214 = tpu.memref_slice %arg8[%dma_start3A_212, %dma_start3A_213] : memref<8x128xi32, #tpu.memory_space<vmem>> -> memref<1x128xi32, #tpu.memory_space<vmem>>
      %dma_start3A_215 = tpu.memref_squeeze %dma_start3A_214 : memref<1x128xi32, #tpu.memory_space<vmem>> -> memref<128xi32, #tpu.memory_space<vmem>>
      %dma_start3A_216 = arith.constant 0 : i32
      %dma_start3A_217 = arith.constant 0 : i32
      %dma_start3A_218 = tpu.memref_slice %arg2[%dma_start3A_216, %dma_start3A_217] : memref<10240x128xf32, #tpu.memory_space<hbm>> -> memref<10240x128xf32, #tpu.memory_space<hbm>>
      tpu.enqueue_indirect_dma source(%dma_start3A_218 : memref<10240x128xf32, #tpu.memory_space<hbm>>) target(%arg10 : memref<128x128xf32, #tpu.memory_space<vmem>>) offsets(%dma_start3A_215 : memref<128xi32, #tpu.memory_space<vmem>>) semaphore(%arg14 : memref<!tpu.dma_semaphore, #tpu.memory_space<semaphore_mem>>)
      %dma_wait3A_219 = arith.constant 2 : i32
      %dma_wait3A_220 = arith.constant 0 : i32
      %dma_wait3A_221 = tpu.memref_slice %arg9[%dma_wait3A_219, %dma_wait3A_220] : memref<8x128xi32, #tpu.memory_space<vmem>> -> memref<1x128xi32, #tpu.memory_space<vmem>>
      %dma_wait3A_222 = tpu.memref_squeeze %dma_wait3A_221 : memref<1x128xi32, #tpu.memory_space<vmem>> -> memref<128xi32, #tpu.memory_space<vmem>>
      %dma_wait3A_223 = arith.constant 0 : i32
      %dma_wait3A_224 = arith.constant 0 : i32
      %dma_wait3A_225 = tpu.memref_slice %arg2[%dma_wait3A_223, %dma_wait3A_224] : memref<10240x128xf32, #tpu.memory_space<hbm>> -> memref<10240x128xf32, #tpu.memory_space<hbm>>
      tpu.wait_indirect_dma semaphore(%arg15 : memref<!tpu.dma_semaphore, #tpu.memory_space<semaphore_mem>>) src(%dma_wait3A_225 : memref<10240x128xf32, #tpu.memory_space<hbm>>) dst(%arg11 : memref<128x128xf32, #tpu.memory_space<vmem>>)
      %dma_start3A_226 = arith.constant 2 : i32
      %dma_start3A_227 = arith.constant 0 : i32
      %dma_start3A_228 = tpu.memref_slice %arg8[%dma_start3A_226, %dma_start3A_227] : memref<8x128xi32, #tpu.memory_space<vmem>> -> memref<1x128xi32, #tpu.memory_space<vmem>>
      %dma_start3A_229 = tpu.memref_squeeze %dma_start3A_228 : memref<1x128xi32, #tpu.memory_space<vmem>> -> memref<128xi32, #tpu.memory_space<vmem>>
      %dma_start3A_230 = arith.constant 0 : i32
      %dma_start3A_231 = arith.constant 0 : i32
      %dma_start3A_232 = tpu.memref_slice %arg13[%dma_start3A_230, %dma_start3A_231] : memref<10240x128xf32, #tpu.memory_space<vmem_shared>> -> memref<10240x128xf32, #tpu.memory_space<vmem_shared>>
      tpu.enqueue_indirect_dma source(%arg11 : memref<128x128xf32, #tpu.memory_space<vmem>>) target(%dma_start3A_232 : memref<10240x128xf32, #tpu.memory_space<vmem_shared>>) offsets(%dma_start3A_229 : memref<128xi32, #tpu.memory_space<vmem>>) semaphore(%arg17 : memref<!tpu.dma_semaphore, #tpu.memory_space<semaphore_mem>>) {add = true}
      %dma_wait3A_233 = arith.constant 2 : i32
      %dma_wait3A_234 = arith.constant 0 : i32
      %dma_wait3A_235 = tpu.memref_slice %arg8[%dma_wait3A_233, %dma_wait3A_234] : memref<8x128xi32, #tpu.memory_space<vmem>> -> memref<1x128xi32, #tpu.memory_space<vmem>>
      %dma_wait3A_236 = tpu.memref_squeeze %dma_wait3A_235 : memref<1x128xi32, #tpu.memory_space<vmem>> -> memref<128xi32, #tpu.memory_space<vmem>>
      %dma_wait3A_237 = arith.constant 0 : i32
      %dma_wait3A_238 = arith.constant 0 : i32
      %dma_wait3A_239 = tpu.memref_slice %arg13[%dma_wait3A_237, %dma_wait3A_238] : memref<10240x128xf32, #tpu.memory_space<vmem_shared>> -> memref<10240x128xf32, #tpu.memory_space<vmem_shared>>
      tpu.wait_indirect_dma semaphore(%arg17 : memref<!tpu.dma_semaphore, #tpu.memory_space<semaphore_mem>>) src(%arg11 : memref<128x128xf32, #tpu.memory_space<vmem>>) dst(%dma_wait3A_239 : memref<10240x128xf32, #tpu.memory_space<vmem_shared>>)
      %dma_start3A_240 = arith.constant 3 : i32
      %dma_start3A_241 = arith.constant 0 : i32
      %dma_start3A_242 = tpu.memref_slice %arg9[%dma_start3A_240, %dma_start3A_241] : memref<8x128xi32, #tpu.memory_space<vmem>> -> memref<1x128xi32, #tpu.memory_space<vmem>>
      %dma_start3A_243 = tpu.memref_squeeze %dma_start3A_242 : memref<1x128xi32, #tpu.memory_space<vmem>> -> memref<128xi32, #tpu.memory_space<vmem>>
      %dma_start3A_244 = arith.constant 0 : i32
      %dma_start3A_245 = arith.constant 0 : i32
      %dma_start3A_246 = tpu.memref_slice %arg2[%dma_start3A_244, %dma_start3A_245] : memref<10240x128xf32, #tpu.memory_space<hbm>> -> memref<10240x128xf32, #tpu.memory_space<hbm>>
      tpu.enqueue_indirect_dma source(%dma_start3A_246 : memref<10240x128xf32, #tpu.memory_space<hbm>>) target(%arg11 : memref<128x128xf32, #tpu.memory_space<vmem>>) offsets(%dma_start3A_243 : memref<128xi32, #tpu.memory_space<vmem>>) semaphore(%arg15 : memref<!tpu.dma_semaphore, #tpu.memory_space<semaphore_mem>>)
      %dma_wait3A_247 = arith.constant 3 : i32
      %dma_wait3A_248 = arith.constant 0 : i32
      %dma_wait3A_249 = tpu.memref_slice %arg8[%dma_wait3A_247, %dma_wait3A_248] : memref<8x128xi32, #tpu.memory_space<vmem>> -> memref<1x128xi32, #tpu.memory_space<vmem>>
      %dma_wait3A_250 = tpu.memref_squeeze %dma_wait3A_249 : memref<1x128xi32, #tpu.memory_space<vmem>> -> memref<128xi32, #tpu.memory_space<vmem>>
      %dma_wait3A_251 = arith.constant 0 : i32
      %dma_wait3A_252 = arith.constant 0 : i32
      %dma_wait3A_253 = tpu.memref_slice %arg2[%dma_wait3A_251, %dma_wait3A_252] : memref<10240x128xf32, #tpu.memory_space<hbm>> -> memref<10240x128xf32, #tpu.memory_space<hbm>>
      tpu.wait_indirect_dma semaphore(%arg14 : memref<!tpu.dma_semaphore, #tpu.memory_space<semaphore_mem>>) src(%dma_wait3A_253 : memref<10240x128xf32, #tpu.memory_space<hbm>>) dst(%arg10 : memref<128x128xf32, #tpu.memory_space<vmem>>)
      %dma_start3A_254 = arith.constant 3 : i32
      %dma_start3A_255 = arith.constant 0 : i32
      %dma_start3A_256 = tpu.memref_slice %arg9[%dma_start3A_254, %dma_start3A_255] : memref<8x128xi32, #tpu.memory_space<vmem>> -> memref<1x128xi32, #tpu.memory_space<vmem>>
      %dma_start3A_257 = tpu.memref_squeeze %dma_start3A_256 : memref<1x128xi32, #tpu.memory_space<vmem>> -> memref<128xi32, #tpu.memory_space<vmem>>
      %dma_start3A_258 = arith.constant 0 : i32
      %dma_start3A_259 = arith.constant 0 : i32
      %dma_start3A_260 = tpu.memref_slice %arg13[%dma_start3A_258, %dma_start3A_259] : memref<10240x128xf32, #tpu.memory_space<vmem_shared>> -> memref<10240x128xf32, #tpu.memory_space<vmem_shared>>
      tpu.enqueue_indirect_dma source(%arg10 : memref<128x128xf32, #tpu.memory_space<vmem>>) target(%dma_start3A_260 : memref<10240x128xf32, #tpu.memory_space<vmem_shared>>) offsets(%dma_start3A_257 : memref<128xi32, #tpu.memory_space<vmem>>) semaphore(%arg16 : memref<!tpu.dma_semaphore, #tpu.memory_space<semaphore_mem>>) {add = true}
      %dma_wait3A_261 = arith.constant 3 : i32
      %dma_wait3A_262 = arith.constant 0 : i32
      %dma_wait3A_263 = tpu.memref_slice %arg9[%dma_wait3A_261, %dma_wait3A_262] : memref<8x128xi32, #tpu.memory_space<vmem>> -> memref<1x128xi32, #tpu.memory_space<vmem>>
      %dma_wait3A_264 = tpu.memref_squeeze %dma_wait3A_263 : memref<1x128xi32, #tpu.memory_space<vmem>> -> memref<128xi32, #tpu.memory_space<vmem>>
      %dma_wait3A_265 = arith.constant 0 : i32
      %dma_wait3A_266 = arith.constant 0 : i32
      %dma_wait3A_267 = tpu.memref_slice %arg13[%dma_wait3A_265, %dma_wait3A_266] : memref<10240x128xf32, #tpu.memory_space<vmem_shared>> -> memref<10240x128xf32, #tpu.memory_space<vmem_shared>>
      tpu.wait_indirect_dma semaphore(%arg16 : memref<!tpu.dma_semaphore, #tpu.memory_space<semaphore_mem>>) src(%arg10 : memref<128x128xf32, #tpu.memory_space<vmem>>) dst(%dma_wait3A_267 : memref<10240x128xf32, #tpu.memory_space<vmem_shared>>)
      %dma_start3A_268 = arith.constant 4 : i32
      %dma_start3A_269 = arith.constant 0 : i32
      %dma_start3A_270 = tpu.memref_slice %arg8[%dma_start3A_268, %dma_start3A_269] : memref<8x128xi32, #tpu.memory_space<vmem>> -> memref<1x128xi32, #tpu.memory_space<vmem>>
      %dma_start3A_271 = tpu.memref_squeeze %dma_start3A_270 : memref<1x128xi32, #tpu.memory_space<vmem>> -> memref<128xi32, #tpu.memory_space<vmem>>
      %dma_start3A_272 = arith.constant 0 : i32
      %dma_start3A_273 = arith.constant 0 : i32
      %dma_start3A_274 = tpu.memref_slice %arg2[%dma_start3A_272, %dma_start3A_273] : memref<10240x128xf32, #tpu.memory_space<hbm>> -> memref<10240x128xf32, #tpu.memory_space<hbm>>
      tpu.enqueue_indirect_dma source(%dma_start3A_274 : memref<10240x128xf32, #tpu.memory_space<hbm>>) target(%arg10 : memref<128x128xf32, #tpu.memory_space<vmem>>) offsets(%dma_start3A_271 : memref<128xi32, #tpu.memory_space<vmem>>) semaphore(%arg14 : memref<!tpu.dma_semaphore, #tpu.memory_space<semaphore_mem>>)
      %dma_wait3A_275 = arith.constant 3 : i32
      %dma_wait3A_276 = arith.constant 0 : i32
      %dma_wait3A_277 = tpu.memref_slice %arg9[%dma_wait3A_275, %dma_wait3A_276] : memref<8x128xi32, #tpu.memory_space<vmem>> -> memref<1x128xi32, #tpu.memory_space<vmem>>
      %dma_wait3A_278 = tpu.memref_squeeze %dma_wait3A_277 : memref<1x128xi32, #tpu.memory_space<vmem>> -> memref<128xi32, #tpu.memory_space<vmem>>
      %dma_wait3A_279 = arith.constant 0 : i32
      %dma_wait3A_280 = arith.constant 0 : i32
      %dma_wait3A_281 = tpu.memref_slice %arg2[%dma_wait3A_279, %dma_wait3A_280] : memref<10240x128xf32, #tpu.memory_space<hbm>> -> memref<10240x128xf32, #tpu.memory_space<hbm>>
      tpu.wait_indirect_dma semaphore(%arg15 : memref<!tpu.dma_semaphore, #tpu.memory_space<semaphore_mem>>) src(%dma_wait3A_281 : memref<10240x128xf32, #tpu.memory_space<hbm>>) dst(%arg11 : memref<128x128xf32, #tpu.memory_space<vmem>>)
      %dma_start3A_282 = arith.constant 3 : i32
      %dma_start3A_283 = arith.constant 0 : i32
      %dma_start3A_284 = tpu.memref_slice %arg8[%dma_start3A_282, %dma_start3A_283] : memref<8x128xi32, #tpu.memory_space<vmem>> -> memref<1x128xi32, #tpu.memory_space<vmem>>
      %dma_start3A_285 = tpu.memref_squeeze %dma_start3A_284 : memref<1x128xi32, #tpu.memory_space<vmem>> -> memref<128xi32, #tpu.memory_space<vmem>>
      %dma_start3A_286 = arith.constant 0 : i32
      %dma_start3A_287 = arith.constant 0 : i32
      %dma_start3A_288 = tpu.memref_slice %arg13[%dma_start3A_286, %dma_start3A_287] : memref<10240x128xf32, #tpu.memory_space<vmem_shared>> -> memref<10240x128xf32, #tpu.memory_space<vmem_shared>>
      tpu.enqueue_indirect_dma source(%arg11 : memref<128x128xf32, #tpu.memory_space<vmem>>) target(%dma_start3A_288 : memref<10240x128xf32, #tpu.memory_space<vmem_shared>>) offsets(%dma_start3A_285 : memref<128xi32, #tpu.memory_space<vmem>>) semaphore(%arg17 : memref<!tpu.dma_semaphore, #tpu.memory_space<semaphore_mem>>) {add = true}
      %dma_wait3A_289 = arith.constant 3 : i32
      %dma_wait3A_290 = arith.constant 0 : i32
      %dma_wait3A_291 = tpu.memref_slice %arg8[%dma_wait3A_289, %dma_wait3A_290] : memref<8x128xi32, #tpu.memory_space<vmem>> -> memref<1x128xi32, #tpu.memory_space<vmem>>
      %dma_wait3A_292 = tpu.memref_squeeze %dma_wait3A_291 : memref<1x128xi32, #tpu.memory_space<vmem>> -> memref<128xi32, #tpu.memory_space<vmem>>
      %dma_wait3A_293 = arith.constant 0 : i32
      %dma_wait3A_294 = arith.constant 0 : i32
      %dma_wait3A_295 = tpu.memref_slice %arg13[%dma_wait3A_293, %dma_wait3A_294] : memref<10240x128xf32, #tpu.memory_space<vmem_shared>> -> memref<10240x128xf32, #tpu.memory_space<vmem_shared>>
      tpu.wait_indirect_dma semaphore(%arg17 : memref<!tpu.dma_semaphore, #tpu.memory_space<semaphore_mem>>) src(%arg11 : memref<128x128xf32, #tpu.memory_space<vmem>>) dst(%dma_wait3A_295 : memref<10240x128xf32, #tpu.memory_space<vmem_shared>>)
      %dma_start3A_296 = arith.constant 4 : i32
      %dma_start3A_297 = arith.constant 0 : i32
      %dma_start3A_298 = tpu.memref_slice %arg9[%dma_start3A_296, %dma_start3A_297] : memref<8x128xi32, #tpu.memory_space<vmem>> -> memref<1x128xi32, #tpu.memory_space<vmem>>
      %dma_start3A_299 = tpu.memref_squeeze %dma_start3A_298 : memref<1x128xi32, #tpu.memory_space<vmem>> -> memref<128xi32, #tpu.memory_space<vmem>>
      %dma_start3A_300 = arith.constant 0 : i32
      %dma_start3A_301 = arith.constant 0 : i32
      %dma_start3A_302 = tpu.memref_slice %arg2[%dma_start3A_300, %dma_start3A_301] : memref<10240x128xf32, #tpu.memory_space<hbm>> -> memref<10240x128xf32, #tpu.memory_space<hbm>>
      tpu.enqueue_indirect_dma source(%dma_start3A_302 : memref<10240x128xf32, #tpu.memory_space<hbm>>) target(%arg11 : memref<128x128xf32, #tpu.memory_space<vmem>>) offsets(%dma_start3A_299 : memref<128xi32, #tpu.memory_space<vmem>>) semaphore(%arg15 : memref<!tpu.dma_semaphore, #tpu.memory_space<semaphore_mem>>)
      %dma_wait3A_303 = arith.constant 4 : i32
      %dma_wait3A_304 = arith.constant 0 : i32
      %dma_wait3A_305 = tpu.memref_slice %arg8[%dma_wait3A_303, %dma_wait3A_304] : memref<8x128xi32, #tpu.memory_space<vmem>> -> memref<1x128xi32, #tpu.memory_space<vmem>>
      %dma_wait3A_306 = tpu.memref_squeeze %dma_wait3A_305 : memref<1x128xi32, #tpu.memory_space<vmem>> -> memref<128xi32, #tpu.memory_space<vmem>>
      %dma_wait3A_307 = arith.constant 0 : i32
      %dma_wait3A_308 = arith.constant 0 : i32
      %dma_wait3A_309 = tpu.memref_slice %arg2[%dma_wait3A_307, %dma_wait3A_308] : memref<10240x128xf32, #tpu.memory_space<hbm>> -> memref<10240x128xf32, #tpu.memory_space<hbm>>
      tpu.wait_indirect_dma semaphore(%arg14 : memref<!tpu.dma_semaphore, #tpu.memory_space<semaphore_mem>>) src(%dma_wait3A_309 : memref<10240x128xf32, #tpu.memory_space<hbm>>) dst(%arg10 : memref<128x128xf32, #tpu.memory_space<vmem>>)
      %dma_start3A_310 = arith.constant 4 : i32
      %dma_start3A_311 = arith.constant 0 : i32
      %dma_start3A_312 = tpu.memref_slice %arg9[%dma_start3A_310, %dma_start3A_311] : memref<8x128xi32, #tpu.memory_space<vmem>> -> memref<1x128xi32, #tpu.memory_space<vmem>>
      %dma_start3A_313 = tpu.memref_squeeze %dma_start3A_312 : memref<1x128xi32, #tpu.memory_space<vmem>> -> memref<128xi32, #tpu.memory_space<vmem>>
      %dma_start3A_314 = arith.constant 0 : i32
      %dma_start3A_315 = arith.constant 0 : i32
      %dma_start3A_316 = tpu.memref_slice %arg13[%dma_start3A_314, %dma_start3A_315] : memref<10240x128xf32, #tpu.memory_space<vmem_shared>> -> memref<10240x128xf32, #tpu.memory_space<vmem_shared>>
      tpu.enqueue_indirect_dma source(%arg10 : memref<128x128xf32, #tpu.memory_space<vmem>>) target(%dma_start3A_316 : memref<10240x128xf32, #tpu.memory_space<vmem_shared>>) offsets(%dma_start3A_313 : memref<128xi32, #tpu.memory_space<vmem>>) semaphore(%arg16 : memref<!tpu.dma_semaphore, #tpu.memory_space<semaphore_mem>>) {add = true}
      %dma_wait3A_317 = arith.constant 4 : i32
      %dma_wait3A_318 = arith.constant 0 : i32
      %dma_wait3A_319 = tpu.memref_slice %arg9[%dma_wait3A_317, %dma_wait3A_318] : memref<8x128xi32, #tpu.memory_space<vmem>> -> memref<1x128xi32, #tpu.memory_space<vmem>>
      %dma_wait3A_320 = tpu.memref_squeeze %dma_wait3A_319 : memref<1x128xi32, #tpu.memory_space<vmem>> -> memref<128xi32, #tpu.memory_space<vmem>>
      %dma_wait3A_321 = arith.constant 0 : i32
      %dma_wait3A_322 = arith.constant 0 : i32
      %dma_wait3A_323 = tpu.memref_slice %arg13[%dma_wait3A_321, %dma_wait3A_322] : memref<10240x128xf32, #tpu.memory_space<vmem_shared>> -> memref<10240x128xf32, #tpu.memory_space<vmem_shared>>
      tpu.wait_indirect_dma semaphore(%arg16 : memref<!tpu.dma_semaphore, #tpu.memory_space<semaphore_mem>>) src(%arg10 : memref<128x128xf32, #tpu.memory_space<vmem>>) dst(%dma_wait3A_323 : memref<10240x128xf32, #tpu.memory_space<vmem_shared>>)
      %dma_start3A_324 = arith.constant 5 : i32
      %dma_start3A_325 = arith.constant 0 : i32
      %dma_start3A_326 = tpu.memref_slice %arg8[%dma_start3A_324, %dma_start3A_325] : memref<8x128xi32, #tpu.memory_space<vmem>> -> memref<1x128xi32, #tpu.memory_space<vmem>>
      %dma_start3A_327 = tpu.memref_squeeze %dma_start3A_326 : memref<1x128xi32, #tpu.memory_space<vmem>> -> memref<128xi32, #tpu.memory_space<vmem>>
      %dma_start3A_328 = arith.constant 0 : i32
      %dma_start3A_329 = arith.constant 0 : i32
      %dma_start3A_330 = tpu.memref_slice %arg2[%dma_start3A_328, %dma_start3A_329] : memref<10240x128xf32, #tpu.memory_space<hbm>> -> memref<10240x128xf32, #tpu.memory_space<hbm>>
      tpu.enqueue_indirect_dma source(%dma_start3A_330 : memref<10240x128xf32, #tpu.memory_space<hbm>>) target(%arg10 : memref<128x128xf32, #tpu.memory_space<vmem>>) offsets(%dma_start3A_327 : memref<128xi32, #tpu.memory_space<vmem>>) semaphore(%arg14 : memref<!tpu.dma_semaphore, #tpu.memory_space<semaphore_mem>>)
      %dma_wait3A_331 = arith.constant 4 : i32
      %dma_wait3A_332 = arith.constant 0 : i32
      %dma_wait3A_333 = tpu.memref_slice %arg9[%dma_wait3A_331, %dma_wait3A_332] : memref<8x128xi32, #tpu.memory_space<vmem>> -> memref<1x128xi32, #tpu.memory_space<vmem>>
      %dma_wait3A_334 = tpu.memref_squeeze %dma_wait3A_333 : memref<1x128xi32, #tpu.memory_space<vmem>> -> memref<128xi32, #tpu.memory_space<vmem>>
      %dma_wait3A_335 = arith.constant 0 : i32
      %dma_wait3A_336 = arith.constant 0 : i32
      %dma_wait3A_337 = tpu.memref_slice %arg2[%dma_wait3A_335, %dma_wait3A_336] : memref<10240x128xf32, #tpu.memory_space<hbm>> -> memref<10240x128xf32, #tpu.memory_space<hbm>>
      tpu.wait_indirect_dma semaphore(%arg15 : memref<!tpu.dma_semaphore, #tpu.memory_space<semaphore_mem>>) src(%dma_wait3A_337 : memref<10240x128xf32, #tpu.memory_space<hbm>>) dst(%arg11 : memref<128x128xf32, #tpu.memory_space<vmem>>)
      %dma_start3A_338 = arith.constant 4 : i32
      %dma_start3A_339 = arith.constant 0 : i32
      %dma_start3A_340 = tpu.memref_slice %arg8[%dma_start3A_338, %dma_start3A_339] : memref<8x128xi32, #tpu.memory_space<vmem>> -> memref<1x128xi32, #tpu.memory_space<vmem>>
      %dma_start3A_341 = tpu.memref_squeeze %dma_start3A_340 : memref<1x128xi32, #tpu.memory_space<vmem>> -> memref<128xi32, #tpu.memory_space<vmem>>
      %dma_start3A_342 = arith.constant 0 : i32
      %dma_start3A_343 = arith.constant 0 : i32
      %dma_start3A_344 = tpu.memref_slice %arg13[%dma_start3A_342, %dma_start3A_343] : memref<10240x128xf32, #tpu.memory_space<vmem_shared>> -> memref<10240x128xf32, #tpu.memory_space<vmem_shared>>
      tpu.enqueue_indirect_dma source(%arg11 : memref<128x128xf32, #tpu.memory_space<vmem>>) target(%dma_start3A_344 : memref<10240x128xf32, #tpu.memory_space<vmem_shared>>) offsets(%dma_start3A_341 : memref<128xi32, #tpu.memory_space<vmem>>) semaphore(%arg17 : memref<!tpu.dma_semaphore, #tpu.memory_space<semaphore_mem>>) {add = true}
      %dma_wait3A_345 = arith.constant 4 : i32
      %dma_wait3A_346 = arith.constant 0 : i32
      %dma_wait3A_347 = tpu.memref_slice %arg8[%dma_wait3A_345, %dma_wait3A_346] : memref<8x128xi32, #tpu.memory_space<vmem>> -> memref<1x128xi32, #tpu.memory_space<vmem>>
      %dma_wait3A_348 = tpu.memref_squeeze %dma_wait3A_347 : memref<1x128xi32, #tpu.memory_space<vmem>> -> memref<128xi32, #tpu.memory_space<vmem>>
      %dma_wait3A_349 = arith.constant 0 : i32
      %dma_wait3A_350 = arith.constant 0 : i32
      %dma_wait3A_351 = tpu.memref_slice %arg13[%dma_wait3A_349, %dma_wait3A_350] : memref<10240x128xf32, #tpu.memory_space<vmem_shared>> -> memref<10240x128xf32, #tpu.memory_space<vmem_shared>>
      tpu.wait_indirect_dma semaphore(%arg17 : memref<!tpu.dma_semaphore, #tpu.memory_space<semaphore_mem>>) src(%arg11 : memref<128x128xf32, #tpu.memory_space<vmem>>) dst(%dma_wait3A_351 : memref<10240x128xf32, #tpu.memory_space<vmem_shared>>)
      %dma_start3A_352 = arith.constant 5 : i32
      %dma_start3A_353 = arith.constant 0 : i32
      %dma_start3A_354 = tpu.memref_slice %arg9[%dma_start3A_352, %dma_start3A_353] : memref<8x128xi32, #tpu.memory_space<vmem>> -> memref<1x128xi32, #tpu.memory_space<vmem>>
      %dma_start3A_355 = tpu.memref_squeeze %dma_start3A_354 : memref<1x128xi32, #tpu.memory_space<vmem>> -> memref<128xi32, #tpu.memory_space<vmem>>
      %dma_start3A_356 = arith.constant 0 : i32
      %dma_start3A_357 = arith.constant 0 : i32
      %dma_start3A_358 = tpu.memref_slice %arg2[%dma_start3A_356, %dma_start3A_357] : memref<10240x128xf32, #tpu.memory_space<hbm>> -> memref<10240x128xf32, #tpu.memory_space<hbm>>
      tpu.enqueue_indirect_dma source(%dma_start3A_358 : memref<10240x128xf32, #tpu.memory_space<hbm>>) target(%arg11 : memref<128x128xf32, #tpu.memory_space<vmem>>) offsets(%dma_start3A_355 : memref<128xi32, #tpu.memory_space<vmem>>) semaphore(%arg15 : memref<!tpu.dma_semaphore, #tpu.memory_space<semaphore_mem>>)
      %dma_wait3A_359 = arith.constant 5 : i32
      %dma_wait3A_360 = arith.constant 0 : i32
      %dma_wait3A_361 = tpu.memref_slice %arg8[%dma_wait3A_359, %dma_wait3A_360] : memref<8x128xi32, #tpu.memory_space<vmem>> -> memref<1x128xi32, #tpu.memory_space<vmem>>
      %dma_wait3A_362 = tpu.memref_squeeze %dma_wait3A_361 : memref<1x128xi32, #tpu.memory_space<vmem>> -> memref<128xi32, #tpu.memory_space<vmem>>
      %dma_wait3A_363 = arith.constant 0 : i32
      %dma_wait3A_364 = arith.constant 0 : i32
      %dma_wait3A_365 = tpu.memref_slice %arg2[%dma_wait3A_363, %dma_wait3A_364] : memref<10240x128xf32, #tpu.memory_space<hbm>> -> memref<10240x128xf32, #tpu.memory_space<hbm>>
      tpu.wait_indirect_dma semaphore(%arg14 : memref<!tpu.dma_semaphore, #tpu.memory_space<semaphore_mem>>) src(%dma_wait3A_365 : memref<10240x128xf32, #tpu.memory_space<hbm>>) dst(%arg10 : memref<128x128xf32, #tpu.memory_space<vmem>>)
      %dma_start3A_366 = arith.constant 5 : i32
      %dma_start3A_367 = arith.constant 0 : i32
      %dma_start3A_368 = tpu.memref_slice %arg9[%dma_start3A_366, %dma_start3A_367] : memref<8x128xi32, #tpu.memory_space<vmem>> -> memref<1x128xi32, #tpu.memory_space<vmem>>
      %dma_start3A_369 = tpu.memref_squeeze %dma_start3A_368 : memref<1x128xi32, #tpu.memory_space<vmem>> -> memref<128xi32, #tpu.memory_space<vmem>>
      %dma_start3A_370 = arith.constant 0 : i32
      %dma_start3A_371 = arith.constant 0 : i32
      %dma_start3A_372 = tpu.memref_slice %arg13[%dma_start3A_370, %dma_start3A_371] : memref<10240x128xf32, #tpu.memory_space<vmem_shared>> -> memref<10240x128xf32, #tpu.memory_space<vmem_shared>>
      tpu.enqueue_indirect_dma source(%arg10 : memref<128x128xf32, #tpu.memory_space<vmem>>) target(%dma_start3A_372 : memref<10240x128xf32, #tpu.memory_space<vmem_shared>>) offsets(%dma_start3A_369 : memref<128xi32, #tpu.memory_space<vmem>>) semaphore(%arg16 : memref<!tpu.dma_semaphore, #tpu.memory_space<semaphore_mem>>) {add = true}
      %dma_wait3A_373 = arith.constant 5 : i32
      %dma_wait3A_374 = arith.constant 0 : i32
      %dma_wait3A_375 = tpu.memref_slice %arg9[%dma_wait3A_373, %dma_wait3A_374] : memref<8x128xi32, #tpu.memory_space<vmem>> -> memref<1x128xi32, #tpu.memory_space<vmem>>
      %dma_wait3A_376 = tpu.memref_squeeze %dma_wait3A_375 : memref<1x128xi32, #tpu.memory_space<vmem>> -> memref<128xi32, #tpu.memory_space<vmem>>
      %dma_wait3A_377 = arith.constant 0 : i32
      %dma_wait3A_378 = arith.constant 0 : i32
      %dma_wait3A_379 = tpu.memref_slice %arg13[%dma_wait3A_377, %dma_wait3A_378] : memref<10240x128xf32, #tpu.memory_space<vmem_shared>> -> memref<10240x128xf32, #tpu.memory_space<vmem_shared>>
      tpu.wait_indirect_dma semaphore(%arg16 : memref<!tpu.dma_semaphore, #tpu.memory_space<semaphore_mem>>) src(%arg10 : memref<128x128xf32, #tpu.memory_space<vmem>>) dst(%dma_wait3A_379 : memref<10240x128xf32, #tpu.memory_space<vmem_shared>>)
      %dma_start3A_380 = arith.constant 6 : i32
      %dma_start3A_381 = arith.constant 0 : i32
      %dma_start3A_382 = tpu.memref_slice %arg8[%dma_start3A_380, %dma_start3A_381] : memref<8x128xi32, #tpu.memory_space<vmem>> -> memref<1x128xi32, #tpu.memory_space<vmem>>
      %dma_start3A_383 = tpu.memref_squeeze %dma_start3A_382 : memref<1x128xi32, #tpu.memory_space<vmem>> -> memref<128xi32, #tpu.memory_space<vmem>>
      %dma_start3A_384 = arith.constant 0 : i32
      %dma_start3A_385 = arith.constant 0 : i32
      %dma_start3A_386 = tpu.memref_slice %arg2[%dma_start3A_384, %dma_start3A_385] : memref<10240x128xf32, #tpu.memory_space<hbm>> -> memref<10240x128xf32, #tpu.memory_space<hbm>>
      tpu.enqueue_indirect_dma source(%dma_start3A_386 : memref<10240x128xf32, #tpu.memory_space<hbm>>) target(%arg10 : memref<128x128xf32, #tpu.memory_space<vmem>>) offsets(%dma_start3A_383 : memref<128xi32, #tpu.memory_space<vmem>>) semaphore(%arg14 : memref<!tpu.dma_semaphore, #tpu.memory_space<semaphore_mem>>)
      %dma_wait3A_387 = arith.constant 5 : i32
      %dma_wait3A_388 = arith.constant 0 : i32
      %dma_wait3A_389 = tpu.memref_slice %arg9[%dma_wait3A_387, %dma_wait3A_388] : memref<8x128xi32, #tpu.memory_space<vmem>> -> memref<1x128xi32, #tpu.memory_space<vmem>>
      %dma_wait3A_390 = tpu.memref_squeeze %dma_wait3A_389 : memref<1x128xi32, #tpu.memory_space<vmem>> -> memref<128xi32, #tpu.memory_space<vmem>>
      %dma_wait3A_391 = arith.constant 0 : i32
      %dma_wait3A_392 = arith.constant 0 : i32
      %dma_wait3A_393 = tpu.memref_slice %arg2[%dma_wait3A_391, %dma_wait3A_392] : memref<10240x128xf32, #tpu.memory_space<hbm>> -> memref<10240x128xf32, #tpu.memory_space<hbm>>
      tpu.wait_indirect_dma semaphore(%arg15 : memref<!tpu.dma_semaphore, #tpu.memory_space<semaphore_mem>>) src(%dma_wait3A_393 : memref<10240x128xf32, #tpu.memory_space<hbm>>) dst(%arg11 : memref<128x128xf32, #tpu.memory_space<vmem>>)
      %dma_start3A_394 = arith.constant 5 : i32
      %dma_start3A_395 = arith.constant 0 : i32
      %dma_start3A_396 = tpu.memref_slice %arg8[%dma_start3A_394, %dma_start3A_395] : memref<8x128xi32, #tpu.memory_space<vmem>> -> memref<1x128xi32, #tpu.memory_space<vmem>>
      %dma_start3A_397 = tpu.memref_squeeze %dma_start3A_396 : memref<1x128xi32, #tpu.memory_space<vmem>> -> memref<128xi32, #tpu.memory_space<vmem>>
      %dma_start3A_398 = arith.constant 0 : i32
      %dma_start3A_399 = arith.constant 0 : i32
      %dma_start3A_400 = tpu.memref_slice %arg13[%dma_start3A_398, %dma_start3A_399] : memref<10240x128xf32, #tpu.memory_space<vmem_shared>> -> memref<10240x128xf32, #tpu.memory_space<vmem_shared>>
      tpu.enqueue_indirect_dma source(%arg11 : memref<128x128xf32, #tpu.memory_space<vmem>>) target(%dma_start3A_400 : memref<10240x128xf32, #tpu.memory_space<vmem_shared>>) offsets(%dma_start3A_397 : memref<128xi32, #tpu.memory_space<vmem>>) semaphore(%arg17 : memref<!tpu.dma_semaphore, #tpu.memory_space<semaphore_mem>>) {add = true}
      %dma_wait3A_401 = arith.constant 5 : i32
      %dma_wait3A_402 = arith.constant 0 : i32
      %dma_wait3A_403 = tpu.memref_slice %arg8[%dma_wait3A_401, %dma_wait3A_402] : memref<8x128xi32, #tpu.memory_space<vmem>> -> memref<1x128xi32, #tpu.memory_space<vmem>>
      %dma_wait3A_404 = tpu.memref_squeeze %dma_wait3A_403 : memref<1x128xi32, #tpu.memory_space<vmem>> -> memref<128xi32, #tpu.memory_space<vmem>>
      %dma_wait3A_405 = arith.constant 0 : i32
      %dma_wait3A_406 = arith.constant 0 : i32
      %dma_wait3A_407 = tpu.memref_slice %arg13[%dma_wait3A_405, %dma_wait3A_406] : memref<10240x128xf32, #tpu.memory_space<vmem_shared>> -> memref<10240x128xf32, #tpu.memory_space<vmem_shared>>
      tpu.wait_indirect_dma semaphore(%arg17 : memref<!tpu.dma_semaphore, #tpu.memory_space<semaphore_mem>>) src(%arg11 : memref<128x128xf32, #tpu.memory_space<vmem>>) dst(%dma_wait3A_407 : memref<10240x128xf32, #tpu.memory_space<vmem_shared>>)
      %dma_start3A_408 = arith.constant 6 : i32
      %dma_start3A_409 = arith.constant 0 : i32
      %dma_start3A_410 = tpu.memref_slice %arg9[%dma_start3A_408, %dma_start3A_409] : memref<8x128xi32, #tpu.memory_space<vmem>> -> memref<1x128xi32, #tpu.memory_space<vmem>>
      %dma_start3A_411 = tpu.memref_squeeze %dma_start3A_410 : memref<1x128xi32, #tpu.memory_space<vmem>> -> memref<128xi32, #tpu.memory_space<vmem>>
      %dma_start3A_412 = arith.constant 0 : i32
      %dma_start3A_413 = arith.constant 0 : i32
      %dma_start3A_414 = tpu.memref_slice %arg2[%dma_start3A_412, %dma_start3A_413] : memref<10240x128xf32, #tpu.memory_space<hbm>> -> memref<10240x128xf32, #tpu.memory_space<hbm>>
      tpu.enqueue_indirect_dma source(%dma_start3A_414 : memref<10240x128xf32, #tpu.memory_space<hbm>>) target(%arg11 : memref<128x128xf32, #tpu.memory_space<vmem>>) offsets(%dma_start3A_411 : memref<128xi32, #tpu.memory_space<vmem>>) semaphore(%arg15 : memref<!tpu.dma_semaphore, #tpu.memory_space<semaphore_mem>>)
      %dma_wait3A_415 = arith.constant 6 : i32
      %dma_wait3A_416 = arith.constant 0 : i32
      %dma_wait3A_417 = tpu.memref_slice %arg8[%dma_wait3A_415, %dma_wait3A_416] : memref<8x128xi32, #tpu.memory_space<vmem>> -> memref<1x128xi32, #tpu.memory_space<vmem>>
      %dma_wait3A_418 = tpu.memref_squeeze %dma_wait3A_417 : memref<1x128xi32, #tpu.memory_space<vmem>> -> memref<128xi32, #tpu.memory_space<vmem>>
      %dma_wait3A_419 = arith.constant 0 : i32
      %dma_wait3A_420 = arith.constant 0 : i32
      %dma_wait3A_421 = tpu.memref_slice %arg2[%dma_wait3A_419, %dma_wait3A_420] : memref<10240x128xf32, #tpu.memory_space<hbm>> -> memref<10240x128xf32, #tpu.memory_space<hbm>>
      tpu.wait_indirect_dma semaphore(%arg14 : memref<!tpu.dma_semaphore, #tpu.memory_space<semaphore_mem>>) src(%dma_wait3A_421 : memref<10240x128xf32, #tpu.memory_space<hbm>>) dst(%arg10 : memref<128x128xf32, #tpu.memory_space<vmem>>)
      %dma_start3A_422 = arith.constant 6 : i32
      %dma_start3A_423 = arith.constant 0 : i32
      %dma_start3A_424 = tpu.memref_slice %arg9[%dma_start3A_422, %dma_start3A_423] : memref<8x128xi32, #tpu.memory_space<vmem>> -> memref<1x128xi32, #tpu.memory_space<vmem>>
      %dma_start3A_425 = tpu.memref_squeeze %dma_start3A_424 : memref<1x128xi32, #tpu.memory_space<vmem>> -> memref<128xi32, #tpu.memory_space<vmem>>
      %dma_start3A_426 = arith.constant 0 : i32
      %dma_start3A_427 = arith.constant 0 : i32
      %dma_start3A_428 = tpu.memref_slice %arg13[%dma_start3A_426, %dma_start3A_427] : memref<10240x128xf32, #tpu.memory_space<vmem_shared>> -> memref<10240x128xf32, #tpu.memory_space<vmem_shared>>
      tpu.enqueue_indirect_dma source(%arg10 : memref<128x128xf32, #tpu.memory_space<vmem>>) target(%dma_start3A_428 : memref<10240x128xf32, #tpu.memory_space<vmem_shared>>) offsets(%dma_start3A_425 : memref<128xi32, #tpu.memory_space<vmem>>) semaphore(%arg16 : memref<!tpu.dma_semaphore, #tpu.memory_space<semaphore_mem>>) {add = true}
      %dma_wait3A_429 = arith.constant 6 : i32
      %dma_wait3A_430 = arith.constant 0 : i32
      %dma_wait3A_431 = tpu.memref_slice %arg9[%dma_wait3A_429, %dma_wait3A_430] : memref<8x128xi32, #tpu.memory_space<vmem>> -> memref<1x128xi32, #tpu.memory_space<vmem>>
      %dma_wait3A_432 = tpu.memref_squeeze %dma_wait3A_431 : memref<1x128xi32, #tpu.memory_space<vmem>> -> memref<128xi32, #tpu.memory_space<vmem>>
      %dma_wait3A_433 = arith.constant 0 : i32
      %dma_wait3A_434 = arith.constant 0 : i32
      %dma_wait3A_435 = tpu.memref_slice %arg13[%dma_wait3A_433, %dma_wait3A_434] : memref<10240x128xf32, #tpu.memory_space<vmem_shared>> -> memref<10240x128xf32, #tpu.memory_space<vmem_shared>>
      tpu.wait_indirect_dma semaphore(%arg16 : memref<!tpu.dma_semaphore, #tpu.memory_space<semaphore_mem>>) src(%arg10 : memref<128x128xf32, #tpu.memory_space<vmem>>) dst(%dma_wait3A_435 : memref<10240x128xf32, #tpu.memory_space<vmem_shared>>)
      %dma_start3A_436 = arith.constant 7 : i32
      %dma_start3A_437 = arith.constant 0 : i32
      %dma_start3A_438 = tpu.memref_slice %arg8[%dma_start3A_436, %dma_start3A_437] : memref<8x128xi32, #tpu.memory_space<vmem>> -> memref<1x128xi32, #tpu.memory_space<vmem>>
      %dma_start3A_439 = tpu.memref_squeeze %dma_start3A_438 : memref<1x128xi32, #tpu.memory_space<vmem>> -> memref<128xi32, #tpu.memory_space<vmem>>
      %dma_start3A_440 = arith.constant 0 : i32
      %dma_start3A_441 = arith.constant 0 : i32
      %dma_start3A_442 = tpu.memref_slice %arg2[%dma_start3A_440, %dma_start3A_441] : memref<10240x128xf32, #tpu.memory_space<hbm>> -> memref<10240x128xf32, #tpu.memory_space<hbm>>
      tpu.enqueue_indirect_dma source(%dma_start3A_442 : memref<10240x128xf32, #tpu.memory_space<hbm>>) target(%arg10 : memref<128x128xf32, #tpu.memory_space<vmem>>) offsets(%dma_start3A_439 : memref<128xi32, #tpu.memory_space<vmem>>) semaphore(%arg14 : memref<!tpu.dma_semaphore, #tpu.memory_space<semaphore_mem>>)
      %dma_wait3A_443 = arith.constant 6 : i32
      %dma_wait3A_444 = arith.constant 0 : i32
      %dma_wait3A_445 = tpu.memref_slice %arg9[%dma_wait3A_443, %dma_wait3A_444] : memref<8x128xi32, #tpu.memory_space<vmem>> -> memref<1x128xi32, #tpu.memory_space<vmem>>
      %dma_wait3A_446 = tpu.memref_squeeze %dma_wait3A_445 : memref<1x128xi32, #tpu.memory_space<vmem>> -> memref<128xi32, #tpu.memory_space<vmem>>
      %dma_wait3A_447 = arith.constant 0 : i32
      %dma_wait3A_448 = arith.constant 0 : i32
      %dma_wait3A_449 = tpu.memref_slice %arg2[%dma_wait3A_447, %dma_wait3A_448] : memref<10240x128xf32, #tpu.memory_space<hbm>> -> memref<10240x128xf32, #tpu.memory_space<hbm>>
      tpu.wait_indirect_dma semaphore(%arg15 : memref<!tpu.dma_semaphore, #tpu.memory_space<semaphore_mem>>) src(%dma_wait3A_449 : memref<10240x128xf32, #tpu.memory_space<hbm>>) dst(%arg11 : memref<128x128xf32, #tpu.memory_space<vmem>>)
      %dma_start3A_450 = arith.constant 6 : i32
      %dma_start3A_451 = arith.constant 0 : i32
      %dma_start3A_452 = tpu.memref_slice %arg8[%dma_start3A_450, %dma_start3A_451] : memref<8x128xi32, #tpu.memory_space<vmem>> -> memref<1x128xi32, #tpu.memory_space<vmem>>
      %dma_start3A_453 = tpu.memref_squeeze %dma_start3A_452 : memref<1x128xi32, #tpu.memory_space<vmem>> -> memref<128xi32, #tpu.memory_space<vmem>>
      %dma_start3A_454 = arith.constant 0 : i32
      %dma_start3A_455 = arith.constant 0 : i32
      %dma_start3A_456 = tpu.memref_slice %arg13[%dma_start3A_454, %dma_start3A_455] : memref<10240x128xf32, #tpu.memory_space<vmem_shared>> -> memref<10240x128xf32, #tpu.memory_space<vmem_shared>>
      tpu.enqueue_indirect_dma source(%arg11 : memref<128x128xf32, #tpu.memory_space<vmem>>) target(%dma_start3A_456 : memref<10240x128xf32, #tpu.memory_space<vmem_shared>>) offsets(%dma_start3A_453 : memref<128xi32, #tpu.memory_space<vmem>>) semaphore(%arg17 : memref<!tpu.dma_semaphore, #tpu.memory_space<semaphore_mem>>) {add = true}
      %dma_wait3A_457 = arith.constant 6 : i32
      %dma_wait3A_458 = arith.constant 0 : i32
      %dma_wait3A_459 = tpu.memref_slice %arg8[%dma_wait3A_457, %dma_wait3A_458] : memref<8x128xi32, #tpu.memory_space<vmem>> -> memref<1x128xi32, #tpu.memory_space<vmem>>
      %dma_wait3A_460 = tpu.memref_squeeze %dma_wait3A_459 : memref<1x128xi32, #tpu.memory_space<vmem>> -> memref<128xi32, #tpu.memory_space<vmem>>
      %dma_wait3A_461 = arith.constant 0 : i32
      %dma_wait3A_462 = arith.constant 0 : i32
      %dma_wait3A_463 = tpu.memref_slice %arg13[%dma_wait3A_461, %dma_wait3A_462] : memref<10240x128xf32, #tpu.memory_space<vmem_shared>> -> memref<10240x128xf32, #tpu.memory_space<vmem_shared>>
      tpu.wait_indirect_dma semaphore(%arg17 : memref<!tpu.dma_semaphore, #tpu.memory_space<semaphore_mem>>) src(%arg11 : memref<128x128xf32, #tpu.memory_space<vmem>>) dst(%dma_wait3A_463 : memref<10240x128xf32, #tpu.memory_space<vmem_shared>>)
      %dma_start3A_464 = arith.constant 7 : i32
      %dma_start3A_465 = arith.constant 0 : i32
      %dma_start3A_466 = tpu.memref_slice %arg9[%dma_start3A_464, %dma_start3A_465] : memref<8x128xi32, #tpu.memory_space<vmem>> -> memref<1x128xi32, #tpu.memory_space<vmem>>
      %dma_start3A_467 = tpu.memref_squeeze %dma_start3A_466 : memref<1x128xi32, #tpu.memory_space<vmem>> -> memref<128xi32, #tpu.memory_space<vmem>>
      %dma_start3A_468 = arith.constant 0 : i32
      %dma_start3A_469 = arith.constant 0 : i32
      %dma_start3A_470 = tpu.memref_slice %arg2[%dma_start3A_468, %dma_start3A_469] : memref<10240x128xf32, #tpu.memory_space<hbm>> -> memref<10240x128xf32, #tpu.memory_space<hbm>>
      tpu.enqueue_indirect_dma source(%dma_start3A_470 : memref<10240x128xf32, #tpu.memory_space<hbm>>) target(%arg11 : memref<128x128xf32, #tpu.memory_space<vmem>>) offsets(%dma_start3A_467 : memref<128xi32, #tpu.memory_space<vmem>>) semaphore(%arg15 : memref<!tpu.dma_semaphore, #tpu.memory_space<semaphore_mem>>)
      %dma_wait3A_471 = arith.constant 7 : i32
      %dma_wait3A_472 = arith.constant 0 : i32
      %dma_wait3A_473 = tpu.memref_slice %arg8[%dma_wait3A_471, %dma_wait3A_472] : memref<8x128xi32, #tpu.memory_space<vmem>> -> memref<1x128xi32, #tpu.memory_space<vmem>>
      %dma_wait3A_474 = tpu.memref_squeeze %dma_wait3A_473 : memref<1x128xi32, #tpu.memory_space<vmem>> -> memref<128xi32, #tpu.memory_space<vmem>>
      %dma_wait3A_475 = arith.constant 0 : i32
      %dma_wait3A_476 = arith.constant 0 : i32
      %dma_wait3A_477 = tpu.memref_slice %arg2[%dma_wait3A_475, %dma_wait3A_476] : memref<10240x128xf32, #tpu.memory_space<hbm>> -> memref<10240x128xf32, #tpu.memory_space<hbm>>
      tpu.wait_indirect_dma semaphore(%arg14 : memref<!tpu.dma_semaphore, #tpu.memory_space<semaphore_mem>>) src(%dma_wait3A_477 : memref<10240x128xf32, #tpu.memory_space<hbm>>) dst(%arg10 : memref<128x128xf32, #tpu.memory_space<vmem>>)
      %dma_start3A_478 = arith.constant 7 : i32
      %dma_start3A_479 = arith.constant 0 : i32
      %dma_start3A_480 = tpu.memref_slice %arg9[%dma_start3A_478, %dma_start3A_479] : memref<8x128xi32, #tpu.memory_space<vmem>> -> memref<1x128xi32, #tpu.memory_space<vmem>>
      %dma_start3A_481 = tpu.memref_squeeze %dma_start3A_480 : memref<1x128xi32, #tpu.memory_space<vmem>> -> memref<128xi32, #tpu.memory_space<vmem>>
      %dma_start3A_482 = arith.constant 0 : i32
      %dma_start3A_483 = arith.constant 0 : i32
      %dma_start3A_484 = tpu.memref_slice %arg13[%dma_start3A_482, %dma_start3A_483] : memref<10240x128xf32, #tpu.memory_space<vmem_shared>> -> memref<10240x128xf32, #tpu.memory_space<vmem_shared>>
      tpu.enqueue_indirect_dma source(%arg10 : memref<128x128xf32, #tpu.memory_space<vmem>>) target(%dma_start3A_484 : memref<10240x128xf32, #tpu.memory_space<vmem_shared>>) offsets(%dma_start3A_481 : memref<128xi32, #tpu.memory_space<vmem>>) semaphore(%arg16 : memref<!tpu.dma_semaphore, #tpu.memory_space<semaphore_mem>>) {add = true}
      %dma_wait3A_485 = arith.constant 7 : i32
      %dma_wait3A_486 = arith.constant 0 : i32
      %dma_wait3A_487 = tpu.memref_slice %arg9[%dma_wait3A_485, %dma_wait3A_486] : memref<8x128xi32, #tpu.memory_space<vmem>> -> memref<1x128xi32, #tpu.memory_space<vmem>>
      %dma_wait3A_488 = tpu.memref_squeeze %dma_wait3A_487 : memref<1x128xi32, #tpu.memory_space<vmem>> -> memref<128xi32, #tpu.memory_space<vmem>>
      %dma_wait3A_489 = arith.constant 0 : i32
      %dma_wait3A_490 = arith.constant 0 : i32
      %dma_wait3A_491 = tpu.memref_slice %arg2[%dma_wait3A_489, %dma_wait3A_490] : memref<10240x128xf32, #tpu.memory_space<hbm>> -> memref<10240x128xf32, #tpu.memory_space<hbm>>
      tpu.wait_indirect_dma semaphore(%arg15 : memref<!tpu.dma_semaphore, #tpu.memory_space<semaphore_mem>>) src(%dma_wait3A_491 : memref<10240x128xf32, #tpu.memory_space<hbm>>) dst(%arg11 : memref<128x128xf32, #tpu.memory_space<vmem>>)
      %dma_start3A_492 = arith.constant 7 : i32
      %dma_start3A_493 = arith.constant 0 : i32
      %dma_start3A_494 = tpu.memref_slice %arg8[%dma_start3A_492, %dma_start3A_493] : memref<8x128xi32, #tpu.memory_space<vmem>> -> memref<1x128xi32, #tpu.memory_space<vmem>>
      %dma_start3A_495 = tpu.memref_squeeze %dma_start3A_494 : memref<1x128xi32, #tpu.memory_space<vmem>> -> memref<128xi32, #tpu.memory_space<vmem>>
      %dma_start3A_496 = arith.constant 0 : i32
      %dma_start3A_497 = arith.constant 0 : i32
      %dma_start3A_498 = tpu.memref_slice %arg13[%dma_start3A_496, %dma_start3A_497] : memref<10240x128xf32, #tpu.memory_space<vmem_shared>> -> memref<10240x128xf32, #tpu.memory_space<vmem_shared>>
      tpu.enqueue_indirect_dma source(%arg11 : memref<128x128xf32, #tpu.memory_space<vmem>>) target(%dma_start3A_498 : memref<10240x128xf32, #tpu.memory_space<vmem_shared>>) offsets(%dma_start3A_495 : memref<128xi32, #tpu.memory_space<vmem>>) semaphore(%arg17 : memref<!tpu.dma_semaphore, #tpu.memory_space<semaphore_mem>>) {add = true}
      %dma_wait3A_499 = arith.constant 7 : i32
      %dma_wait3A_500 = arith.constant 0 : i32
      %dma_wait3A_501 = tpu.memref_slice %arg9[%dma_wait3A_499, %dma_wait3A_500] : memref<8x128xi32, #tpu.memory_space<vmem>> -> memref<1x128xi32, #tpu.memory_space<vmem>>
      %dma_wait3A_502 = tpu.memref_squeeze %dma_wait3A_501 : memref<1x128xi32, #tpu.memory_space<vmem>> -> memref<128xi32, #tpu.memory_space<vmem>>
      %dma_wait3A_503 = arith.constant 0 : i32
      %dma_wait3A_504 = arith.constant 0 : i32
      %dma_wait3A_505 = tpu.memref_slice %arg13[%dma_wait3A_503, %dma_wait3A_504] : memref<10240x128xf32, #tpu.memory_space<vmem_shared>> -> memref<10240x128xf32, #tpu.memory_space<vmem_shared>>
      tpu.wait_indirect_dma semaphore(%arg16 : memref<!tpu.dma_semaphore, #tpu.memory_space<semaphore_mem>>) src(%arg10 : memref<128x128xf32, #tpu.memory_space<vmem>>) dst(%dma_wait3A_505 : memref<10240x128xf32, #tpu.memory_space<vmem_shared>>)
      %dma_wait3A_506 = arith.constant 7 : i32
      %dma_wait3A_507 = arith.constant 0 : i32
      %dma_wait3A_508 = tpu.memref_slice %arg8[%dma_wait3A_506, %dma_wait3A_507] : memref<8x128xi32, #tpu.memory_space<vmem>> -> memref<1x128xi32, #tpu.memory_space<vmem>>
      %dma_wait3A_509 = tpu.memref_squeeze %dma_wait3A_508 : memref<1x128xi32, #tpu.memory_space<vmem>> -> memref<128xi32, #tpu.memory_space<vmem>>
      %dma_wait3A_510 = arith.constant 0 : i32
      %dma_wait3A_511 = arith.constant 0 : i32
      %dma_wait3A_512 = tpu.memref_slice %arg13[%dma_wait3A_510, %dma_wait3A_511] : memref<10240x128xf32, #tpu.memory_space<vmem_shared>> -> memref<10240x128xf32, #tpu.memory_space<vmem_shared>>
      tpu.wait_indirect_dma semaphore(%arg17 : memref<!tpu.dma_semaphore, #tpu.memory_space<semaphore_mem>>) src(%arg11 : memref<128x128xf32, #tpu.memory_space<vmem>>) dst(%dma_wait3A_512 : memref<10240x128xf32, #tpu.memory_space<vmem_shared>>)
    }
    %while3A_57 = arith.constant 1 : i32
    scf.for %while3A_63 = %while3A_55 to %while3A_51 step %while3A_57  : i32 {
      %mul3A_64 = arith.constant 8 : i32
      %mul3A_65 = arith.muli %while3A_63, %mul3A_64 : i32
      %add3A_66 = arith.addi %select_n3A, %mul3A_65 : i32
      "tpu.region"() ({
        %run_scoped3A = tpu.sem_alloc : memref<!tpu.dma_semaphore, #tpu.memory_space<semaphore_mem>>
        %dma_start3A_513 = arith.constant 0 : i32
        %dma_start3A_514 = tpu.memref_slice %arg3[%add3A_66, %dma_start3A_513] : memref<2560x128xi32, #tpu.memory_space<hbm>> -> memref<8x128xi32, #tpu.memory_space<hbm>>
        %dma_start3A_515 = arith.constant 0 : i32
        %dma_start3A_516 = tpu.memref_slice %arg3[%add3A_66, %dma_start3A_515] : memref<2560x128xi32, #tpu.memory_space<hbm>> -> memref<8x128xi32, #tpu.memory_space<hbm>>
        tpu.enqueue_dma source(%dma_start3A_516 : memref<8x128xi32, #tpu.memory_space<hbm>>) target(%arg8 : memref<8x128xi32, #tpu.memory_space<vmem>>) target_semaphore(%run_scoped3A : memref<!tpu.dma_semaphore, #tpu.memory_space<semaphore_mem>>)
        %dma_wait3A_517 = arith.constant 0 : i32
        %dma_wait3A_518 = tpu.memref_slice %arg3[%add3A_66, %dma_wait3A_517] : memref<2560x128xi32, #tpu.memory_space<hbm>> -> memref<8x128xi32, #tpu.memory_space<hbm>>
        %dma_wait3A_519 = arith.constant 0 : i32
        %dma_wait3A_520 = tpu.memref_slice %arg3[%add3A_66, %dma_wait3A_519] : memref<2560x128xi32, #tpu.memory_space<hbm>> -> memref<8x128xi32, #tpu.memory_space<hbm>>
        tpu.wait_dma2 semaphore(%run_scoped3A : memref<!tpu.dma_semaphore, #tpu.memory_space<semaphore_mem>>) src(%dma_wait3A_520 : memref<8x128xi32, #tpu.memory_space<hbm>>) dst(%arg8 : memref<8x128xi32, #tpu.memory_space<vmem>>)
        tpu.yield
      }) : () -> ()
      "tpu.region"() ({
        %run_scoped3A = tpu.sem_alloc : memref<!tpu.dma_semaphore, #tpu.memory_space<semaphore_mem>>
        %dma_start3A_513 = arith.constant 0 : i32
        %dma_start3A_514 = tpu.memref_slice %arg4[%add3A_66, %dma_start3A_513] : memref<2560x128xi32, #tpu.memory_space<hbm>> -> memref<8x128xi32, #tpu.memory_space<hbm>>
        %dma_start3A_515 = arith.constant 0 : i32
        %dma_start3A_516 = tpu.memref_slice %arg4[%add3A_66, %dma_start3A_515] : memref<2560x128xi32, #tpu.memory_space<hbm>> -> memref<8x128xi32, #tpu.memory_space<hbm>>
        tpu.enqueue_dma source(%dma_start3A_516 : memref<8x128xi32, #tpu.memory_space<hbm>>) target(%arg9 : memref<8x128xi32, #tpu.memory_space<vmem>>) target_semaphore(%run_scoped3A : memref<!tpu.dma_semaphore, #tpu.memory_space<semaphore_mem>>)
        %dma_wait3A_517 = arith.constant 0 : i32
        %dma_wait3A_518 = tpu.memref_slice %arg4[%add3A_66, %dma_wait3A_517] : memref<2560x128xi32, #tpu.memory_space<hbm>> -> memref<8x128xi32, #tpu.memory_space<hbm>>
        %dma_wait3A_519 = arith.constant 0 : i32
        %dma_wait3A_520 = tpu.memref_slice %arg4[%add3A_66, %dma_wait3A_519] : memref<2560x128xi32, #tpu.memory_space<hbm>> -> memref<8x128xi32, #tpu.memory_space<hbm>>
        tpu.wait_dma2 semaphore(%run_scoped3A : memref<!tpu.dma_semaphore, #tpu.memory_space<semaphore_mem>>) src(%dma_wait3A_520 : memref<8x128xi32, #tpu.memory_space<hbm>>) dst(%arg9 : memref<8x128xi32, #tpu.memory_space<vmem>>)
        tpu.yield
      }) : () -> ()
      %dma_start3A = arith.constant 0 : i32
      %dma_start3A_67 = arith.constant 0 : i32
      %dma_start3A_68 = tpu.memref_slice %arg8[%dma_start3A, %dma_start3A_67] : memref<8x128xi32, #tpu.memory_space<vmem>> -> memref<1x128xi32, #tpu.memory_space<vmem>>
      %dma_start3A_69 = tpu.memref_squeeze %dma_start3A_68 : memref<1x128xi32, #tpu.memory_space<vmem>> -> memref<128xi32, #tpu.memory_space<vmem>>
      %dma_start3A_70 = arith.constant 0 : i32
      %dma_start3A_71 = arith.constant 0 : i32
      %dma_start3A_72 = tpu.memref_slice %arg2[%dma_start3A_70, %dma_start3A_71] : memref<10240x128xf32, #tpu.memory_space<hbm>> -> memref<10240x128xf32, #tpu.memory_space<hbm>>
      tpu.enqueue_indirect_dma source(%dma_start3A_72 : memref<10240x128xf32, #tpu.memory_space<hbm>>) target(%arg10 : memref<128x128xf32, #tpu.memory_space<vmem>>) offsets(%dma_start3A_69 : memref<128xi32, #tpu.memory_space<vmem>>) semaphore(%arg14 : memref<!tpu.dma_semaphore, #tpu.memory_space<semaphore_mem>>)
      %dma_start3A_73 = arith.constant 0 : i32
      %dma_start3A_74 = arith.constant 0 : i32
      %dma_start3A_75 = tpu.memref_slice %arg9[%dma_start3A_73, %dma_start3A_74] : memref<8x128xi32, #tpu.memory_space<vmem>> -> memref<1x128xi32, #tpu.memory_space<vmem>>
      %dma_start3A_76 = tpu.memref_squeeze %dma_start3A_75 : memref<1x128xi32, #tpu.memory_space<vmem>> -> memref<128xi32, #tpu.memory_space<vmem>>
      %dma_start3A_77 = arith.constant 0 : i32
      %dma_start3A_78 = arith.constant 0 : i32
      %dma_start3A_79 = tpu.memref_slice %arg2[%dma_start3A_77, %dma_start3A_78] : memref<10240x128xf32, #tpu.memory_space<hbm>> -> memref<10240x128xf32, #tpu.memory_space<hbm>>
      tpu.enqueue_indirect_dma source(%dma_start3A_79 : memref<10240x128xf32, #tpu.memory_space<hbm>>) target(%arg11 : memref<128x128xf32, #tpu.memory_space<vmem>>) offsets(%dma_start3A_76 : memref<128xi32, #tpu.memory_space<vmem>>) semaphore(%arg15 : memref<!tpu.dma_semaphore, #tpu.memory_space<semaphore_mem>>)
      %dma_wait3A = arith.constant 0 : i32
      %dma_wait3A_80 = arith.constant 0 : i32
      %dma_wait3A_81 = tpu.memref_slice %arg8[%dma_wait3A, %dma_wait3A_80] : memref<8x128xi32, #tpu.memory_space<vmem>> -> memref<1x128xi32, #tpu.memory_space<vmem>>
      %dma_wait3A_82 = tpu.memref_squeeze %dma_wait3A_81 : memref<1x128xi32, #tpu.memory_space<vmem>> -> memref<128xi32, #tpu.memory_space<vmem>>
      %dma_wait3A_83 = arith.constant 0 : i32
      %dma_wait3A_84 = arith.constant 0 : i32
      %dma_wait3A_85 = tpu.memref_slice %arg2[%dma_wait3A_83, %dma_wait3A_84] : memref<10240x128xf32, #tpu.memory_space<hbm>> -> memref<10240x128xf32, #tpu.memory_space<hbm>>
      tpu.wait_indirect_dma semaphore(%arg14 : memref<!tpu.dma_semaphore, #tpu.memory_space<semaphore_mem>>) src(%dma_wait3A_85 : memref<10240x128xf32, #tpu.memory_space<hbm>>) dst(%arg10 : memref<128x128xf32, #tpu.memory_space<vmem>>)
      %dma_start3A_86 = arith.constant 0 : i32
      %dma_start3A_87 = arith.constant 0 : i32
      %dma_start3A_88 = tpu.memref_slice %arg9[%dma_start3A_86, %dma_start3A_87] : memref<8x128xi32, #tpu.memory_space<vmem>> -> memref<1x128xi32, #tpu.memory_space<vmem>>
      %dma_start3A_89 = tpu.memref_squeeze %dma_start3A_88 : memref<1x128xi32, #tpu.memory_space<vmem>> -> memref<128xi32, #tpu.memory_space<vmem>>
      %dma_start3A_90 = arith.constant 0 : i32
      %dma_start3A_91 = arith.constant 0 : i32
      %dma_start3A_92 = tpu.memref_slice %arg13[%dma_start3A_90, %dma_start3A_91] : memref<10240x128xf32, #tpu.memory_space<vmem_shared>> -> memref<10240x128xf32, #tpu.memory_space<vmem_shared>>
      tpu.enqueue_indirect_dma source(%arg10 : memref<128x128xf32, #tpu.memory_space<vmem>>) target(%dma_start3A_92 : memref<10240x128xf32, #tpu.memory_space<vmem_shared>>) offsets(%dma_start3A_89 : memref<128xi32, #tpu.memory_space<vmem>>) semaphore(%arg16 : memref<!tpu.dma_semaphore, #tpu.memory_space<semaphore_mem>>) {add = true}
      %dma_wait3A_93 = arith.constant 0 : i32
      %dma_wait3A_94 = arith.constant 0 : i32
      %dma_wait3A_95 = tpu.memref_slice %arg9[%dma_wait3A_93, %dma_wait3A_94] : memref<8x128xi32, #tpu.memory_space<vmem>> -> memref<1x128xi32, #tpu.memory_space<vmem>>
      %dma_wait3A_96 = tpu.memref_squeeze %dma_wait3A_95 : memref<1x128xi32, #tpu.memory_space<vmem>> -> memref<128xi32, #tpu.memory_space<vmem>>
      %dma_wait3A_97 = arith.constant 0 : i32
      %dma_wait3A_98 = arith.constant 0 : i32
      %dma_wait3A_99 = tpu.memref_slice %arg13[%dma_wait3A_97, %dma_wait3A_98] : memref<10240x128xf32, #tpu.memory_space<vmem_shared>> -> memref<10240x128xf32, #tpu.memory_space<vmem_shared>>
      tpu.wait_indirect_dma semaphore(%arg16 : memref<!tpu.dma_semaphore, #tpu.memory_space<semaphore_mem>>) src(%arg10 : memref<128x128xf32, #tpu.memory_space<vmem>>) dst(%dma_wait3A_99 : memref<10240x128xf32, #tpu.memory_space<vmem_shared>>)
      %dma_start3A_100 = arith.constant 1 : i32
      %dma_start3A_101 = arith.constant 0 : i32
      %dma_start3A_102 = tpu.memref_slice %arg8[%dma_start3A_100, %dma_start3A_101] : memref<8x128xi32, #tpu.memory_space<vmem>> -> memref<1x128xi32, #tpu.memory_space<vmem>>
      %dma_start3A_103 = tpu.memref_squeeze %dma_start3A_102 : memref<1x128xi32, #tpu.memory_space<vmem>> -> memref<128xi32, #tpu.memory_space<vmem>>
      %dma_start3A_104 = arith.constant 0 : i32
      %dma_start3A_105 = arith.constant 0 : i32
      %dma_start3A_106 = tpu.memref_slice %arg2[%dma_start3A_104, %dma_start3A_105] : memref<10240x128xf32, #tpu.memory_space<hbm>> -> memref<10240x128xf32, #tpu.memory_space<hbm>>
      tpu.enqueue_indirect_dma source(%dma_start3A_106 : memref<10240x128xf32, #tpu.memory_space<hbm>>) target(%arg10 : memref<128x128xf32, #tpu.memory_space<vmem>>) offsets(%dma_start3A_103 : memref<128xi32, #tpu.memory_space<vmem>>) semaphore(%arg14 : memref<!tpu.dma_semaphore, #tpu.memory_space<semaphore_mem>>)
      %dma_wait3A_107 = arith.constant 0 : i32
      %dma_wait3A_108 = arith.constant 0 : i32
      %dma_wait3A_109 = tpu.memref_slice %arg9[%dma_wait3A_107, %dma_wait3A_108] : memref<8x128xi32, #tpu.memory_space<vmem>> -> memref<1x128xi32, #tpu.memory_space<vmem>>
      %dma_wait3A_110 = tpu.memref_squeeze %dma_wait3A_109 : memref<1x128xi32, #tpu.memory_space<vmem>> -> memref<128xi32, #tpu.memory_space<vmem>>
      %dma_wait3A_111 = arith.constant 0 : i32
      %dma_wait3A_112 = arith.constant 0 : i32
      %dma_wait3A_113 = tpu.memref_slice %arg2[%dma_wait3A_111, %dma_wait3A_112] : memref<10240x128xf32, #tpu.memory_space<hbm>> -> memref<10240x128xf32, #tpu.memory_space<hbm>>
      tpu.wait_indirect_dma semaphore(%arg15 : memref<!tpu.dma_semaphore, #tpu.memory_space<semaphore_mem>>) src(%dma_wait3A_113 : memref<10240x128xf32, #tpu.memory_space<hbm>>) dst(%arg11 : memref<128x128xf32, #tpu.memory_space<vmem>>)
      %dma_start3A_114 = arith.constant 0 : i32
      %dma_start3A_115 = arith.constant 0 : i32
      %dma_start3A_116 = tpu.memref_slice %arg8[%dma_start3A_114, %dma_start3A_115] : memref<8x128xi32, #tpu.memory_space<vmem>> -> memref<1x128xi32, #tpu.memory_space<vmem>>
      %dma_start3A_117 = tpu.memref_squeeze %dma_start3A_116 : memref<1x128xi32, #tpu.memory_space<vmem>> -> memref<128xi32, #tpu.memory_space<vmem>>
      %dma_start3A_118 = arith.constant 0 : i32
      %dma_start3A_119 = arith.constant 0 : i32
      %dma_start3A_120 = tpu.memref_slice %arg13[%dma_start3A_118, %dma_start3A_119] : memref<10240x128xf32, #tpu.memory_space<vmem_shared>> -> memref<10240x128xf32, #tpu.memory_space<vmem_shared>>
      tpu.enqueue_indirect_dma source(%arg11 : memref<128x128xf32, #tpu.memory_space<vmem>>) target(%dma_start3A_120 : memref<10240x128xf32, #tpu.memory_space<vmem_shared>>) offsets(%dma_start3A_117 : memref<128xi32, #tpu.memory_space<vmem>>) semaphore(%arg17 : memref<!tpu.dma_semaphore, #tpu.memory_space<semaphore_mem>>) {add = true}
      %dma_wait3A_121 = arith.constant 0 : i32
      %dma_wait3A_122 = arith.constant 0 : i32
      %dma_wait3A_123 = tpu.memref_slice %arg8[%dma_wait3A_121, %dma_wait3A_122] : memref<8x128xi32, #tpu.memory_space<vmem>> -> memref<1x128xi32, #tpu.memory_space<vmem>>
      %dma_wait3A_124 = tpu.memref_squeeze %dma_wait3A_123 : memref<1x128xi32, #tpu.memory_space<vmem>> -> memref<128xi32, #tpu.memory_space<vmem>>
      %dma_wait3A_125 = arith.constant 0 : i32
      %dma_wait3A_126 = arith.constant 0 : i32
      %dma_wait3A_127 = tpu.memref_slice %arg13[%dma_wait3A_125, %dma_wait3A_126] : memref<10240x128xf32, #tpu.memory_space<vmem_shared>> -> memref<10240x128xf32, #tpu.memory_space<vmem_shared>>
      tpu.wait_indirect_dma semaphore(%arg17 : memref<!tpu.dma_semaphore, #tpu.memory_space<semaphore_mem>>) src(%arg11 : memref<128x128xf32, #tpu.memory_space<vmem>>) dst(%dma_wait3A_127 : memref<10240x128xf32, #tpu.memory_space<vmem_shared>>)
      %dma_start3A_128 = arith.constant 1 : i32
      %dma_start3A_129 = arith.constant 0 : i32
      %dma_start3A_130 = tpu.memref_slice %arg9[%dma_start3A_128, %dma_start3A_129] : memref<8x128xi32, #tpu.memory_space<vmem>> -> memref<1x128xi32, #tpu.memory_space<vmem>>
      %dma_start3A_131 = tpu.memref_squeeze %dma_start3A_130 : memref<1x128xi32, #tpu.memory_space<vmem>> -> memref<128xi32, #tpu.memory_space<vmem>>
      %dma_start3A_132 = arith.constant 0 : i32
      %dma_start3A_133 = arith.constant 0 : i32
      %dma_start3A_134 = tpu.memref_slice %arg2[%dma_start3A_132, %dma_start3A_133] : memref<10240x128xf32, #tpu.memory_space<hbm>> -> memref<10240x128xf32, #tpu.memory_space<hbm>>
      tpu.enqueue_indirect_dma source(%dma_start3A_134 : memref<10240x128xf32, #tpu.memory_space<hbm>>) target(%arg11 : memref<128x128xf32, #tpu.memory_space<vmem>>) offsets(%dma_start3A_131 : memref<128xi32, #tpu.memory_space<vmem>>) semaphore(%arg15 : memref<!tpu.dma_semaphore, #tpu.memory_space<semaphore_mem>>)
      %dma_wait3A_135 = arith.constant 1 : i32
      %dma_wait3A_136 = arith.constant 0 : i32
      %dma_wait3A_137 = tpu.memref_slice %arg8[%dma_wait3A_135, %dma_wait3A_136] : memref<8x128xi32, #tpu.memory_space<vmem>> -> memref<1x128xi32, #tpu.memory_space<vmem>>
      %dma_wait3A_138 = tpu.memref_squeeze %dma_wait3A_137 : memref<1x128xi32, #tpu.memory_space<vmem>> -> memref<128xi32, #tpu.memory_space<vmem>>
      %dma_wait3A_139 = arith.constant 0 : i32
      %dma_wait3A_140 = arith.constant 0 : i32
      %dma_wait3A_141 = tpu.memref_slice %arg2[%dma_wait3A_139, %dma_wait3A_140] : memref<10240x128xf32, #tpu.memory_space<hbm>> -> memref<10240x128xf32, #tpu.memory_space<hbm>>
      tpu.wait_indirect_dma semaphore(%arg14 : memref<!tpu.dma_semaphore, #tpu.memory_space<semaphore_mem>>) src(%dma_wait3A_141 : memref<10240x128xf32, #tpu.memory_space<hbm>>) dst(%arg10 : memref<128x128xf32, #tpu.memory_space<vmem>>)
      %dma_start3A_142 = arith.constant 1 : i32
      %dma_start3A_143 = arith.constant 0 : i32
      %dma_start3A_144 = tpu.memref_slice %arg9[%dma_start3A_142, %dma_start3A_143] : memref<8x128xi32, #tpu.memory_space<vmem>> -> memref<1x128xi32, #tpu.memory_space<vmem>>
      %dma_start3A_145 = tpu.memref_squeeze %dma_start3A_144 : memref<1x128xi32, #tpu.memory_space<vmem>> -> memref<128xi32, #tpu.memory_space<vmem>>
      %dma_start3A_146 = arith.constant 0 : i32
      %dma_start3A_147 = arith.constant 0 : i32
      %dma_start3A_148 = tpu.memref_slice %arg13[%dma_start3A_146, %dma_start3A_147] : memref<10240x128xf32, #tpu.memory_space<vmem_shared>> -> memref<10240x128xf32, #tpu.memory_space<vmem_shared>>
      tpu.enqueue_indirect_dma source(%arg10 : memref<128x128xf32, #tpu.memory_space<vmem>>) target(%dma_start3A_148 : memref<10240x128xf32, #tpu.memory_space<vmem_shared>>) offsets(%dma_start3A_145 : memref<128xi32, #tpu.memory_space<vmem>>) semaphore(%arg16 : memref<!tpu.dma_semaphore, #tpu.memory_space<semaphore_mem>>) {add = true}
      %dma_wait3A_149 = arith.constant 1 : i32
      %dma_wait3A_150 = arith.constant 0 : i32
      %dma_wait3A_151 = tpu.memref_slice %arg9[%dma_wait3A_149, %dma_wait3A_150] : memref<8x128xi32, #tpu.memory_space<vmem>> -> memref<1x128xi32, #tpu.memory_space<vmem>>
      %dma_wait3A_152 = tpu.memref_squeeze %dma_wait3A_151 : memref<1x128xi32, #tpu.memory_space<vmem>> -> memref<128xi32, #tpu.memory_space<vmem>>
      %dma_wait3A_153 = arith.constant 0 : i32
      %dma_wait3A_154 = arith.constant 0 : i32
      %dma_wait3A_155 = tpu.memref_slice %arg13[%dma_wait3A_153, %dma_wait3A_154] : memref<10240x128xf32, #tpu.memory_space<vmem_shared>> -> memref<10240x128xf32, #tpu.memory_space<vmem_shared>>
      tpu.wait_indirect_dma semaphore(%arg16 : memref<!tpu.dma_semaphore, #tpu.memory_space<semaphore_mem>>) src(%arg10 : memref<128x128xf32, #tpu.memory_space<vmem>>) dst(%dma_wait3A_155 : memref<10240x128xf32, #tpu.memory_space<vmem_shared>>)
      %dma_start3A_156 = arith.constant 2 : i32
      %dma_start3A_157 = arith.constant 0 : i32
      %dma_start3A_158 = tpu.memref_slice %arg8[%dma_start3A_156, %dma_start3A_157] : memref<8x128xi32, #tpu.memory_space<vmem>> -> memref<1x128xi32, #tpu.memory_space<vmem>>
      %dma_start3A_159 = tpu.memref_squeeze %dma_start3A_158 : memref<1x128xi32, #tpu.memory_space<vmem>> -> memref<128xi32, #tpu.memory_space<vmem>>
      %dma_start3A_160 = arith.constant 0 : i32
      %dma_start3A_161 = arith.constant 0 : i32
      %dma_start3A_162 = tpu.memref_slice %arg2[%dma_start3A_160, %dma_start3A_161] : memref<10240x128xf32, #tpu.memory_space<hbm>> -> memref<10240x128xf32, #tpu.memory_space<hbm>>
      tpu.enqueue_indirect_dma source(%dma_start3A_162 : memref<10240x128xf32, #tpu.memory_space<hbm>>) target(%arg10 : memref<128x128xf32, #tpu.memory_space<vmem>>) offsets(%dma_start3A_159 : memref<128xi32, #tpu.memory_space<vmem>>) semaphore(%arg14 : memref<!tpu.dma_semaphore, #tpu.memory_space<semaphore_mem>>)
      %dma_wait3A_163 = arith.constant 1 : i32
      %dma_wait3A_164 = arith.constant 0 : i32
      %dma_wait3A_165 = tpu.memref_slice %arg9[%dma_wait3A_163, %dma_wait3A_164] : memref<8x128xi32, #tpu.memory_space<vmem>> -> memref<1x128xi32, #tpu.memory_space<vmem>>
      %dma_wait3A_166 = tpu.memref_squeeze %dma_wait3A_165 : memref<1x128xi32, #tpu.memory_space<vmem>> -> memref<128xi32, #tpu.memory_space<vmem>>
      %dma_wait3A_167 = arith.constant 0 : i32
      %dma_wait3A_168 = arith.constant 0 : i32
      %dma_wait3A_169 = tpu.memref_slice %arg2[%dma_wait3A_167, %dma_wait3A_168] : memref<10240x128xf32, #tpu.memory_space<hbm>> -> memref<10240x128xf32, #tpu.memory_space<hbm>>
      tpu.wait_indirect_dma semaphore(%arg15 : memref<!tpu.dma_semaphore, #tpu.memory_space<semaphore_mem>>) src(%dma_wait3A_169 : memref<10240x128xf32, #tpu.memory_space<hbm>>) dst(%arg11 : memref<128x128xf32, #tpu.memory_space<vmem>>)
      %dma_start3A_170 = arith.constant 1 : i32
      %dma_start3A_171 = arith.constant 0 : i32
      %dma_start3A_172 = tpu.memref_slice %arg8[%dma_start3A_170, %dma_start3A_171] : memref<8x128xi32, #tpu.memory_space<vmem>> -> memref<1x128xi32, #tpu.memory_space<vmem>>
      %dma_start3A_173 = tpu.memref_squeeze %dma_start3A_172 : memref<1x128xi32, #tpu.memory_space<vmem>> -> memref<128xi32, #tpu.memory_space<vmem>>
      %dma_start3A_174 = arith.constant 0 : i32
      %dma_start3A_175 = arith.constant 0 : i32
      %dma_start3A_176 = tpu.memref_slice %arg13[%dma_start3A_174, %dma_start3A_175] : memref<10240x128xf32, #tpu.memory_space<vmem_shared>> -> memref<10240x128xf32, #tpu.memory_space<vmem_shared>>
      tpu.enqueue_indirect_dma source(%arg11 : memref<128x128xf32, #tpu.memory_space<vmem>>) target(%dma_start3A_176 : memref<10240x128xf32, #tpu.memory_space<vmem_shared>>) offsets(%dma_start3A_173 : memref<128xi32, #tpu.memory_space<vmem>>) semaphore(%arg17 : memref<!tpu.dma_semaphore, #tpu.memory_space<semaphore_mem>>) {add = true}
      %dma_wait3A_177 = arith.constant 1 : i32
      %dma_wait3A_178 = arith.constant 0 : i32
      %dma_wait3A_179 = tpu.memref_slice %arg8[%dma_wait3A_177, %dma_wait3A_178] : memref<8x128xi32, #tpu.memory_space<vmem>> -> memref<1x128xi32, #tpu.memory_space<vmem>>
      %dma_wait3A_180 = tpu.memref_squeeze %dma_wait3A_179 : memref<1x128xi32, #tpu.memory_space<vmem>> -> memref<128xi32, #tpu.memory_space<vmem>>
      %dma_wait3A_181 = arith.constant 0 : i32
      %dma_wait3A_182 = arith.constant 0 : i32
      %dma_wait3A_183 = tpu.memref_slice %arg13[%dma_wait3A_181, %dma_wait3A_182] : memref<10240x128xf32, #tpu.memory_space<vmem_shared>> -> memref<10240x128xf32, #tpu.memory_space<vmem_shared>>
      tpu.wait_indirect_dma semaphore(%arg17 : memref<!tpu.dma_semaphore, #tpu.memory_space<semaphore_mem>>) src(%arg11 : memref<128x128xf32, #tpu.memory_space<vmem>>) dst(%dma_wait3A_183 : memref<10240x128xf32, #tpu.memory_space<vmem_shared>>)
      %dma_start3A_184 = arith.constant 2 : i32
      %dma_start3A_185 = arith.constant 0 : i32
      %dma_start3A_186 = tpu.memref_slice %arg9[%dma_start3A_184, %dma_start3A_185] : memref<8x128xi32, #tpu.memory_space<vmem>> -> memref<1x128xi32, #tpu.memory_space<vmem>>
      %dma_start3A_187 = tpu.memref_squeeze %dma_start3A_186 : memref<1x128xi32, #tpu.memory_space<vmem>> -> memref<128xi32, #tpu.memory_space<vmem>>
      %dma_start3A_188 = arith.constant 0 : i32
      %dma_start3A_189 = arith.constant 0 : i32
      %dma_start3A_190 = tpu.memref_slice %arg2[%dma_start3A_188, %dma_start3A_189] : memref<10240x128xf32, #tpu.memory_space<hbm>> -> memref<10240x128xf32, #tpu.memory_space<hbm>>
      tpu.enqueue_indirect_dma source(%dma_start3A_190 : memref<10240x128xf32, #tpu.memory_space<hbm>>) target(%arg11 : memref<128x128xf32, #tpu.memory_space<vmem>>) offsets(%dma_start3A_187 : memref<128xi32, #tpu.memory_space<vmem>>) semaphore(%arg15 : memref<!tpu.dma_semaphore, #tpu.memory_space<semaphore_mem>>)
      %dma_wait3A_191 = arith.constant 2 : i32
      %dma_wait3A_192 = arith.constant 0 : i32
      %dma_wait3A_193 = tpu.memref_slice %arg8[%dma_wait3A_191, %dma_wait3A_192] : memref<8x128xi32, #tpu.memory_space<vmem>> -> memref<1x128xi32, #tpu.memory_space<vmem>>
      %dma_wait3A_194 = tpu.memref_squeeze %dma_wait3A_193 : memref<1x128xi32, #tpu.memory_space<vmem>> -> memref<128xi32, #tpu.memory_space<vmem>>
      %dma_wait3A_195 = arith.constant 0 : i32
      %dma_wait3A_196 = arith.constant 0 : i32
      %dma_wait3A_197 = tpu.memref_slice %arg2[%dma_wait3A_195, %dma_wait3A_196] : memref<10240x128xf32, #tpu.memory_space<hbm>> -> memref<10240x128xf32, #tpu.memory_space<hbm>>
      tpu.wait_indirect_dma semaphore(%arg14 : memref<!tpu.dma_semaphore, #tpu.memory_space<semaphore_mem>>) src(%dma_wait3A_197 : memref<10240x128xf32, #tpu.memory_space<hbm>>) dst(%arg10 : memref<128x128xf32, #tpu.memory_space<vmem>>)
      %dma_start3A_198 = arith.constant 2 : i32
      %dma_start3A_199 = arith.constant 0 : i32
      %dma_start3A_200 = tpu.memref_slice %arg9[%dma_start3A_198, %dma_start3A_199] : memref<8x128xi32, #tpu.memory_space<vmem>> -> memref<1x128xi32, #tpu.memory_space<vmem>>
      %dma_start3A_201 = tpu.memref_squeeze %dma_start3A_200 : memref<1x128xi32, #tpu.memory_space<vmem>> -> memref<128xi32, #tpu.memory_space<vmem>>
      %dma_start3A_202 = arith.constant 0 : i32
      %dma_start3A_203 = arith.constant 0 : i32
      %dma_start3A_204 = tpu.memref_slice %arg13[%dma_start3A_202, %dma_start3A_203] : memref<10240x128xf32, #tpu.memory_space<vmem_shared>> -> memref<10240x128xf32, #tpu.memory_space<vmem_shared>>
      tpu.enqueue_indirect_dma source(%arg10 : memref<128x128xf32, #tpu.memory_space<vmem>>) target(%dma_start3A_204 : memref<10240x128xf32, #tpu.memory_space<vmem_shared>>) offsets(%dma_start3A_201 : memref<128xi32, #tpu.memory_space<vmem>>) semaphore(%arg16 : memref<!tpu.dma_semaphore, #tpu.memory_space<semaphore_mem>>) {add = true}
      %dma_wait3A_205 = arith.constant 2 : i32
      %dma_wait3A_206 = arith.constant 0 : i32
      %dma_wait3A_207 = tpu.memref_slice %arg9[%dma_wait3A_205, %dma_wait3A_206] : memref<8x128xi32, #tpu.memory_space<vmem>> -> memref<1x128xi32, #tpu.memory_space<vmem>>
      %dma_wait3A_208 = tpu.memref_squeeze %dma_wait3A_207 : memref<1x128xi32, #tpu.memory_space<vmem>> -> memref<128xi32, #tpu.memory_space<vmem>>
      %dma_wait3A_209 = arith.constant 0 : i32
      %dma_wait3A_210 = arith.constant 0 : i32
      %dma_wait3A_211 = tpu.memref_slice %arg13[%dma_wait3A_209, %dma_wait3A_210] : memref<10240x128xf32, #tpu.memory_space<vmem_shared>> -> memref<10240x128xf32, #tpu.memory_space<vmem_shared>>
      tpu.wait_indirect_dma semaphore(%arg16 : memref<!tpu.dma_semaphore, #tpu.memory_space<semaphore_mem>>) src(%arg10 : memref<128x128xf32, #tpu.memory_space<vmem>>) dst(%dma_wait3A_211 : memref<10240x128xf32, #tpu.memory_space<vmem_shared>>)
      %dma_start3A_212 = arith.constant 3 : i32
      %dma_start3A_213 = arith.constant 0 : i32
      %dma_start3A_214 = tpu.memref_slice %arg8[%dma_start3A_212, %dma_start3A_213] : memref<8x128xi32, #tpu.memory_space<vmem>> -> memref<1x128xi32, #tpu.memory_space<vmem>>
      %dma_start3A_215 = tpu.memref_squeeze %dma_start3A_214 : memref<1x128xi32, #tpu.memory_space<vmem>> -> memref<128xi32, #tpu.memory_space<vmem>>
      %dma_start3A_216 = arith.constant 0 : i32
      %dma_start3A_217 = arith.constant 0 : i32
      %dma_start3A_218 = tpu.memref_slice %arg2[%dma_start3A_216, %dma_start3A_217] : memref<10240x128xf32, #tpu.memory_space<hbm>> -> memref<10240x128xf32, #tpu.memory_space<hbm>>
      tpu.enqueue_indirect_dma source(%dma_start3A_218 : memref<10240x128xf32, #tpu.memory_space<hbm>>) target(%arg10 : memref<128x128xf32, #tpu.memory_space<vmem>>) offsets(%dma_start3A_215 : memref<128xi32, #tpu.memory_space<vmem>>) semaphore(%arg14 : memref<!tpu.dma_semaphore, #tpu.memory_space<semaphore_mem>>)
      %dma_wait3A_219 = arith.constant 2 : i32
      %dma_wait3A_220 = arith.constant 0 : i32
      %dma_wait3A_221 = tpu.memref_slice %arg9[%dma_wait3A_219, %dma_wait3A_220] : memref<8x128xi32, #tpu.memory_space<vmem>> -> memref<1x128xi32, #tpu.memory_space<vmem>>
      %dma_wait3A_222 = tpu.memref_squeeze %dma_wait3A_221 : memref<1x128xi32, #tpu.memory_space<vmem>> -> memref<128xi32, #tpu.memory_space<vmem>>
      %dma_wait3A_223 = arith.constant 0 : i32
      %dma_wait3A_224 = arith.constant 0 : i32
      %dma_wait3A_225 = tpu.memref_slice %arg2[%dma_wait3A_223, %dma_wait3A_224] : memref<10240x128xf32, #tpu.memory_space<hbm>> -> memref<10240x128xf32, #tpu.memory_space<hbm>>
      tpu.wait_indirect_dma semaphore(%arg15 : memref<!tpu.dma_semaphore, #tpu.memory_space<semaphore_mem>>) src(%dma_wait3A_225 : memref<10240x128xf32, #tpu.memory_space<hbm>>) dst(%arg11 : memref<128x128xf32, #tpu.memory_space<vmem>>)
      %dma_start3A_226 = arith.constant 2 : i32
      %dma_start3A_227 = arith.constant 0 : i32
      %dma_start3A_228 = tpu.memref_slice %arg8[%dma_start3A_226, %dma_start3A_227] : memref<8x128xi32, #tpu.memory_space<vmem>> -> memref<1x128xi32, #tpu.memory_space<vmem>>
      %dma_start3A_229 = tpu.memref_squeeze %dma_start3A_228 : memref<1x128xi32, #tpu.memory_space<vmem>> -> memref<128xi32, #tpu.memory_space<vmem>>
      %dma_start3A_230 = arith.constant 0 : i32
      %dma_start3A_231 = arith.constant 0 : i32
      %dma_start3A_232 = tpu.memref_slice %arg13[%dma_start3A_230, %dma_start3A_231] : memref<10240x128xf32, #tpu.memory_space<vmem_shared>> -> memref<10240x128xf32, #tpu.memory_space<vmem_shared>>
      tpu.enqueue_indirect_dma source(%arg11 : memref<128x128xf32, #tpu.memory_space<vmem>>) target(%dma_start3A_232 : memref<10240x128xf32, #tpu.memory_space<vmem_shared>>) offsets(%dma_start3A_229 : memref<128xi32, #tpu.memory_space<vmem>>) semaphore(%arg17 : memref<!tpu.dma_semaphore, #tpu.memory_space<semaphore_mem>>) {add = true}
      %dma_wait3A_233 = arith.constant 2 : i32
      %dma_wait3A_234 = arith.constant 0 : i32
      %dma_wait3A_235 = tpu.memref_slice %arg8[%dma_wait3A_233, %dma_wait3A_234] : memref<8x128xi32, #tpu.memory_space<vmem>> -> memref<1x128xi32, #tpu.memory_space<vmem>>
      %dma_wait3A_236 = tpu.memref_squeeze %dma_wait3A_235 : memref<1x128xi32, #tpu.memory_space<vmem>> -> memref<128xi32, #tpu.memory_space<vmem>>
      %dma_wait3A_237 = arith.constant 0 : i32
      %dma_wait3A_238 = arith.constant 0 : i32
      %dma_wait3A_239 = tpu.memref_slice %arg13[%dma_wait3A_237, %dma_wait3A_238] : memref<10240x128xf32, #tpu.memory_space<vmem_shared>> -> memref<10240x128xf32, #tpu.memory_space<vmem_shared>>
      tpu.wait_indirect_dma semaphore(%arg17 : memref<!tpu.dma_semaphore, #tpu.memory_space<semaphore_mem>>) src(%arg11 : memref<128x128xf32, #tpu.memory_space<vmem>>) dst(%dma_wait3A_239 : memref<10240x128xf32, #tpu.memory_space<vmem_shared>>)
      %dma_start3A_240 = arith.constant 3 : i32
      %dma_start3A_241 = arith.constant 0 : i32
      %dma_start3A_242 = tpu.memref_slice %arg9[%dma_start3A_240, %dma_start3A_241] : memref<8x128xi32, #tpu.memory_space<vmem>> -> memref<1x128xi32, #tpu.memory_space<vmem>>
      %dma_start3A_243 = tpu.memref_squeeze %dma_start3A_242 : memref<1x128xi32, #tpu.memory_space<vmem>> -> memref<128xi32, #tpu.memory_space<vmem>>
      %dma_start3A_244 = arith.constant 0 : i32
      %dma_start3A_245 = arith.constant 0 : i32
      %dma_start3A_246 = tpu.memref_slice %arg2[%dma_start3A_244, %dma_start3A_245] : memref<10240x128xf32, #tpu.memory_space<hbm>> -> memref<10240x128xf32, #tpu.memory_space<hbm>>
      tpu.enqueue_indirect_dma source(%dma_start3A_246 : memref<10240x128xf32, #tpu.memory_space<hbm>>) target(%arg11 : memref<128x128xf32, #tpu.memory_space<vmem>>) offsets(%dma_start3A_243 : memref<128xi32, #tpu.memory_space<vmem>>) semaphore(%arg15 : memref<!tpu.dma_semaphore, #tpu.memory_space<semaphore_mem>>)
      %dma_wait3A_247 = arith.constant 3 : i32
      %dma_wait3A_248 = arith.constant 0 : i32
      %dma_wait3A_249 = tpu.memref_slice %arg8[%dma_wait3A_247, %dma_wait3A_248] : memref<8x128xi32, #tpu.memory_space<vmem>> -> memref<1x128xi32, #tpu.memory_space<vmem>>
      %dma_wait3A_250 = tpu.memref_squeeze %dma_wait3A_249 : memref<1x128xi32, #tpu.memory_space<vmem>> -> memref<128xi32, #tpu.memory_space<vmem>>
      %dma_wait3A_251 = arith.constant 0 : i32
      %dma_wait3A_252 = arith.constant 0 : i32
      %dma_wait3A_253 = tpu.memref_slice %arg2[%dma_wait3A_251, %dma_wait3A_252] : memref<10240x128xf32, #tpu.memory_space<hbm>> -> memref<10240x128xf32, #tpu.memory_space<hbm>>
      tpu.wait_indirect_dma semaphore(%arg14 : memref<!tpu.dma_semaphore, #tpu.memory_space<semaphore_mem>>) src(%dma_wait3A_253 : memref<10240x128xf32, #tpu.memory_space<hbm>>) dst(%arg10 : memref<128x128xf32, #tpu.memory_space<vmem>>)
      %dma_start3A_254 = arith.constant 3 : i32
      %dma_start3A_255 = arith.constant 0 : i32
      %dma_start3A_256 = tpu.memref_slice %arg9[%dma_start3A_254, %dma_start3A_255] : memref<8x128xi32, #tpu.memory_space<vmem>> -> memref<1x128xi32, #tpu.memory_space<vmem>>
      %dma_start3A_257 = tpu.memref_squeeze %dma_start3A_256 : memref<1x128xi32, #tpu.memory_space<vmem>> -> memref<128xi32, #tpu.memory_space<vmem>>
      %dma_start3A_258 = arith.constant 0 : i32
      %dma_start3A_259 = arith.constant 0 : i32
      %dma_start3A_260 = tpu.memref_slice %arg13[%dma_start3A_258, %dma_start3A_259] : memref<10240x128xf32, #tpu.memory_space<vmem_shared>> -> memref<10240x128xf32, #tpu.memory_space<vmem_shared>>
      tpu.enqueue_indirect_dma source(%arg10 : memref<128x128xf32, #tpu.memory_space<vmem>>) target(%dma_start3A_260 : memref<10240x128xf32, #tpu.memory_space<vmem_shared>>) offsets(%dma_start3A_257 : memref<128xi32, #tpu.memory_space<vmem>>) semaphore(%arg16 : memref<!tpu.dma_semaphore, #tpu.memory_space<semaphore_mem>>) {add = true}
      %dma_wait3A_261 = arith.constant 3 : i32
      %dma_wait3A_262 = arith.constant 0 : i32
      %dma_wait3A_263 = tpu.memref_slice %arg9[%dma_wait3A_261, %dma_wait3A_262] : memref<8x128xi32, #tpu.memory_space<vmem>> -> memref<1x128xi32, #tpu.memory_space<vmem>>
      %dma_wait3A_264 = tpu.memref_squeeze %dma_wait3A_263 : memref<1x128xi32, #tpu.memory_space<vmem>> -> memref<128xi32, #tpu.memory_space<vmem>>
      %dma_wait3A_265 = arith.constant 0 : i32
      %dma_wait3A_266 = arith.constant 0 : i32
      %dma_wait3A_267 = tpu.memref_slice %arg13[%dma_wait3A_265, %dma_wait3A_266] : memref<10240x128xf32, #tpu.memory_space<vmem_shared>> -> memref<10240x128xf32, #tpu.memory_space<vmem_shared>>
      tpu.wait_indirect_dma semaphore(%arg16 : memref<!tpu.dma_semaphore, #tpu.memory_space<semaphore_mem>>) src(%arg10 : memref<128x128xf32, #tpu.memory_space<vmem>>) dst(%dma_wait3A_267 : memref<10240x128xf32, #tpu.memory_space<vmem_shared>>)
      %dma_start3A_268 = arith.constant 4 : i32
      %dma_start3A_269 = arith.constant 0 : i32
      %dma_start3A_270 = tpu.memref_slice %arg8[%dma_start3A_268, %dma_start3A_269] : memref<8x128xi32, #tpu.memory_space<vmem>> -> memref<1x128xi32, #tpu.memory_space<vmem>>
      %dma_start3A_271 = tpu.memref_squeeze %dma_start3A_270 : memref<1x128xi32, #tpu.memory_space<vmem>> -> memref<128xi32, #tpu.memory_space<vmem>>
      %dma_start3A_272 = arith.constant 0 : i32
      %dma_start3A_273 = arith.constant 0 : i32
      %dma_start3A_274 = tpu.memref_slice %arg2[%dma_start3A_272, %dma_start3A_273] : memref<10240x128xf32, #tpu.memory_space<hbm>> -> memref<10240x128xf32, #tpu.memory_space<hbm>>
      tpu.enqueue_indirect_dma source(%dma_start3A_274 : memref<10240x128xf32, #tpu.memory_space<hbm>>) target(%arg10 : memref<128x128xf32, #tpu.memory_space<vmem>>) offsets(%dma_start3A_271 : memref<128xi32, #tpu.memory_space<vmem>>) semaphore(%arg14 : memref<!tpu.dma_semaphore, #tpu.memory_space<semaphore_mem>>)
      %dma_wait3A_275 = arith.constant 3 : i32
      %dma_wait3A_276 = arith.constant 0 : i32
      %dma_wait3A_277 = tpu.memref_slice %arg9[%dma_wait3A_275, %dma_wait3A_276] : memref<8x128xi32, #tpu.memory_space<vmem>> -> memref<1x128xi32, #tpu.memory_space<vmem>>
      %dma_wait3A_278 = tpu.memref_squeeze %dma_wait3A_277 : memref<1x128xi32, #tpu.memory_space<vmem>> -> memref<128xi32, #tpu.memory_space<vmem>>
      %dma_wait3A_279 = arith.constant 0 : i32
      %dma_wait3A_280 = arith.constant 0 : i32
      %dma_wait3A_281 = tpu.memref_slice %arg2[%dma_wait3A_279, %dma_wait3A_280] : memref<10240x128xf32, #tpu.memory_space<hbm>> -> memref<10240x128xf32, #tpu.memory_space<hbm>>
      tpu.wait_indirect_dma semaphore(%arg15 : memref<!tpu.dma_semaphore, #tpu.memory_space<semaphore_mem>>) src(%dma_wait3A_281 : memref<10240x128xf32, #tpu.memory_space<hbm>>) dst(%arg11 : memref<128x128xf32, #tpu.memory_space<vmem>>)
      %dma_start3A_282 = arith.constant 3 : i32
      %dma_start3A_283 = arith.constant 0 : i32
      %dma_start3A_284 = tpu.memref_slice %arg8[%dma_start3A_282, %dma_start3A_283] : memref<8x128xi32, #tpu.memory_space<vmem>> -> memref<1x128xi32, #tpu.memory_space<vmem>>
      %dma_start3A_285 = tpu.memref_squeeze %dma_start3A_284 : memref<1x128xi32, #tpu.memory_space<vmem>> -> memref<128xi32, #tpu.memory_space<vmem>>
      %dma_start3A_286 = arith.constant 0 : i32
      %dma_start3A_287 = arith.constant 0 : i32
      %dma_start3A_288 = tpu.memref_slice %arg13[%dma_start3A_286, %dma_start3A_287] : memref<10240x128xf32, #tpu.memory_space<vmem_shared>> -> memref<10240x128xf32, #tpu.memory_space<vmem_shared>>
      tpu.enqueue_indirect_dma source(%arg11 : memref<128x128xf32, #tpu.memory_space<vmem>>) target(%dma_start3A_288 : memref<10240x128xf32, #tpu.memory_space<vmem_shared>>) offsets(%dma_start3A_285 : memref<128xi32, #tpu.memory_space<vmem>>) semaphore(%arg17 : memref<!tpu.dma_semaphore, #tpu.memory_space<semaphore_mem>>) {add = true}
      %dma_wait3A_289 = arith.constant 3 : i32
      %dma_wait3A_290 = arith.constant 0 : i32
      %dma_wait3A_291 = tpu.memref_slice %arg8[%dma_wait3A_289, %dma_wait3A_290] : memref<8x128xi32, #tpu.memory_space<vmem>> -> memref<1x128xi32, #tpu.memory_space<vmem>>
      %dma_wait3A_292 = tpu.memref_squeeze %dma_wait3A_291 : memref<1x128xi32, #tpu.memory_space<vmem>> -> memref<128xi32, #tpu.memory_space<vmem>>
      %dma_wait3A_293 = arith.constant 0 : i32
      %dma_wait3A_294 = arith.constant 0 : i32
      %dma_wait3A_295 = tpu.memref_slice %arg13[%dma_wait3A_293, %dma_wait3A_294] : memref<10240x128xf32, #tpu.memory_space<vmem_shared>> -> memref<10240x128xf32, #tpu.memory_space<vmem_shared>>
      tpu.wait_indirect_dma semaphore(%arg17 : memref<!tpu.dma_semaphore, #tpu.memory_space<semaphore_mem>>) src(%arg11 : memref<128x128xf32, #tpu.memory_space<vmem>>) dst(%dma_wait3A_295 : memref<10240x128xf32, #tpu.memory_space<vmem_shared>>)
      %dma_start3A_296 = arith.constant 4 : i32
      %dma_start3A_297 = arith.constant 0 : i32
      %dma_start3A_298 = tpu.memref_slice %arg9[%dma_start3A_296, %dma_start3A_297] : memref<8x128xi32, #tpu.memory_space<vmem>> -> memref<1x128xi32, #tpu.memory_space<vmem>>
      %dma_start3A_299 = tpu.memref_squeeze %dma_start3A_298 : memref<1x128xi32, #tpu.memory_space<vmem>> -> memref<128xi32, #tpu.memory_space<vmem>>
      %dma_start3A_300 = arith.constant 0 : i32
      %dma_start3A_301 = arith.constant 0 : i32
      %dma_start3A_302 = tpu.memref_slice %arg2[%dma_start3A_300, %dma_start3A_301] : memref<10240x128xf32, #tpu.memory_space<hbm>> -> memref<10240x128xf32, #tpu.memory_space<hbm>>
      tpu.enqueue_indirect_dma source(%dma_start3A_302 : memref<10240x128xf32, #tpu.memory_space<hbm>>) target(%arg11 : memref<128x128xf32, #tpu.memory_space<vmem>>) offsets(%dma_start3A_299 : memref<128xi32, #tpu.memory_space<vmem>>) semaphore(%arg15 : memref<!tpu.dma_semaphore, #tpu.memory_space<semaphore_mem>>)
      %dma_wait3A_303 = arith.constant 4 : i32
      %dma_wait3A_304 = arith.constant 0 : i32
      %dma_wait3A_305 = tpu.memref_slice %arg8[%dma_wait3A_303, %dma_wait3A_304] : memref<8x128xi32, #tpu.memory_space<vmem>> -> memref<1x128xi32, #tpu.memory_space<vmem>>
      %dma_wait3A_306 = tpu.memref_squeeze %dma_wait3A_305 : memref<1x128xi32, #tpu.memory_space<vmem>> -> memref<128xi32, #tpu.memory_space<vmem>>
      %dma_wait3A_307 = arith.constant 0 : i32
      %dma_wait3A_308 = arith.constant 0 : i32
      %dma_wait3A_309 = tpu.memref_slice %arg2[%dma_wait3A_307, %dma_wait3A_308] : memref<10240x128xf32, #tpu.memory_space<hbm>> -> memref<10240x128xf32, #tpu.memory_space<hbm>>
      tpu.wait_indirect_dma semaphore(%arg14 : memref<!tpu.dma_semaphore, #tpu.memory_space<semaphore_mem>>) src(%dma_wait3A_309 : memref<10240x128xf32, #tpu.memory_space<hbm>>) dst(%arg10 : memref<128x128xf32, #tpu.memory_space<vmem>>)
      %dma_start3A_310 = arith.constant 4 : i32
      %dma_start3A_311 = arith.constant 0 : i32
      %dma_start3A_312 = tpu.memref_slice %arg9[%dma_start3A_310, %dma_start3A_311] : memref<8x128xi32, #tpu.memory_space<vmem>> -> memref<1x128xi32, #tpu.memory_space<vmem>>
      %dma_start3A_313 = tpu.memref_squeeze %dma_start3A_312 : memref<1x128xi32, #tpu.memory_space<vmem>> -> memref<128xi32, #tpu.memory_space<vmem>>
      %dma_start3A_314 = arith.constant 0 : i32
      %dma_start3A_315 = arith.constant 0 : i32
      %dma_start3A_316 = tpu.memref_slice %arg13[%dma_start3A_314, %dma_start3A_315] : memref<10240x128xf32, #tpu.memory_space<vmem_shared>> -> memref<10240x128xf32, #tpu.memory_space<vmem_shared>>
      tpu.enqueue_indirect_dma source(%arg10 : memref<128x128xf32, #tpu.memory_space<vmem>>) target(%dma_start3A_316 : memref<10240x128xf32, #tpu.memory_space<vmem_shared>>) offsets(%dma_start3A_313 : memref<128xi32, #tpu.memory_space<vmem>>) semaphore(%arg16 : memref<!tpu.dma_semaphore, #tpu.memory_space<semaphore_mem>>) {add = true}
      %dma_wait3A_317 = arith.constant 4 : i32
      %dma_wait3A_318 = arith.constant 0 : i32
      %dma_wait3A_319 = tpu.memref_slice %arg9[%dma_wait3A_317, %dma_wait3A_318] : memref<8x128xi32, #tpu.memory_space<vmem>> -> memref<1x128xi32, #tpu.memory_space<vmem>>
      %dma_wait3A_320 = tpu.memref_squeeze %dma_wait3A_319 : memref<1x128xi32, #tpu.memory_space<vmem>> -> memref<128xi32, #tpu.memory_space<vmem>>
      %dma_wait3A_321 = arith.constant 0 : i32
      %dma_wait3A_322 = arith.constant 0 : i32
      %dma_wait3A_323 = tpu.memref_slice %arg13[%dma_wait3A_321, %dma_wait3A_322] : memref<10240x128xf32, #tpu.memory_space<vmem_shared>> -> memref<10240x128xf32, #tpu.memory_space<vmem_shared>>
      tpu.wait_indirect_dma semaphore(%arg16 : memref<!tpu.dma_semaphore, #tpu.memory_space<semaphore_mem>>) src(%arg10 : memref<128x128xf32, #tpu.memory_space<vmem>>) dst(%dma_wait3A_323 : memref<10240x128xf32, #tpu.memory_space<vmem_shared>>)
      %dma_start3A_324 = arith.constant 5 : i32
      %dma_start3A_325 = arith.constant 0 : i32
      %dma_start3A_326 = tpu.memref_slice %arg8[%dma_start3A_324, %dma_start3A_325] : memref<8x128xi32, #tpu.memory_space<vmem>> -> memref<1x128xi32, #tpu.memory_space<vmem>>
      %dma_start3A_327 = tpu.memref_squeeze %dma_start3A_326 : memref<1x128xi32, #tpu.memory_space<vmem>> -> memref<128xi32, #tpu.memory_space<vmem>>
      %dma_start3A_328 = arith.constant 0 : i32
      %dma_start3A_329 = arith.constant 0 : i32
      %dma_start3A_330 = tpu.memref_slice %arg2[%dma_start3A_328, %dma_start3A_329] : memref<10240x128xf32, #tpu.memory_space<hbm>> -> memref<10240x128xf32, #tpu.memory_space<hbm>>
      tpu.enqueue_indirect_dma source(%dma_start3A_330 : memref<10240x128xf32, #tpu.memory_space<hbm>>) target(%arg10 : memref<128x128xf32, #tpu.memory_space<vmem>>) offsets(%dma_start3A_327 : memref<128xi32, #tpu.memory_space<vmem>>) semaphore(%arg14 : memref<!tpu.dma_semaphore, #tpu.memory_space<semaphore_mem>>)
      %dma_wait3A_331 = arith.constant 4 : i32
      %dma_wait3A_332 = arith.constant 0 : i32
      %dma_wait3A_333 = tpu.memref_slice %arg9[%dma_wait3A_331, %dma_wait3A_332] : memref<8x128xi32, #tpu.memory_space<vmem>> -> memref<1x128xi32, #tpu.memory_space<vmem>>
      %dma_wait3A_334 = tpu.memref_squeeze %dma_wait3A_333 : memref<1x128xi32, #tpu.memory_space<vmem>> -> memref<128xi32, #tpu.memory_space<vmem>>
      %dma_wait3A_335 = arith.constant 0 : i32
      %dma_wait3A_336 = arith.constant 0 : i32
      %dma_wait3A_337 = tpu.memref_slice %arg2[%dma_wait3A_335, %dma_wait3A_336] : memref<10240x128xf32, #tpu.memory_space<hbm>> -> memref<10240x128xf32, #tpu.memory_space<hbm>>
      tpu.wait_indirect_dma semaphore(%arg15 : memref<!tpu.dma_semaphore, #tpu.memory_space<semaphore_mem>>) src(%dma_wait3A_337 : memref<10240x128xf32, #tpu.memory_space<hbm>>) dst(%arg11 : memref<128x128xf32, #tpu.memory_space<vmem>>)
      %dma_start3A_338 = arith.constant 4 : i32
      %dma_start3A_339 = arith.constant 0 : i32
      %dma_start3A_340 = tpu.memref_slice %arg8[%dma_start3A_338, %dma_start3A_339] : memref<8x128xi32, #tpu.memory_space<vmem>> -> memref<1x128xi32, #tpu.memory_space<vmem>>
      %dma_start3A_341 = tpu.memref_squeeze %dma_start3A_340 : memref<1x128xi32, #tpu.memory_space<vmem>> -> memref<128xi32, #tpu.memory_space<vmem>>
      %dma_start3A_342 = arith.constant 0 : i32
      %dma_start3A_343 = arith.constant 0 : i32
      %dma_start3A_344 = tpu.memref_slice %arg13[%dma_start3A_342, %dma_start3A_343] : memref<10240x128xf32, #tpu.memory_space<vmem_shared>> -> memref<10240x128xf32, #tpu.memory_space<vmem_shared>>
      tpu.enqueue_indirect_dma source(%arg11 : memref<128x128xf32, #tpu.memory_space<vmem>>) target(%dma_start3A_344 : memref<10240x128xf32, #tpu.memory_space<vmem_shared>>) offsets(%dma_start3A_341 : memref<128xi32, #tpu.memory_space<vmem>>) semaphore(%arg17 : memref<!tpu.dma_semaphore, #tpu.memory_space<semaphore_mem>>) {add = true}
      %dma_wait3A_345 = arith.constant 4 : i32
      %dma_wait3A_346 = arith.constant 0 : i32
      %dma_wait3A_347 = tpu.memref_slice %arg8[%dma_wait3A_345, %dma_wait3A_346] : memref<8x128xi32, #tpu.memory_space<vmem>> -> memref<1x128xi32, #tpu.memory_space<vmem>>
      %dma_wait3A_348 = tpu.memref_squeeze %dma_wait3A_347 : memref<1x128xi32, #tpu.memory_space<vmem>> -> memref<128xi32, #tpu.memory_space<vmem>>
      %dma_wait3A_349 = arith.constant 0 : i32
      %dma_wait3A_350 = arith.constant 0 : i32
      %dma_wait3A_351 = tpu.memref_slice %arg13[%dma_wait3A_349, %dma_wait3A_350] : memref<10240x128xf32, #tpu.memory_space<vmem_shared>> -> memref<10240x128xf32, #tpu.memory_space<vmem_shared>>
      tpu.wait_indirect_dma semaphore(%arg17 : memref<!tpu.dma_semaphore, #tpu.memory_space<semaphore_mem>>) src(%arg11 : memref<128x128xf32, #tpu.memory_space<vmem>>) dst(%dma_wait3A_351 : memref<10240x128xf32, #tpu.memory_space<vmem_shared>>)
      %dma_start3A_352 = arith.constant 5 : i32
      %dma_start3A_353 = arith.constant 0 : i32
      %dma_start3A_354 = tpu.memref_slice %arg9[%dma_start3A_352, %dma_start3A_353] : memref<8x128xi32, #tpu.memory_space<vmem>> -> memref<1x128xi32, #tpu.memory_space<vmem>>
      %dma_start3A_355 = tpu.memref_squeeze %dma_start3A_354 : memref<1x128xi32, #tpu.memory_space<vmem>> -> memref<128xi32, #tpu.memory_space<vmem>>
      %dma_start3A_356 = arith.constant 0 : i32
      %dma_start3A_357 = arith.constant 0 : i32
      %dma_start3A_358 = tpu.memref_slice %arg2[%dma_start3A_356, %dma_start3A_357] : memref<10240x128xf32, #tpu.memory_space<hbm>> -> memref<10240x128xf32, #tpu.memory_space<hbm>>
      tpu.enqueue_indirect_dma source(%dma_start3A_358 : memref<10240x128xf32, #tpu.memory_space<hbm>>) target(%arg11 : memref<128x128xf32, #tpu.memory_space<vmem>>) offsets(%dma_start3A_355 : memref<128xi32, #tpu.memory_space<vmem>>) semaphore(%arg15 : memref<!tpu.dma_semaphore, #tpu.memory_space<semaphore_mem>>)
      %dma_wait3A_359 = arith.constant 5 : i32
      %dma_wait3A_360 = arith.constant 0 : i32
      %dma_wait3A_361 = tpu.memref_slice %arg8[%dma_wait3A_359, %dma_wait3A_360] : memref<8x128xi32, #tpu.memory_space<vmem>> -> memref<1x128xi32, #tpu.memory_space<vmem>>
      %dma_wait3A_362 = tpu.memref_squeeze %dma_wait3A_361 : memref<1x128xi32, #tpu.memory_space<vmem>> -> memref<128xi32, #tpu.memory_space<vmem>>
      %dma_wait3A_363 = arith.constant 0 : i32
      %dma_wait3A_364 = arith.constant 0 : i32
      %dma_wait3A_365 = tpu.memref_slice %arg2[%dma_wait3A_363, %dma_wait3A_364] : memref<10240x128xf32, #tpu.memory_space<hbm>> -> memref<10240x128xf32, #tpu.memory_space<hbm>>
      tpu.wait_indirect_dma semaphore(%arg14 : memref<!tpu.dma_semaphore, #tpu.memory_space<semaphore_mem>>) src(%dma_wait3A_365 : memref<10240x128xf32, #tpu.memory_space<hbm>>) dst(%arg10 : memref<128x128xf32, #tpu.memory_space<vmem>>)
      %dma_start3A_366 = arith.constant 5 : i32
      %dma_start3A_367 = arith.constant 0 : i32
      %dma_start3A_368 = tpu.memref_slice %arg9[%dma_start3A_366, %dma_start3A_367] : memref<8x128xi32, #tpu.memory_space<vmem>> -> memref<1x128xi32, #tpu.memory_space<vmem>>
      %dma_start3A_369 = tpu.memref_squeeze %dma_start3A_368 : memref<1x128xi32, #tpu.memory_space<vmem>> -> memref<128xi32, #tpu.memory_space<vmem>>
      %dma_start3A_370 = arith.constant 0 : i32
      %dma_start3A_371 = arith.constant 0 : i32
      %dma_start3A_372 = tpu.memref_slice %arg13[%dma_start3A_370, %dma_start3A_371] : memref<10240x128xf32, #tpu.memory_space<vmem_shared>> -> memref<10240x128xf32, #tpu.memory_space<vmem_shared>>
      tpu.enqueue_indirect_dma source(%arg10 : memref<128x128xf32, #tpu.memory_space<vmem>>) target(%dma_start3A_372 : memref<10240x128xf32, #tpu.memory_space<vmem_shared>>) offsets(%dma_start3A_369 : memref<128xi32, #tpu.memory_space<vmem>>) semaphore(%arg16 : memref<!tpu.dma_semaphore, #tpu.memory_space<semaphore_mem>>) {add = true}
      %dma_wait3A_373 = arith.constant 5 : i32
      %dma_wait3A_374 = arith.constant 0 : i32
      %dma_wait3A_375 = tpu.memref_slice %arg9[%dma_wait3A_373, %dma_wait3A_374] : memref<8x128xi32, #tpu.memory_space<vmem>> -> memref<1x128xi32, #tpu.memory_space<vmem>>
      %dma_wait3A_376 = tpu.memref_squeeze %dma_wait3A_375 : memref<1x128xi32, #tpu.memory_space<vmem>> -> memref<128xi32, #tpu.memory_space<vmem>>
      %dma_wait3A_377 = arith.constant 0 : i32
      %dma_wait3A_378 = arith.constant 0 : i32
      %dma_wait3A_379 = tpu.memref_slice %arg13[%dma_wait3A_377, %dma_wait3A_378] : memref<10240x128xf32, #tpu.memory_space<vmem_shared>> -> memref<10240x128xf32, #tpu.memory_space<vmem_shared>>
      tpu.wait_indirect_dma semaphore(%arg16 : memref<!tpu.dma_semaphore, #tpu.memory_space<semaphore_mem>>) src(%arg10 : memref<128x128xf32, #tpu.memory_space<vmem>>) dst(%dma_wait3A_379 : memref<10240x128xf32, #tpu.memory_space<vmem_shared>>)
      %dma_start3A_380 = arith.constant 6 : i32
      %dma_start3A_381 = arith.constant 0 : i32
      %dma_start3A_382 = tpu.memref_slice %arg8[%dma_start3A_380, %dma_start3A_381] : memref<8x128xi32, #tpu.memory_space<vmem>> -> memref<1x128xi32, #tpu.memory_space<vmem>>
      %dma_start3A_383 = tpu.memref_squeeze %dma_start3A_382 : memref<1x128xi32, #tpu.memory_space<vmem>> -> memref<128xi32, #tpu.memory_space<vmem>>
      %dma_start3A_384 = arith.constant 0 : i32
      %dma_start3A_385 = arith.constant 0 : i32
      %dma_start3A_386 = tpu.memref_slice %arg2[%dma_start3A_384, %dma_start3A_385] : memref<10240x128xf32, #tpu.memory_space<hbm>> -> memref<10240x128xf32, #tpu.memory_space<hbm>>
      tpu.enqueue_indirect_dma source(%dma_start3A_386 : memref<10240x128xf32, #tpu.memory_space<hbm>>) target(%arg10 : memref<128x128xf32, #tpu.memory_space<vmem>>) offsets(%dma_start3A_383 : memref<128xi32, #tpu.memory_space<vmem>>) semaphore(%arg14 : memref<!tpu.dma_semaphore, #tpu.memory_space<semaphore_mem>>)
      %dma_wait3A_387 = arith.constant 5 : i32
      %dma_wait3A_388 = arith.constant 0 : i32
      %dma_wait3A_389 = tpu.memref_slice %arg9[%dma_wait3A_387, %dma_wait3A_388] : memref<8x128xi32, #tpu.memory_space<vmem>> -> memref<1x128xi32, #tpu.memory_space<vmem>>
      %dma_wait3A_390 = tpu.memref_squeeze %dma_wait3A_389 : memref<1x128xi32, #tpu.memory_space<vmem>> -> memref<128xi32, #tpu.memory_space<vmem>>
      %dma_wait3A_391 = arith.constant 0 : i32
      %dma_wait3A_392 = arith.constant 0 : i32
      %dma_wait3A_393 = tpu.memref_slice %arg2[%dma_wait3A_391, %dma_wait3A_392] : memref<10240x128xf32, #tpu.memory_space<hbm>> -> memref<10240x128xf32, #tpu.memory_space<hbm>>
      tpu.wait_indirect_dma semaphore(%arg15 : memref<!tpu.dma_semaphore, #tpu.memory_space<semaphore_mem>>) src(%dma_wait3A_393 : memref<10240x128xf32, #tpu.memory_space<hbm>>) dst(%arg11 : memref<128x128xf32, #tpu.memory_space<vmem>>)
      %dma_start3A_394 = arith.constant 5 : i32
      %dma_start3A_395 = arith.constant 0 : i32
      %dma_start3A_396 = tpu.memref_slice %arg8[%dma_start3A_394, %dma_start3A_395] : memref<8x128xi32, #tpu.memory_space<vmem>> -> memref<1x128xi32, #tpu.memory_space<vmem>>
      %dma_start3A_397 = tpu.memref_squeeze %dma_start3A_396 : memref<1x128xi32, #tpu.memory_space<vmem>> -> memref<128xi32, #tpu.memory_space<vmem>>
      %dma_start3A_398 = arith.constant 0 : i32
      %dma_start3A_399 = arith.constant 0 : i32
      %dma_start3A_400 = tpu.memref_slice %arg13[%dma_start3A_398, %dma_start3A_399] : memref<10240x128xf32, #tpu.memory_space<vmem_shared>> -> memref<10240x128xf32, #tpu.memory_space<vmem_shared>>
      tpu.enqueue_indirect_dma source(%arg11 : memref<128x128xf32, #tpu.memory_space<vmem>>) target(%dma_start3A_400 : memref<10240x128xf32, #tpu.memory_space<vmem_shared>>) offsets(%dma_start3A_397 : memref<128xi32, #tpu.memory_space<vmem>>) semaphore(%arg17 : memref<!tpu.dma_semaphore, #tpu.memory_space<semaphore_mem>>) {add = true}
      %dma_wait3A_401 = arith.constant 5 : i32
      %dma_wait3A_402 = arith.constant 0 : i32
      %dma_wait3A_403 = tpu.memref_slice %arg8[%dma_wait3A_401, %dma_wait3A_402] : memref<8x128xi32, #tpu.memory_space<vmem>> -> memref<1x128xi32, #tpu.memory_space<vmem>>
      %dma_wait3A_404 = tpu.memref_squeeze %dma_wait3A_403 : memref<1x128xi32, #tpu.memory_space<vmem>> -> memref<128xi32, #tpu.memory_space<vmem>>
      %dma_wait3A_405 = arith.constant 0 : i32
      %dma_wait3A_406 = arith.constant 0 : i32
      %dma_wait3A_407 = tpu.memref_slice %arg13[%dma_wait3A_405, %dma_wait3A_406] : memref<10240x128xf32, #tpu.memory_space<vmem_shared>> -> memref<10240x128xf32, #tpu.memory_space<vmem_shared>>
      tpu.wait_indirect_dma semaphore(%arg17 : memref<!tpu.dma_semaphore, #tpu.memory_space<semaphore_mem>>) src(%arg11 : memref<128x128xf32, #tpu.memory_space<vmem>>) dst(%dma_wait3A_407 : memref<10240x128xf32, #tpu.memory_space<vmem_shared>>)
      %dma_start3A_408 = arith.constant 6 : i32
      %dma_start3A_409 = arith.constant 0 : i32
      %dma_start3A_410 = tpu.memref_slice %arg9[%dma_start3A_408, %dma_start3A_409] : memref<8x128xi32, #tpu.memory_space<vmem>> -> memref<1x128xi32, #tpu.memory_space<vmem>>
      %dma_start3A_411 = tpu.memref_squeeze %dma_start3A_410 : memref<1x128xi32, #tpu.memory_space<vmem>> -> memref<128xi32, #tpu.memory_space<vmem>>
      %dma_start3A_412 = arith.constant 0 : i32
      %dma_start3A_413 = arith.constant 0 : i32
      %dma_start3A_414 = tpu.memref_slice %arg2[%dma_start3A_412, %dma_start3A_413] : memref<10240x128xf32, #tpu.memory_space<hbm>> -> memref<10240x128xf32, #tpu.memory_space<hbm>>
      tpu.enqueue_indirect_dma source(%dma_start3A_414 : memref<10240x128xf32, #tpu.memory_space<hbm>>) target(%arg11 : memref<128x128xf32, #tpu.memory_space<vmem>>) offsets(%dma_start3A_411 : memref<128xi32, #tpu.memory_space<vmem>>) semaphore(%arg15 : memref<!tpu.dma_semaphore, #tpu.memory_space<semaphore_mem>>)
      %dma_wait3A_415 = arith.constant 6 : i32
      %dma_wait3A_416 = arith.constant 0 : i32
      %dma_wait3A_417 = tpu.memref_slice %arg8[%dma_wait3A_415, %dma_wait3A_416] : memref<8x128xi32, #tpu.memory_space<vmem>> -> memref<1x128xi32, #tpu.memory_space<vmem>>
      %dma_wait3A_418 = tpu.memref_squeeze %dma_wait3A_417 : memref<1x128xi32, #tpu.memory_space<vmem>> -> memref<128xi32, #tpu.memory_space<vmem>>
      %dma_wait3A_419 = arith.constant 0 : i32
      %dma_wait3A_420 = arith.constant 0 : i32
      %dma_wait3A_421 = tpu.memref_slice %arg2[%dma_wait3A_419, %dma_wait3A_420] : memref<10240x128xf32, #tpu.memory_space<hbm>> -> memref<10240x128xf32, #tpu.memory_space<hbm>>
      tpu.wait_indirect_dma semaphore(%arg14 : memref<!tpu.dma_semaphore, #tpu.memory_space<semaphore_mem>>) src(%dma_wait3A_421 : memref<10240x128xf32, #tpu.memory_space<hbm>>) dst(%arg10 : memref<128x128xf32, #tpu.memory_space<vmem>>)
      %dma_start3A_422 = arith.constant 6 : i32
      %dma_start3A_423 = arith.constant 0 : i32
      %dma_start3A_424 = tpu.memref_slice %arg9[%dma_start3A_422, %dma_start3A_423] : memref<8x128xi32, #tpu.memory_space<vmem>> -> memref<1x128xi32, #tpu.memory_space<vmem>>
      %dma_start3A_425 = tpu.memref_squeeze %dma_start3A_424 : memref<1x128xi32, #tpu.memory_space<vmem>> -> memref<128xi32, #tpu.memory_space<vmem>>
      %dma_start3A_426 = arith.constant 0 : i32
      %dma_start3A_427 = arith.constant 0 : i32
      %dma_start3A_428 = tpu.memref_slice %arg13[%dma_start3A_426, %dma_start3A_427] : memref<10240x128xf32, #tpu.memory_space<vmem_shared>> -> memref<10240x128xf32, #tpu.memory_space<vmem_shared>>
      tpu.enqueue_indirect_dma source(%arg10 : memref<128x128xf32, #tpu.memory_space<vmem>>) target(%dma_start3A_428 : memref<10240x128xf32, #tpu.memory_space<vmem_shared>>) offsets(%dma_start3A_425 : memref<128xi32, #tpu.memory_space<vmem>>) semaphore(%arg16 : memref<!tpu.dma_semaphore, #tpu.memory_space<semaphore_mem>>) {add = true}
      %dma_wait3A_429 = arith.constant 6 : i32
      %dma_wait3A_430 = arith.constant 0 : i32
      %dma_wait3A_431 = tpu.memref_slice %arg9[%dma_wait3A_429, %dma_wait3A_430] : memref<8x128xi32, #tpu.memory_space<vmem>> -> memref<1x128xi32, #tpu.memory_space<vmem>>
      %dma_wait3A_432 = tpu.memref_squeeze %dma_wait3A_431 : memref<1x128xi32, #tpu.memory_space<vmem>> -> memref<128xi32, #tpu.memory_space<vmem>>
      %dma_wait3A_433 = arith.constant 0 : i32
      %dma_wait3A_434 = arith.constant 0 : i32
      %dma_wait3A_435 = tpu.memref_slice %arg13[%dma_wait3A_433, %dma_wait3A_434] : memref<10240x128xf32, #tpu.memory_space<vmem_shared>> -> memref<10240x128xf32, #tpu.memory_space<vmem_shared>>
      tpu.wait_indirect_dma semaphore(%arg16 : memref<!tpu.dma_semaphore, #tpu.memory_space<semaphore_mem>>) src(%arg10 : memref<128x128xf32, #tpu.memory_space<vmem>>) dst(%dma_wait3A_435 : memref<10240x128xf32, #tpu.memory_space<vmem_shared>>)
      %dma_start3A_436 = arith.constant 7 : i32
      %dma_start3A_437 = arith.constant 0 : i32
      %dma_start3A_438 = tpu.memref_slice %arg8[%dma_start3A_436, %dma_start3A_437] : memref<8x128xi32, #tpu.memory_space<vmem>> -> memref<1x128xi32, #tpu.memory_space<vmem>>
      %dma_start3A_439 = tpu.memref_squeeze %dma_start3A_438 : memref<1x128xi32, #tpu.memory_space<vmem>> -> memref<128xi32, #tpu.memory_space<vmem>>
      %dma_start3A_440 = arith.constant 0 : i32
      %dma_start3A_441 = arith.constant 0 : i32
      %dma_start3A_442 = tpu.memref_slice %arg2[%dma_start3A_440, %dma_start3A_441] : memref<10240x128xf32, #tpu.memory_space<hbm>> -> memref<10240x128xf32, #tpu.memory_space<hbm>>
      tpu.enqueue_indirect_dma source(%dma_start3A_442 : memref<10240x128xf32, #tpu.memory_space<hbm>>) target(%arg10 : memref<128x128xf32, #tpu.memory_space<vmem>>) offsets(%dma_start3A_439 : memref<128xi32, #tpu.memory_space<vmem>>) semaphore(%arg14 : memref<!tpu.dma_semaphore, #tpu.memory_space<semaphore_mem>>)
      %dma_wait3A_443 = arith.constant 6 : i32
      %dma_wait3A_444 = arith.constant 0 : i32
      %dma_wait3A_445 = tpu.memref_slice %arg9[%dma_wait3A_443, %dma_wait3A_444] : memref<8x128xi32, #tpu.memory_space<vmem>> -> memref<1x128xi32, #tpu.memory_space<vmem>>
      %dma_wait3A_446 = tpu.memref_squeeze %dma_wait3A_445 : memref<1x128xi32, #tpu.memory_space<vmem>> -> memref<128xi32, #tpu.memory_space<vmem>>
      %dma_wait3A_447 = arith.constant 0 : i32
      %dma_wait3A_448 = arith.constant 0 : i32
      %dma_wait3A_449 = tpu.memref_slice %arg2[%dma_wait3A_447, %dma_wait3A_448] : memref<10240x128xf32, #tpu.memory_space<hbm>> -> memref<10240x128xf32, #tpu.memory_space<hbm>>
      tpu.wait_indirect_dma semaphore(%arg15 : memref<!tpu.dma_semaphore, #tpu.memory_space<semaphore_mem>>) src(%dma_wait3A_449 : memref<10240x128xf32, #tpu.memory_space<hbm>>) dst(%arg11 : memref<128x128xf32, #tpu.memory_space<vmem>>)
      %dma_start3A_450 = arith.constant 6 : i32
      %dma_start3A_451 = arith.constant 0 : i32
      %dma_start3A_452 = tpu.memref_slice %arg8[%dma_start3A_450, %dma_start3A_451] : memref<8x128xi32, #tpu.memory_space<vmem>> -> memref<1x128xi32, #tpu.memory_space<vmem>>
      %dma_start3A_453 = tpu.memref_squeeze %dma_start3A_452 : memref<1x128xi32, #tpu.memory_space<vmem>> -> memref<128xi32, #tpu.memory_space<vmem>>
      %dma_start3A_454 = arith.constant 0 : i32
      %dma_start3A_455 = arith.constant 0 : i32
      %dma_start3A_456 = tpu.memref_slice %arg13[%dma_start3A_454, %dma_start3A_455] : memref<10240x128xf32, #tpu.memory_space<vmem_shared>> -> memref<10240x128xf32, #tpu.memory_space<vmem_shared>>
      tpu.enqueue_indirect_dma source(%arg11 : memref<128x128xf32, #tpu.memory_space<vmem>>) target(%dma_start3A_456 : memref<10240x128xf32, #tpu.memory_space<vmem_shared>>) offsets(%dma_start3A_453 : memref<128xi32, #tpu.memory_space<vmem>>) semaphore(%arg17 : memref<!tpu.dma_semaphore, #tpu.memory_space<semaphore_mem>>) {add = true}
      %dma_wait3A_457 = arith.constant 6 : i32
      %dma_wait3A_458 = arith.constant 0 : i32
      %dma_wait3A_459 = tpu.memref_slice %arg8[%dma_wait3A_457, %dma_wait3A_458] : memref<8x128xi32, #tpu.memory_space<vmem>> -> memref<1x128xi32, #tpu.memory_space<vmem>>
      %dma_wait3A_460 = tpu.memref_squeeze %dma_wait3A_459 : memref<1x128xi32, #tpu.memory_space<vmem>> -> memref<128xi32, #tpu.memory_space<vmem>>
      %dma_wait3A_461 = arith.constant 0 : i32
      %dma_wait3A_462 = arith.constant 0 : i32
      %dma_wait3A_463 = tpu.memref_slice %arg13[%dma_wait3A_461, %dma_wait3A_462] : memref<10240x128xf32, #tpu.memory_space<vmem_shared>> -> memref<10240x128xf32, #tpu.memory_space<vmem_shared>>
      tpu.wait_indirect_dma semaphore(%arg17 : memref<!tpu.dma_semaphore, #tpu.memory_space<semaphore_mem>>) src(%arg11 : memref<128x128xf32, #tpu.memory_space<vmem>>) dst(%dma_wait3A_463 : memref<10240x128xf32, #tpu.memory_space<vmem_shared>>)
      %dma_start3A_464 = arith.constant 7 : i32
      %dma_start3A_465 = arith.constant 0 : i32
      %dma_start3A_466 = tpu.memref_slice %arg9[%dma_start3A_464, %dma_start3A_465] : memref<8x128xi32, #tpu.memory_space<vmem>> -> memref<1x128xi32, #tpu.memory_space<vmem>>
      %dma_start3A_467 = tpu.memref_squeeze %dma_start3A_466 : memref<1x128xi32, #tpu.memory_space<vmem>> -> memref<128xi32, #tpu.memory_space<vmem>>
      %dma_start3A_468 = arith.constant 0 : i32
      %dma_start3A_469 = arith.constant 0 : i32
      %dma_start3A_470 = tpu.memref_slice %arg2[%dma_start3A_468, %dma_start3A_469] : memref<10240x128xf32, #tpu.memory_space<hbm>> -> memref<10240x128xf32, #tpu.memory_space<hbm>>
      tpu.enqueue_indirect_dma source(%dma_start3A_470 : memref<10240x128xf32, #tpu.memory_space<hbm>>) target(%arg11 : memref<128x128xf32, #tpu.memory_space<vmem>>) offsets(%dma_start3A_467 : memref<128xi32, #tpu.memory_space<vmem>>) semaphore(%arg15 : memref<!tpu.dma_semaphore, #tpu.memory_space<semaphore_mem>>)
      %dma_wait3A_471 = arith.constant 7 : i32
      %dma_wait3A_472 = arith.constant 0 : i32
      %dma_wait3A_473 = tpu.memref_slice %arg8[%dma_wait3A_471, %dma_wait3A_472] : memref<8x128xi32, #tpu.memory_space<vmem>> -> memref<1x128xi32, #tpu.memory_space<vmem>>
      %dma_wait3A_474 = tpu.memref_squeeze %dma_wait3A_473 : memref<1x128xi32, #tpu.memory_space<vmem>> -> memref<128xi32, #tpu.memory_space<vmem>>
      %dma_wait3A_475 = arith.constant 0 : i32
      %dma_wait3A_476 = arith.constant 0 : i32
      %dma_wait3A_477 = tpu.memref_slice %arg2[%dma_wait3A_475, %dma_wait3A_476] : memref<10240x128xf32, #tpu.memory_space<hbm>> -> memref<10240x128xf32, #tpu.memory_space<hbm>>
      tpu.wait_indirect_dma semaphore(%arg14 : memref<!tpu.dma_semaphore, #tpu.memory_space<semaphore_mem>>) src(%dma_wait3A_477 : memref<10240x128xf32, #tpu.memory_space<hbm>>) dst(%arg10 : memref<128x128xf32, #tpu.memory_space<vmem>>)
      %dma_start3A_478 = arith.constant 7 : i32
      %dma_start3A_479 = arith.constant 0 : i32
      %dma_start3A_480 = tpu.memref_slice %arg9[%dma_start3A_478, %dma_start3A_479] : memref<8x128xi32, #tpu.memory_space<vmem>> -> memref<1x128xi32, #tpu.memory_space<vmem>>
      %dma_start3A_481 = tpu.memref_squeeze %dma_start3A_480 : memref<1x128xi32, #tpu.memory_space<vmem>> -> memref<128xi32, #tpu.memory_space<vmem>>
      %dma_start3A_482 = arith.constant 0 : i32
      %dma_start3A_483 = arith.constant 0 : i32
      %dma_start3A_484 = tpu.memref_slice %arg13[%dma_start3A_482, %dma_start3A_483] : memref<10240x128xf32, #tpu.memory_space<vmem_shared>> -> memref<10240x128xf32, #tpu.memory_space<vmem_shared>>
      tpu.enqueue_indirect_dma source(%arg10 : memref<128x128xf32, #tpu.memory_space<vmem>>) target(%dma_start3A_484 : memref<10240x128xf32, #tpu.memory_space<vmem_shared>>) offsets(%dma_start3A_481 : memref<128xi32, #tpu.memory_space<vmem>>) semaphore(%arg16 : memref<!tpu.dma_semaphore, #tpu.memory_space<semaphore_mem>>) {add = true}
      %dma_wait3A_485 = arith.constant 7 : i32
      %dma_wait3A_486 = arith.constant 0 : i32
      %dma_wait3A_487 = tpu.memref_slice %arg9[%dma_wait3A_485, %dma_wait3A_486] : memref<8x128xi32, #tpu.memory_space<vmem>> -> memref<1x128xi32, #tpu.memory_space<vmem>>
      %dma_wait3A_488 = tpu.memref_squeeze %dma_wait3A_487 : memref<1x128xi32, #tpu.memory_space<vmem>> -> memref<128xi32, #tpu.memory_space<vmem>>
      %dma_wait3A_489 = arith.constant 0 : i32
      %dma_wait3A_490 = arith.constant 0 : i32
      %dma_wait3A_491 = tpu.memref_slice %arg2[%dma_wait3A_489, %dma_wait3A_490] : memref<10240x128xf32, #tpu.memory_space<hbm>> -> memref<10240x128xf32, #tpu.memory_space<hbm>>
      tpu.wait_indirect_dma semaphore(%arg15 : memref<!tpu.dma_semaphore, #tpu.memory_space<semaphore_mem>>) src(%dma_wait3A_491 : memref<10240x128xf32, #tpu.memory_space<hbm>>) dst(%arg11 : memref<128x128xf32, #tpu.memory_space<vmem>>)
      %dma_start3A_492 = arith.constant 7 : i32
      %dma_start3A_493 = arith.constant 0 : i32
      %dma_start3A_494 = tpu.memref_slice %arg8[%dma_start3A_492, %dma_start3A_493] : memref<8x128xi32, #tpu.memory_space<vmem>> -> memref<1x128xi32, #tpu.memory_space<vmem>>
      %dma_start3A_495 = tpu.memref_squeeze %dma_start3A_494 : memref<1x128xi32, #tpu.memory_space<vmem>> -> memref<128xi32, #tpu.memory_space<vmem>>
      %dma_start3A_496 = arith.constant 0 : i32
      %dma_start3A_497 = arith.constant 0 : i32
      %dma_start3A_498 = tpu.memref_slice %arg13[%dma_start3A_496, %dma_start3A_497] : memref<10240x128xf32, #tpu.memory_space<vmem_shared>> -> memref<10240x128xf32, #tpu.memory_space<vmem_shared>>
      tpu.enqueue_indirect_dma source(%arg11 : memref<128x128xf32, #tpu.memory_space<vmem>>) target(%dma_start3A_498 : memref<10240x128xf32, #tpu.memory_space<vmem_shared>>) offsets(%dma_start3A_495 : memref<128xi32, #tpu.memory_space<vmem>>) semaphore(%arg17 : memref<!tpu.dma_semaphore, #tpu.memory_space<semaphore_mem>>) {add = true}
      %dma_wait3A_499 = arith.constant 7 : i32
      %dma_wait3A_500 = arith.constant 0 : i32
      %dma_wait3A_501 = tpu.memref_slice %arg9[%dma_wait3A_499, %dma_wait3A_500] : memref<8x128xi32, #tpu.memory_space<vmem>> -> memref<1x128xi32, #tpu.memory_space<vmem>>
      %dma_wait3A_502 = tpu.memref_squeeze %dma_wait3A_501 : memref<1x128xi32, #tpu.memory_space<vmem>> -> memref<128xi32, #tpu.memory_space<vmem>>
      %dma_wait3A_503 = arith.constant 0 : i32
      %dma_wait3A_504 = arith.constant 0 : i32
      %dma_wait3A_505 = tpu.memref_slice %arg13[%dma_wait3A_503, %dma_wait3A_504] : memref<10240x128xf32, #tpu.memory_space<vmem_shared>> -> memref<10240x128xf32, #tpu.memory_space<vmem_shared>>
      tpu.wait_indirect_dma semaphore(%arg16 : memref<!tpu.dma_semaphore, #tpu.memory_space<semaphore_mem>>) src(%arg10 : memref<128x128xf32, #tpu.memory_space<vmem>>) dst(%dma_wait3A_505 : memref<10240x128xf32, #tpu.memory_space<vmem_shared>>)
      %dma_wait3A_506 = arith.constant 7 : i32
      %dma_wait3A_507 = arith.constant 0 : i32
      %dma_wait3A_508 = tpu.memref_slice %arg8[%dma_wait3A_506, %dma_wait3A_507] : memref<8x128xi32, #tpu.memory_space<vmem>> -> memref<1x128xi32, #tpu.memory_space<vmem>>
      %dma_wait3A_509 = tpu.memref_squeeze %dma_wait3A_508 : memref<1x128xi32, #tpu.memory_space<vmem>> -> memref<128xi32, #tpu.memory_space<vmem>>
      %dma_wait3A_510 = arith.constant 0 : i32
      %dma_wait3A_511 = arith.constant 0 : i32
      %dma_wait3A_512 = tpu.memref_slice %arg13[%dma_wait3A_510, %dma_wait3A_511] : memref<10240x128xf32, #tpu.memory_space<vmem_shared>> -> memref<10240x128xf32, #tpu.memory_space<vmem_shared>>
      tpu.wait_indirect_dma semaphore(%arg17 : memref<!tpu.dma_semaphore, #tpu.memory_space<semaphore_mem>>) src(%arg11 : memref<128x128xf32, #tpu.memory_space<vmem>>) dst(%dma_wait3A_512 : memref<10240x128xf32, #tpu.memory_space<vmem_shared>>)
    }
    %barrier3A_58 = arith.constant 0 : index
    tpu.barrier barrier_id(%barrier3A_58)
    %mul3A_59 = arith.constant 640 : i32
    %mul3A_60 = arith.muli %arg1, %mul3A_59 : i32
    %mul3A_61 = arith.constant 640 : i32
    %mul3A_62 = arith.muli %arg1, %mul3A_61 : i32
    "tpu.region"() ({
      %run_scoped3A = tpu.sem_alloc : memref<!tpu.dma_semaphore, #tpu.memory_space<semaphore_mem>>
      %dma_start3A = arith.constant 0 : i32
      %dma_start3A_63 = tpu.memref_slice %arg7[%arg0, %mul3A_62, %dma_start3A] : memref<2x10240x128xf32, #tpu.memory_space<hbm>> -> memref<1x640x128xf32, #tpu.memory_space<hbm>>
      %dma_start3A_64 = tpu.memref_squeeze %dma_start3A_63 : memref<1x640x128xf32, #tpu.memory_space<hbm>> -> memref<640x128xf32, #tpu.memory_space<hbm>>
      %dma_start3A_65 = arith.constant 0 : i32
      %dma_start3A_66 = tpu.memref_slice %arg13[%mul3A_60, %dma_start3A_65] : memref<10240x128xf32, #tpu.memory_space<vmem_shared>> -> memref<640x128xf32, #tpu.memory_space<vmem_shared>>
      tpu.enqueue_dma source(%dma_start3A_66 : memref<640x128xf32, #tpu.memory_space<vmem_shared>>) target(%dma_start3A_64 : memref<640x128xf32, #tpu.memory_space<hbm>>) target_semaphore(%run_scoped3A : memref<!tpu.dma_semaphore, #tpu.memory_space<semaphore_mem>>)
      %dma_wait3A = arith.constant 0 : i32
      %dma_wait3A_67 = tpu.memref_slice %arg7[%arg0, %mul3A_62, %dma_wait3A] : memref<2x10240x128xf32, #tpu.memory_space<hbm>> -> memref<1x640x128xf32, #tpu.memory_space<hbm>>
      %dma_wait3A_68 = tpu.memref_squeeze %dma_wait3A_67 : memref<1x640x128xf32, #tpu.memory_space<hbm>> -> memref<640x128xf32, #tpu.memory_space<hbm>>
      %dma_wait3A_69 = arith.constant 0 : i32
      %dma_wait3A_70 = tpu.memref_slice %arg13[%mul3A_60, %dma_wait3A_69] : memref<10240x128xf32, #tpu.memory_space<vmem_shared>> -> memref<640x128xf32, #tpu.memory_space<vmem_shared>>
      tpu.wait_dma2 semaphore(%run_scoped3A : memref<!tpu.dma_semaphore, #tpu.memory_space<semaphore_mem>>) src(%dma_wait3A_70 : memref<640x128xf32, #tpu.memory_space<vmem_shared>>) dst(%dma_wait3A_68 : memref<640x128xf32, #tpu.memory_space<hbm>>)
      tpu.yield
    }) : () -> ()
    return
  }
}

module attributes {stable_mosaic.version = 14 : i64} {
  func.func @body(%arg0: i32, %arg1: memref<1024x128xf32, #tpu.memory_space<vmem>>, %arg2: memref<128x128xf32, #tpu.memory_space<vmem>>, %arg3: memref<1x128xf32, #tpu.memory_space<vmem>>, %arg4: memref<128x128xf32, #tpu.memory_space<vmem>>, %arg5: memref<1x128xf32, #tpu.memory_space<vmem>>, %arg6: memref<1024x128xf32, #tpu.memory_space<vmem>>, %arg7: memref<1024x128xf32, #tpu.memory_space<vmem>>) attributes {dimension_semantics = [#tpu.dimension_semantics<arbitrary>], iteration_bounds = array<i64: 10>, scalar_prefetch = 0 : i64, scratch_operands = 0 : i64, tpu.core_type = #tpu.core_type<tc>, window_params = [{transform_indices = @transform_0, window_bounds = array<i64: 1024, 128>}, {pipeline_mode = #tpu.pipeline_mode<synchronous>, transform_indices = @transform_1, window_bounds = array<i64: 128, 128>}, {pipeline_mode = #tpu.pipeline_mode<synchronous>, transform_indices = @transform_2, window_bounds = array<i64: 1, 128>}, {pipeline_mode = #tpu.pipeline_mode<synchronous>, transform_indices = @transform_3, window_bounds = array<i64: 128, 128>}, {pipeline_mode = #tpu.pipeline_mode<synchronous>, transform_indices = @transform_4, window_bounds = array<i64: 1, 128>}, {transform_indices = @transform_5, window_bounds = array<i64: 1024, 128>}, {transform_indices = @transform_6, window_bounds = array<i64: 1024, 128>}]} {
    %get3A = arith.constant 0 : index
    %get3A_0 = arith.constant 0 : index
    %get3A_1 = vector.load %arg1[%get3A, %get3A_0] : memref<1024x128xf32, #tpu.memory_space<vmem>>, vector<1024x128xf32>
    %get3A_2 = arith.constant 0 : index
    %get3A_3 = arith.constant 0 : index
    %get3A_4 = vector.load %arg2[%get3A_2, %get3A_3] : memref<128x128xf32, #tpu.memory_space<vmem>>, vector<128x128xf32>
    %dot_general3A = arith.constant dense<0.000000e+00> : vector<1024x128xf32>
    %dot_general3A_5 = tpu.matmul %get3A_1, %get3A_4, %dot_general3A {dimension_numbers = #tpu.dot_dimension_numbers<[1], [0], [0], [1], [0, 0, 1, 1], [], []>, transpose_lhs_hint = false} : vector<1024x128xf32>, vector<128x128xf32>, vector<1024x128xf32> -> vector<1024x128xf32>
    %get3A_6 = arith.constant 0 : index
    %get3A_7 = arith.constant 0 : index
    %get3A_8 = vector.load %arg3[%get3A_6, %get3A_7] : memref<1x128xf32, #tpu.memory_space<vmem>>, vector<1x128xf32>
    %add3A = vector.broadcast %get3A_8 : vector<1x128xf32> to vector<1024x128xf32>
    %add3A_9 = arith.addf %dot_general3A_5, %add3A : vector<1024x128xf32>
    %swap3A = arith.constant 0 : index
    %swap3A_10 = arith.constant 0 : index
    %swap3A_11 = vector.load %arg6[%swap3A, %swap3A_10] : memref<1024x128xf32, #tpu.memory_space<vmem>>, vector<1024x128xf32>
    tpu.vector_store %arg6[%swap3A, %swap3A_10], %add3A_9 {strides = array<i32>} : memref<1024x128xf32, #tpu.memory_space<vmem>>, vector<1024x128xf32>,
    %get3A_12 = arith.constant 0 : index
    %get3A_13 = arith.constant 0 : index
    %get3A_14 = vector.load %arg4[%get3A_12, %get3A_13] : memref<128x128xf32, #tpu.memory_space<vmem>>, vector<128x128xf32>
    %dot_general3A_15 = arith.constant dense<0.000000e+00> : vector<1024x128xf32>
    %dot_general3A_16 = tpu.matmul %get3A_1, %get3A_14, %dot_general3A_15 {dimension_numbers = #tpu.dot_dimension_numbers<[1], [0], [0], [1], [0, 0, 1, 1], [], []>, transpose_lhs_hint = false} : vector<1024x128xf32>, vector<128x128xf32>, vector<1024x128xf32> -> vector<1024x128xf32>
    %get3A_17 = arith.constant 0 : index
    %get3A_18 = arith.constant 0 : index
    %get3A_19 = vector.load %arg5[%get3A_17, %get3A_18] : memref<1x128xf32, #tpu.memory_space<vmem>>, vector<1x128xf32>
    %add3A_20 = vector.broadcast %get3A_19 : vector<1x128xf32> to vector<1024x128xf32>
    %add3A_21 = arith.addf %dot_general3A_16, %add3A_20 : vector<1024x128xf32>
    %swap3A_22 = arith.constant 0 : index
    %swap3A_23 = arith.constant 0 : index
    %swap3A_24 = vector.load %arg7[%swap3A_22, %swap3A_23] : memref<1024x128xf32, #tpu.memory_space<vmem>>, vector<1024x128xf32>
    tpu.vector_store %arg7[%swap3A_22, %swap3A_23], %add3A_21 {strides = array<i32>} : memref<1024x128xf32, #tpu.memory_space<vmem>>, vector<1024x128xf32>,
    return
  }
  func.func @transform_0(%arg0: i32) -> (i32, i32) {
    %c0_i32 = arith.constant 0 : i32
    %c0_i32_0 = arith.constant 0 : i32
    return %arg0, %c0_i32 : i32, i32
  }
  func.func @transform_1(%arg0: i32) -> (i32, i32) {
    %c0_i32 = arith.constant 0 : i32
    %c0_i32_0 = arith.constant 0 : i32
    %c0_i32_1 = arith.constant 0 : i32
    return %c0_i32, %c0_i32_0 : i32, i32
  }
  func.func @transform_2(%arg0: i32) -> (i32, i32) {
    %c0_i32 = arith.constant 0 : i32
    %c0_i32_0 = arith.constant 0 : i32
    %c0_i32_1 = arith.constant 0 : i32
    return %c0_i32, %c0_i32_0 : i32, i32
  }
  func.func @transform_3(%arg0: i32) -> (i32, i32) {
    %c0_i32 = arith.constant 0 : i32
    %c0_i32_0 = arith.constant 0 : i32
    %c0_i32_1 = arith.constant 0 : i32
    return %c0_i32, %c0_i32_0 : i32, i32
  }
  func.func @transform_4(%arg0: i32) -> (i32, i32) {
    %c0_i32 = arith.constant 0 : i32
    %c0_i32_0 = arith.constant 0 : i32
    %c0_i32_1 = arith.constant 0 : i32
    return %c0_i32, %c0_i32_0 : i32, i32
  }
  func.func @transform_5(%arg0: i32) -> (i32, i32) {
    %c0_i32 = arith.constant 0 : i32
    %c0_i32_0 = arith.constant 0 : i32
    return %arg0, %c0_i32 : i32, i32
  }
  func.func @transform_6(%arg0: i32) -> (i32, i32) {
    %c0_i32 = arith.constant 0 : i32
    %c0_i32_0 = arith.constant 0 : i32
    return %arg0, %c0_i32 : i32, i32
  }
}

module attributes {stable_mosaic.version = 14 : i64} {
  func.func @body(%arg0: i32, %arg1: memref<1024x128xf32, #tpu.memory_space<vmem>>, %arg2: memref<1024x128xf32, #tpu.memory_space<vmem>>, %arg3: memref<1024x128xf32, #tpu.memory_space<vmem>>, %arg4: memref<1024x128xf32, #tpu.memory_space<vmem>>, %arg5: memref<1024x128xf32, #tpu.memory_space<vmem>>, %arg6: memref<128x128xf32, #tpu.memory_space<vmem>>, %arg7: memref<1x128xf32, #tpu.memory_space<vmem>>, %arg8: memref<128x128xf32, #tpu.memory_space<vmem>>, %arg9: memref<1x128xf32, #tpu.memory_space<vmem>>, %arg10: memref<1024x128xf32, #tpu.memory_space<vmem>>, %arg11: memref<1024x128xf32, #tpu.memory_space<vmem>>) attributes {dimension_semantics = [#tpu.dimension_semantics<arbitrary>], iteration_bounds = array<i64: 10>, scalar_prefetch = 0 : i64, scratch_operands = 0 : i64, tpu.core_type = #tpu.core_type<tc>, window_params = [{transform_indices = @transform_0, window_bounds = array<i64: 1024, 128>}, {transform_indices = @transform_1, window_bounds = array<i64: 1024, 128>}, {transform_indices = @transform_2, window_bounds = array<i64: 1024, 128>}, {transform_indices = @transform_3, window_bounds = array<i64: 1024, 128>}, {transform_indices = @transform_4, window_bounds = array<i64: 1024, 128>}, {pipeline_mode = #tpu.pipeline_mode<synchronous>, transform_indices = @transform_5, window_bounds = array<i64: 128, 128>}, {pipeline_mode = #tpu.pipeline_mode<synchronous>, transform_indices = @transform_6, window_bounds = array<i64: 1, 128>}, {pipeline_mode = #tpu.pipeline_mode<synchronous>, transform_indices = @transform_7, window_bounds = array<i64: 128, 128>}, {pipeline_mode = #tpu.pipeline_mode<synchronous>, transform_indices = @transform_8, window_bounds = array<i64: 1, 128>}, {transform_indices = @transform_9, window_bounds = array<i64: 1024, 128>}, {transform_indices = @transform_10, window_bounds = array<i64: 1024, 128>}]} {
    %get3A = arith.constant 0 : index
    %get3A_0 = arith.constant 0 : index
    %get3A_1 = vector.load %arg4[%get3A, %get3A_0] : memref<1024x128xf32, #tpu.memory_space<vmem>>, vector<1024x1xf32>
    %get3A_2 = arith.constant 0 : index
    %get3A_3 = arith.constant 0 : index
    %get3A_4 = vector.load %arg5[%get3A_2, %get3A_3] : memref<1024x128xf32, #tpu.memory_space<vmem>>, vector<1024x1xf32>
    %add3A = arith.addf %get3A_1, %get3A_4 : vector<1024x1xf32>
    %max3A = arith.constant 1.000000e+00 : f32
    %max3A_5 = vector.broadcast %max3A : f32 to vector<1024x1xf32>
    %max3A_6 = arith.maximumf %add3A, %max3A_5 : vector<1024x1xf32>
    %div3A = arith.constant 1.000000e+00 : f32
    %div3A_7 = vector.broadcast %div3A : f32 to vector<1024x1xf32>
    %div3A_8 = arith.divf %div3A_7, %max3A_6 : vector<1024x1xf32>
    %get3A_9 = arith.constant 0 : index
    %get3A_10 = arith.constant 0 : index
    %get3A_11 = vector.load %arg1[%get3A_9, %get3A_10] : memref<1024x128xf32, #tpu.memory_space<vmem>>, vector<1024x128xf32>
    %get3A_12 = arith.constant 0 : index
    %get3A_13 = arith.constant 0 : index
    %get3A_14 = vector.load %arg2[%get3A_12, %get3A_13] : memref<1024x128xf32, #tpu.memory_space<vmem>>, vector<1024x128xf32>
    %get3A_15 = arith.constant 0 : index
    %get3A_16 = arith.constant 0 : index
    %get3A_17 = vector.load %arg3[%get3A_15, %get3A_16] : memref<1024x128xf32, #tpu.memory_space<vmem>>, vector<1024x128xf32>
    %add3A_18 = arith.addf %get3A_14, %get3A_17 : vector<1024x128xf32>
    %mul3A = vector.broadcast %div3A_8 : vector<1024x1xf32> to vector<1024x128xf32>
    %mul3A_19 = arith.mulf %add3A_18, %mul3A : vector<1024x128xf32>
    %add3A_20 = arith.addf %get3A_11, %mul3A_19 : vector<1024x128xf32>
    %max3A_21 = arith.constant 0.000000e+00 : f32
    %max3A_22 = vector.broadcast %max3A_21 : f32 to vector<1024x128xf32>
    %max3A_23 = arith.maximumf %add3A_20, %max3A_22 : vector<1024x128xf32>
    %get3A_24 = arith.constant 0 : index
    %get3A_25 = arith.constant 0 : index
    %get3A_26 = vector.load %arg6[%get3A_24, %get3A_25] : memref<128x128xf32, #tpu.memory_space<vmem>>, vector<128x128xf32>
    %dot_general3A = arith.constant dense<0.000000e+00> : vector<1024x128xf32>
    %dot_general3A_27 = tpu.matmul %max3A_23, %get3A_26, %dot_general3A {dimension_numbers = #tpu.dot_dimension_numbers<[1], [0], [0], [1], [0, 0, 1, 1], [], []>, transpose_lhs_hint = false} : vector<1024x128xf32>, vector<128x128xf32>, vector<1024x128xf32> -> vector<1024x128xf32>
    %get3A_28 = arith.constant 0 : index
    %get3A_29 = arith.constant 0 : index
    %get3A_30 = vector.load %arg7[%get3A_28, %get3A_29] : memref<1x128xf32, #tpu.memory_space<vmem>>, vector<1x128xf32>
    %add3A_31 = vector.broadcast %get3A_30 : vector<1x128xf32> to vector<1024x128xf32>
    %add3A_32 = arith.addf %dot_general3A_27, %add3A_31 : vector<1024x128xf32>
    %swap3A = arith.constant 0 : index
    %swap3A_33 = arith.constant 0 : index
    %swap3A_34 = vector.load %arg10[%swap3A, %swap3A_33] : memref<1024x128xf32, #tpu.memory_space<vmem>>, vector<1024x128xf32>
    tpu.vector_store %arg10[%swap3A, %swap3A_33], %add3A_32 {strides = array<i32>} : memref<1024x128xf32, #tpu.memory_space<vmem>>, vector<1024x128xf32>,
    %get3A_35 = arith.constant 0 : index
    %get3A_36 = arith.constant 0 : index
    %get3A_37 = vector.load %arg8[%get3A_35, %get3A_36] : memref<128x128xf32, #tpu.memory_space<vmem>>, vector<128x128xf32>
    %dot_general3A_38 = arith.constant dense<0.000000e+00> : vector<1024x128xf32>
    %dot_general3A_39 = tpu.matmul %max3A_23, %get3A_37, %dot_general3A_38 {dimension_numbers = #tpu.dot_dimension_numbers<[1], [0], [0], [1], [0, 0, 1, 1], [], []>, transpose_lhs_hint = false} : vector<1024x128xf32>, vector<128x128xf32>, vector<1024x128xf32> -> vector<1024x128xf32>
    %get3A_40 = arith.constant 0 : index
    %get3A_41 = arith.constant 0 : index
    %get3A_42 = vector.load %arg9[%get3A_40, %get3A_41] : memref<1x128xf32, #tpu.memory_space<vmem>>, vector<1x128xf32>
    %add3A_43 = vector.broadcast %get3A_42 : vector<1x128xf32> to vector<1024x128xf32>
    %add3A_44 = arith.addf %dot_general3A_39, %add3A_43 : vector<1024x128xf32>
    %swap3A_45 = arith.constant 0 : index
    %swap3A_46 = arith.constant 0 : index
    %swap3A_47 = vector.load %arg11[%swap3A_45, %swap3A_46] : memref<1024x128xf32, #tpu.memory_space<vmem>>, vector<1024x128xf32>
    tpu.vector_store %arg11[%swap3A_45, %swap3A_46], %add3A_44 {strides = array<i32>} : memref<1024x128xf32, #tpu.memory_space<vmem>>, vector<1024x128xf32>,
    return
  }
  func.func @transform_0(%arg0: i32) -> (i32, i32) {
    %c0_i32 = arith.constant 0 : i32
    %c0_i32_0 = arith.constant 0 : i32
    return %arg0, %c0_i32 : i32, i32
  }
  func.func @transform_1(%arg0: i32) -> (i32, i32) {
    %c0_i32 = arith.constant 0 : i32
    %c0_i32_0 = arith.constant 0 : i32
    return %arg0, %c0_i32 : i32, i32
  }
  func.func @transform_2(%arg0: i32) -> (i32, i32) {
    %c0_i32 = arith.constant 0 : i32
    %c0_i32_0 = arith.constant 0 : i32
    return %arg0, %c0_i32 : i32, i32
  }
  func.func @transform_3(%arg0: i32) -> (i32, i32) {
    %c0_i32 = arith.constant 0 : i32
    %c0_i32_0 = arith.constant 0 : i32
    return %arg0, %c0_i32 : i32, i32
  }
  func.func @transform_4(%arg0: i32) -> (i32, i32) {
    %c0_i32 = arith.constant 0 : i32
    %c0_i32_0 = arith.constant 0 : i32
    return %arg0, %c0_i32 : i32, i32
  }
  func.func @transform_5(%arg0: i32) -> (i32, i32) {
    %c0_i32 = arith.constant 0 : i32
    %c0_i32_0 = arith.constant 0 : i32
    %c0_i32_1 = arith.constant 0 : i32
    return %c0_i32, %c0_i32_0 : i32, i32
  }
  func.func @transform_6(%arg0: i32) -> (i32, i32) {
    %c0_i32 = arith.constant 0 : i32
    %c0_i32_0 = arith.constant 0 : i32
    %c0_i32_1 = arith.constant 0 : i32
    return %c0_i32, %c0_i32_0 : i32, i32
  }
  func.func @transform_7(%arg0: i32) -> (i32, i32) {
    %c0_i32 = arith.constant 0 : i32
    %c0_i32_0 = arith.constant 0 : i32
    %c0_i32_1 = arith.constant 0 : i32
    return %c0_i32, %c0_i32_0 : i32, i32
  }
  func.func @transform_8(%arg0: i32) -> (i32, i32) {
    %c0_i32 = arith.constant 0 : i32
    %c0_i32_0 = arith.constant 0 : i32
    %c0_i32_1 = arith.constant 0 : i32
    return %c0_i32, %c0_i32_0 : i32, i32
  }
  func.func @transform_9(%arg0: i32) -> (i32, i32) {
    %c0_i32 = arith.constant 0 : i32
    %c0_i32_0 = arith.constant 0 : i32
    return %arg0, %c0_i32 : i32, i32
  }
  func.func @transform_10(%arg0: i32) -> (i32, i32) {
    %c0_i32 = arith.constant 0 : i32
    %c0_i32_0 = arith.constant 0 : i32
    return %arg0, %c0_i32 : i32, i32
  }
}

module attributes {stable_mosaic.version = 14 : i64} {
  func.func @body(%arg0: i32, %arg1: memref<1000x128xf32, #tpu.memory_space<vmem>>, %arg2: memref<1000x128xf32, #tpu.memory_space<vmem>>, %arg3: memref<1000x128xf32, #tpu.memory_space<vmem>>, %arg4: memref<1000x128xf32, #tpu.memory_space<vmem>>, %arg5: memref<1000x128xf32, #tpu.memory_space<vmem>>, %arg6: memref<128x128xf32, #tpu.memory_space<vmem>>, %arg7: memref<1x128xf32, #tpu.memory_space<vmem>>, %arg8: memref<128x128xf32, #tpu.memory_space<vmem>>, %arg9: memref<1x128xf32, #tpu.memory_space<vmem>>, %arg10: memref<128x128xf32, #tpu.memory_space<vmem>>, %arg11: memref<1x128xf32, #tpu.memory_space<vmem>>, %arg12: memref<128x128xf32, #tpu.memory_space<vmem>>, %arg13: memref<1x128xf32, #tpu.memory_space<vmem>>, %arg14: memref<1x1000x128xf32, #tpu.memory_space<vmem>>, %arg15: memref<1x1x128xf32, #tpu.memory_space<vmem>>, %arg16: memref<1x1x128xf32, #tpu.memory_space<vmem>>) attributes {dimension_semantics = [#tpu.dimension_semantics<arbitrary>], iteration_bounds = array<i64: 10>, scalar_prefetch = 0 : i64, scratch_operands = 0 : i64, tpu.core_type = #tpu.core_type<tc>, window_params = [{transform_indices = @transform_0, window_bounds = array<i64: 1000, 128>}, {transform_indices = @transform_1, window_bounds = array<i64: 1000, 128>}, {transform_indices = @transform_2, window_bounds = array<i64: 1000, 128>}, {transform_indices = @transform_3, window_bounds = array<i64: 1000, 128>}, {transform_indices = @transform_4, window_bounds = array<i64: 1000, 128>}, {pipeline_mode = #tpu.pipeline_mode<synchronous>, transform_indices = @transform_5, window_bounds = array<i64: 128, 128>}, {pipeline_mode = #tpu.pipeline_mode<synchronous>, transform_indices = @transform_6, window_bounds = array<i64: 1, 128>}, {pipeline_mode = #tpu.pipeline_mode<synchronous>, transform_indices = @transform_7, window_bounds = array<i64: 128, 128>}, {pipeline_mode = #tpu.pipeline_mode<synchronous>, transform_indices = @transform_8, window_bounds = array<i64: 1, 128>}, {pipeline_mode = #tpu.pipeline_mode<synchronous>, transform_indices = @transform_9, window_bounds = array<i64: 128, 128>}, {pipeline_mode = #tpu.pipeline_mode<synchronous>, transform_indices = @transform_10, window_bounds = array<i64: 1, 128>}, {pipeline_mode = #tpu.pipeline_mode<synchronous>, transform_indices = @transform_11, window_bounds = array<i64: 128, 128>}, {pipeline_mode = #tpu.pipeline_mode<synchronous>, transform_indices = @transform_12, window_bounds = array<i64: 1, 128>}, {transform_indices = @transform_13, window_bounds = array<i64: 1, 1000, 128>}, {transform_indices = @transform_14, window_bounds = array<i64: 1, 1, 128>}, {transform_indices = @transform_15, window_bounds = array<i64: 1, 1, 128>}]} {
    %get3A = arith.constant 0 : index
    %get3A_0 = arith.constant 0 : index
    %get3A_1 = vector.load %arg4[%get3A, %get3A_0] : memref<1000x128xf32, #tpu.memory_space<vmem>>, vector<1000x1xf32>
    %get3A_2 = arith.constant 0 : index
    %get3A_3 = arith.constant 0 : index
    %get3A_4 = vector.load %arg5[%get3A_2, %get3A_3] : memref<1000x128xf32, #tpu.memory_space<vmem>>, vector<1000x1xf32>
    %add3A = arith.addf %get3A_1, %get3A_4 : vector<1000x1xf32>
    %max3A = arith.constant 1.000000e+00 : f32
    %max3A_5 = vector.broadcast %max3A : f32 to vector<1000x1xf32>
    %max3A_6 = arith.maximumf %add3A, %max3A_5 : vector<1000x1xf32>
    %div3A = arith.constant 1.000000e+00 : f32
    %div3A_7 = vector.broadcast %div3A : f32 to vector<1000x1xf32>
    %div3A_8 = arith.divf %div3A_7, %max3A_6 : vector<1000x1xf32>
    %get3A_9 = arith.constant 0 : index
    %get3A_10 = arith.constant 0 : index
    %get3A_11 = vector.load %arg1[%get3A_9, %get3A_10] : memref<1000x128xf32, #tpu.memory_space<vmem>>, vector<1000x128xf32>
    %get3A_12 = arith.constant 0 : index
    %get3A_13 = arith.constant 0 : index
    %get3A_14 = vector.load %arg2[%get3A_12, %get3A_13] : memref<1000x128xf32, #tpu.memory_space<vmem>>, vector<1000x128xf32>
    %get3A_15 = arith.constant 0 : index
    %get3A_16 = arith.constant 0 : index
    %get3A_17 = vector.load %arg3[%get3A_15, %get3A_16] : memref<1000x128xf32, #tpu.memory_space<vmem>>, vector<1000x128xf32>
    %add3A_18 = arith.addf %get3A_14, %get3A_17 : vector<1000x128xf32>
    %mul3A = vector.broadcast %div3A_8 : vector<1000x1xf32> to vector<1000x128xf32>
    %mul3A_19 = arith.mulf %add3A_18, %mul3A : vector<1000x128xf32>
    %add3A_20 = arith.addf %get3A_11, %mul3A_19 : vector<1000x128xf32>
    %max3A_21 = arith.constant 0.000000e+00 : f32
    %max3A_22 = vector.broadcast %max3A_21 : f32 to vector<1000x128xf32>
    %max3A_23 = arith.maximumf %add3A_20, %max3A_22 : vector<1000x128xf32>
    %broadcast_in_dim3A = vector.shape_cast %max3A_23 : vector<1000x128xf32> to vector<1x1000x128xf32>
    %swap3A = arith.constant 0 : index
    %swap3A_24 = arith.constant 0 : index
    %swap3A_25 = arith.constant 0 : index
    %swap3A_26 = vector.load %arg14[%swap3A, %swap3A_24, %swap3A_25] : memref<1x1000x128xf32, #tpu.memory_space<vmem>>, vector<1x1000x128xf32>
    tpu.vector_store %arg14[%swap3A, %swap3A_24, %swap3A_25], %broadcast_in_dim3A {strides = array<i32>} : memref<1x1000x128xf32, #tpu.memory_space<vmem>>, vector<1x1000x128xf32>,
    %get3A_27 = arith.constant 0 : index
    %get3A_28 = arith.constant 0 : index
    %get3A_29 = vector.load %arg6[%get3A_27, %get3A_28] : memref<128x128xf32, #tpu.memory_space<vmem>>, vector<128x128xf32>
    %dot_general3A = arith.constant dense<0.000000e+00> : vector<1000x128xf32>
    %dot_general3A_30 = tpu.matmul %max3A_23, %get3A_29, %dot_general3A {dimension_numbers = #tpu.dot_dimension_numbers<[1], [0], [0], [1], [0, 0, 1, 1], [], []>, transpose_lhs_hint = false} : vector<1000x128xf32>, vector<128x128xf32>, vector<1000x128xf32> -> vector<1000x128xf32>
    %get3A_31 = arith.constant 0 : index
    %get3A_32 = arith.constant 0 : index
    %get3A_33 = vector.load %arg7[%get3A_31, %get3A_32] : memref<1x128xf32, #tpu.memory_space<vmem>>, vector<1x128xf32>
    %add3A_34 = vector.broadcast %get3A_33 : vector<1x128xf32> to vector<1000x128xf32>
    %add3A_35 = arith.addf %dot_general3A_30, %add3A_34 : vector<1000x128xf32>
    %get3A_36 = arith.constant 0 : index
    %get3A_37 = arith.constant 0 : index
    %get3A_38 = vector.load %arg8[%get3A_36, %get3A_37] : memref<128x128xf32, #tpu.memory_space<vmem>>, vector<128x128xf32>
    %dot_general3A_39 = arith.constant dense<0.000000e+00> : vector<1000x128xf32>
    %dot_general3A_40 = tpu.matmul %max3A_23, %get3A_38, %dot_general3A_39 {dimension_numbers = #tpu.dot_dimension_numbers<[1], [0], [0], [1], [0, 0, 1, 1], [], []>, transpose_lhs_hint = false} : vector<1000x128xf32>, vector<128x128xf32>, vector<1000x128xf32> -> vector<1000x128xf32>
    %get3A_41 = arith.constant 0 : index
    %get3A_42 = arith.constant 0 : index
    %get3A_43 = vector.load %arg9[%get3A_41, %get3A_42] : memref<1x128xf32, #tpu.memory_space<vmem>>, vector<1x128xf32>
    %add3A_44 = vector.broadcast %get3A_43 : vector<1x128xf32> to vector<1000x128xf32>
    %add3A_45 = arith.addf %dot_general3A_40, %add3A_44 : vector<1000x128xf32>
    %logistic3A = arith.negf %add3A_45 : vector<1000x128xf32>
    %logistic3A_46 = math.exp %logistic3A : vector<1000x128xf32>
    %logistic3A_47 = arith.constant 1.000000e+00 : f32
    %logistic3A_48 = vector.broadcast %logistic3A_47 : f32 to vector<1000x128xf32>
    %logistic3A_49 = arith.addf %logistic3A_48, %logistic3A_46 : vector<1000x128xf32>
    %logistic3A_50 = arith.divf %logistic3A_48, %logistic3A_49 : vector<1000x128xf32>
    %mul3A_51 = arith.mulf %add3A_35, %logistic3A_50 : vector<1000x128xf32>
    %reduce_sum3A = arith.constant dense<0.000000e+00> : vector<128xf32>
    %reduce_sum3A_52 = vector.multi_reduction <add>, %mul3A_51, %reduce_sum3A [0] : vector<1000x128xf32> to vector<128xf32>
    %broadcast_in_dim3A_53 = vector.shape_cast %reduce_sum3A_52 : vector<128xf32> to vector<1x128xf32>
    %broadcast_in_dim3A_54 = vector.shape_cast %broadcast_in_dim3A_53 : vector<1x128xf32> to vector<1x1x128xf32>
    %swap3A_55 = arith.constant 0 : index
    %swap3A_56 = arith.constant 0 : index
    %swap3A_57 = arith.constant 0 : index
    %swap3A_58 = vector.load %arg15[%swap3A_55, %swap3A_56, %swap3A_57] : memref<1x1x128xf32, #tpu.memory_space<vmem>>, vector<1x1x128xf32>
    tpu.vector_store %arg15[%swap3A_55, %swap3A_56, %swap3A_57], %broadcast_in_dim3A_54 {strides = array<i32>} : memref<1x1x128xf32, #tpu.memory_space<vmem>>, vector<1x1x128xf32>,
    %get3A_59 = arith.constant 0 : index
    %get3A_60 = arith.constant 0 : index
    %get3A_61 = vector.load %arg10[%get3A_59, %get3A_60] : memref<128x128xf32, #tpu.memory_space<vmem>>, vector<128x128xf32>
    %dot_general3A_62 = arith.constant dense<0.000000e+00> : vector<1000x128xf32>
    %dot_general3A_63 = tpu.matmul %max3A_23, %get3A_61, %dot_general3A_62 {dimension_numbers = #tpu.dot_dimension_numbers<[1], [0], [0], [1], [0, 0, 1, 1], [], []>, transpose_lhs_hint = false} : vector<1000x128xf32>, vector<128x128xf32>, vector<1000x128xf32> -> vector<1000x128xf32>
    %get3A_64 = arith.constant 0 : index
    %get3A_65 = arith.constant 0 : index
    %get3A_66 = vector.load %arg11[%get3A_64, %get3A_65] : memref<1x128xf32, #tpu.memory_space<vmem>>, vector<1x128xf32>
    %add3A_67 = vector.broadcast %get3A_66 : vector<1x128xf32> to vector<1000x128xf32>
    %add3A_68 = arith.addf %dot_general3A_63, %add3A_67 : vector<1000x128xf32>
    %get3A_69 = arith.constant 0 : index
    %get3A_70 = arith.constant 0 : index
    %get3A_71 = vector.load %arg12[%get3A_69, %get3A_70] : memref<128x128xf32, #tpu.memory_space<vmem>>, vector<128x128xf32>
    %dot_general3A_72 = arith.constant dense<0.000000e+00> : vector<1000x128xf32>
    %dot_general3A_73 = tpu.matmul %max3A_23, %get3A_71, %dot_general3A_72 {dimension_numbers = #tpu.dot_dimension_numbers<[1], [0], [0], [1], [0, 0, 1, 1], [], []>, transpose_lhs_hint = false} : vector<1000x128xf32>, vector<128x128xf32>, vector<1000x128xf32> -> vector<1000x128xf32>
    %get3A_74 = arith.constant 0 : index
    %get3A_75 = arith.constant 0 : index
    %get3A_76 = vector.load %arg13[%get3A_74, %get3A_75] : memref<1x128xf32, #tpu.memory_space<vmem>>, vector<1x128xf32>
    %add3A_77 = vector.broadcast %get3A_76 : vector<1x128xf32> to vector<1000x128xf32>
    %add3A_78 = arith.addf %dot_general3A_73, %add3A_77 : vector<1000x128xf32>
    %logistic3A_79 = arith.negf %add3A_78 : vector<1000x128xf32>
    %logistic3A_80 = math.exp %logistic3A_79 : vector<1000x128xf32>
    %logistic3A_81 = arith.constant 1.000000e+00 : f32
    %logistic3A_82 = vector.broadcast %logistic3A_81 : f32 to vector<1000x128xf32>
    %logistic3A_83 = arith.addf %logistic3A_82, %logistic3A_80 : vector<1000x128xf32>
    %logistic3A_84 = arith.divf %logistic3A_82, %logistic3A_83 : vector<1000x128xf32>
    %mul3A_85 = arith.mulf %add3A_68, %logistic3A_84 : vector<1000x128xf32>
    %reduce_sum3A_86 = arith.constant dense<0.000000e+00> : vector<128xf32>
    %reduce_sum3A_87 = vector.multi_reduction <add>, %mul3A_85, %reduce_sum3A_86 [0] : vector<1000x128xf32> to vector<128xf32>
    %broadcast_in_dim3A_88 = vector.shape_cast %reduce_sum3A_87 : vector<128xf32> to vector<1x128xf32>
    %broadcast_in_dim3A_89 = vector.shape_cast %broadcast_in_dim3A_88 : vector<1x128xf32> to vector<1x1x128xf32>
    %swap3A_90 = arith.constant 0 : index
    %swap3A_91 = arith.constant 0 : index
    %swap3A_92 = arith.constant 0 : index
    %swap3A_93 = vector.load %arg16[%swap3A_90, %swap3A_91, %swap3A_92] : memref<1x1x128xf32, #tpu.memory_space<vmem>>, vector<1x1x128xf32>
    tpu.vector_store %arg16[%swap3A_90, %swap3A_91, %swap3A_92], %broadcast_in_dim3A_89 {strides = array<i32>} : memref<1x1x128xf32, #tpu.memory_space<vmem>>, vector<1x1x128xf32>,
    return
  }
  func.func @transform_0(%arg0: i32) -> (i32, i32) {
    %c0_i32 = arith.constant 0 : i32
    %c0_i32_0 = arith.constant 0 : i32
    return %arg0, %c0_i32 : i32, i32
  }
  func.func @transform_1(%arg0: i32) -> (i32, i32) {
    %c0_i32 = arith.constant 0 : i32
    %c0_i32_0 = arith.constant 0 : i32
    return %arg0, %c0_i32 : i32, i32
  }
  func.func @transform_2(%arg0: i32) -> (i32, i32) {
    %c0_i32 = arith.constant 0 : i32
    %c0_i32_0 = arith.constant 0 : i32
    return %arg0, %c0_i32 : i32, i32
  }
  func.func @transform_3(%arg0: i32) -> (i32, i32) {
    %c0_i32 = arith.constant 0 : i32
    %c0_i32_0 = arith.constant 0 : i32
    return %arg0, %c0_i32 : i32, i32
  }
  func.func @transform_4(%arg0: i32) -> (i32, i32) {
    %c0_i32 = arith.constant 0 : i32
    %c0_i32_0 = arith.constant 0 : i32
    return %arg0, %c0_i32 : i32, i32
  }
  func.func @transform_5(%arg0: i32) -> (i32, i32) {
    %c0_i32 = arith.constant 0 : i32
    %c0_i32_0 = arith.constant 0 : i32
    %c0_i32_1 = arith.constant 0 : i32
    return %c0_i32, %c0_i32_0 : i32, i32
  }
  func.func @transform_6(%arg0: i32) -> (i32, i32) {
    %c0_i32 = arith.constant 0 : i32
    %c0_i32_0 = arith.constant 0 : i32
    %c0_i32_1 = arith.constant 0 : i32
    return %c0_i32, %c0_i32_0 : i32, i32
  }
  func.func @transform_7(%arg0: i32) -> (i32, i32) {
    %c0_i32 = arith.constant 0 : i32
    %c0_i32_0 = arith.constant 0 : i32
    %c0_i32_1 = arith.constant 0 : i32
    return %c0_i32, %c0_i32_0 : i32, i32
  }
  func.func @transform_8(%arg0: i32) -> (i32, i32) {
    %c0_i32 = arith.constant 0 : i32
    %c0_i32_0 = arith.constant 0 : i32
    %c0_i32_1 = arith.constant 0 : i32
    return %c0_i32, %c0_i32_0 : i32, i32
  }
  func.func @transform_9(%arg0: i32) -> (i32, i32) {
    %c0_i32 = arith.constant 0 : i32
    %c0_i32_0 = arith.constant 0 : i32
    %c0_i32_1 = arith.constant 0 : i32
    return %c0_i32, %c0_i32_0 : i32, i32
  }
  func.func @transform_10(%arg0: i32) -> (i32, i32) {
    %c0_i32 = arith.constant 0 : i32
    %c0_i32_0 = arith.constant 0 : i32
    %c0_i32_1 = arith.constant 0 : i32
    return %c0_i32, %c0_i32_0 : i32, i32
  }
  func.func @transform_11(%arg0: i32) -> (i32, i32) {
    %c0_i32 = arith.constant 0 : i32
    %c0_i32_0 = arith.constant 0 : i32
    %c0_i32_1 = arith.constant 0 : i32
    return %c0_i32, %c0_i32_0 : i32, i32
  }
  func.func @transform_12(%arg0: i32) -> (i32, i32) {
    %c0_i32 = arith.constant 0 : i32
    %c0_i32_0 = arith.constant 0 : i32
    %c0_i32_1 = arith.constant 0 : i32
    return %c0_i32, %c0_i32_0 : i32, i32
  }
  func.func @transform_13(%arg0: i32) -> (i32, i32, i32) {
    %c0_i32 = arith.constant 0 : i32
    %c0_i32_0 = arith.constant 0 : i32
    %c0_i32_1 = arith.constant 0 : i32
    return %arg0, %c0_i32, %c0_i32_0 : i32, i32, i32
  }
  func.func @transform_14(%arg0: i32) -> (i32, i32, i32) {
    %c0_i32 = arith.constant 0 : i32
    %c0_i32_0 = arith.constant 0 : i32
    %c0_i32_1 = arith.constant 0 : i32
    return %arg0, %c0_i32, %c0_i32_0 : i32, i32, i32
  }
  func.func @transform_15(%arg0: i32) -> (i32, i32, i32) {
    %c0_i32 = arith.constant 0 : i32
    %c0_i32_0 = arith.constant 0 : i32
    %c0_i32_1 = arith.constant 0 : i32
    return %arg0, %c0_i32, %c0_i32_0 : i32, i32, i32
  }
}

</mosaic_0001>

<sc_bundles>
// kernel: kernel.10.cloned.1.call-start
scs
__scs_entry_jumppad:
0x0: {  	(pc) =	sbr.rel $0x88, $3  }
0x1: {  	(tag) =	ssettag $0x0;
	lr =	simm.s32 $0x1  }
0x2: {  	[smem:$0x3F8F] =	sst lr;
	_ =	strace $0xD0000000  }
0x3: {  	_ = 	snop  }
0x4: {  	_ = 	snop  }
0x5: {  	_ = 	snop  }
0x6: {  	_ = 	snop  }
0x7: {  	_ = 	snop  }
__scs_overlays_trampoline_lowered:
0x8: {  	[smem:$0x3F9E] =	sst s0  }
0x9: {  	[smem:$0x3F9F] =	sst s1  }
0xa: {  	[smem:$0x3FA0] =	sst s2  }
0xb: {  	[smem:$0x3FA1] =	sst s3  }
0xc: {  	[smem:$0x3FA2] =	sst s4  }
0xd: {  	[smem:$0x3FA3] =	sst s5  }
0xe: {  	[smem:$0x3FA4] =	sst s6  }
0xf: {  	[smem:$0x3FA5] =	sst s7  }
0x10: {  	[smem:$0x3FA6] =	sst s8  }
0x11: {  	[smem:$0x3FA7] =	sst s9;
	s0 =	simm.s32 @!p0 $0x0  }
0x12: {  	s1 =	sld [smem:$0x3F8D];
	s0 =	simm.s32 @p0 $0x1  }
0x13: {  	[smem:$0x3FA8] =	sst s0;
	s0 =	simm.s32 @!p1 $0x0  }
0x14: {  	s2 =	sld [smem:$0x3F8C];
	s0 =	simm.s32 @p1 $0x1  }
0x15: {  	[smem:$0x3FA9] =	sst s0;
	s0 =	simm.s32 @!p2 $0x0  }
0x16: {  	s3 =	sld [smem:$0x3FDB];
	s0 =	simm.s32 @p2 $0x1  }
0x17: {  	s4 =	simm.s32 $0x1BF5;
	[smem:$0x3FAB] =	sst s0  }
0x18: {  	s0 =	sld [smem:$0x3F8E];
	_ =	swait.ge [sflag:s4], $0x0  }
0x19: {  	s7 =	sld [smem:$0x3F8F]  }
0x1a: {  	s8 =	sadd.s32 $0xFFFFE003, lr  }
0x1b: {  	s9 =	sadd.s32 $0xFFFFFEF7, lr;
	s5 =	simm.s32 $0xFFFFFFFF;
	p2 =	slt.u32 s8, $0xFFFFF086  }
0x1c: {  	p1 =	slt.u32 s9, $0xF7A;
	s5 =	simm.s32 @!p2 $0x0  }
0x1d: {  	s5 =	simm.s32 @p1 $0x1;
	p0 =	seq.s32 s7, s2  }
0x1e: {  	s7 =	smul.u32 @!p0 $0xF7A, s2;
	p2 =	seq.s32 @!p0 s5, $0x0  }
0x1f: {  	s9 =	smul.u32 $0xF7A, s1;
	s8 =	simm.s32 @!p0 $0x1BF5;
	p2 =	por !p2, p0  }
0x20: {  	[sflag:s8] =	ssyncset.s32 @!p0 $0xFFFFF086;
	s6 =	sadd.s32 @!p0 s3, s7;
	s7 =	simm.s32 @!p0 $0x108  }
0x21: {  	s3 =	sadd.s32 s3, s9;
	s6 =	sadd.s32 @!p0 $0x88, s6;
	s7 =	simm.s32 @p2 $0x1082  }
0x22: {  	[simem:s7], [sflag:s8] =	dma.local @!p0 [hbm:s6], $0xF7A  }
0x23: {  	s9 =	sor.u32 $0xD0000000, s2;
	s6 =	simm.s32 $0x108;
	_ =	swait.ge @!p0 [sflag:s8], $0x0  }
0x24: {  	s3 =	sadd.s32 $0x88, s3;
	s6 =	simm.s32 @!p1 $0x1082;
	[sflag:s4] =	ssyncset.s32 $0xFFFFF086  }
0x25: {  	[simem:s6], [sflag:s4] =	dma.local [hbm:s3], $0xF7A  }
0x26: {  	[smem:$0x3F8F] =	sst s1;
	(tag) =	ssettag s2;
	_ =	strace s9  }
0x27: {  	s1 =	sld [smem:$0x3F9F]  }
0x28: {  	s2 =	sld [smem:$0x3FA0]  }
0x29: {  	s4 =	sld [smem:$0x3FA2]  }
0x2a: {  	p0 =	seq.s32 s5, $0x0;
	s5 =	sld [smem:$0x3FA3]  }
0x2b: {  	s6 =	sld [smem:$0x3FA4]  }
0x2c: {  	s7 =	sld [smem:$0x3FA5]  }
0x2d: {  	s3 =	simm.s32 $0x108;
	s8 =	sld [smem:$0x3FA6]  }
0x2e: {  	s3 =	simm.s32 @!p0 $0x1082;
	s9 =	sld [smem:$0x3FA7]  }
0x2f: {  	lr =	sadd.s32 s0, s3;
	s0 =	sld [smem:$0x3F9E]  }
0x30: {  	s3 =	sld [smem:$0x3FA1]  }
0x31: {  	[smem:$0x3FAA] =	sst s10  }
0x32: {  	s10 =	sld [smem:$0x3FA8];
	_ =	sdelay $0x3  }
0x33: {  	p0 =	seq.s32 s10, $0x1;
	s10 =	sld [smem:$0x3FAA];
	_ =	sdelay $0x3  }
0x34: {  	[smem:$0x3FAA] =	sst s10  }
0x35: {  	s10 =	sld [smem:$0x3FA9];
	_ =	sdelay $0x3  }
0x36: {  	p1 =	seq.s32 s10, $0x1;
	s10 =	sld [smem:$0x3FAA];
	_ =	sdelay $0x3  }
0x37: {  	[smem:$0x3FAA] =	sst s10  }
0x38: {  	s10 =	sld [smem:$0x3FAB]  }
0x39: {  	_ = 	snop;
	(pc) =	sbr.ind lr, $3  }
0x3a: {  	_ = 	snop  }
0x3b: {  	_ = 	snop  }
0x3c: {  	p2 =	seq.s32 s10, $0x1;
	s10 =	sld [smem:$0x3FAA]  }
0x3d: {  	_ =	shalt  }
0x3e: {  	_ =	shalt  }
0x3f: {  	_ =	shalt  }
0x40: {  	_ =	shalt  }
0x41: {  	_ =	shalt  }
0x42: {  	_ =	shalt  }
0x43: {  	_ =	shalt  }
0x44: {  	_ =	shalt  }
0x45: {  	_ =	shalt  }
0x46: {  	_ =	shalt  }
0x47: {  	_ =	shalt  }
0x48: {  	_ =	shalt  }
0x49: {  	_ =	shalt  }
0x4a: {  	_ =	shalt  }
0x4b: {  	_ =	shalt  }
0x4c: {  	_ =	shalt  }
0x4d: {  	_ =	shalt  }
0x4e: {  	_ =	shalt  }
0x4f: {  	_ =	shalt  }
0x50: {  	_ =	shalt  }
0x51: {  	_ =	shalt  }
0x52: {  	_ =	shalt  }
0x53: {  	_ =	shalt  }
0x54: {  	_ =	shalt  }
0x55: {  	_ =	shalt  }
0x56: {  	_ =	shalt  }
0x57: {  	_ =	shalt  }
0x58: {  	_ =	shalt  }
0x59: {  	_ =	shalt  }
0x5a: {  	_ =	shalt  }
0x5b: {  	_ =	shalt  }
0x5c: {  	_ =	shalt  }
0x5d: {  	_ =	shalt  }
0x5e: {  	_ =	shalt  }
0x5f: {  	_ =	shalt  }
0x60: {  	_ =	shalt  }
0x61: {  	_ =	shalt  }
0x62: {  	_ =	shalt  }
0x63: {  	_ =	shalt  }
0x64: {  	_ =	shalt  }
0x65: {  	_ =	shalt  }
0x66: {  	_ =	shalt  }
0x67: {  	_ =	shalt  }
0x68: {  	_ =	shalt  }
0x69: {  	_ =	shalt  }
0x6a: {  	_ =	shalt  }
0x6b: {  	_ =	shalt  }
0x6c: {  	_ =	shalt  }
0x6d: {  	_ =	shalt  }
0x6e: {  	_ =	shalt  }
0x6f: {  	_ =	shalt  }
0x70: {  	_ =	shalt  }
0x71: {  	_ =	shalt  }
0x72: {  	_ =	shalt  }
0x73: {  	_ =	shalt  }
0x74: {  	_ =	shalt  }
0x75: {  	_ =	shalt  }
0x76: {  	_ =	shalt  }
0x77: {  	_ =	shalt  }
0x78: {  	_ =	shalt  }
0x79: {  	_ =	shalt  }
0x7a: {  	_ =	shalt  }
0x7b: {  	_ =	shalt  }
0x7c: {  	_ =	shalt  }
0x7d: {  	_ =	shalt  }
0x7e: {  	_ =	shalt  }
0x7f: {  	_ =	shalt  }
0x80: {  	_ =	shalt  }
0x81: {  	_ =	shalt  }
0x82: {  	_ =	shalt  }
0x83: {  	_ =	shalt  }
0x84: {  	_ =	shalt  }
0x85: {  	_ =	shalt  }
0x86: {  	_ =	shalt  }
0x87: {  	_ =	shalt  }
.Lfunc_end0:
.L_simem_size_0:
called_computation.1_lowered:
.L_overlay_start_0:
0x88: {  	s2 =	sld [smem:$0x3FD9]  }
0x89: {  	s3 =	sld [smem:$0x3FFE];
	_ =	sdelay $0x1  }
0x8a: {  	s1 =	srdreg.scid  }
0x8b: {  	s0 =	sand.u32 $0x1, s1  }
0x8c: {  	s14 =	sshll.u32 s0, $0xA;
	s2 =	sadd.s32 s3, s2  }
0x8d: {  	s2 =	sadd.s32 s2, s14  }
0x8e: {  	[smem:$0x3FB6] =	sst s2  }
0x8f: {  	_ = 	snop  }
0x90: {  	s2 =	sld [smem:$0x3FD0];
	_ =	sdelay $0x2  }
0x91: {  	s15 =	simm.s32 $0xA;
	s4 =	simm.s32 $0x10  }
0x92: {  	[smem:s4], [sflag:s15] =	dma.local [hbm:s2], $0x1  }
0x93: {  	_ =	swait.eq [sflag:s15], $0x1  }
0x94: {  	[sflag:s15] =	ssyncset.done $0x0  }
0x95: {  	[sflag:s15] =	ssyncadd.s32 $0xFFFFFFFF  }
0x96: {  	s16 =	sld [smem:$0x10];
	(tm) =	ssettm $0x1  }
0x97: {  	s17 =	sld [smem:$0x3FFB];
	_ =	sdelay $0x3  }
0x98: {  	_ =	strace s17  }
0x99: {  	s3 =	sld [smem:$0x3FFC];
	_ =	sdelay $0x3  }
0x9a: {  	_ =	strace s3  }
0x9b: {  	s3 =	sld [smem:$0x3FFD];
	_ =	sdelay $0x3  }
0x9c: {  	_ =	strace s3  }
0x9d: {  	_ =	strace $0x8FFFFFFF  }
0x9e: {  	s18 =	sld [smem:$0x3FDB];
	_ =	sdelay $0x1  }
0x9f: {  	s19 =	simm.s32 $_scs_section_size  }
0xa0: {  	s5 =	simm.s32 $_size__tile_overlayer_lowered;
	s6 =	simm.s32 $_tile_overlayer_lowered  }
0xa1: {  	s22 =	simm.s32 $0x1BFF;
	s21 =	sshll.u32 s6, $0x1;
	s3 =	sadd.s32 s19, s18  }
0xa2: {  	s7 =	simm.s32 $0x0;
	s20 =	sshll.u32 s5, $0x1;
	s5 =	sadd.s32 s21, s3  }
0xa3: {  	[timem:s7], [sflag:s22] =	dma.local [hbm:s5], s20  }
0xa4: {  	_ =	swait.ge [sflag:s22], s20  }
0xa5: {  	s4 =	ssub.s32 $0x0, s20;
	[sflag:s22] =	ssyncset.done $0x0  }
0xa6: {  	[sflag:s22] =	ssyncadd.s32 s4;
	_ =	sdelay $0x1  }
0xa7: {  	s23 =	simm.s32 $0x1B8B  }
0xa8: {  	_ =	swait.ge [sflag:s23], $0x1  }
0xa9: {  	[sflag:s23] =	ssyncset.done $0x0  }
0xaa: {  	s25 =	simm.s32 $0x1B8E;
	s24 =	sld [smem:$0x3FFE];
	[sflag:s23] =	ssyncadd.s32 $0xFFFFFFFF  }
0xab: {  	s26 =	simm.s32 $execute0_lowered;
	[smem:$0x3FD2] =	sst s25  }
0xac: {  	s5 =	sshll.u32 s26, $0x1;
	_ =	strace $0x80000049;
	[dreg:$0x1] =	wrdreg $0xFFFFFFFF  }
0xad: {  	s28 =	simm.s32 $_size_execute0_lowered;
	s3 =	sadd.s32 s3, s5;
	[dreg:$0x0] =	wrdreg $0x0  }
0xae: {  	s5 =	sshll.u32 s28, $0x1;
	[dreg:$0x2] =	wrdreg s3  }
0xaf: {  	[dreg:$0x3] =	wrdreg s5  }
0xb0: {  	[dreg:$0x4] =	wrdreg $0xC0  }
0xb1: {  	_ =	task [dreg:s7], $0x5FFFF  }
0xb2: {  	[dreg:$0x1] =	wrdreg $0xFFFFFFFF  }
0xb3: {  	[dreg:$0x0] =	wrdreg $0x60  }
0xb4: {  	[dreg:$0x2] =	wrdreg s24  }
0xb5: {  	[dreg:$0x3] =	wrdreg s16  }
0xb6: {  	[dreg:$0x4] =	wrdreg $0xA8000  }
0xb7: {  	[dreg:$0x5] =	wrdreg $0x9  }
0xb8: {  	_ =	task.clear_ibuf [dreg:s7], $0x6FFFF;
	_ =	strace $0x90000049  }
0xb9: {  	s29 =	simm.s32 $0x9;
	_ =	strace $0x8000004B  }
0xba: {  	_ =	swait.ge [sflag:s29], $0x1  }
0xbb: {  	[sflag:s29] =	ssyncadd.s32 $0xFFFFFFFF  }
0xbc: {  	_ =	strace $0x9000004B  }
0xbd: {  	_ =	sfence  }
0xbe: {  	s30 =	sld [smem:$0x0];
	_ =	sdelay $0x2  }
0xbf: {  	s31 =	sshll.u32 s1, $0xD;
	s1 =	sshrl.u32 s1, $0x2  }
0xc0: {  	s3 =	sand.u32 $0x4000, s31;
	s1 =	sadd.s32 s1, s30  }
0xc1: {  	s0 =	sor.u32 s3, s0;
	s1 =	sshll.u32 s1, $0x11  }
0xc2: {  	s0 =	sor.u32 s1, s0  }
0xc3: {  	s0 =	sadd.s32 $0x8F2B, s0  }
0xc4: {  	[sflag:s0] =	ssyncadd.remote.s32 $0x1  }
0xc5: {  	_ =	sfence.sel $0xFFFF  }
0xc6: {  	[dreg:$0x0] =	wrdreg $0xFFFFFFFF;
	(pc) =	sbr.abs _section_cstart, $3  }
0xc7: {  	[dreg:$0x1] =	wrdreg $0xFFFFFFFF  }
0xc8: {  	_ =	task.clear_ibuf [dreg:s7], $0x2FFFF;
	_ =	strace $0x9FFFFFFF  }
0xc9: {  	(tm) =	ssettm $0x7FFFFFFF  }
tec
execute0_lowered:
.L_overlay_start_1:
0x0: {  	(tag) =	ssettag $0x1  }
0x1: {  	s0 =	rddreg [dreg:$0x0]  }
0x2: {  	s1 =	rddreg [dreg:$0x1]  }
0x3: {  	s2 =	rddreg [dreg:$0x2]  }
0x4: {  	s10 =	stileid.u32;
	s4 =	srdreg.scid  }
0x5: {  	s3 =	simm.s32 $0x0;
	s28 =	simm.s32 $0x1;
	s29 =	simm.s32 $0x3  }
0x6: {  	s30 =	simm.s32 $0x2;
	s31 =	simm.s32 $0x4;
	s5 =	smul.u32 $0x78, s10  }
0x7: {  	s6 =	sand.u32 $0x1, s4;
	s8 =	smul.u32 $0x28, s10;
	[smem:$0x7FF] =	sst s3  }
0x8: {  	s9 =	smul.u32 $0x14000, s10;
	s4 =	sadd.s32 $0xE400, s0;
	s12 =	sadd.s32 $0x36400, s0  }
0x9: {  	s7 =	smul.u32 $0x140000, s6;
	p0 =	seq.s32 s6, $0x0;
	_ =	strace $0x8000004A  }
0xa: {  	[dreg:$0x4] =	wrdreg s12;
	s6 =	ssub.s32 $0x2, s6;
	s8 =	sadd.s32 $0x780, s8  }
0xb: {  	s12 =	simm.s32 $0x280;
	s14 =	sshrl.u32 s6, $0x1;
	s8 =	smov.u32 @p0 s5  }
0xc: {  	s7 =	sadd.s32 s9, s7;
	s9 =	smul.u32 $0x50000, s10;
	s10 =	simm.s32 $0xF  }
0xd: {  	s6 =	ssub.s32 s6, s14;
	s14 =	simm.s32 $0x300;
	s5 =	sshll.u32 s8, $0x4  }
0xe: {  	s7 =	sshrl.u32 s7, $0x3;
	s10 =	simm.s32 @!p0 $0x5;
	s24 =	smax.u32 s6, $0x1  }
0xf: {  	s8 =	simm.s32 $0x180;
	s11 =	sadd.s32 s5, s0;
	[dreg:$0x5] =	wrdreg s10  }
0x10: {  	s0 =	sadd.s32 s7, s0;
	[dreg:$0x10] =	wrdreg s24;
	s25 =	sadd.s32 s5, s1  }
0x11: {  	s13 =	sshrl.u32 s9, $0x2;
	s0 =	sadd.s32 $0x37000, s0;
	[dreg:$0x11] =	wrdreg s25  }
0x12: {  	s7 =	sadd.s32 s13, s2;
	s26 =	sadd.s32 $0x4400, s11;
	[dreg:$0xf] =	wrdreg s0  }
0x13: {  	s24 =	simm.s32 $0x80;
	s15 =	sadd.s32 $0x2000, s7;
	[dreg:$0x12] =	wrdreg s26  }
0x14: {  	s1 =	simm.s32 $0x100;
	s16 =	sadd.s32 $0x4000, s7;
	[dreg:$0x6] =	wrdreg s15  }
0x15: {  	s5 =	simm.s32 $0x500;
	s17 =	sadd.s32 $0x6000, s7;
	[dreg:$0x7] =	wrdreg s16  }
0x16: {  	s9 =	simm.s32 $0x580;
	s18 =	sadd.s32 $0x8000, s7;
	[dreg:$0x8] =	wrdreg s17  }
0x17: {  	s10 =	simm.s32 $0x200;
	s19 =	sadd.s32 $0xA000, s7;
	[dreg:$0x9] =	wrdreg s18  }
0x18: {  	s25 =	simm.s32 $0x800;
	s20 =	sadd.s32 $0xC000, s7;
	[dreg:$0xa] =	wrdreg s19  }
0x19: {  	s11 =	simm.s32 $0x600;
	s21 =	sadd.s32 $0xE000, s7;
	[dreg:$0xb] =	wrdreg s20  }
0x1a: {  	s13 =	simm.s32 $0x680;
	s22 =	sadd.s32 $0x10000, s7;
	[dreg:$0xc] =	wrdreg s21  }
0x1b: {  	s23 =	sadd.s32 $0x12000, s7;
	s26 =	simm.s32 $0x4800;
	[dreg:$0xd] =	wrdreg s22  }
0x1c: {  	s0 =	simm.s32 $0x480;
	[dreg:$0xe] =	wrdreg s23;
	s21 =	simm.s32 $0x8800  }
0x1d: {  	s22 =	simm.s32 $0x5;
	s23 =	simm.s32 $0x400;
	s15 =	simm.s32 $0x700  }
0x1e: {  	s16 =	simm.s32 $0x380;
	s17 =	simm.s32 $0x780;
	s18 =	simm.s32 $0x0  }
.LBB2_1:
0x1f: {  	s6 =	rddreg [dreg:$0x4]  }
0x20: {  	[tilespmem:s21], [sflag:$0x5] =	stream.linear.gather [hbm4b:s6+s3], $0x2000, $0x38;
	[tilespmem:$0x1E800] =	vst v63  }
0x21: {  	_ =	swait.ge [sflag:s22], $0x2000  }
0x22: {  	[sflag:s22] =	ssyncset.done $0x0  }
0x23: {  	[sflag:s22] =	ssyncadd.s32 $0xFFFFE000  }
0x24: {  	[spmem:s7] =	stream.linear.scatter [tilespmem:s21], [sflag:$0x5], $0x2000, $0x38;
	[tilespmem:$0x1E800] =	vst v63  }
0x25: {  	_ =	swait.ge [sflag:s22], $0x2000  }
0x26: {  	[sflag:s22] =	ssyncset.done $0x0  }
0x27: {  	s20 =	rddreg [dreg:$0x6];
	[sflag:s22] =	ssyncadd.s32 $0xFFFFE000  }
0x28: {  	[spmem:s20] =	stream.linear.scatter [tilespmem:s21], [sflag:$0x5], $0x2000, $0x38;
	[tilespmem:$0x1E800] =	vst v63  }
0x29: {  	_ =	swait.ge [sflag:s22], $0x2000  }
0x2a: {  	[sflag:s22] =	ssyncset.done $0x0  }
0x2b: {  	s19 =	rddreg [dreg:$0x7];
	[sflag:s22] =	ssyncadd.s32 $0xFFFFE000  }
0x2c: {  	[spmem:s19] =	stream.linear.scatter [tilespmem:s21], [sflag:$0x5], $0x2000, $0x38;
	[tilespmem:$0x1E800] =	vst v63  }
0x2d: {  	_ =	swait.ge [sflag:s22], $0x2000  }
0x2e: {  	[sflag:s22] =	ssyncset.done $0x0  }
0x2f: {  	s20 =	rddreg [dreg:$0x8];
	[sflag:s22] =	ssyncadd.s32 $0xFFFFE000  }
0x30: {  	[spmem:s20] =	stream.linear.scatter [tilespmem:s21], [sflag:$0x5], $0x2000, $0x38;
	[tilespmem:$0x1E800] =	vst v63  }
0x31: {  	_ =	swait.ge [sflag:s22], $0x2000  }
0x32: {  	[sflag:s22] =	ssyncset.done $0x0  }
0x33: {  	s19 =	rddreg [dreg:$0x9];
	[sflag:s22] =	ssyncadd.s32 $0xFFFFE000  }
0x34: {  	[spmem:s19] =	stream.linear.scatter [tilespmem:s21], [sflag:$0x5], $0x2000, $0x38;
	[tilespmem:$0x1E800] =	vst v63  }
0x35: {  	_ =	swait.ge [sflag:s22], $0x2000  }
0x36: {  	[sflag:s22] =	ssyncset.done $0x0  }
0x37: {  	s20 =	rddreg [dreg:$0xa];
	[sflag:s22] =	ssyncadd.s32 $0xFFFFE000  }
0x38: {  	[spmem:s20] =	stream.linear.scatter [tilespmem:s21], [sflag:$0x5], $0x2000, $0x38;
	[tilespmem:$0x1E800] =	vst v63  }
0x39: {  	_ =	swait.ge [sflag:s22], $0x2000  }
0x3a: {  	[sflag:s22] =	ssyncset.done $0x0  }
0x3b: {  	s19 =	rddreg [dreg:$0xb];
	[sflag:s22] =	ssyncadd.s32 $0xFFFFE000  }
0x3c: {  	[spmem:s19] =	stream.linear.scatter [tilespmem:s21], [sflag:$0x5], $0x2000, $0x38;
	[tilespmem:$0x1E800] =	vst v63  }
0x3d: {  	_ =	swait.ge [sflag:s22], $0x2000  }
0x3e: {  	[sflag:s22] =	ssyncset.done $0x0  }
0x3f: {  	s20 =	rddreg [dreg:$0xc];
	[sflag:s22] =	ssyncadd.s32 $0xFFFFE000  }
0x40: {  	[spmem:s20] =	stream.linear.scatter [tilespmem:s21], [sflag:$0x5], $0x2000, $0x38;
	[tilespmem:$0x1E800] =	vst v63  }
0x41: {  	_ =	swait.ge [sflag:s22], $0x2000  }
0x42: {  	[sflag:s22] =	ssyncset.done $0x0  }
0x43: {  	s19 =	rddreg [dreg:$0xd];
	[sflag:s22] =	ssyncadd.s32 $0xFFFFE000  }
0x44: {  	[spmem:s19] =	stream.linear.scatter [tilespmem:s21], [sflag:$0x5], $0x2000, $0x38;
	[tilespmem:$0x1E800] =	vst v63  }
0x45: {  	_ =	swait.ge [sflag:s22], $0x2000  }
0x46: {  	[sflag:s22] =	ssyncset.done $0x0  }
0x47: {  	s20 =	rddreg [dreg:$0xe];
	[sflag:s22] =	ssyncadd.s32 $0xFFFFE000  }
0x48: {  	[spmem:s20] =	stream.linear.scatter [tilespmem:s21], [sflag:$0x5], $0x2000, $0x38;
	[tilespmem:$0x1E800] =	vst v63  }
0x49: {  	_ =	swait.ge [sflag:s22], $0x2000  }
0x4a: {  	[sflag:s22] =	ssyncset.done $0x0  }
0x4b: {  	[sflag:s22] =	ssyncadd.s32 $0xFFFFE000  }
0x4c: {  	[bflag:$0x0] =	sbarrier.arrive $0xFFFF  }
0x4d: {  	s20 =	rddreg [dreg:$0x12]  }
0x4e: {  	[tilespmem:s3], [sflag:$0x5] =	stream.linear.gather [hbm4b:s20+s3], $0x400, $0x38;
	[tilespmem:$0x1E800] =	vst v63  }
0x4f: {  	_ =	swait.ge [sflag:s22], $0x400  }
0x50: {  	[sflag:s22] =	ssyncset.done $0x0  }
0x51: {  	s19 =	rddreg [dreg:$0x11];
	[sflag:s22] =	ssyncadd.s32 $0xFFFFFC00  }
0x52: {  	[tilespmem:s23], [sflag:$0x5] =	stream.linear.gather [hbm4b:s19+s3], $0x400, $0x38;
	[tilespmem:$0x1E800] =	vst v63  }
0x53: {  	_ =	swait.ge [sflag:s22], $0x400  }
0x54: {  	[sflag:s22] =	ssyncset.done $0x0  }
0x55: {  	[sflag:s22] =	ssyncadd.s32 $0xFFFFFC00  }
0x56: {  	[tilespmem:s25], [sflag:$0x1] =	stream.indirect.gather [hbm4b:s4+s24], $0x80, s3, s24, $0xb8;
	[tilespmem:$0x1E800] =	vst v63  }
0x57: {  	_ = 	snop  }
0x58: {  	[tilespmem:s26], [sflag:$0x2] =	stream.indirect.gather [hbm4b:s4+s24], $0x80, s23, s24, $0xb8;
	[tilespmem:$0x1E800] =	vst v63  }
0x59: {  	_ =	swait.ge [sflag:s28], $0x4000  }
0x5a: {  	[sflag:s28] =	ssyncset.done $0x0  }
0x5b: {  	[sflag:s28] =	ssyncadd.s32 $0xFFFFC000  }
0x5c: {  	[spmem:s2] =	stream.indirect.scatter.add.f32 [tilespmem:s25], [sflag:$0x3], $0x80, s23, s24, $0xb8;
	[tilespmem:$0x1E800] =	vst v63  }
0x5d: {  	_ =	swait.ge [sflag:s29], $0x4000  }
0x5e: {  	[sflag:s29] =	ssyncset.done $0x0  }
0x5f: {  	[sflag:s29] =	ssyncadd.s32 $0xFFFFC000  }
0x60: {  	[tilespmem:s25], [sflag:$0x1] =	stream.indirect.gather [hbm4b:s4+s24], $0x80, s24, s24, $0xb8;
	[tilespmem:$0x1E800] =	vst v63  }
0x61: {  	_ =	swait.ge [sflag:s30], $0x4000  }
0x62: {  	[sflag:s30] =	ssyncset.done $0x0  }
0x63: {  	[sflag:s30] =	ssyncadd.s32 $0xFFFFC000  }
0x64: {  	[spmem:s2] =	stream.indirect.scatter.add.f32 [tilespmem:s26], [sflag:$0x4], $0x80, s3, s24, $0xb8;
	[tilespmem:$0x1E800] =	vst v63  }
0x65: {  	_ =	swait.ge [sflag:s31], $0x4000  }
0x66: {  	[sflag:s31] =	ssyncset.done $0x0  }
0x67: {  	[sflag:s31] =	ssyncadd.s32 $0xFFFFC000  }
0x68: {  	[tilespmem:s26], [sflag:$0x2] =	stream.indirect.gather [hbm4b:s4+s24], $0x80, s0, s24, $0xb8;
	[tilespmem:$0x1E800] =	vst v63  }
0x69: {  	_ =	swait.ge [sflag:s28], $0x4000  }
0x6a: {  	[sflag:s28] =	ssyncset.done $0x0  }
0x6b: {  	[sflag:s28] =	ssyncadd.s32 $0xFFFFC000  }
0x6c: {  	[spmem:s2] =	stream.indirect.scatter.add.f32 [tilespmem:s25], [sflag:$0x3], $0x80, s0, s24, $0xb8;
	[tilespmem:$0x1E800] =	vst v63  }
0x6d: {  	_ =	swait.ge [sflag:s29], $0x4000  }
0x6e: {  	[sflag:s29] =	ssyncset.done $0x0  }
0x6f: {  	[sflag:s29] =	ssyncadd.s32 $0xFFFFC000  }
0x70: {  	[tilespmem:s25], [sflag:$0x1] =	stream.indirect.gather [hbm4b:s4+s24], $0x80, s1, s24, $0xb8;
	[tilespmem:$0x1E800] =	vst v63  }
0x71: {  	_ =	swait.ge [sflag:s30], $0x4000  }
0x72: {  	[sflag:s30] =	ssyncset.done $0x0  }
0x73: {  	[sflag:s30] =	ssyncadd.s32 $0xFFFFC000  }
0x74: {  	[spmem:s2] =	stream.indirect.scatter.add.f32 [tilespmem:s26], [sflag:$0x4], $0x80, s24, s24, $0xb8;
	[tilespmem:$0x1E800] =	vst v63  }
0x75: {  	_ =	swait.ge [sflag:s31], $0x4000  }
0x76: {  	[sflag:s31] =	ssyncset.done $0x0  }
0x77: {  	[sflag:s31] =	ssyncadd.s32 $0xFFFFC000  }
0x78: {  	[tilespmem:s26], [sflag:$0x2] =	stream.indirect.gather [hbm4b:s4+s24], $0x80, s5, s24, $0xb8;
	[tilespmem:$0x1E800] =	vst v63  }
0x79: {  	_ =	swait.ge [sflag:s28], $0x4000  }
0x7a: {  	[sflag:s28] =	ssyncset.done $0x0  }
0x7b: {  	[sflag:s28] =	ssyncadd.s32 $0xFFFFC000  }
0x7c: {  	[spmem:s2] =	stream.indirect.scatter.add.f32 [tilespmem:s25], [sflag:$0x3], $0x80, s5, s24, $0xb8;
	[tilespmem:$0x1E800] =	vst v63  }
0x7d: {  	_ =	swait.ge [sflag:s29], $0x4000  }
0x7e: {  	[sflag:s29] =	ssyncset.done $0x0  }
0x7f: {  	[sflag:s29] =	ssyncadd.s32 $0xFFFFC000  }
0x80: {  	[tilespmem:s25], [sflag:$0x1] =	stream.indirect.gather [hbm4b:s4+s24], $0x80, s8, s24, $0xb8;
	[tilespmem:$0x1E800] =	vst v63  }
0x81: {  	_ =	swait.ge [sflag:s30], $0x4000  }
0x82: {  	[sflag:s30] =	ssyncset.done $0x0  }
0x83: {  	[sflag:s30] =	ssyncadd.s32 $0xFFFFC000  }
0x84: {  	[spmem:s2] =	stream.indirect.scatter.add.f32 [tilespmem:s26], [sflag:$0x4], $0x80, s1, s24, $0xb8;
	[tilespmem:$0x1E800] =	vst v63  }
0x85: {  	_ =	swait.ge [sflag:s31], $0x4000  }
0x86: {  	[sflag:s31] =	ssyncset.done $0x0  }
0x87: {  	[sflag:s31] =	ssyncadd.s32 $0xFFFFC000  }
0x88: {  	[tilespmem:s26], [sflag:$0x2] =	stream.indirect.gather [hbm4b:s4+s24], $0x80, s9, s24, $0xb8;
	[tilespmem:$0x1E800] =	vst v63  }
0x89: {  	_ =	swait.ge [sflag:s28], $0x4000  }
0x8a: {  	[sflag:s28] =	ssyncset.done $0x0  }
0x8b: {  	[sflag:s28] =	ssyncadd.s32 $0xFFFFC000  }
0x8c: {  	[spmem:s2] =	stream.indirect.scatter.add.f32 [tilespmem:s25], [sflag:$0x3], $0x80, s9, s24, $0xb8;
	[tilespmem:$0x1E800] =	vst v63  }
0x8d: {  	_ =	swait.ge [sflag:s29], $0x4000  }
0x8e: {  	[sflag:s29] =	ssyncset.done $0x0  }
0x8f: {  	[sflag:s29] =	ssyncadd.s32 $0xFFFFC000  }
0x90: {  	[tilespmem:s25], [sflag:$0x1] =	stream.indirect.gather [hbm4b:s4+s24], $0x80, s10, s24, $0xb8;
	[tilespmem:$0x1E800] =	vst v63  }
0x91: {  	_ =	swait.ge [sflag:s30], $0x4000  }
0x92: {  	[sflag:s30] =	ssyncset.done $0x0  }
0x93: {  	[sflag:s30] =	ssyncadd.s32 $0xFFFFC000  }
0x94: {  	[spmem:s2] =	stream.indirect.scatter.add.f32 [tilespmem:s26], [sflag:$0x4], $0x80, s8, s24, $0xb8;
	[tilespmem:$0x1E800] =	vst v63  }
0x95: {  	_ =	swait.ge [sflag:s31], $0x4000  }
0x96: {  	[sflag:s31] =	ssyncset.done $0x0  }
0x97: {  	[sflag:s31] =	ssyncadd.s32 $0xFFFFC000  }
0x98: {  	[tilespmem:s26], [sflag:$0x2] =	stream.indirect.gather [hbm4b:s4+s24], $0x80, s11, s24, $0xb8;
	[tilespmem:$0x1E800] =	vst v63  }
0x99: {  	_ =	swait.ge [sflag:s28], $0x4000  }
0x9a: {  	[sflag:s28] =	ssyncset.done $0x0  }
0x9b: {  	[sflag:s28] =	ssyncadd.s32 $0xFFFFC000  }
0x9c: {  	[spmem:s2] =	stream.indirect.scatter.add.f32 [tilespmem:s25], [sflag:$0x3], $0x80, s11, s24, $0xb8;
	[tilespmem:$0x1E800] =	vst v63  }
0x9d: {  	_ =	swait.ge [sflag:s29], $0x4000  }
0x9e: {  	[sflag:s29] =	ssyncset.done $0x0  }
0x9f: {  	[sflag:s29] =	ssyncadd.s32 $0xFFFFC000  }
0xa0: {  	[tilespmem:s25], [sflag:$0x1] =	stream.indirect.gather [hbm4b:s4+s24], $0x80, s12, s24, $0xb8;
	[tilespmem:$0x1E800] =	vst v63  }
0xa1: {  	_ =	swait.ge [sflag:s30], $0x4000  }
0xa2: {  	[sflag:s30] =	ssyncset.done $0x0  }
0xa3: {  	[sflag:s30] =	ssyncadd.s32 $0xFFFFC000  }
0xa4: {  	[spmem:s2] =	stream.indirect.scatter.add.f32 [tilespmem:s26], [sflag:$0x4], $0x80, s10, s24, $0xb8;
	[tilespmem:$0x1E800] =	vst v63  }
0xa5: {  	_ =	swait.ge [sflag:s31], $0x4000  }
0xa6: {  	[sflag:s31] =	ssyncset.done $0x0  }
0xa7: {  	[sflag:s31] =	ssyncadd.s32 $0xFFFFC000  }
0xa8: {  	[tilespmem:s26], [sflag:$0x2] =	stream.indirect.gather [hbm4b:s4+s24], $0x80, s13, s24, $0xb8;
	[tilespmem:$0x1E800] =	vst v63  }
0xa9: {  	_ =	swait.ge [sflag:s28], $0x4000  }
0xaa: {  	[sflag:s28] =	ssyncset.done $0x0  }
0xab: {  	[sflag:s28] =	ssyncadd.s32 $0xFFFFC000  }
0xac: {  	[spmem:s2] =	stream.indirect.scatter.add.f32 [tilespmem:s25], [sflag:$0x3], $0x80, s13, s24, $0xb8;
	[tilespmem:$0x1E800] =	vst v63  }
0xad: {  	_ =	swait.ge [sflag:s29], $0x4000  }
0xae: {  	[sflag:s29] =	ssyncset.done $0x0  }
0xaf: {  	[sflag:s29] =	ssyncadd.s32 $0xFFFFC000  }
0xb0: {  	[tilespmem:s25], [sflag:$0x1] =	stream.indirect.gather [hbm4b:s4+s24], $0x80, s14, s24, $0xb8;
	[tilespmem:$0x1E800] =	vst v63  }
0xb1: {  	_ =	swait.ge [sflag:s30], $0x4000  }
0xb2: {  	[sflag:s30] =	ssyncset.done $0x0  }
0xb3: {  	[sflag:s30] =	ssyncadd.s32 $0xFFFFC000  }
0xb4: {  	[spmem:s2] =	stream.indirect.scatter.add.f32 [tilespmem:s26], [sflag:$0x4], $0x80, s12, s24, $0xb8;
	[tilespmem:$0x1E800] =	vst v63  }
0xb5: {  	_ =	swait.ge [sflag:s31], $0x4000  }
0xb6: {  	[sflag:s31] =	ssyncset.done $0x0  }
0xb7: {  	[sflag:s31] =	ssyncadd.s32 $0xFFFFC000  }
0xb8: {  	[tilespmem:s26], [sflag:$0x2] =	stream.indirect.gather [hbm4b:s4+s24], $0x80, s15, s24, $0xb8;
	[tilespmem:$0x1E800] =	vst v63  }
0xb9: {  	_ =	swait.ge [sflag:s28], $0x4000  }
0xba: {  	[sflag:s28] =	ssyncset.done $0x0  }
0xbb: {  	[sflag:s28] =	ssyncadd.s32 $0xFFFFC000  }
0xbc: {  	[spmem:s2] =	stream.indirect.scatter.add.f32 [tilespmem:s25], [sflag:$0x3], $0x80, s15, s24, $0xb8;
	[tilespmem:$0x1E800] =	vst v63  }
0xbd: {  	_ =	swait.ge [sflag:s29], $0x4000  }
0xbe: {  	[sflag:s29] =	ssyncset.done $0x0  }
0xbf: {  	[sflag:s29] =	ssyncadd.s32 $0xFFFFC000  }
0xc0: {  	[tilespmem:s25], [sflag:$0x1] =	stream.indirect.gather [hbm4b:s4+s24], $0x80, s16, s24, $0xb8;
	[tilespmem:$0x1E800] =	vst v63  }
0xc1: {  	_ =	swait.ge [sflag:s30], $0x4000  }
0xc2: {  	[sflag:s30] =	ssyncset.done $0x0  }
0xc3: {  	[sflag:s30] =	ssyncadd.s32 $0xFFFFC000  }
0xc4: {  	[spmem:s2] =	stream.indirect.scatter.add.f32 [tilespmem:s26], [sflag:$0x4], $0x80, s14, s24, $0xb8;
	[tilespmem:$0x1E800] =	vst v63  }
0xc5: {  	_ =	swait.ge [sflag:s31], $0x4000  }
0xc6: {  	[sflag:s31] =	ssyncset.done $0x0  }
0xc7: {  	[sflag:s31] =	ssyncadd.s32 $0xFFFFC000  }
0xc8: {  	[tilespmem:s26], [sflag:$0x2] =	stream.indirect.gather [hbm4b:s4+s24], $0x80, s17, s24, $0xb8;
	[tilespmem:$0x1E800] =	vst v63  }
0xc9: {  	_ =	swait.ge [sflag:s28], $0x4000  }
0xca: {  	[sflag:s28] =	ssyncset.done $0x0  }
0xcb: {  	[sflag:s28] =	ssyncadd.s32 $0xFFFFC000  }
0xcc: {  	[spmem:s2] =	stream.indirect.scatter.add.f32 [tilespmem:s25], [sflag:$0x3], $0x80, s17, s24, $0xb8;
	[tilespmem:$0x1E800] =	vst v63  }
0xcd: {  	_ =	swait.ge [sflag:s30], $0x4000  }
0xce: {  	[sflag:s30] =	ssyncset.done $0x0  }
0xcf: {  	[sflag:s30] =	ssyncadd.s32 $0xFFFFC000  }
0xd0: {  	[spmem:s2] =	stream.indirect.scatter.add.f32 [tilespmem:s26], [sflag:$0x4], $0x80, s16, s24, $0xb8;
	[tilespmem:$0x1E800] =	vst v63  }
0xd1: {  	_ =	swait.ge [sflag:s29], $0x4000  }
0xd2: {  	s6 =	rddreg [dreg:$0x5]  }
0xd3: {  	p0 =	sne.s32 s6, $0x1  }
.Ltmp0:
0xd4: {  	_ = 	snop;
	(pc) =	sbr.rel @!p0 .LBB2_3-.Ltmp0, $4  }
0xd5: {  	[sflag:s29] =	ssyncset.done $0x0  }
0xd6: {  	[sflag:s29] =	ssyncadd.s32 $0xFFFFC000  }
0xd7: {  	_ =	swait.ge [sflag:s31], $0x4000  }
0xd8: {  	s6 =	sadd.s32 $0xFFFFFFFF, s6;
	[sflag:s31] =	ssyncset.done $0x0  }
.LBB2_2:
0xd9: {  	[sflag:s31] =	ssyncadd.s32 $0xFFFFC000;
	s19 =	sadd.s32 $0x80, s19;
	s20 =	sadd.s32 $0x80, s20  }
0xda: {  	[tilespmem:s3], [sflag:$0x5] =	stream.linear.gather [hbm4b:s20+s3], $0x400, $0x38;
	[tilespmem:$0x1E800] =	vst v63  }
0xdb: {  	p0 =	sne.s32 s6, $0x1;
	s6 =	sadd.s32 $0xFFFFFFFF, s6;
	_ =	swait.ge [sflag:s22], $0x400  }
0xdc: {  	[sflag:s22] =	ssyncset.done $0x0  }
0xdd: {  	[sflag:s22] =	ssyncadd.s32 $0xFFFFFC00  }
0xde: {  	[tilespmem:s23], [sflag:$0x5] =	stream.linear.gather [hbm4b:s19+s3], $0x400, $0x38;
	[tilespmem:$0x1E800] =	vst v63  }
0xdf: {  	_ =	swait.ge [sflag:s22], $0x400  }
0xe0: {  	[sflag:s22] =	ssyncset.done $0x0  }
0xe1: {  	[sflag:s22] =	ssyncadd.s32 $0xFFFFFC00  }
0xe2: {  	[tilespmem:s25], [sflag:$0x1] =	stream.indirect.gather [hbm4b:s4+s24], $0x80, s3, s24, $0xb8;
	[tilespmem:$0x1E800] =	vst v63  }
0xe3: {  	_ = 	snop  }
0xe4: {  	[tilespmem:s26], [sflag:$0x2] =	stream.indirect.gather [hbm4b:s4+s24], $0x80, s23, s24, $0xb8;
	[tilespmem:$0x1E800] =	vst v63  }
0xe5: {  	_ =	swait.ge [sflag:s28], $0x4000  }
0xe6: {  	[sflag:s28] =	ssyncset.done $0x0  }
0xe7: {  	[sflag:s28] =	ssyncadd.s32 $0xFFFFC000  }
0xe8: {  	[spmem:s2] =	stream.indirect.scatter.add.f32 [tilespmem:s25], [sflag:$0x3], $0x80, s23, s24, $0xb8;
	[tilespmem:$0x1E800] =	vst v63  }
0xe9: {  	_ =	swait.ge [sflag:s29], $0x4000  }
0xea: {  	[sflag:s29] =	ssyncset.done $0x0  }
0xeb: {  	[sflag:s29] =	ssyncadd.s32 $0xFFFFC000  }
0xec: {  	[tilespmem:s25], [sflag:$0x1] =	stream.indirect.gather [hbm4b:s4+s24], $0x80, s24, s24, $0xb8;
	[tilespmem:$0x1E800] =	vst v63  }
0xed: {  	_ =	swait.ge [sflag:s30], $0x4000  }
0xee: {  	[sflag:s30] =	ssyncset.done $0x0  }
0xef: {  	[sflag:s30] =	ssyncadd.s32 $0xFFFFC000  }
0xf0: {  	[spmem:s2] =	stream.indirect.scatter.add.f32 [tilespmem:s26], [sflag:$0x4], $0x80, s3, s24, $0xb8;
	[tilespmem:$0x1E800] =	vst v63  }
0xf1: {  	_ =	swait.ge [sflag:s31], $0x4000  }
0xf2: {  	[sflag:s31] =	ssyncset.done $0x0  }
0xf3: {  	[sflag:s31] =	ssyncadd.s32 $0xFFFFC000  }
0xf4: {  	[tilespmem:s26], [sflag:$0x2] =	stream.indirect.gather [hbm4b:s4+s24], $0x80, s0, s24, $0xb8;
	[tilespmem:$0x1E800] =	vst v63  }
0xf5: {  	_ =	swait.ge [sflag:s28], $0x4000  }
0xf6: {  	[sflag:s28] =	ssyncset.done $0x0  }
0xf7: {  	[sflag:s28] =	ssyncadd.s32 $0xFFFFC000  }
0xf8: {  	[spmem:s2] =	stream.indirect.scatter.add.f32 [tilespmem:s25], [sflag:$0x3], $0x80, s0, s24, $0xb8;
	[tilespmem:$0x1E800] =	vst v63  }
0xf9: {  	_ =	swait.ge [sflag:s29], $0x4000  }
0xfa: {  	[sflag:s29] =	ssyncset.done $0x0  }
0xfb: {  	[sflag:s29] =	ssyncadd.s32 $0xFFFFC000  }
0xfc: {  	[tilespmem:s25], [sflag:$0x1] =	stream.indirect.gather [hbm4b:s4+s24], $0x80, s1, s24, $0xb8;
	[tilespmem:$0x1E800] =	vst v63  }
0xfd: {  	_ =	swait.ge [sflag:s30], $0x4000  }
0xfe: {  	[sflag:s30] =	ssyncset.done $0x0  }
0xff: {  	[sflag:s30] =	ssyncadd.s32 $0xFFFFC000  }
0x100: {  	[spmem:s2] =	stream.indirect.scatter.add.f32 [tilespmem:s26], [sflag:$0x4], $0x80, s24, s24, $0xb8;
	[tilespmem:$0x1E800] =	vst v63  }
0x101: {  	_ =	swait.ge [sflag:s31], $0x4000  }
0x102: {  	[sflag:s31] =	ssyncset.done $0x0  }
0x103: {  	[sflag:s31] =	ssyncadd.s32 $0xFFFFC000  }
0x104: {  	[tilespmem:s26], [sflag:$0x2] =	stream.indirect.gather [hbm4b:s4+s24], $0x80, s5, s24, $0xb8;
	[tilespmem:$0x1E800] =	vst v63  }
0x105: {  	_ =	swait.ge [sflag:s28], $0x4000  }
0x106: {  	[sflag:s28] =	ssyncset.done $0x0  }
0x107: {  	[sflag:s28] =	ssyncadd.s32 $0xFFFFC000  }
0x108: {  	[spmem:s2] =	stream.indirect.scatter.add.f32 [tilespmem:s25], [sflag:$0x3], $0x80, s5, s24, $0xb8;
	[tilespmem:$0x1E800] =	vst v63  }
0x109: {  	_ =	swait.ge [sflag:s29], $0x4000  }
0x10a: {  	[sflag:s29] =	ssyncset.done $0x0  }
0x10b: {  	[sflag:s29] =	ssyncadd.s32 $0xFFFFC000  }
0x10c: {  	[tilespmem:s25], [sflag:$0x1] =	stream.indirect.gather [hbm4b:s4+s24], $0x80, s8, s24, $0xb8;
	[tilespmem:$0x1E800] =	vst v63  }
0x10d: {  	_ =	swait.ge [sflag:s30], $0x4000  }
0x10e: {  	[sflag:s30] =	ssyncset.done $0x0  }
0x10f: {  	[sflag:s30] =	ssyncadd.s32 $0xFFFFC000  }
0x110: {  	[spmem:s2] =	stream.indirect.scatter.add.f32 [tilespmem:s26], [sflag:$0x4], $0x80, s1, s24, $0xb8;
	[tilespmem:$0x1E800] =	vst v63  }
0x111: {  	_ =	swait.ge [sflag:s31], $0x4000  }
0x112: {  	[sflag:s31] =	ssyncset.done $0x0  }
0x113: {  	[sflag:s31] =	ssyncadd.s32 $0xFFFFC000  }
0x114: {  	[tilespmem:s26], [sflag:$0x2] =	stream.indirect.gather [hbm4b:s4+s24], $0x80, s9, s24, $0xb8;
	[tilespmem:$0x1E800] =	vst v63  }
0x115: {  	_ =	swait.ge [sflag:s28], $0x4000  }
0x116: {  	[sflag:s28] =	ssyncset.done $0x0  }
0x117: {  	[sflag:s28] =	ssyncadd.s32 $0xFFFFC000  }
0x118: {  	[spmem:s2] =	stream.indirect.scatter.add.f32 [tilespmem:s25], [sflag:$0x3], $0x80, s9, s24, $0xb8;
	[tilespmem:$0x1E800] =	vst v63  }
0x119: {  	_ =	swait.ge [sflag:s29], $0x4000  }
0x11a: {  	[sflag:s29] =	ssyncset.done $0x0  }
0x11b: {  	[sflag:s29] =	ssyncadd.s32 $0xFFFFC000  }
0x11c: {  	[tilespmem:s25], [sflag:$0x1] =	stream.indirect.gather [hbm4b:s4+s24], $0x80, s10, s24, $0xb8;
	[tilespmem:$0x1E800] =	vst v63  }
0x11d: {  	_ =	swait.ge [sflag:s30], $0x4000  }
0x11e: {  	[sflag:s30] =	ssyncset.done $0x0  }
0x11f: {  	[sflag:s30] =	ssyncadd.s32 $0xFFFFC000  }
0x120: {  	[spmem:s2] =	stream.indirect.scatter.add.f32 [tilespmem:s26], [sflag:$0x4], $0x80, s8, s24, $0xb8;
	[tilespmem:$0x1E800] =	vst v63  }
0x121: {  	_ =	swait.ge [sflag:s31], $0x4000  }
0x122: {  	[sflag:s31] =	ssyncset.done $0x0  }
0x123: {  	[sflag:s31] =	ssyncadd.s32 $0xFFFFC000  }
0x124: {  	[tilespmem:s26], [sflag:$0x2] =	stream.indirect.gather [hbm4b:s4+s24], $0x80, s11, s24, $0xb8;
	[tilespmem:$0x1E800] =	vst v63  }
0x125: {  	_ =	swait.ge [sflag:s28], $0x4000  }
0x126: {  	[sflag:s28] =	ssyncset.done $0x0  }
0x127: {  	[sflag:s28] =	ssyncadd.s32 $0xFFFFC000  }
0x128: {  	[spmem:s2] =	stream.indirect.scatter.add.f32 [tilespmem:s25], [sflag:$0x3], $0x80, s11, s24, $0xb8;
	[tilespmem:$0x1E800] =	vst v63  }
0x129: {  	_ =	swait.ge [sflag:s29], $0x4000  }
0x12a: {  	[sflag:s29] =	ssyncset.done $0x0  }
0x12b: {  	[sflag:s29] =	ssyncadd.s32 $0xFFFFC000  }
0x12c: {  	[tilespmem:s25], [sflag:$0x1] =	stream.indirect.gather [hbm4b:s4+s24], $0x80, s12, s24, $0xb8;
	[tilespmem:$0x1E800] =	vst v63  }
0x12d: {  	_ =	swait.ge [sflag:s30], $0x4000  }
0x12e: {  	[sflag:s30] =	ssyncset.done $0x0  }
0x12f: {  	[sflag:s30] =	ssyncadd.s32 $0xFFFFC000  }
0x130: {  	[spmem:s2] =	stream.indirect.scatter.add.f32 [tilespmem:s26], [sflag:$0x4], $0x80, s10, s24, $0xb8;
	[tilespmem:$0x1E800] =	vst v63  }
0x131: {  	_ =	swait.ge [sflag:s31], $0x4000  }
0x132: {  	[sflag:s31] =	ssyncset.done $0x0  }
0x133: {  	[sflag:s31] =	ssyncadd.s32 $0xFFFFC000  }
0x134: {  	[tilespmem:s26], [sflag:$0x2] =	stream.indirect.gather [hbm4b:s4+s24], $0x80, s13, s24, $0xb8;
	[tilespmem:$0x1E800] =	vst v63  }
0x135: {  	_ =	swait.ge [sflag:s28], $0x4000  }
0x136: {  	[sflag:s28] =	ssyncset.done $0x0  }
0x137: {  	[sflag:s28] =	ssyncadd.s32 $0xFFFFC000  }
0x138: {  	[spmem:s2] =	stream.indirect.scatter.add.f32 [tilespmem:s25], [sflag:$0x3], $0x80, s13, s24, $0xb8;
	[tilespmem:$0x1E800] =	vst v63  }
0x139: {  	_ =	swait.ge [sflag:s29], $0x4000  }
0x13a: {  	[sflag:s29] =	ssyncset.done $0x0  }
0x13b: {  	[sflag:s29] =	ssyncadd.s32 $0xFFFFC000  }
0x13c: {  	[tilespmem:s25], [sflag:$0x1] =	stream.indirect.gather [hbm4b:s4+s24], $0x80, s14, s24, $0xb8;
	[tilespmem:$0x1E800] =	vst v63  }
0x13d: {  	_ =	swait.ge [sflag:s30], $0x4000  }
0x13e: {  	[sflag:s30] =	ssyncset.done $0x0  }
0x13f: {  	[sflag:s30] =	ssyncadd.s32 $0xFFFFC000  }
0x140: {  	[spmem:s2] =	stream.indirect.scatter.add.f32 [tilespmem:s26], [sflag:$0x4], $0x80, s12, s24, $0xb8;
	[tilespmem:$0x1E800] =	vst v63  }
0x141: {  	_ =	swait.ge [sflag:s31], $0x4000  }
0x142: {  	[sflag:s31] =	ssyncset.done $0x0  }
0x143: {  	[sflag:s31] =	ssyncadd.s32 $0xFFFFC000  }
0x144: {  	[tilespmem:s26], [sflag:$0x2] =	stream.indirect.gather [hbm4b:s4+s24], $0x80, s15, s24, $0xb8;
	[tilespmem:$0x1E800] =	vst v63  }
0x145: {  	_ =	swait.ge [sflag:s28], $0x4000  }
0x146: {  	[sflag:s28] =	ssyncset.done $0x0  }
0x147: {  	[sflag:s28] =	ssyncadd.s32 $0xFFFFC000  }
0x148: {  	[spmem:s2] =	stream.indirect.scatter.add.f32 [tilespmem:s25], [sflag:$0x3], $0x80, s15, s24, $0xb8;
	[tilespmem:$0x1E800] =	vst v63  }
0x149: {  	_ =	swait.ge [sflag:s29], $0x4000  }
0x14a: {  	[sflag:s29] =	ssyncset.done $0x0  }
0x14b: {  	[sflag:s29] =	ssyncadd.s32 $0xFFFFC000  }
0x14c: {  	[tilespmem:s25], [sflag:$0x1] =	stream.indirect.gather [hbm4b:s4+s24], $0x80, s16, s24, $0xb8;
	[tilespmem:$0x1E800] =	vst v63  }
0x14d: {  	_ =	swait.ge [sflag:s30], $0x4000  }
0x14e: {  	[sflag:s30] =	ssyncset.done $0x0  }
0x14f: {  	[sflag:s30] =	ssyncadd.s32 $0xFFFFC000  }
0x150: {  	[spmem:s2] =	stream.indirect.scatter.add.f32 [tilespmem:s26], [sflag:$0x4], $0x80, s14, s24, $0xb8;
	[tilespmem:$0x1E800] =	vst v63  }
0x151: {  	_ =	swait.ge [sflag:s31], $0x4000  }
0x152: {  	[sflag:s31] =	ssyncset.done $0x0  }
0x153: {  	[sflag:s31] =	ssyncadd.s32 $0xFFFFC000  }
0x154: {  	[tilespmem:s26], [sflag:$0x2] =	stream.indirect.gather [hbm4b:s4+s24], $0x80, s17, s24, $0xb8;
	[tilespmem:$0x1E800] =	vst v63  }
0x155: {  	_ =	swait.ge [sflag:s28], $0x4000  }
0x156: {  	[sflag:s28] =	ssyncset.done $0x0  }
0x157: {  	[sflag:s28] =	ssyncadd.s32 $0xFFFFC000  }
0x158: {  	[spmem:s2] =	stream.indirect.scatter.add.f32 [tilespmem:s25], [sflag:$0x3], $0x80, s17, s24, $0xb8;
	[tilespmem:$0x1E800] =	vst v63  }
0x159: {  	_ =	swait.ge [sflag:s30], $0x4000  }
0x15a: {  	[sflag:s30] =	ssyncset.done $0x0  }
0x15b: {  	[sflag:s30] =	ssyncadd.s32 $0xFFFFC000  }
0x15c: {  	[spmem:s2] =	stream.indirect.scatter.add.f32 [tilespmem:s26], [sflag:$0x4], $0x80, s16, s24, $0xb8;
	[tilespmem:$0x1E800] =	vst v63  }
.Ltmp1:
0x15d: {  	_ =	swait.ge [sflag:s29], $0x4000;
	(pc) =	sbr.rel @p0 .LBB2_2-.Ltmp1, $4  }
0x15e: {  	[sflag:s29] =	ssyncset.done $0x0  }
0x15f: {  	[sflag:s29] =	ssyncadd.s32 $0xFFFFC000  }
0x160: {  	_ =	swait.ge [sflag:s31], $0x4000  }
0x161: {  	[sflag:s31] =	ssyncset.done $0x0  }
.LBB2_3:
0x162: {  	[sflag:s31] =	ssyncadd.s32 $0xFFFFC000;
	s6 =	stileid.u32  }
0x163: {  	s6 =	sshll.u32 s6, $0x6;
	[bflag:$0x0] =	sbarrier.arrive $0xFFFF  }
0x164: {  	s19 =	sshrl.u32 s7, $0x3;
	s6 =	sor.u32 $0x1C05, s6;
	s20 =	rddreg [dreg:$0xf]  }
0x165: {  	[hbm:s20], [sflag:s6] =	dma.local [spmem:s19], $0x2800  }
0x166: {  	_ =	swait.ge [sflag:s22], $0x2800  }
0x167: {  	s18 =	sadd.s32 $0x1, s18;
	s20 =	rddreg [dreg:$0x10]  }
0x168: {  	p0 =	sne.s32 s18, s20  }
.Ltmp2:
0x169: {  	_ = 	snop;
	(pc) =	sbr.rel @p0 .LBB2_1-.Ltmp2, $3  }
0x16a: {  	_ =	sdelay $0x1  }
0x16b: {  	[sflag:s22] =	ssyncset.done $0x0  }
0x16c: {  	[sflag:s22] =	ssyncadd.s32 $0xFFFFD800  }
0x16d: {  	_ =	sfence.sel $0x180000  }
0x16e: {  	[bflag:$0x0] =	sbarrier.arrive $0xFFFF  }
0x16f: {  	_ =	strace $0x9000004A  }
0x170: {  	s0 =	stileid.u32;
	[bflag:$0x2] =	sbarrier.arrive $0xFFFF  }
0x171: {  	p0 =	sne.s32 s0, $0x0;
	s0 =	rddreg [dreg:$0x3]  }
0x172: {  	s0 =	sadd.s32 @!p0 $0x100000, s0  }
0x173: {  	[sflag:s0] =	ssyncadd.tile.s32 @!p0 $0x1;
	_ =	shalt  }
.Lfunc_end2:
_tile_overlayer_lowered:
.L_overlay_start_2:
0x174: {  	(tag) =	ssettag $0x2  }
0x175: {  	s0 =	rddreg [dreg:$0x0];
	s2 =	stileid.u32  }
0x176: {  	s1 =	rddreg [dreg:$0x1];
	p0 =	sne.s32 s2, $0x0  }
0x177: {  	s3 =	rddreg [dreg:$0x2];
	[bflag:$0x3] =	sbarrier.arrive $0xFFFF;
	s2 =	simm.s32 @!p0 $0x1C05  }
0x178: {  	[timem:s3], [sflag:s2] =	dma.local @!p0 [hbm:s0], s1  }
0x179: {  	s0 =	simm.s32 @!p0 $0x5  }
0x17a: {  	_ =	swait.ge @!p0 [sflag:s0], s1  }
0x17b: {  	s1 =	ssub.s32 @!p0 $0x0, s1;
	[sflag:s0] =	ssyncset.done @!p0 $0x0  }
0x17c: {  	[sflag:s0] =	ssyncadd.s32 @!p0 s1  }
0x17d: {  	[bflag:$0x3] =	sbarrier.arrive $0xFFFF  }
0x17e: {  	_ =	shalt  }

// kernel: kernel.7.cloned.1.call-start
scs
__scs_entry_jumppad:
0x0: {  	(pc) =	sbr.rel $0x88, $3  }
0x1: {  	(tag) =	ssettag $0x0;
	lr =	simm.s32 $0x1  }
0x2: {  	[smem:$0x3F8F] =	sst lr;
	_ =	strace $0xD0000000  }
0x3: {  	_ = 	snop  }
0x4: {  	_ = 	snop  }
0x5: {  	_ = 	snop  }
0x6: {  	_ = 	snop  }
0x7: {  	_ = 	snop  }
__scs_overlays_trampoline_lowered:
0x8: {  	[smem:$0x3F9E] =	sst s0  }
0x9: {  	[smem:$0x3F9F] =	sst s1  }
0xa: {  	[smem:$0x3FA0] =	sst s2  }
0xb: {  	[smem:$0x3FA1] =	sst s3  }
0xc: {  	[smem:$0x3FA2] =	sst s4  }
0xd: {  	[smem:$0x3FA3] =	sst s5  }
0xe: {  	[smem:$0x3FA4] =	sst s6  }
0xf: {  	[smem:$0x3FA5] =	sst s7  }
0x10: {  	[smem:$0x3FA6] =	sst s8  }
0x11: {  	[smem:$0x3FA7] =	sst s9;
	s0 =	simm.s32 @!p0 $0x0  }
0x12: {  	s1 =	sld [smem:$0x3F8D];
	s0 =	simm.s32 @p0 $0x1  }
0x13: {  	[smem:$0x3FA8] =	sst s0;
	s0 =	simm.s32 @!p1 $0x0  }
0x14: {  	s2 =	sld [smem:$0x3F8C];
	s0 =	simm.s32 @p1 $0x1  }
0x15: {  	[smem:$0x3FA9] =	sst s0;
	s0 =	simm.s32 @!p2 $0x0  }
0x16: {  	s3 =	sld [smem:$0x3FDB];
	s0 =	simm.s32 @p2 $0x1  }
0x17: {  	s4 =	simm.s32 $0x1BF5;
	[smem:$0x3FAB] =	sst s0  }
0x18: {  	s0 =	sld [smem:$0x3F8E];
	_ =	swait.ge [sflag:s4], $0x0  }
0x19: {  	s7 =	sld [smem:$0x3F8F]  }
0x1a: {  	s8 =	sadd.s32 $0xFFFFE003, lr  }
0x1b: {  	s9 =	sadd.s32 $0xFFFFFEF7, lr;
	s5 =	simm.s32 $0xFFFFFFFF;
	p2 =	slt.u32 s8, $0xFFFFF086  }
0x1c: {  	p1 =	slt.u32 s9, $0xF7A;
	s5 =	simm.s32 @!p2 $0x0  }
0x1d: {  	s5 =	simm.s32 @p1 $0x1;
	p0 =	seq.s32 s7, s2  }
0x1e: {  	s7 =	smul.u32 @!p0 $0xF7A, s2;
	p2 =	seq.s32 @!p0 s5, $0x0  }
0x1f: {  	s9 =	smul.u32 $0xF7A, s1;
	s8 =	simm.s32 @!p0 $0x1BF5;
	p2 =	por !p2, p0  }
0x20: {  	[sflag:s8] =	ssyncset.s32 @!p0 $0xFFFFF086;
	s6 =	sadd.s32 @!p0 s3, s7;
	s7 =	simm.s32 @!p0 $0x108  }
0x21: {  	s3 =	sadd.s32 s3, s9;
	s6 =	sadd.s32 @!p0 $0x88, s6;
	s7 =	simm.s32 @p2 $0x1082  }
0x22: {  	[simem:s7], [sflag:s8] =	dma.local @!p0 [hbm:s6], $0xF7A  }
0x23: {  	s9 =	sor.u32 $0xD0000000, s2;
	s6 =	simm.s32 $0x108;
	_ =	swait.ge @!p0 [sflag:s8], $0x0  }
0x24: {  	s3 =	sadd.s32 $0x88, s3;
	s6 =	simm.s32 @!p1 $0x1082;
	[sflag:s4] =	ssyncset.s32 $0xFFFFF086  }
0x25: {  	[simem:s6], [sflag:s4] =	dma.local [hbm:s3], $0xF7A  }
0x26: {  	[smem:$0x3F8F] =	sst s1;
	(tag) =	ssettag s2;
	_ =	strace s9  }
0x27: {  	s1 =	sld [smem:$0x3F9F]  }
0x28: {  	s2 =	sld [smem:$0x3FA0]  }
0x29: {  	s4 =	sld [smem:$0x3FA2]  }
0x2a: {  	p0 =	seq.s32 s5, $0x0;
	s5 =	sld [smem:$0x3FA3]  }
0x2b: {  	s6 =	sld [smem:$0x3FA4]  }
0x2c: {  	s7 =	sld [smem:$0x3FA5]  }
0x2d: {  	s3 =	simm.s32 $0x108;
	s8 =	sld [smem:$0x3FA6]  }
0x2e: {  	s3 =	simm.s32 @!p0 $0x1082;
	s9 =	sld [smem:$0x3FA7]  }
0x2f: {  	lr =	sadd.s32 s0, s3;
	s0 =	sld [smem:$0x3F9E]  }
0x30: {  	s3 =	sld [smem:$0x3FA1]  }
0x31: {  	[smem:$0x3FAA] =	sst s10  }
0x32: {  	s10 =	sld [smem:$0x3FA8];
	_ =	sdelay $0x3  }
0x33: {  	p0 =	seq.s32 s10, $0x1;
	s10 =	sld [smem:$0x3FAA];
	_ =	sdelay $0x3  }
0x34: {  	[smem:$0x3FAA] =	sst s10  }
0x35: {  	s10 =	sld [smem:$0x3FA9];
	_ =	sdelay $0x3  }
0x36: {  	p1 =	seq.s32 s10, $0x1;
	s10 =	sld [smem:$0x3FAA];
	_ =	sdelay $0x3  }
0x37: {  	[smem:$0x3FAA] =	sst s10  }
0x38: {  	s10 =	sld [smem:$0x3FAB]  }
0x39: {  	_ = 	snop;
	(pc) =	sbr.ind lr, $3  }
0x3a: {  	_ = 	snop  }
0x3b: {  	_ = 	snop  }
0x3c: {  	p2 =	seq.s32 s10, $0x1;
	s10 =	sld [smem:$0x3FAA]  }
0x3d: {  	_ =	shalt  }
0x3e: {  	_ =	shalt  }
0x3f: {  	_ =	shalt  }
0x40: {  	_ =	shalt  }
0x41: {  	_ =	shalt  }
0x42: {  	_ =	shalt  }
0x43: {  	_ =	shalt  }
0x44: {  	_ =	shalt  }
0x45: {  	_ =	shalt  }
0x46: {  	_ =	shalt  }
0x47: {  	_ =	shalt  }
0x48: {  	_ =	shalt  }
0x49: {  	_ =	shalt  }
0x4a: {  	_ =	shalt  }
0x4b: {  	_ =	shalt  }
0x4c: {  	_ =	shalt  }
0x4d: {  	_ =	shalt  }
0x4e: {  	_ =	shalt  }
0x4f: {  	_ =	shalt  }
0x50: {  	_ =	shalt  }
0x51: {  	_ =	shalt  }
0x52: {  	_ =	shalt  }
0x53: {  	_ =	shalt  }
0x54: {  	_ =	shalt  }
0x55: {  	_ =	shalt  }
0x56: {  	_ =	shalt  }
0x57: {  	_ =	shalt  }
0x58: {  	_ =	shalt  }
0x59: {  	_ =	shalt  }
0x5a: {  	_ =	shalt  }
0x5b: {  	_ =	shalt  }
0x5c: {  	_ =	shalt  }
0x5d: {  	_ =	shalt  }
0x5e: {  	_ =	shalt  }
0x5f: {  	_ =	shalt  }
0x60: {  	_ =	shalt  }
0x61: {  	_ =	shalt  }
0x62: {  	_ =	shalt  }
0x63: {  	_ =	shalt  }
0x64: {  	_ =	shalt  }
0x65: {  	_ =	shalt  }
0x66: {  	_ =	shalt  }
0x67: {  	_ =	shalt  }
0x68: {  	_ =	shalt  }
0x69: {  	_ =	shalt  }
0x6a: {  	_ =	shalt  }
0x6b: {  	_ =	shalt  }
0x6c: {  	_ =	shalt  }
0x6d: {  	_ =	shalt  }
0x6e: {  	_ =	shalt  }
0x6f: {  	_ =	shalt  }
0x70: {  	_ =	shalt  }
0x71: {  	_ =	shalt  }
0x72: {  	_ =	shalt  }
0x73: {  	_ =	shalt  }
0x74: {  	_ =	shalt  }
0x75: {  	_ =	shalt  }
0x76: {  	_ =	shalt  }
0x77: {  	_ =	shalt  }
0x78: {  	_ =	shalt  }
0x79: {  	_ =	shalt  }
0x7a: {  	_ =	shalt  }
0x7b: {  	_ =	shalt  }
0x7c: {  	_ =	shalt  }
0x7d: {  	_ =	shalt  }
0x7e: {  	_ =	shalt  }
0x7f: {  	_ =	shalt  }
0x80: {  	_ =	shalt  }
0x81: {  	_ =	shalt  }
0x82: {  	_ =	shalt  }
0x83: {  	_ =	shalt  }
0x84: {  	_ =	shalt  }
0x85: {  	_ =	shalt  }
0x86: {  	_ =	shalt  }
0x87: {  	_ =	shalt  }
.Lfunc_end0:
.L_simem_size_0:
called_computation_lowered:
.L_overlay_start_0:
0x88: {  	s2 =	sld [smem:$0x3FD9]  }
0x89: {  	s3 =	sld [smem:$0x3FFE];
	_ =	sdelay $0x1  }
0x8a: {  	s1 =	srdreg.scid  }
0x8b: {  	s0 =	sand.u32 $0x1, s1  }
0x8c: {  	s14 =	sshll.u32 s0, $0xA;
	s2 =	sadd.s32 s3, s2  }
0x8d: {  	s2 =	sadd.s32 s2, s14  }
0x8e: {  	[smem:$0x3FB6] =	sst s2  }
0x8f: {  	_ = 	snop  }
0x90: {  	s2 =	sld [smem:$0x3FD0];
	_ =	sdelay $0x2  }
0x91: {  	s15 =	simm.s32 $0xA;
	s4 =	simm.s32 $0x10  }
0x92: {  	[smem:s4], [sflag:s15] =	dma.local [hbm:s2], $0x1  }
0x93: {  	_ =	swait.eq [sflag:s15], $0x1  }
0x94: {  	[sflag:s15] =	ssyncset.done $0x0  }
0x95: {  	[sflag:s15] =	ssyncadd.s32 $0xFFFFFFFF  }
0x96: {  	s16 =	sld [smem:$0x10];
	(tm) =	ssettm $0x1  }
0x97: {  	s17 =	sld [smem:$0x3FFB];
	_ =	sdelay $0x3  }
0x98: {  	_ =	strace s17  }
0x99: {  	s3 =	sld [smem:$0x3FFC];
	_ =	sdelay $0x3  }
0x9a: {  	_ =	strace s3  }
0x9b: {  	s3 =	sld [smem:$0x3FFD];
	_ =	sdelay $0x3  }
0x9c: {  	_ =	strace s3  }
0x9d: {  	_ =	strace $0x8FFFFFFF  }
0x9e: {  	s18 =	sld [smem:$0x3FDB];
	_ =	sdelay $0x1  }
0x9f: {  	s19 =	simm.s32 $_scs_section_size  }
0xa0: {  	s5 =	simm.s32 $_size__tile_overlayer_lowered;
	s6 =	simm.s32 $_tile_overlayer_lowered  }
0xa1: {  	s22 =	simm.s32 $0x1BFF;
	s21 =	sshll.u32 s6, $0x1;
	s3 =	sadd.s32 s19, s18  }
0xa2: {  	s7 =	simm.s32 $0x0;
	s20 =	sshll.u32 s5, $0x1;
	s5 =	sadd.s32 s21, s3  }
0xa3: {  	[timem:s7], [sflag:s22] =	dma.local [hbm:s5], s20  }
0xa4: {  	_ =	swait.ge [sflag:s22], s20  }
0xa5: {  	s4 =	ssub.s32 $0x0, s20;
	[sflag:s22] =	ssyncset.done $0x0  }
0xa6: {  	[sflag:s22] =	ssyncadd.s32 s4;
	_ =	sdelay $0x1  }
0xa7: {  	s23 =	simm.s32 $0x1B8B  }
0xa8: {  	_ =	swait.ge [sflag:s23], $0x1  }
0xa9: {  	[sflag:s23] =	ssyncset.done $0x0  }
0xaa: {  	s25 =	simm.s32 $0x1B8E;
	s24 =	sld [smem:$0x3FFE];
	[sflag:s23] =	ssyncadd.s32 $0xFFFFFFFF  }
0xab: {  	s26 =	simm.s32 $execute0_lowered;
	[smem:$0x3FD2] =	sst s25  }
0xac: {  	s5 =	sshll.u32 s26, $0x1;
	_ =	strace $0x80000046;
	[dreg:$0x1] =	wrdreg $0xFFFFFFFF  }
0xad: {  	s28 =	simm.s32 $_size_execute0_lowered;
	s3 =	sadd.s32 s3, s5;
	[dreg:$0x0] =	wrdreg $0x0  }
0xae: {  	s5 =	sshll.u32 s28, $0x1;
	[dreg:$0x2] =	wrdreg s3  }
0xaf: {  	[dreg:$0x3] =	wrdreg s5  }
0xb0: {  	[dreg:$0x4] =	wrdreg $0xC0  }
0xb1: {  	_ =	task [dreg:s7], $0x5FFFF  }
0xb2: {  	[dreg:$0x1] =	wrdreg $0xFFFFFFFF  }
0xb3: {  	[dreg:$0x0] =	wrdreg $0x60  }
0xb4: {  	[dreg:$0x2] =	wrdreg s24  }
0xb5: {  	[dreg:$0x3] =	wrdreg s16  }
0xb6: {  	[dreg:$0x4] =	wrdreg $0xA8000  }
0xb7: {  	[dreg:$0x5] =	wrdreg $0x9  }
0xb8: {  	_ =	task.clear_ibuf [dreg:s7], $0x6FFFF;
	_ =	strace $0x90000046  }
0xb9: {  	s29 =	simm.s32 $0x9;
	_ =	strace $0x80000048  }
0xba: {  	_ =	swait.ge [sflag:s29], $0x1  }
0xbb: {  	[sflag:s29] =	ssyncadd.s32 $0xFFFFFFFF  }
0xbc: {  	_ =	strace $0x90000048  }
0xbd: {  	_ =	sfence  }
0xbe: {  	s30 =	sld [smem:$0x0];
	_ =	sdelay $0x2  }
0xbf: {  	s31 =	sshll.u32 s1, $0xD;
	s1 =	sshrl.u32 s1, $0x2  }
0xc0: {  	s3 =	sand.u32 $0x4000, s31;
	s1 =	sadd.s32 s1, s30  }
0xc1: {  	s0 =	sor.u32 s3, s0;
	s1 =	sshll.u32 s1, $0x11  }
0xc2: {  	s0 =	sor.u32 s1, s0  }
0xc3: {  	s0 =	sadd.s32 $0x8F2B, s0  }
0xc4: {  	[sflag:s0] =	ssyncadd.remote.s32 $0x1  }
0xc5: {  	_ =	sfence.sel $0xFFFF  }
0xc6: {  	[dreg:$0x0] =	wrdreg $0xFFFFFFFF;
	(pc) =	sbr.abs _section_cstart, $3  }
0xc7: {  	[dreg:$0x1] =	wrdreg $0xFFFFFFFF  }
0xc8: {  	_ =	task.clear_ibuf [dreg:s7], $0x2FFFF;
	_ =	strace $0x9FFFFFFF  }
0xc9: {  	(tm) =	ssettm $0x7FFFFFFF  }
tec
execute0_lowered:
.L_overlay_start_1:
0x0: {  	(tag) =	ssettag $0x1  }
0x1: {  	s0 =	rddreg [dreg:$0x0]  }
0x2: {  	s1 =	rddreg [dreg:$0x1];
	s10 =	stileid.u32  }
0x3: {  	s3 =	srdreg.scid;
	s2 =	rddreg [dreg:$0x2];
	s21 =	simm.s32 $0xF  }
0x4: {  	s28 =	simm.s32 $0x800;
	s29 =	simm.s32 $0x4800;
	s4 =	smul.u32 $0x28, s10  }
0x5: {  	s30 =	simm.s32 $0x1;
	s31 =	simm.s32 $0x3;
	s6 =	smul.u32 $0x78, s10  }
0x6: {  	s5 =	sand.u32 $0x1, s3;
	s3 =	simm.s32 $0x0;
	s8 =	smul.u32 $0x14000, s10  }
0x7: {  	s11 =	sadd.s32 $0x36400, s0;
	s25 =	smul.u32 $0x50000, s10;
	s26 =	sadd.s32 $0x36800, s0  }
0x8: {  	s10 =	simm.s32 $0x600;
	p0 =	seq.s32 s5, $0x0;
	s24 =	smul.u32 $0x140000, s5  }
0x9: {  	[smem:$0x7FF] =	sst s3;
	s5 =	ssub.s32 $0x2, s5;
	s4 =	sadd.s32 $0x780, s4  }
0xa: {  	_ =	strace $0x80000047;
	[dreg:$0x4] =	wrdreg s11;
	s11 =	sshrl.u32 s5, $0x1  }
0xb: {  	[dreg:$0x5] =	wrdreg s26;
	s4 =	smov.u32 @p0 s6;
	s5 =	ssub.s32 s5, s11  }
0xc: {  	s6 =	sadd.s32 s8, s24;
	s8 =	sshrl.u32 s25, $0x2;
	s24 =	smax.u32 s5, $0x1  }
0xd: {  	s21 =	simm.s32 @!p0 $0x5;
	s17 =	sadd.s32 s8, s2;
	[dreg:$0x12] =	wrdreg s24  }
0xe: {  	s11 =	simm.s32 $0x280;
	s12 =	sadd.s32 $0x2000, s17;
	[dreg:$0x6] =	wrdreg s17  }
0xf: {  	s7 =	sshll.u32 s4, $0x4;
	s13 =	sadd.s32 $0x4000, s17;
	[dreg:$0x7] =	wrdreg s12  }
0x10: {  	s4 =	sadd.s32 $0xE400, s0;
	s14 =	sadd.s32 $0x6000, s17;
	[dreg:$0x8] =	wrdreg s13  }
0x11: {  	s6 =	sshrl.u32 s6, $0x3;
	s15 =	sadd.s32 $0x8000, s17;
	[dreg:$0x9] =	wrdreg s14  }
0x12: {  	s5 =	simm.s32 $0x480;
	s16 =	sadd.s32 $0xA000, s17;
	[dreg:$0xa] =	wrdreg s15  }
0x13: {  	s9 =	sadd.s32 s7, s0;
	s18 =	sadd.s32 $0xC000, s17;
	[dreg:$0xb] =	wrdreg s16  }
0x14: {  	s0 =	sadd.s32 s6, s0;
	s19 =	sadd.s32 $0xE000, s17;
	[dreg:$0xc] =	wrdreg s18  }
0x15: {  	s20 =	sadd.s32 $0x10000, s17;
	s22 =	sadd.s32 $0x12000, s17;
	[dreg:$0xd] =	wrdreg s19  }
0x16: {  	s25 =	sadd.s32 s7, s1;
	s24 =	simm.s32 $0x5;
	[dreg:$0xe] =	wrdreg s20  }
0x17: {  	s1 =	simm.s32 $0x2;
	s6 =	simm.s32 $0x100;
	[dreg:$0xf] =	wrdreg s22  }
0x18: {  	s23 =	sadd.s32 $0x37000, s0;
	s0 =	sadd.s32 $0x87000, s0;
	[dreg:$0x13] =	wrdreg s25  }
0x19: {  	s26 =	sadd.s32 $0x4400, s9;
	s25 =	simm.s32 $0x400;
	s18 =	simm.s32 $0x500  }
0x1a: {  	s19 =	simm.s32 $0x180;
	s20 =	simm.s32 $0x580;
	s9 =	simm.s32 $0x200  }
0x1b: {  	s12 =	simm.s32 $0x680;
	s13 =	simm.s32 $0x300;
	[dreg:$0x10] =	wrdreg s23  }
0x1c: {  	s14 =	simm.s32 $0x700;
	s15 =	simm.s32 $0x380;
	[dreg:$0x11] =	wrdreg s0  }
0x1d: {  	s16 =	simm.s32 $0x780;
	s22 =	simm.s32 $0x0;
	[dreg:$0x14] =	wrdreg s26  }
0x1e: {  	s23 =	simm.s32 $0x8800;
	s26 =	simm.s32 $0x80;
	s0 =	simm.s32 $0x4  }
.LBB2_1:
0x1f: {  	[dreg:$0x15] =	wrdreg s22  }
0x20: {  	s7 =	rddreg [dreg:$0x4]  }
0x21: {  	[tilespmem:s23], [sflag:$0x5] =	stream.linear.gather [hbm4b:s7+s3], $0x2000, $0x38;
	[tilespmem:$0x1E800] =	vst v63  }
0x22: {  	_ =	swait.ge [sflag:s24], $0x2000  }
0x23: {  	[sflag:s24] =	ssyncset.done $0x0  }
0x24: {  	[sflag:s24] =	ssyncadd.s32 $0xFFFFE000  }
0x25: {  	[spmem:s17] =	stream.linear.scatter [tilespmem:s23], [sflag:$0x5], $0x2000, $0x38;
	[tilespmem:$0x1E800] =	vst v63  }
0x26: {  	_ =	swait.ge [sflag:s24], $0x2000  }
0x27: {  	[sflag:s24] =	ssyncset.done $0x0  }
0x28: {  	s22 =	rddreg [dreg:$0x7];
	[sflag:s24] =	ssyncadd.s32 $0xFFFFE000  }
0x29: {  	[spmem:s22] =	stream.linear.scatter [tilespmem:s23], [sflag:$0x5], $0x2000, $0x38;
	[tilespmem:$0x1E800] =	vst v63  }
0x2a: {  	_ =	swait.ge [sflag:s24], $0x2000  }
0x2b: {  	[sflag:s24] =	ssyncset.done $0x0  }
0x2c: {  	s8 =	rddreg [dreg:$0x8];
	[sflag:s24] =	ssyncadd.s32 $0xFFFFE000  }
0x2d: {  	[spmem:s8] =	stream.linear.scatter [tilespmem:s23], [sflag:$0x5], $0x2000, $0x38;
	[tilespmem:$0x1E800] =	vst v63  }
0x2e: {  	_ =	swait.ge [sflag:s24], $0x2000  }
0x2f: {  	[sflag:s24] =	ssyncset.done $0x0  }
0x30: {  	s22 =	rddreg [dreg:$0x9];
	[sflag:s24] =	ssyncadd.s32 $0xFFFFE000  }
0x31: {  	[spmem:s22] =	stream.linear.scatter [tilespmem:s23], [sflag:$0x5], $0x2000, $0x38;
	[tilespmem:$0x1E800] =	vst v63  }
0x32: {  	_ =	swait.ge [sflag:s24], $0x2000  }
0x33: {  	[sflag:s24] =	ssyncset.done $0x0  }
0x34: {  	s8 =	rddreg [dreg:$0xa];
	[sflag:s24] =	ssyncadd.s32 $0xFFFFE000  }
0x35: {  	[spmem:s8] =	stream.linear.scatter [tilespmem:s23], [sflag:$0x5], $0x2000, $0x38;
	[tilespmem:$0x1E800] =	vst v63  }
0x36: {  	_ =	swait.ge [sflag:s24], $0x2000  }
0x37: {  	[sflag:s24] =	ssyncset.done $0x0  }
0x38: {  	s22 =	rddreg [dreg:$0xb];
	[sflag:s24] =	ssyncadd.s32 $0xFFFFE000  }
0x39: {  	[spmem:s22] =	stream.linear.scatter [tilespmem:s23], [sflag:$0x5], $0x2000, $0x38;
	[tilespmem:$0x1E800] =	vst v63  }
0x3a: {  	_ =	swait.ge [sflag:s24], $0x2000  }
0x3b: {  	[sflag:s24] =	ssyncset.done $0x0  }
0x3c: {  	s8 =	rddreg [dreg:$0xc];
	[sflag:s24] =	ssyncadd.s32 $0xFFFFE000  }
0x3d: {  	[spmem:s8] =	stream.linear.scatter [tilespmem:s23], [sflag:$0x5], $0x2000, $0x38;
	[tilespmem:$0x1E800] =	vst v63  }
0x3e: {  	_ =	swait.ge [sflag:s24], $0x2000  }
0x3f: {  	[sflag:s24] =	ssyncset.done $0x0  }
0x40: {  	s22 =	rddreg [dreg:$0xd];
	[sflag:s24] =	ssyncadd.s32 $0xFFFFE000  }
0x41: {  	[spmem:s22] =	stream.linear.scatter [tilespmem:s23], [sflag:$0x5], $0x2000, $0x38;
	[tilespmem:$0x1E800] =	vst v63  }
0x42: {  	_ =	swait.ge [sflag:s24], $0x2000  }
0x43: {  	[sflag:s24] =	ssyncset.done $0x0  }
0x44: {  	s8 =	rddreg [dreg:$0xe];
	[sflag:s24] =	ssyncadd.s32 $0xFFFFE000  }
0x45: {  	[spmem:s8] =	stream.linear.scatter [tilespmem:s23], [sflag:$0x5], $0x2000, $0x38;
	[tilespmem:$0x1E800] =	vst v63  }
0x46: {  	_ =	swait.ge [sflag:s24], $0x2000  }
0x47: {  	[sflag:s24] =	ssyncset.done $0x0  }
0x48: {  	s22 =	rddreg [dreg:$0xf];
	[sflag:s24] =	ssyncadd.s32 $0xFFFFE000  }
0x49: {  	[spmem:s22] =	stream.linear.scatter [tilespmem:s23], [sflag:$0x5], $0x2000, $0x38;
	[tilespmem:$0x1E800] =	vst v63  }
0x4a: {  	_ =	swait.ge [sflag:s24], $0x2000  }
0x4b: {  	[sflag:s24] =	ssyncset.done $0x0  }
0x4c: {  	[sflag:s24] =	ssyncadd.s32 $0xFFFFE000  }
0x4d: {  	[bflag:$0x0] =	sbarrier.arrive $0xFFFF  }
0x4e: {  	s22 =	rddreg [dreg:$0x14]  }
0x4f: {  	[tilespmem:s3], [sflag:$0x5] =	stream.linear.gather [hbm4b:s22+s3], $0x400, $0x38;
	[tilespmem:$0x1E800] =	vst v63  }
0x50: {  	_ =	swait.ge [sflag:s24], $0x400  }
0x51: {  	[sflag:s24] =	ssyncset.done $0x0  }
0x52: {  	s8 =	rddreg [dreg:$0x13];
	[sflag:s24] =	ssyncadd.s32 $0xFFFFFC00  }
0x53: {  	[tilespmem:s25], [sflag:$0x5] =	stream.linear.gather [hbm4b:s8+s3], $0x400, $0x38;
	[tilespmem:$0x1E800] =	vst v63  }
0x54: {  	_ =	swait.ge [sflag:s24], $0x400  }
0x55: {  	[sflag:s24] =	ssyncset.done $0x0  }
0x56: {  	[sflag:s24] =	ssyncadd.s32 $0xFFFFFC00  }
0x57: {  	[tilespmem:s28], [sflag:$0x1] =	stream.indirect.gather [hbm4b:s4+s26], $0x80, s3, s26, $0xb8;
	[tilespmem:$0x1E800] =	vst v63  }
0x58: {  	_ = 	snop  }
0x59: {  	[tilespmem:s29], [sflag:$0x2] =	stream.indirect.gather [hbm4b:s4+s26], $0x80, s25, s26, $0xb8;
	[tilespmem:$0x1E800] =	vst v63  }
0x5a: {  	_ =	swait.ge [sflag:s30], $0x4000  }
0x5b: {  	[sflag:s30] =	ssyncset.done $0x0  }
0x5c: {  	[sflag:s30] =	ssyncadd.s32 $0xFFFFC000  }
0x5d: {  	[spmem:s2] =	stream.indirect.scatter.add.f32 [tilespmem:s28], [sflag:$0x3], $0x80, s25, s26, $0xb8;
	[tilespmem:$0x1E800] =	vst v63  }
0x5e: {  	_ =	swait.ge [sflag:s31], $0x4000  }
0x5f: {  	[sflag:s31] =	ssyncset.done $0x0  }
0x60: {  	[sflag:s31] =	ssyncadd.s32 $0xFFFFC000  }
0x61: {  	[tilespmem:s28], [sflag:$0x1] =	stream.indirect.gather [hbm4b:s4+s26], $0x80, s26, s26, $0xb8;
	[tilespmem:$0x1E800] =	vst v63  }
0x62: {  	_ =	swait.ge [sflag:s1], $0x4000  }
0x63: {  	[sflag:s1] =	ssyncset.done $0x0  }
0x64: {  	[sflag:s1] =	ssyncadd.s32 $0xFFFFC000  }
0x65: {  	[spmem:s2] =	stream.indirect.scatter.add.f32 [tilespmem:s29], [sflag:$0x4], $0x80, s3, s26, $0xb8;
	[tilespmem:$0x1E800] =	vst v63  }
0x66: {  	_ =	swait.ge [sflag:s0], $0x4000  }
0x67: {  	[sflag:s0] =	ssyncset.done $0x0  }
0x68: {  	[sflag:s0] =	ssyncadd.s32 $0xFFFFC000  }
0x69: {  	[tilespmem:s29], [sflag:$0x2] =	stream.indirect.gather [hbm4b:s4+s26], $0x80, s5, s26, $0xb8;
	[tilespmem:$0x1E800] =	vst v63  }
0x6a: {  	_ =	swait.ge [sflag:s30], $0x4000  }
0x6b: {  	[sflag:s30] =	ssyncset.done $0x0  }
0x6c: {  	[sflag:s30] =	ssyncadd.s32 $0xFFFFC000  }
0x6d: {  	[spmem:s2] =	stream.indirect.scatter.add.f32 [tilespmem:s28], [sflag:$0x3], $0x80, s5, s26, $0xb8;
	[tilespmem:$0x1E800] =	vst v63  }
0x6e: {  	_ =	swait.ge [sflag:s31], $0x4000  }
0x6f: {  	[sflag:s31] =	ssyncset.done $0x0  }
0x70: {  	[sflag:s31] =	ssyncadd.s32 $0xFFFFC000  }
0x71: {  	[tilespmem:s28], [sflag:$0x1] =	stream.indirect.gather [hbm4b:s4+s26], $0x80, s6, s26, $0xb8;
	[tilespmem:$0x1E800] =	vst v63  }
0x72: {  	_ =	swait.ge [sflag:s1], $0x4000  }
0x73: {  	[sflag:s1] =	ssyncset.done $0x0  }
0x74: {  	[sflag:s1] =	ssyncadd.s32 $0xFFFFC000  }
0x75: {  	[spmem:s2] =	stream.indirect.scatter.add.f32 [tilespmem:s29], [sflag:$0x4], $0x80, s26, s26, $0xb8;
	[tilespmem:$0x1E800] =	vst v63  }
0x76: {  	_ =	swait.ge [sflag:s0], $0x4000  }
0x77: {  	[sflag:s0] =	ssyncset.done $0x0  }
0x78: {  	[sflag:s0] =	ssyncadd.s32 $0xFFFFC000  }
0x79: {  	[tilespmem:s29], [sflag:$0x2] =	stream.indirect.gather [hbm4b:s4+s26], $0x80, s18, s26, $0xb8;
	[tilespmem:$0x1E800] =	vst v63  }
0x7a: {  	_ =	swait.ge [sflag:s30], $0x4000  }
0x7b: {  	[sflag:s30] =	ssyncset.done $0x0  }
0x7c: {  	[sflag:s30] =	ssyncadd.s32 $0xFFFFC000  }
0x7d: {  	[spmem:s2] =	stream.indirect.scatter.add.f32 [tilespmem:s28], [sflag:$0x3], $0x80, s18, s26, $0xb8;
	[tilespmem:$0x1E800] =	vst v63  }
0x7e: {  	_ =	swait.ge [sflag:s31], $0x4000  }
0x7f: {  	[sflag:s31] =	ssyncset.done $0x0  }
0x80: {  	[sflag:s31] =	ssyncadd.s32 $0xFFFFC000  }
0x81: {  	[tilespmem:s28], [sflag:$0x1] =	stream.indirect.gather [hbm4b:s4+s26], $0x80, s19, s26, $0xb8;
	[tilespmem:$0x1E800] =	vst v63  }
0x82: {  	_ =	swait.ge [sflag:s1], $0x4000  }
0x83: {  	[sflag:s1] =	ssyncset.done $0x0  }
0x84: {  	[sflag:s1] =	ssyncadd.s32 $0xFFFFC000  }
0x85: {  	[spmem:s2] =	stream.indirect.scatter.add.f32 [tilespmem:s29], [sflag:$0x4], $0x80, s6, s26, $0xb8;
	[tilespmem:$0x1E800] =	vst v63  }
0x86: {  	_ =	swait.ge [sflag:s0], $0x4000  }
0x87: {  	[sflag:s0] =	ssyncset.done $0x0  }
0x88: {  	[sflag:s0] =	ssyncadd.s32 $0xFFFFC000  }
0x89: {  	[tilespmem:s29], [sflag:$0x2] =	stream.indirect.gather [hbm4b:s4+s26], $0x80, s20, s26, $0xb8;
	[tilespmem:$0x1E800] =	vst v63  }
0x8a: {  	_ =	swait.ge [sflag:s30], $0x4000  }
0x8b: {  	[sflag:s30] =	ssyncset.done $0x0  }
0x8c: {  	[sflag:s30] =	ssyncadd.s32 $0xFFFFC000  }
0x8d: {  	[spmem:s2] =	stream.indirect.scatter.add.f32 [tilespmem:s28], [sflag:$0x3], $0x80, s20, s26, $0xb8;
	[tilespmem:$0x1E800] =	vst v63  }
0x8e: {  	_ =	swait.ge [sflag:s31], $0x4000  }
0x8f: {  	[sflag:s31] =	ssyncset.done $0x0  }
0x90: {  	[sflag:s31] =	ssyncadd.s32 $0xFFFFC000  }
0x91: {  	[tilespmem:s28], [sflag:$0x1] =	stream.indirect.gather [hbm4b:s4+s26], $0x80, s9, s26, $0xb8;
	[tilespmem:$0x1E800] =	vst v63  }
0x92: {  	_ =	swait.ge [sflag:s1], $0x4000  }
0x93: {  	[sflag:s1] =	ssyncset.done $0x0  }
0x94: {  	[sflag:s1] =	ssyncadd.s32 $0xFFFFC000  }
0x95: {  	[spmem:s2] =	stream.indirect.scatter.add.f32 [tilespmem:s29], [sflag:$0x4], $0x80, s19, s26, $0xb8;
	[tilespmem:$0x1E800] =	vst v63  }
0x96: {  	_ =	swait.ge [sflag:s0], $0x4000  }
0x97: {  	[sflag:s0] =	ssyncset.done $0x0  }
0x98: {  	[sflag:s0] =	ssyncadd.s32 $0xFFFFC000  }
0x99: {  	[tilespmem:s29], [sflag:$0x2] =	stream.indirect.gather [hbm4b:s4+s26], $0x80, s10, s26, $0xb8;
	[tilespmem:$0x1E800] =	vst v63  }
0x9a: {  	_ =	swait.ge [sflag:s30], $0x4000  }
0x9b: {  	[sflag:s30] =	ssyncset.done $0x0  }
0x9c: {  	[sflag:s30] =	ssyncadd.s32 $0xFFFFC000  }
0x9d: {  	[spmem:s2] =	stream.indirect.scatter.add.f32 [tilespmem:s28], [sflag:$0x3], $0x80, s10, s26, $0xb8;
	[tilespmem:$0x1E800] =	vst v63  }
0x9e: {  	_ =	swait.ge [sflag:s31], $0x4000  }
0x9f: {  	[sflag:s31] =	ssyncset.done $0x0  }
0xa0: {  	[sflag:s31] =	ssyncadd.s32 $0xFFFFC000  }
0xa1: {  	[tilespmem:s28], [sflag:$0x1] =	stream.indirect.gather [hbm4b:s4+s26], $0x80, s11, s26, $0xb8;
	[tilespmem:$0x1E800] =	vst v63  }
0xa2: {  	_ =	swait.ge [sflag:s1], $0x4000  }
0xa3: {  	[sflag:s1] =	ssyncset.done $0x0  }
0xa4: {  	[sflag:s1] =	ssyncadd.s32 $0xFFFFC000  }
0xa5: {  	[spmem:s2] =	stream.indirect.scatter.add.f32 [tilespmem:s29], [sflag:$0x4], $0x80, s9, s26, $0xb8;
	[tilespmem:$0x1E800] =	vst v63  }
0xa6: {  	_ =	swait.ge [sflag:s0], $0x4000  }
0xa7: {  	[sflag:s0] =	ssyncset.done $0x0  }
0xa8: {  	[sflag:s0] =	ssyncadd.s32 $0xFFFFC000  }
0xa9: {  	[tilespmem:s29], [sflag:$0x2] =	stream.indirect.gather [hbm4b:s4+s26], $0x80, s12, s26, $0xb8;
	[tilespmem:$0x1E800] =	vst v63  }
0xaa: {  	_ =	swait.ge [sflag:s30], $0x4000  }
0xab: {  	[sflag:s30] =	ssyncset.done $0x0  }
0xac: {  	[sflag:s30] =	ssyncadd.s32 $0xFFFFC000  }
0xad: {  	[spmem:s2] =	stream.indirect.scatter.add.f32 [tilespmem:s28], [sflag:$0x3], $0x80, s12, s26, $0xb8;
	[tilespmem:$0x1E800] =	vst v63  }
0xae: {  	_ =	swait.ge [sflag:s31], $0x4000  }
0xaf: {  	[sflag:s31] =	ssyncset.done $0x0  }
0xb0: {  	[sflag:s31] =	ssyncadd.s32 $0xFFFFC000  }
0xb1: {  	[tilespmem:s28], [sflag:$0x1] =	stream.indirect.gather [hbm4b:s4+s26], $0x80, s13, s26, $0xb8;
	[tilespmem:$0x1E800] =	vst v63  }
0xb2: {  	_ =	swait.ge [sflag:s1], $0x4000  }
0xb3: {  	[sflag:s1] =	ssyncset.done $0x0  }
0xb4: {  	[sflag:s1] =	ssyncadd.s32 $0xFFFFC000  }
0xb5: {  	[spmem:s2] =	stream.indirect.scatter.add.f32 [tilespmem:s29], [sflag:$0x4], $0x80, s11, s26, $0xb8;
	[tilespmem:$0x1E800] =	vst v63  }
0xb6: {  	_ =	swait.ge [sflag:s0], $0x4000  }
0xb7: {  	[sflag:s0] =	ssyncset.done $0x0  }
0xb8: {  	[sflag:s0] =	ssyncadd.s32 $0xFFFFC000  }
0xb9: {  	[tilespmem:s29], [sflag:$0x2] =	stream.indirect.gather [hbm4b:s4+s26], $0x80, s14, s26, $0xb8;
	[tilespmem:$0x1E800] =	vst v63  }
0xba: {  	_ =	swait.ge [sflag:s30], $0x4000  }
0xbb: {  	[sflag:s30] =	ssyncset.done $0x0  }
0xbc: {  	[sflag:s30] =	ssyncadd.s32 $0xFFFFC000  }
0xbd: {  	[spmem:s2] =	stream.indirect.scatter.add.f32 [tilespmem:s28], [sflag:$0x3], $0x80, s14, s26, $0xb8;
	[tilespmem:$0x1E800] =	vst v63  }
0xbe: {  	_ =	swait.ge [sflag:s31], $0x4000  }
0xbf: {  	[sflag:s31] =	ssyncset.done $0x0  }
0xc0: {  	[sflag:s31] =	ssyncadd.s32 $0xFFFFC000  }
0xc1: {  	[tilespmem:s28], [sflag:$0x1] =	stream.indirect.gather [hbm4b:s4+s26], $0x80, s15, s26, $0xb8;
	[tilespmem:$0x1E800] =	vst v63  }
0xc2: {  	_ =	swait.ge [sflag:s1], $0x4000  }
0xc3: {  	[sflag:s1] =	ssyncset.done $0x0  }
0xc4: {  	[sflag:s1] =	ssyncadd.s32 $0xFFFFC000  }
0xc5: {  	[spmem:s2] =	stream.indirect.scatter.add.f32 [tilespmem:s29], [sflag:$0x4], $0x80, s13, s26, $0xb8;
	[tilespmem:$0x1E800] =	vst v63  }
0xc6: {  	_ =	swait.ge [sflag:s0], $0x4000  }
0xc7: {  	[sflag:s0] =	ssyncset.done $0x0  }
0xc8: {  	[sflag:s0] =	ssyncadd.s32 $0xFFFFC000  }
0xc9: {  	[tilespmem:s29], [sflag:$0x2] =	stream.indirect.gather [hbm4b:s4+s26], $0x80, s16, s26, $0xb8;
	[tilespmem:$0x1E800] =	vst v63  }
0xca: {  	_ =	swait.ge [sflag:s30], $0x4000  }
0xcb: {  	[sflag:s30] =	ssyncset.done $0x0  }
0xcc: {  	[sflag:s30] =	ssyncadd.s32 $0xFFFFC000  }
0xcd: {  	[spmem:s2] =	stream.indirect.scatter.add.f32 [tilespmem:s28], [sflag:$0x3], $0x80, s16, s26, $0xb8;
	[tilespmem:$0x1E800] =	vst v63  }
0xce: {  	_ =	swait.ge [sflag:s1], $0x4000  }
0xcf: {  	[sflag:s1] =	ssyncset.done $0x0  }
0xd0: {  	p0 =	sne.s32 s21, $0x1;
	[sflag:s1] =	ssyncadd.s32 $0xFFFFC000  }
0xd1: {  	[spmem:s2] =	stream.indirect.scatter.add.f32 [tilespmem:s29], [sflag:$0x4], $0x80, s15, s26, $0xb8;
	[tilespmem:$0x1E800] =	vst v63  }
.Ltmp0:
0xd2: {  	_ =	swait.ge [sflag:s31], $0x4000;
	(pc) =	sbr.rel @!p0 .LBB2_3-.Ltmp0, $4  }
0xd3: {  	[sflag:s31] =	ssyncset.done $0x0  }
0xd4: {  	[sflag:s31] =	ssyncadd.s32 $0xFFFFC000  }
0xd5: {  	_ =	swait.ge [sflag:s0], $0x4000  }
0xd6: {  	s7 =	sadd.s32 $0xFFFFFFFF, s21;
	[sflag:s0] =	ssyncset.done $0x0  }
.LBB2_2:
0xd7: {  	[sflag:s0] =	ssyncadd.s32 $0xFFFFC000;
	s8 =	sadd.s32 $0x80, s8;
	s22 =	sadd.s32 $0x80, s22  }
0xd8: {  	[tilespmem:s3], [sflag:$0x5] =	stream.linear.gather [hbm4b:s22+s3], $0x400, $0x38;
	[tilespmem:$0x1E800] =	vst v63  }
0xd9: {  	p1 =	sne.s32 s7, $0x1;
	s7 =	sadd.s32 $0xFFFFFFFF, s7;
	_ =	swait.ge [sflag:s24], $0x400  }
0xda: {  	[sflag:s24] =	ssyncset.done $0x0  }
0xdb: {  	[sflag:s24] =	ssyncadd.s32 $0xFFFFFC00  }
0xdc: {  	[tilespmem:s25], [sflag:$0x5] =	stream.linear.gather [hbm4b:s8+s3], $0x400, $0x38;
	[tilespmem:$0x1E800] =	vst v63  }
0xdd: {  	_ =	swait.ge [sflag:s24], $0x400  }
0xde: {  	[sflag:s24] =	ssyncset.done $0x0  }
0xdf: {  	[sflag:s24] =	ssyncadd.s32 $0xFFFFFC00  }
0xe0: {  	[tilespmem:s28], [sflag:$0x1] =	stream.indirect.gather [hbm4b:s4+s26], $0x80, s3, s26, $0xb8;
	[tilespmem:$0x1E800] =	vst v63  }
0xe1: {  	_ = 	snop  }
0xe2: {  	[tilespmem:s29], [sflag:$0x2] =	stream.indirect.gather [hbm4b:s4+s26], $0x80, s25, s26, $0xb8;
	[tilespmem:$0x1E800] =	vst v63  }
0xe3: {  	_ =	swait.ge [sflag:s30], $0x4000  }
0xe4: {  	[sflag:s30] =	ssyncset.done $0x0  }
0xe5: {  	[sflag:s30] =	ssyncadd.s32 $0xFFFFC000  }
0xe6: {  	[spmem:s2] =	stream.indirect.scatter.add.f32 [tilespmem:s28], [sflag:$0x3], $0x80, s25, s26, $0xb8;
	[tilespmem:$0x1E800] =	vst v63  }
0xe7: {  	_ =	swait.ge [sflag:s31], $0x4000  }
0xe8: {  	[sflag:s31] =	ssyncset.done $0x0  }
0xe9: {  	[sflag:s31] =	ssyncadd.s32 $0xFFFFC000  }
0xea: {  	[tilespmem:s28], [sflag:$0x1] =	stream.indirect.gather [hbm4b:s4+s26], $0x80, s26, s26, $0xb8;
	[tilespmem:$0x1E800] =	vst v63  }
0xeb: {  	_ =	swait.ge [sflag:s1], $0x4000  }
0xec: {  	[sflag:s1] =	ssyncset.done $0x0  }
0xed: {  	[sflag:s1] =	ssyncadd.s32 $0xFFFFC000  }
0xee: {  	[spmem:s2] =	stream.indirect.scatter.add.f32 [tilespmem:s29], [sflag:$0x4], $0x80, s3, s26, $0xb8;
	[tilespmem:$0x1E800] =	vst v63  }
0xef: {  	_ =	swait.ge [sflag:s0], $0x4000  }
0xf0: {  	[sflag:s0] =	ssyncset.done $0x0  }
0xf1: {  	[sflag:s0] =	ssyncadd.s32 $0xFFFFC000  }
0xf2: {  	[tilespmem:s29], [sflag:$0x2] =	stream.indirect.gather [hbm4b:s4+s26], $0x80, s5, s26, $0xb8;
	[tilespmem:$0x1E800] =	vst v63  }
0xf3: {  	_ =	swait.ge [sflag:s30], $0x4000  }
0xf4: {  	[sflag:s30] =	ssyncset.done $0x0  }
0xf5: {  	[sflag:s30] =	ssyncadd.s32 $0xFFFFC000  }
0xf6: {  	[spmem:s2] =	stream.indirect.scatter.add.f32 [tilespmem:s28], [sflag:$0x3], $0x80, s5, s26, $0xb8;
	[tilespmem:$0x1E800] =	vst v63  }
0xf7: {  	_ =	swait.ge [sflag:s31], $0x4000  }
0xf8: {  	[sflag:s31] =	ssyncset.done $0x0  }
0xf9: {  	[sflag:s31] =	ssyncadd.s32 $0xFFFFC000  }
0xfa: {  	[tilespmem:s28], [sflag:$0x1] =	stream.indirect.gather [hbm4b:s4+s26], $0x80, s6, s26, $0xb8;
	[tilespmem:$0x1E800] =	vst v63  }
0xfb: {  	_ =	swait.ge [sflag:s1], $0x4000  }
0xfc: {  	[sflag:s1] =	ssyncset.done $0x0  }
0xfd: {  	[sflag:s1] =	ssyncadd.s32 $0xFFFFC000  }
0xfe: {  	[spmem:s2] =	stream.indirect.scatter.add.f32 [tilespmem:s29], [sflag:$0x4], $0x80, s26, s26, $0xb8;
	[tilespmem:$0x1E800] =	vst v63  }
0xff: {  	_ =	swait.ge [sflag:s0], $0x4000  }
0x100: {  	[sflag:s0] =	ssyncset.done $0x0  }
0x101: {  	[sflag:s0] =	ssyncadd.s32 $0xFFFFC000  }
0x102: {  	[tilespmem:s29], [sflag:$0x2] =	stream.indirect.gather [hbm4b:s4+s26], $0x80, s18, s26, $0xb8;
	[tilespmem:$0x1E800] =	vst v63  }
0x103: {  	_ =	swait.ge [sflag:s30], $0x4000  }
0x104: {  	[sflag:s30] =	ssyncset.done $0x0  }
0x105: {  	[sflag:s30] =	ssyncadd.s32 $0xFFFFC000  }
0x106: {  	[spmem:s2] =	stream.indirect.scatter.add.f32 [tilespmem:s28], [sflag:$0x3], $0x80, s18, s26, $0xb8;
	[tilespmem:$0x1E800] =	vst v63  }
0x107: {  	_ =	swait.ge [sflag:s31], $0x4000  }
0x108: {  	[sflag:s31] =	ssyncset.done $0x0  }
0x109: {  	[sflag:s31] =	ssyncadd.s32 $0xFFFFC000  }
0x10a: {  	[tilespmem:s28], [sflag:$0x1] =	stream.indirect.gather [hbm4b:s4+s26], $0x80, s19, s26, $0xb8;
	[tilespmem:$0x1E800] =	vst v63  }
0x10b: {  	_ =	swait.ge [sflag:s1], $0x4000  }
0x10c: {  	[sflag:s1] =	ssyncset.done $0x0  }
0x10d: {  	[sflag:s1] =	ssyncadd.s32 $0xFFFFC000  }
0x10e: {  	[spmem:s2] =	stream.indirect.scatter.add.f32 [tilespmem:s29], [sflag:$0x4], $0x80, s6, s26, $0xb8;
	[tilespmem:$0x1E800] =	vst v63  }
0x10f: {  	_ =	swait.ge [sflag:s0], $0x4000  }
0x110: {  	[sflag:s0] =	ssyncset.done $0x0  }
0x111: {  	[sflag:s0] =	ssyncadd.s32 $0xFFFFC000  }
0x112: {  	[tilespmem:s29], [sflag:$0x2] =	stream.indirect.gather [hbm4b:s4+s26], $0x80, s20, s26, $0xb8;
	[tilespmem:$0x1E800] =	vst v63  }
0x113: {  	_ =	swait.ge [sflag:s30], $0x4000  }
0x114: {  	[sflag:s30] =	ssyncset.done $0x0  }
0x115: {  	[sflag:s30] =	ssyncadd.s32 $0xFFFFC000  }
0x116: {  	[spmem:s2] =	stream.indirect.scatter.add.f32 [tilespmem:s28], [sflag:$0x3], $0x80, s20, s26, $0xb8;
	[tilespmem:$0x1E800] =	vst v63  }
0x117: {  	_ =	swait.ge [sflag:s31], $0x4000  }
0x118: {  	[sflag:s31] =	ssyncset.done $0x0  }
0x119: {  	[sflag:s31] =	ssyncadd.s32 $0xFFFFC000  }
0x11a: {  	[tilespmem:s28], [sflag:$0x1] =	stream.indirect.gather [hbm4b:s4+s26], $0x80, s9, s26, $0xb8;
	[tilespmem:$0x1E800] =	vst v63  }
0x11b: {  	_ =	swait.ge [sflag:s1], $0x4000  }
0x11c: {  	[sflag:s1] =	ssyncset.done $0x0  }
0x11d: {  	[sflag:s1] =	ssyncadd.s32 $0xFFFFC000  }
0x11e: {  	[spmem:s2] =	stream.indirect.scatter.add.f32 [tilespmem:s29], [sflag:$0x4], $0x80, s19, s26, $0xb8;
	[tilespmem:$0x1E800] =	vst v63  }
0x11f: {  	_ =	swait.ge [sflag:s0], $0x4000  }
0x120: {  	[sflag:s0] =	ssyncset.done $0x0  }
0x121: {  	[sflag:s0] =	ssyncadd.s32 $0xFFFFC000  }
0x122: {  	[tilespmem:s29], [sflag:$0x2] =	stream.indirect.gather [hbm4b:s4+s26], $0x80, s10, s26, $0xb8;
	[tilespmem:$0x1E800] =	vst v63  }
0x123: {  	_ =	swait.ge [sflag:s30], $0x4000  }
0x124: {  	[sflag:s30] =	ssyncset.done $0x0  }
0x125: {  	[sflag:s30] =	ssyncadd.s32 $0xFFFFC000  }
0x126: {  	[spmem:s2] =	stream.indirect.scatter.add.f32 [tilespmem:s28], [sflag:$0x3], $0x80, s10, s26, $0xb8;
	[tilespmem:$0x1E800] =	vst v63  }
0x127: {  	_ =	swait.ge [sflag:s31], $0x4000  }
0x128: {  	[sflag:s31] =	ssyncset.done $0x0  }
0x129: {  	[sflag:s31] =	ssyncadd.s32 $0xFFFFC000  }
0x12a: {  	[tilespmem:s28], [sflag:$0x1] =	stream.indirect.gather [hbm4b:s4+s26], $0x80, s11, s26, $0xb8;
	[tilespmem:$0x1E800] =	vst v63  }
0x12b: {  	_ =	swait.ge [sflag:s1], $0x4000  }
0x12c: {  	[sflag:s1] =	ssyncset.done $0x0  }
0x12d: {  	[sflag:s1] =	ssyncadd.s32 $0xFFFFC000  }
0x12e: {  	[spmem:s2] =	stream.indirect.scatter.add.f32 [tilespmem:s29], [sflag:$0x4], $0x80, s9, s26, $0xb8;
	[tilespmem:$0x1E800] =	vst v63  }
0x12f: {  	_ =	swait.ge [sflag:s0], $0x4000  }
0x130: {  	[sflag:s0] =	ssyncset.done $0x0  }
0x131: {  	[sflag:s0] =	ssyncadd.s32 $0xFFFFC000  }
0x132: {  	[tilespmem:s29], [sflag:$0x2] =	stream.indirect.gather [hbm4b:s4+s26], $0x80, s12, s26, $0xb8;
	[tilespmem:$0x1E800] =	vst v63  }
0x133: {  	_ =	swait.ge [sflag:s30], $0x4000  }
0x134: {  	[sflag:s30] =	ssyncset.done $0x0  }
0x135: {  	[sflag:s30] =	ssyncadd.s32 $0xFFFFC000  }
0x136: {  	[spmem:s2] =	stream.indirect.scatter.add.f32 [tilespmem:s28], [sflag:$0x3], $0x80, s12, s26, $0xb8;
	[tilespmem:$0x1E800] =	vst v63  }
0x137: {  	_ =	swait.ge [sflag:s31], $0x4000  }
0x138: {  	[sflag:s31] =	ssyncset.done $0x0  }
0x139: {  	[sflag:s31] =	ssyncadd.s32 $0xFFFFC000  }
0x13a: {  	[tilespmem:s28], [sflag:$0x1] =	stream.indirect.gather [hbm4b:s4+s26], $0x80, s13, s26, $0xb8;
	[tilespmem:$0x1E800] =	vst v63  }
0x13b: {  	_ =	swait.ge [sflag:s1], $0x4000  }
0x13c: {  	[sflag:s1] =	ssyncset.done $0x0  }
0x13d: {  	[sflag:s1] =	ssyncadd.s32 $0xFFFFC000  }
0x13e: {  	[spmem:s2] =	stream.indirect.scatter.add.f32 [tilespmem:s29], [sflag:$0x4], $0x80, s11, s26, $0xb8;
	[tilespmem:$0x1E800] =	vst v63  }
0x13f: {  	_ =	swait.ge [sflag:s0], $0x4000  }
0x140: {  	[sflag:s0] =	ssyncset.done $0x0  }
0x141: {  	[sflag:s0] =	ssyncadd.s32 $0xFFFFC000  }
0x142: {  	[tilespmem:s29], [sflag:$0x2] =	stream.indirect.gather [hbm4b:s4+s26], $0x80, s14, s26, $0xb8;
	[tilespmem:$0x1E800] =	vst v63  }
0x143: {  	_ =	swait.ge [sflag:s30], $0x4000  }
0x144: {  	[sflag:s30] =	ssyncset.done $0x0  }
0x145: {  	[sflag:s30] =	ssyncadd.s32 $0xFFFFC000  }
0x146: {  	[spmem:s2] =	stream.indirect.scatter.add.f32 [tilespmem:s28], [sflag:$0x3], $0x80, s14, s26, $0xb8;
	[tilespmem:$0x1E800] =	vst v63  }
0x147: {  	_ =	swait.ge [sflag:s31], $0x4000  }
0x148: {  	[sflag:s31] =	ssyncset.done $0x0  }
0x149: {  	[sflag:s31] =	ssyncadd.s32 $0xFFFFC000  }
0x14a: {  	[tilespmem:s28], [sflag:$0x1] =	stream.indirect.gather [hbm4b:s4+s26], $0x80, s15, s26, $0xb8;
	[tilespmem:$0x1E800] =	vst v63  }
0x14b: {  	_ =	swait.ge [sflag:s1], $0x4000  }
0x14c: {  	[sflag:s1] =	ssyncset.done $0x0  }
0x14d: {  	[sflag:s1] =	ssyncadd.s32 $0xFFFFC000  }
0x14e: {  	[spmem:s2] =	stream.indirect.scatter.add.f32 [tilespmem:s29], [sflag:$0x4], $0x80, s13, s26, $0xb8;
	[tilespmem:$0x1E800] =	vst v63  }
0x14f: {  	_ =	swait.ge [sflag:s0], $0x4000  }
0x150: {  	[sflag:s0] =	ssyncset.done $0x0  }
0x151: {  	[sflag:s0] =	ssyncadd.s32 $0xFFFFC000  }
0x152: {  	[tilespmem:s29], [sflag:$0x2] =	stream.indirect.gather [hbm4b:s4+s26], $0x80, s16, s26, $0xb8;
	[tilespmem:$0x1E800] =	vst v63  }
0x153: {  	_ =	swait.ge [sflag:s30], $0x4000  }
0x154: {  	[sflag:s30] =	ssyncset.done $0x0  }
0x155: {  	[sflag:s30] =	ssyncadd.s32 $0xFFFFC000  }
0x156: {  	[spmem:s2] =	stream.indirect.scatter.add.f32 [tilespmem:s28], [sflag:$0x3], $0x80, s16, s26, $0xb8;
	[tilespmem:$0x1E800] =	vst v63  }
0x157: {  	_ =	swait.ge [sflag:s1], $0x4000  }
0x158: {  	[sflag:s1] =	ssyncset.done $0x0  }
0x159: {  	[sflag:s1] =	ssyncadd.s32 $0xFFFFC000  }
0x15a: {  	[spmem:s2] =	stream.indirect.scatter.add.f32 [tilespmem:s29], [sflag:$0x4], $0x80, s15, s26, $0xb8;
	[tilespmem:$0x1E800] =	vst v63  }
.Ltmp1:
0x15b: {  	_ =	swait.ge [sflag:s31], $0x4000;
	(pc) =	sbr.rel @p1 .LBB2_2-.Ltmp1, $4  }
0x15c: {  	[sflag:s31] =	ssyncset.done $0x0  }
0x15d: {  	[sflag:s31] =	ssyncadd.s32 $0xFFFFC000  }
0x15e: {  	_ =	swait.ge [sflag:s0], $0x4000  }
0x15f: {  	[sflag:s0] =	ssyncset.done $0x0  }
.LBB2_3:
0x160: {  	[sflag:s0] =	ssyncadd.s32 $0xFFFFC000;
	s7 =	stileid.u32  }
0x161: {  	s7 =	sshll.u32 s7, $0x6;
	[bflag:$0x0] =	sbarrier.arrive $0xFFFF  }
0x162: {  	s22 =	sshrl.u32 s17, $0x3;
	s8 =	sor.u32 $0x1C05, s7;
	s7 =	rddreg [dreg:$0x10]  }
0x163: {  	[dreg:$0x17] =	wrdreg s22  }
0x164: {  	[dreg:$0x16] =	wrdreg s8  }
0x165: {  	[hbm:s7], [sflag:s8] =	dma.local [spmem:s22], $0x2800  }
0x166: {  	_ =	swait.ge [sflag:s24], $0x2800  }
0x167: {  	[sflag:s24] =	ssyncset.done $0x0  }
0x168: {  	[sflag:s24] =	ssyncadd.s32 $0xFFFFD800  }
0x169: {  	[spmem:s17] =	stream.linear.scatter [tilespmem:s23], [sflag:$0x5], $0x2000, $0x38;
	[tilespmem:$0x1E800] =	vst v63  }
0x16a: {  	_ =	swait.ge [sflag:s24], $0x2000  }
0x16b: {  	[sflag:s24] =	ssyncset.done $0x0  }
0x16c: {  	s22 =	rddreg [dreg:$0x7];
	[sflag:s24] =	ssyncadd.s32 $0xFFFFE000  }
0x16d: {  	[spmem:s22] =	stream.linear.scatter [tilespmem:s23], [sflag:$0x5], $0x2000, $0x38;
	[tilespmem:$0x1E800] =	vst v63  }
0x16e: {  	_ =	swait.ge [sflag:s24], $0x2000  }
0x16f: {  	[sflag:s24] =	ssyncset.done $0x0  }
0x170: {  	s8 =	rddreg [dreg:$0x8];
	[sflag:s24] =	ssyncadd.s32 $0xFFFFE000  }
0x171: {  	[spmem:s8] =	stream.linear.scatter [tilespmem:s23], [sflag:$0x5], $0x2000, $0x38;
	[tilespmem:$0x1E800] =	vst v63  }
0x172: {  	_ =	swait.ge [sflag:s24], $0x2000  }
0x173: {  	[sflag:s24] =	ssyncset.done $0x0  }
0x174: {  	s17 =	rddreg [dreg:$0x9];
	[sflag:s24] =	ssyncadd.s32 $0xFFFFE000  }
0x175: {  	[spmem:s17] =	stream.linear.scatter [tilespmem:s23], [sflag:$0x5], $0x2000, $0x38;
	[tilespmem:$0x1E800] =	vst v63  }
0x176: {  	_ =	swait.ge [sflag:s24], $0x2000  }
0x177: {  	[sflag:s24] =	ssyncset.done $0x0  }
0x178: {  	s22 =	rddreg [dreg:$0xa];
	[sflag:s24] =	ssyncadd.s32 $0xFFFFE000  }
0x179: {  	[spmem:s22] =	stream.linear.scatter [tilespmem:s23], [sflag:$0x5], $0x2000, $0x38;
	[tilespmem:$0x1E800] =	vst v63  }
0x17a: {  	_ =	swait.ge [sflag:s24], $0x2000  }
0x17b: {  	[sflag:s24] =	ssyncset.done $0x0  }
0x17c: {  	s8 =	rddreg [dreg:$0xb];
	[sflag:s24] =	ssyncadd.s32 $0xFFFFE000  }
0x17d: {  	[spmem:s8] =	stream.linear.scatter [tilespmem:s23], [sflag:$0x5], $0x2000, $0x38;
	[tilespmem:$0x1E800] =	vst v63  }
0x17e: {  	_ =	swait.ge [sflag:s24], $0x2000  }
0x17f: {  	[sflag:s24] =	ssyncset.done $0x0  }
0x180: {  	s17 =	rddreg [dreg:$0xc];
	[sflag:s24] =	ssyncadd.s32 $0xFFFFE000  }
0x181: {  	[spmem:s17] =	stream.linear.scatter [tilespmem:s23], [sflag:$0x5], $0x2000, $0x38;
	[tilespmem:$0x1E800] =	vst v63  }
0x182: {  	_ =	swait.ge [sflag:s24], $0x2000  }
0x183: {  	[sflag:s24] =	ssyncset.done $0x0  }
0x184: {  	s22 =	rddreg [dreg:$0xd];
	[sflag:s24] =	ssyncadd.s32 $0xFFFFE000  }
0x185: {  	[spmem:s22] =	stream.linear.scatter [tilespmem:s23], [sflag:$0x5], $0x2000, $0x38;
	[tilespmem:$0x1E800] =	vst v63  }
0x186: {  	_ =	swait.ge [sflag:s24], $0x2000  }
0x187: {  	[sflag:s24] =	ssyncset.done $0x0  }
0x188: {  	s8 =	rddreg [dreg:$0xe];
	[sflag:s24] =	ssyncadd.s32 $0xFFFFE000  }
0x189: {  	[spmem:s8] =	stream.linear.scatter [tilespmem:s23], [sflag:$0x5], $0x2000, $0x38;
	[tilespmem:$0x1E800] =	vst v63  }
0x18a: {  	_ =	swait.ge [sflag:s24], $0x2000  }
0x18b: {  	[sflag:s24] =	ssyncset.done $0x0  }
0x18c: {  	s17 =	rddreg [dreg:$0xf];
	[sflag:s24] =	ssyncadd.s32 $0xFFFFE000  }
0x18d: {  	[spmem:s17] =	stream.linear.scatter [tilespmem:s23], [sflag:$0x5], $0x2000, $0x38;
	[tilespmem:$0x1E800] =	vst v63  }
0x18e: {  	_ =	swait.ge [sflag:s24], $0x2000  }
0x18f: {  	[sflag:s24] =	ssyncset.done $0x0  }
0x190: {  	s22 =	rddreg [dreg:$0x5];
	[sflag:s24] =	ssyncadd.s32 $0xFFFFE000  }
0x191: {  	[tilespmem:s28], [sflag:$0x5] =	stream.linear.gather [hbm4b:s22+s3], $0x4000, $0x38;
	[tilespmem:$0x1E800] =	vst v63  }
0x192: {  	_ =	swait.ge [sflag:s24], $0x4000  }
0x193: {  	[sflag:s24] =	ssyncset.done $0x0  }
0x194: {  	[sflag:s24] =	ssyncadd.s32 $0xFFFFC000  }
0x195: {  	[bflag:$0x0] =	sbarrier.arrive $0xFFFF  }
0x196: {  	s8 =	rddreg [dreg:$0x14]  }
0x197: {  	[tilespmem:s3], [sflag:$0x5] =	stream.linear.gather [hbm4b:s8+s3], $0x400, $0x38;
	[tilespmem:$0x1E800] =	vst v63  }
0x198: {  	_ =	swait.ge [sflag:s24], $0x400  }
0x199: {  	[sflag:s24] =	ssyncset.done $0x0  }
0x19a: {  	s17 =	rddreg [dreg:$0x13];
	[sflag:s24] =	ssyncadd.s32 $0xFFFFFC00  }
0x19b: {  	[tilespmem:s25], [sflag:$0x5] =	stream.linear.gather [hbm4b:s17+s3], $0x400, $0x38;
	[tilespmem:$0x1E800] =	vst v63  }
0x19c: {  	_ =	swait.ge [sflag:s24], $0x400  }
0x19d: {  	[sflag:s24] =	ssyncset.done $0x0  }
0x19e: {  	[sflag:s24] =	ssyncadd.s32 $0xFFFFFC00  }
0x19f: {  	[spmem:s2] =	stream.indirect.scatter.add.f32 [tilespmem:s28], [sflag:$0x3], $0x80, s25, s26, $0xb8;
	[tilespmem:$0x1E800] =	vst v63  }
0x1a0: {  	_ = 	snop  }
0x1a1: {  	[spmem:s2] =	stream.indirect.scatter.add.f32 [tilespmem:s28], [sflag:$0x3], $0x80, s3, s26, $0xb8;
	[tilespmem:$0x1E800] =	vst v63  }
0x1a2: {  	_ = 	snop  }
0x1a3: {  	[spmem:s2] =	stream.indirect.scatter.add.f32 [tilespmem:s28], [sflag:$0x3], $0x80, s5, s26, $0xb8;
	[tilespmem:$0x1E800] =	vst v63  }
0x1a4: {  	_ = 	snop  }
0x1a5: {  	[spmem:s2] =	stream.indirect.scatter.add.f32 [tilespmem:s28], [sflag:$0x3], $0x80, s26, s26, $0xb8;
	[tilespmem:$0x1E800] =	vst v63  }
0x1a6: {  	_ = 	snop  }
0x1a7: {  	[spmem:s2] =	stream.indirect.scatter.add.f32 [tilespmem:s28], [sflag:$0x3], $0x80, s18, s26, $0xb8;
	[tilespmem:$0x1E800] =	vst v63  }
0x1a8: {  	_ = 	snop  }
0x1a9: {  	[spmem:s2] =	stream.indirect.scatter.add.f32 [tilespmem:s28], [sflag:$0x3], $0x80, s6, s26, $0xb8;
	[tilespmem:$0x1E800] =	vst v63  }
0x1aa: {  	_ = 	snop  }
0x1ab: {  	[spmem:s2] =	stream.indirect.scatter.add.f32 [tilespmem:s28], [sflag:$0x3], $0x80, s20, s26, $0xb8;
	[tilespmem:$0x1E800] =	vst v63  }
0x1ac: {  	_ = 	snop  }
0x1ad: {  	[spmem:s2] =	stream.indirect.scatter.add.f32 [tilespmem:s28], [sflag:$0x3], $0x80, s19, s26, $0xb8;
	[tilespmem:$0x1E800] =	vst v63  }
0x1ae: {  	_ = 	snop  }
0x1af: {  	[spmem:s2] =	stream.indirect.scatter.add.f32 [tilespmem:s28], [sflag:$0x3], $0x80, s10, s26, $0xb8;
	[tilespmem:$0x1E800] =	vst v63  }
0x1b0: {  	_ = 	snop  }
0x1b1: {  	[spmem:s2] =	stream.indirect.scatter.add.f32 [tilespmem:s28], [sflag:$0x3], $0x80, s9, s26, $0xb8;
	[tilespmem:$0x1E800] =	vst v63  }
0x1b2: {  	_ = 	snop  }
0x1b3: {  	[spmem:s2] =	stream.indirect.scatter.add.f32 [tilespmem:s28], [sflag:$0x3], $0x80, s12, s26, $0xb8;
	[tilespmem:$0x1E800] =	vst v63  }
0x1b4: {  	_ = 	snop  }
0x1b5: {  	[spmem:s2] =	stream.indirect.scatter.add.f32 [tilespmem:s28], [sflag:$0x3], $0x80, s11, s26, $0xb8;
	[tilespmem:$0x1E800] =	vst v63  }
0x1b6: {  	_ = 	snop  }
0x1b7: {  	[spmem:s2] =	stream.indirect.scatter.add.f32 [tilespmem:s28], [sflag:$0x3], $0x80, s14, s26, $0xb8;
	[tilespmem:$0x1E800] =	vst v63  }
0x1b8: {  	_ = 	snop  }
0x1b9: {  	[spmem:s2] =	stream.indirect.scatter.add.f32 [tilespmem:s28], [sflag:$0x3], $0x80, s13, s26, $0xb8;
	[tilespmem:$0x1E800] =	vst v63  }
0x1ba: {  	_ = 	snop  }
0x1bb: {  	[spmem:s2] =	stream.indirect.scatter.add.f32 [tilespmem:s28], [sflag:$0x3], $0x80, s16, s26, $0xb8;
	[tilespmem:$0x1E800] =	vst v63  }
0x1bc: {  	_ = 	snop  }
0x1bd: {  	[spmem:s2] =	stream.indirect.scatter.add.f32 [tilespmem:s28], [sflag:$0x3], $0x80, s15, s26, $0xb8;
	[tilespmem:$0x1E800] =	vst v63  }
0x1be: {  	_ =	swait.ge [sflag:s31], $0x4000  }
0x1bf: {  	[sflag:s31] =	ssyncset.done $0x0  }
0x1c0: {  	[sflag:s31] =	ssyncadd.s32 $0xFFFFC000  }
0x1c1: {  	_ =	swait.ge [sflag:s31], $0x4000  }
0x1c2: {  	[sflag:s31] =	ssyncset.done $0x0  }
0x1c3: {  	[sflag:s31] =	ssyncadd.s32 $0xFFFFC000  }
0x1c4: {  	_ =	swait.ge [sflag:s31], $0x4000  }
0x1c5: {  	[sflag:s31] =	ssyncset.done $0x0  }
0x1c6: {  	[sflag:s31] =	ssyncadd.s32 $0xFFFFC000  }
0x1c7: {  	_ =	swait.ge [sflag:s31], $0x4000  }
0x1c8: {  	[sflag:s31] =	ssyncset.done $0x0  }
0x1c9: {  	[sflag:s31] =	ssyncadd.s32 $0xFFFFC000  }
0x1ca: {  	_ =	swait.ge [sflag:s31], $0x4000  }
0x1cb: {  	[sflag:s31] =	ssyncset.done $0x0  }
0x1cc: {  	[sflag:s31] =	ssyncadd.s32 $0xFFFFC000  }
0x1cd: {  	_ =	swait.ge [sflag:s31], $0x4000  }
0x1ce: {  	[sflag:s31] =	ssyncset.done $0x0  }
0x1cf: {  	[sflag:s31] =	ssyncadd.s32 $0xFFFFC000  }
0x1d0: {  	_ =	swait.ge [sflag:s31], $0x4000  }
0x1d1: {  	[sflag:s31] =	ssyncset.done $0x0  }
0x1d2: {  	[sflag:s31] =	ssyncadd.s32 $0xFFFFC000  }
0x1d3: {  	_ =	swait.ge [sflag:s31], $0x4000  }
0x1d4: {  	[sflag:s31] =	ssyncset.done $0x0  }
0x1d5: {  	[sflag:s31] =	ssyncadd.s32 $0xFFFFC000  }
0x1d6: {  	_ =	swait.ge [sflag:s31], $0x4000  }
0x1d7: {  	[sflag:s31] =	ssyncset.done $0x0  }
0x1d8: {  	[sflag:s31] =	ssyncadd.s32 $0xFFFFC000  }
0x1d9: {  	_ =	swait.ge [sflag:s31], $0x4000  }
0x1da: {  	[sflag:s31] =	ssyncset.done $0x0  }
0x1db: {  	[sflag:s31] =	ssyncadd.s32 $0xFFFFC000  }
0x1dc: {  	_ =	swait.ge [sflag:s31], $0x4000  }
0x1dd: {  	[sflag:s31] =	ssyncset.done $0x0  }
0x1de: {  	[sflag:s31] =	ssyncadd.s32 $0xFFFFC000  }
0x1df: {  	_ =	swait.ge [sflag:s31], $0x4000  }
0x1e0: {  	[sflag:s31] =	ssyncset.done $0x0  }
0x1e1: {  	[sflag:s31] =	ssyncadd.s32 $0xFFFFC000  }
0x1e2: {  	_ =	swait.ge [sflag:s31], $0x4000  }
0x1e3: {  	[sflag:s31] =	ssyncset.done $0x0  }
0x1e4: {  	[sflag:s31] =	ssyncadd.s32 $0xFFFFC000  }
0x1e5: {  	_ =	swait.ge [sflag:s31], $0x4000  }
0x1e6: {  	[sflag:s31] =	ssyncset.done $0x0  }
0x1e7: {  	[sflag:s31] =	ssyncadd.s32 $0xFFFFC000  }
.Ltmp2:
0x1e8: {  	_ =	swait.ge [sflag:s31], $0x4000;
	(pc) =	sbr.rel @!p0 .LBB2_5-.Ltmp2, $4  }
0x1e9: {  	[sflag:s31] =	ssyncset.done $0x0  }
0x1ea: {  	[sflag:s31] =	ssyncadd.s32 $0xFFFFC000  }
0x1eb: {  	s7 =	smov.u32 s21;
	_ =	swait.ge [sflag:s31], $0x4000  }
0x1ec: {  	s22 =	sadd.s32 $0xFFFFFFFF, s21;
	s21 =	smov.u32 s17;
	[sflag:s31] =	ssyncset.done $0x0  }
.LBB2_4:
0x1ed: {  	[sflag:s31] =	ssyncadd.s32 $0xFFFFC000;
	s21 =	sadd.s32 $0x80, s21;
	s8 =	sadd.s32 $0x80, s8  }
0x1ee: {  	[tilespmem:s3], [sflag:$0x5] =	stream.linear.gather [hbm4b:s8+s3], $0x400, $0x38;
	[tilespmem:$0x1E800] =	vst v63  }
0x1ef: {  	p0 =	sne.s32 s22, $0x1;
	s22 =	sadd.s32 $0xFFFFFFFF, s22;
	_ =	swait.ge [sflag:s24], $0x400  }
0x1f0: {  	[sflag:s24] =	ssyncset.done $0x0  }
0x1f1: {  	[sflag:s24] =	ssyncadd.s32 $0xFFFFFC00  }
0x1f2: {  	[tilespmem:s25], [sflag:$0x5] =	stream.linear.gather [hbm4b:s21+s3], $0x400, $0x38;
	[tilespmem:$0x1E800] =	vst v63  }
0x1f3: {  	_ =	swait.ge [sflag:s24], $0x400  }
0x1f4: {  	[sflag:s24] =	ssyncset.done $0x0  }
0x1f5: {  	[sflag:s24] =	ssyncadd.s32 $0xFFFFFC00  }
0x1f6: {  	[spmem:s2] =	stream.indirect.scatter.add.f32 [tilespmem:s28], [sflag:$0x3], $0x80, s25, s26, $0xb8;
	[tilespmem:$0x1E800] =	vst v63  }
0x1f7: {  	_ = 	snop  }
0x1f8: {  	[spmem:s2] =	stream.indirect.scatter.add.f32 [tilespmem:s28], [sflag:$0x3], $0x80, s3, s26, $0xb8;
	[tilespmem:$0x1E800] =	vst v63  }
0x1f9: {  	_ = 	snop  }
0x1fa: {  	[spmem:s2] =	stream.indirect.scatter.add.f32 [tilespmem:s28], [sflag:$0x3], $0x80, s5, s26, $0xb8;
	[tilespmem:$0x1E800] =	vst v63  }
0x1fb: {  	_ = 	snop  }
0x1fc: {  	[spmem:s2] =	stream.indirect.scatter.add.f32 [tilespmem:s28], [sflag:$0x3], $0x80, s26, s26, $0xb8;
	[tilespmem:$0x1E800] =	vst v63  }
0x1fd: {  	_ = 	snop  }
0x1fe: {  	[spmem:s2] =	stream.indirect.scatter.add.f32 [tilespmem:s28], [sflag:$0x3], $0x80, s18, s26, $0xb8;
	[tilespmem:$0x1E800] =	vst v63  }
0x1ff: {  	_ = 	snop  }
0x200: {  	[spmem:s2] =	stream.indirect.scatter.add.f32 [tilespmem:s28], [sflag:$0x3], $0x80, s6, s26, $0xb8;
	[tilespmem:$0x1E800] =	vst v63  }
0x201: {  	_ = 	snop  }
0x202: {  	[spmem:s2] =	stream.indirect.scatter.add.f32 [tilespmem:s28], [sflag:$0x3], $0x80, s20, s26, $0xb8;
	[tilespmem:$0x1E800] =	vst v63  }
0x203: {  	_ = 	snop  }
0x204: {  	[spmem:s2] =	stream.indirect.scatter.add.f32 [tilespmem:s28], [sflag:$0x3], $0x80, s19, s26, $0xb8;
	[tilespmem:$0x1E800] =	vst v63  }
0x205: {  	_ = 	snop  }
0x206: {  	[spmem:s2] =	stream.indirect.scatter.add.f32 [tilespmem:s28], [sflag:$0x3], $0x80, s10, s26, $0xb8;
	[tilespmem:$0x1E800] =	vst v63  }
0x207: {  	_ = 	snop  }
0x208: {  	[spmem:s2] =	stream.indirect.scatter.add.f32 [tilespmem:s28], [sflag:$0x3], $0x80, s9, s26, $0xb8;
	[tilespmem:$0x1E800] =	vst v63  }
0x209: {  	_ = 	snop  }
0x20a: {  	[spmem:s2] =	stream.indirect.scatter.add.f32 [tilespmem:s28], [sflag:$0x3], $0x80, s12, s26, $0xb8;
	[tilespmem:$0x1E800] =	vst v63  }
0x20b: {  	_ = 	snop  }
0x20c: {  	[spmem:s2] =	stream.indirect.scatter.add.f32 [tilespmem:s28], [sflag:$0x3], $0x80, s11, s26, $0xb8;
	[tilespmem:$0x1E800] =	vst v63  }
0x20d: {  	_ = 	snop  }
0x20e: {  	[spmem:s2] =	stream.indirect.scatter.add.f32 [tilespmem:s28], [sflag:$0x3], $0x80, s14, s26, $0xb8;
	[tilespmem:$0x1E800] =	vst v63  }
0x20f: {  	_ = 	snop  }
0x210: {  	[spmem:s2] =	stream.indirect.scatter.add.f32 [tilespmem:s28], [sflag:$0x3], $0x80, s13, s26, $0xb8;
	[tilespmem:$0x1E800] =	vst v63  }
0x211: {  	_ = 	snop  }
0x212: {  	[spmem:s2] =	stream.indirect.scatter.add.f32 [tilespmem:s28], [sflag:$0x3], $0x80, s16, s26, $0xb8;
	[tilespmem:$0x1E800] =	vst v63  }
0x213: {  	_ = 	snop  }
0x214: {  	[spmem:s2] =	stream.indirect.scatter.add.f32 [tilespmem:s28], [sflag:$0x3], $0x80, s15, s26, $0xb8;
	[tilespmem:$0x1E800] =	vst v63  }
0x215: {  	_ =	swait.ge [sflag:s31], $0x4000  }
0x216: {  	[sflag:s31] =	ssyncset.done $0x0  }
0x217: {  	[sflag:s31] =	ssyncadd.s32 $0xFFFFC000  }
0x218: {  	_ =	swait.ge [sflag:s31], $0x4000  }
0x219: {  	[sflag:s31] =	ssyncset.done $0x0  }
0x21a: {  	[sflag:s31] =	ssyncadd.s32 $0xFFFFC000  }
0x21b: {  	_ =	swait.ge [sflag:s31], $0x4000  }
0x21c: {  	[sflag:s31] =	ssyncset.done $0x0  }
0x21d: {  	[sflag:s31] =	ssyncadd.s32 $0xFFFFC000  }
0x21e: {  	_ =	swait.ge [sflag:s31], $0x4000  }
0x21f: {  	[sflag:s31] =	ssyncset.done $0x0  }
0x220: {  	[sflag:s31] =	ssyncadd.s32 $0xFFFFC000  }
0x221: {  	_ =	swait.ge [sflag:s31], $0x4000  }
0x222: {  	[sflag:s31] =	ssyncset.done $0x0  }
0x223: {  	[sflag:s31] =	ssyncadd.s32 $0xFFFFC000  }
0x224: {  	_ =	swait.ge [sflag:s31], $0x4000  }
0x225: {  	[sflag:s31] =	ssyncset.done $0x0  }
0x226: {  	[sflag:s31] =	ssyncadd.s32 $0xFFFFC000  }
0x227: {  	_ =	swait.ge [sflag:s31], $0x4000  }
0x228: {  	[sflag:s31] =	ssyncset.done $0x0  }
0x229: {  	[sflag:s31] =	ssyncadd.s32 $0xFFFFC000  }
0x22a: {  	_ =	swait.ge [sflag:s31], $0x4000  }
0x22b: {  	[sflag:s31] =	ssyncset.done $0x0  }
0x22c: {  	[sflag:s31] =	ssyncadd.s32 $0xFFFFC000  }
0x22d: {  	_ =	swait.ge [sflag:s31], $0x4000  }
0x22e: {  	[sflag:s31] =	ssyncset.done $0x0  }
0x22f: {  	[sflag:s31] =	ssyncadd.s32 $0xFFFFC000  }
0x230: {  	_ =	swait.ge [sflag:s31], $0x4000  }
0x231: {  	[sflag:s31] =	ssyncset.done $0x0  }
0x232: {  	[sflag:s31] =	ssyncadd.s32 $0xFFFFC000  }
0x233: {  	_ =	swait.ge [sflag:s31], $0x4000  }
0x234: {  	[sflag:s31] =	ssyncset.done $0x0  }
0x235: {  	[sflag:s31] =	ssyncadd.s32 $0xFFFFC000  }
0x236: {  	_ =	swait.ge [sflag:s31], $0x4000  }
0x237: {  	[sflag:s31] =	ssyncset.done $0x0  }
0x238: {  	[sflag:s31] =	ssyncadd.s32 $0xFFFFC000  }
0x239: {  	_ =	swait.ge [sflag:s31], $0x4000  }
0x23a: {  	[sflag:s31] =	ssyncset.done $0x0  }
0x23b: {  	[sflag:s31] =	ssyncadd.s32 $0xFFFFC000  }
0x23c: {  	_ =	swait.ge [sflag:s31], $0x4000  }
0x23d: {  	[sflag:s31] =	ssyncset.done $0x0  }
0x23e: {  	[sflag:s31] =	ssyncadd.s32 $0xFFFFC000  }
.Ltmp3:
0x23f: {  	_ =	swait.ge [sflag:s31], $0x4000;
	(pc) =	sbr.rel @p0 .LBB2_4-.Ltmp3, $4  }
0x240: {  	[sflag:s31] =	ssyncset.done $0x0  }
0x241: {  	[sflag:s31] =	ssyncadd.s32 $0xFFFFC000  }
0x242: {  	_ =	swait.ge [sflag:s31], $0x4000  }
0x243: {  	[sflag:s31] =	ssyncset.done $0x0  }
.LBB2_5:
0x244: {  	[sflag:s31] =	ssyncadd.s32 $0xFFFFC000  }
0x245: {  	[bflag:$0x0] =	sbarrier.arrive $0xFFFF  }
0x246: {  	s17 =	rddreg [dreg:$0x11]  }
0x247: {  	s8 =	rddreg [dreg:$0x16]  }
0x248: {  	s21 =	rddreg [dreg:$0x17]  }
0x249: {  	[hbm:s17], [sflag:s8] =	dma.local [spmem:s21], $0x2800  }
0x24a: {  	_ =	swait.ge [sflag:s24], $0x2800  }
0x24b: {  	s22 =	rddreg [dreg:$0x15]  }
0x24c: {  	s21 =	rddreg [dreg:$0x12];
	s22 =	sadd.s32 $0x1, s22  }
0x24d: {  	p0 =	sne.s32 s22, s21  }
.Ltmp4:
0x24e: {  	_ = 	snop;
	(pc) =	sbr.rel @p0 .LBB2_1-.Ltmp4, $3  }
0x24f: {  	_ =	sdelay $0x1  }
0x250: {  	[sflag:s24] =	ssyncset.done $0x0  }
0x251: {  	s17 =	rddreg [dreg:$0x6];
	[sflag:s24] =	ssyncadd.s32 $0xFFFFD800;
	s21 =	smov.u32 s7  }
0x252: {  	_ =	sfence.sel $0x180000  }
0x253: {  	[bflag:$0x0] =	sbarrier.arrive $0xFFFF  }
0x254: {  	_ =	strace $0x90000047  }
0x255: {  	s0 =	stileid.u32;
	[bflag:$0x2] =	sbarrier.arrive $0xFFFF  }
0x256: {  	p0 =	sne.s32 s0, $0x0;
	s0 =	rddreg [dreg:$0x3]  }
0x257: {  	s0 =	sadd.s32 @!p0 $0x100000, s0  }
0x258: {  	[sflag:s0] =	ssyncadd.tile.s32 @!p0 $0x1;
	_ =	shalt  }
.Lfunc_end2:
_tile_overlayer_lowered:
.L_overlay_start_2:
0x259: {  	(tag) =	ssettag $0x2  }
0x25a: {  	s0 =	rddreg [dreg:$0x0];
	s2 =	stileid.u32  }
0x25b: {  	s1 =	rddreg [dreg:$0x1];
	p0 =	sne.s32 s2, $0x0  }
0x25c: {  	s3 =	rddreg [dreg:$0x2];
	[bflag:$0x3] =	sbarrier.arrive $0xFFFF;
	s2 =	simm.s32 @!p0 $0x1C05  }
0x25d: {  	[timem:s3], [sflag:s2] =	dma.local @!p0 [hbm:s0], s1  }
0x25e: {  	s0 =	simm.s32 @!p0 $0x5  }
0x25f: {  	_ =	swait.ge @!p0 [sflag:s0], s1  }
0x260: {  	s1 =	ssub.s32 @!p0 $0x0, s1;
	[sflag:s0] =	ssyncset.done @!p0 $0x0  }
0x261: {  	[sflag:s0] =	ssyncadd.s32 @!p0 s1  }
0x262: {  	[bflag:$0x3] =	sbarrier.arrive $0xFFFF  }
0x263: {  	_ =	shalt  }

</sc_bundles>
